<compile_context>
chip_gen: v7x
topology: tpu7x:2x2x1
jax: 0.10.2.dev20260603
libtpu: 0.0.44.dev20260713+nightly
codegen_flags: <defaults>
</compile_context>

<pallas_src>
import functools

import jax
import jax.numpy as jnp
from jax import lax
from jax.experimental import pallas as pl
from jax.experimental.pallas import tpu as pltpu
from jax.experimental.pallas import tpu_sc as plsc

N = 10000
E = 320000
G = 16
H = 64
FN = 128
FE = 16
FG = 16

NC, NS = 2, 16
NW = NC * NS
EPW = E // NW
C = 200
K = EPW // C
AW = 80

BN = 2000
BE = 2000

f32 = jnp.float32


def _edge_body(write_e, eW_hbm, ps_hbm, pd_hbm, src_hbm, dst_hbm, eg_hbm,
               *refs):
    if write_e:
        enew_hbm, nodeacc_hbm, graphacc_hbm = refs[0], refs[1], refs[2]
        scratch = refs[3:]
    else:
        enew_hbm = None
        nodeacc_hbm, graphacc_hbm = refs[0], refs[1]
        scratch = refs[2:]
    (src_v, dst_v, eg_v, Abuf, Bbuf, Ebuf, Sbuf, Obuf, node_sh, graph_sh,
     sem_a, sem_b, sem_e, sem_o, sem_n, sem_g) = scratch

    c = lax.axis_index("c")
    s = lax.axis_index("s")
    wid = c * NS + s

    zero16 = jnp.zeros((16,), f32)

    @pl.loop(0, C)
    def _(i):
        for j in range(AW // 16):
            Sbuf[i, pl.ds(j * 16, 16)] = zero16

    @pl.loop(s, N // C, step=NS)
    def _(j):
        pltpu.sync_copy(Sbuf, node_sh.at[pl.ds(j * C, C)])

    @pl.when(s == 0)
    def _():
        pltpu.sync_copy(Sbuf.at[pl.ds(0, G)], graph_sh)

    cpat = jnp.where(lax.iota(jnp.int32, 16) == 0, 1.0, 0.0).astype(f32)

    @pl.loop(0, C)
    def _(i):
        Sbuf[i, pl.ds(H, 16)] = cpat

    plsc.subcore_barrier()

    @pl.loop(0, K)
    def _(k):
        base = wid * EPW + k * C
        pltpu.sync_copy(src_hbm.at[pl.ds(base, C)], src_v)
        pltpu.sync_copy(dst_hbm.at[pl.ds(base, C)], dst_v)
        pltpu.sync_copy(eg_hbm.at[pl.ds(base, C)], eg_v)
        ca = pltpu.async_copy(ps_hbm.at[src_v], Abuf, sem_a)
        cb = pltpu.async_copy(pd_hbm.at[dst_v], Bbuf, sem_b)
        ce = pltpu.async_copy(eW_hbm.at[pl.ds(base, C)], Ebuf, sem_e)
        ca.wait()
        cb.wait()
        ce.wait()

        @pl.loop(0, C)
        def _(i):
            for j in range(H // 16):
                sl = pl.ds(j * 16, 16)
                v = jnp.maximum(Ebuf[i, sl] + Abuf[i, sl] + Bbuf[i, sl], 0.0)
                Sbuf[i, sl] = v
                if write_e:
                    Obuf[i, sl] = v

        if write_e:
            co = pltpu.async_copy(Obuf, enew_hbm.at[pl.ds(base, C)], sem_o)
        cn = pltpu.async_copy(Sbuf, node_sh.at[dst_v], sem_n, add=True)
        cg = pltpu.async_copy(Sbuf, graph_sh.at[eg_v], sem_g, add=True)
        cn.wait()
        cg.wait()
        if write_e:
            co.wait()

    plsc.subcore_barrier()

    @pl.loop(s, N // C, step=NS)
    def _(j):
        pltpu.sync_copy(node_sh.at[pl.ds(j * C, C)],
                        nodeacc_hbm.at[c].at[pl.ds(j * C, C)])

    @pl.when(s == 0)
    def _():
        pltpu.sync_copy(graph_sh, graphacc_hbm.at[c])


def _make_edge_kernel(write_e):
    outs = []
    if write_e:
        outs.append(jax.ShapeDtypeStruct((E, H), f32))
    outs.append(jax.ShapeDtypeStruct((NC, N, AW), f32))
    outs.append(jax.ShapeDtypeStruct((NC, G, AW), f32))
    return pl.kernel(
        functools.partial(_edge_body, write_e),
        out_type=tuple(outs),
        compiler_params=pltpu.CompilerParams(use_tc_tiling_on_sc=False),
        mesh=plsc.VectorSubcoreMesh(core_axis_name="c", subcore_axis_name="s"),
        scratch_types=[
            pltpu.VMEM((C,), jnp.int32),
            pltpu.VMEM((C,), jnp.int32),
            pltpu.VMEM((C,), jnp.int32),
            pltpu.VMEM((C, H), f32),
            pltpu.VMEM((C, H), f32),
            pltpu.VMEM((C, H), f32),
            pltpu.VMEM((C, AW), f32),
            pltpu.VMEM((C, H), f32),
            pltpu.VMEM_SHARED((N, AW), f32),
            pltpu.VMEM_SHARED((G, AW), f32),
            pltpu.SemaphoreType.DMA,
            pltpu.SemaphoreType.DMA,
            pltpu.SemaphoreType.DMA,
            pltpu.SemaphoreType.DMA,
            pltpu.SemaphoreType.DMA,
            pltpu.SemaphoreType.DMA,
        ],
    )


_edge_kernel_we = _make_edge_kernel(True)
_edge_kernel_last = _make_edge_kernel(False)


def _rowwise_onehot(m, off_lo, off_hi):
    rid = (lax.broadcasted_iota(jnp.int32, (BN, 1), 0).astype(f32)
           + (m * BN).astype(f32))
    return (rid >= off_lo).astype(f32) - (rid >= off_hi).astype(f32)


def _u1_body(x_ref, Wx_ref, bx_ref, Ws_ref, Wd_ref, gvec_ref, off_lo_ref,
             off_hi_ref, h_ref, ps_ref, pd_ref):
    m = pl.program_id(0)
    h = jax.nn.relu(jnp.dot(x_ref[...], Wx_ref[...],
                            preferred_element_type=f32) + bx_ref[...])
    h_ref[...] = h
    oh = _rowwise_onehot(m, off_lo_ref[...], off_hi_ref[...])
    ps_ref[...] = (jnp.dot(h, Ws_ref[...], preferred_element_type=f32)
                   + jnp.dot(oh, gvec_ref[...], preferred_element_type=f32))
    pd_ref[...] = jnp.dot(h, Wd_ref[...], preferred_element_type=f32)


_u1_kernel = pl.pallas_call(
    _u1_body,
    grid=(N // BN,),
    in_specs=[
        pl.BlockSpec((BN, FN), lambda m: (m, 0)),
        pl.BlockSpec((FN, H), lambda m: (0, 0)),
        pl.BlockSpec((1, H), lambda m: (0, 0)),
        pl.BlockSpec((H, H), lambda m: (0, 0)),
        pl.BlockSpec((H, H), lambda m: (0, 0)),
        pl.BlockSpec((G, H), lambda m: (0, 0)),
        pl.BlockSpec((1, G), lambda m: (0, 0)),
        pl.BlockSpec((1, G), lambda m: (0, 0)),
    ],
    out_specs=[
        pl.BlockSpec((BN, H), lambda m: (m, 0)),
        pl.BlockSpec((BN, H), lambda m: (m, 0)),
        pl.BlockSpec((BN, H), lambda m: (m, 0)),
    ],
    out_shape=[
        jax.ShapeDtypeStruct((N, H), f32),
        jax.ShapeDtypeStruct((N, H), f32),
        jax.ShapeDtypeStruct((N, H), f32),
    ],
)


def _uP_body(h_ref, Ws_ref, Wd_ref, gvec_ref, off_lo_ref, off_hi_ref,
             ps_ref, pd_ref):
    m = pl.program_id(0)
    h = h_ref[...]
    oh = _rowwise_onehot(m, off_lo_ref[...], off_hi_ref[...])
    ps_ref[...] = (jnp.dot(h, Ws_ref[...], preferred_element_type=f32)
                   + jnp.dot(oh, gvec_ref[...], preferred_element_type=f32))
    pd_ref[...] = jnp.dot(h, Wd_ref[...], preferred_element_type=f32)


_uP_kernel = pl.pallas_call(
    _uP_body,
    grid=(N // BN,),
    in_specs=[
        pl.BlockSpec((BN, H), lambda m: (m, 0)),
        pl.BlockSpec((H, H), lambda m: (0, 0)),
        pl.BlockSpec((H, H), lambda m: (0, 0)),
        pl.BlockSpec((G, H), lambda m: (0, 0)),
        pl.BlockSpec((1, G), lambda m: (0, 0)),
        pl.BlockSpec((1, G), lambda m: (0, 0)),
    ],
    out_specs=[
        pl.BlockSpec((BN, H), lambda m: (m, 0)),
        pl.BlockSpec((BN, H), lambda m: (m, 0)),
    ],
    out_shape=[
        jax.ShapeDtypeStruct((N, H), f32),
        jax.ShapeDtypeStruct((N, H), f32),
    ],
)


def _u2enc_body(ea_ref, We_ref, be_ref, Wecol_ref, out_ref):
    e0 = jax.nn.relu(jnp.dot(ea_ref[...], We_ref[...],
                             preferred_element_type=f32) + be_ref[...])
    out_ref[...] = jnp.dot(e0, Wecol_ref[...], preferred_element_type=f32)


_u2enc_kernel = pl.pallas_call(
    _u2enc_body,
    grid=(E // BE,),
    in_specs=[
        pl.BlockSpec((BE, FE), lambda m: (m, 0)),
        pl.BlockSpec((FE, H), lambda m: (0, 0)),
        pl.BlockSpec((1, H), lambda m: (0, 0)),
        pl.BlockSpec((H, H), lambda m: (0, 0)),
    ],
    out_specs=[pl.BlockSpec((BE, H), lambda m: (m, 0))],
    out_shape=[jax.ShapeDtypeStruct((E, H), f32)],
)


def _u2mid_body(e_ref, Wecol_ref, out_ref):
    out_ref[...] = jnp.dot(e_ref[...], Wecol_ref[...],
                           preferred_element_type=f32)


_u2mid_kernel = pl.pallas_call(
    _u2mid_body,
    grid=(E // BE,),
    in_specs=[
        pl.BlockSpec((BE, H), lambda m: (m, 0)),
        pl.BlockSpec((H, H), lambda m: (0, 0)),
    ],
    out_specs=[pl.BlockSpec((BE, H), lambda m: (m, 0))],
    out_shape=[jax.ShapeDtypeStruct((E, H), f32)],
)


def _eg_body(src_hbm, off_hbm, eg_hbm, src_v, off_v, eg_v):
    c = lax.axis_index("c")
    s = lax.axis_index("s")
    wid = c * NS + s
    base = wid * EPW
    pltpu.sync_copy(src_hbm.at[pl.ds(base, EPW)], src_v)
    pltpu.sync_copy(off_hbm, off_v)
    off_vec = off_v[pl.ds(0, 16)]
    offs = [off_vec[j] for j in range(G)]

    @pl.loop(0, EPW // 16)
    def _(i):
        v = src_v[pl.ds(i * 16, 16)]
        acc = jnp.zeros((16,), jnp.int32)
        for j in range(G):
            acc = acc + jnp.where(v >= offs[j], 1, 0).astype(jnp.int32)
        eg_v[pl.ds(i * 16, 16)] = acc

    pltpu.sync_copy(eg_v, eg_hbm.at[pl.ds(base, EPW)])


_eg_kernel = pl.kernel(
    _eg_body,
    out_type=jax.ShapeDtypeStruct((E,), jnp.int32),
    compiler_params=pltpu.CompilerParams(use_tc_tiling_on_sc=False),
    mesh=plsc.VectorSubcoreMesh(core_axis_name="c", subcore_axis_name="s"),
    scratch_types=[
        pltpu.VMEM((EPW,), jnp.int32),
        pltpu.VMEM((16,), jnp.int32),
        pltpu.VMEM((EPW,), jnp.int32),
    ],
)


def _u4_body(acc0_ref, acc1_ref, h_ref, gn_ref, Wn2_ref, off_lo_ref,
             off_hi_ref, h_out, nsum_ref, cnt_ref):
    m = pl.program_id(0)
    acc = acc0_ref[...] + acc1_ref[...]
    agg = acc[:, :H] / jnp.clip(acc[:, H:H + 1], 1.0, None)
    W2 = Wn2_ref[...]
    oh = _rowwise_onehot(m, off_lo_ref[...], off_hi_ref[...])
    hn = jax.nn.relu(jnp.dot(h_ref[...], W2[:H], preferred_element_type=f32)
                     + jnp.dot(agg, W2[H:], preferred_element_type=f32)
                     + jnp.dot(oh, gn_ref[...], preferred_element_type=f32))
    h_out[...] = hn

    @pl.when(m == 0)
    def _():
        nsum_ref[...] = jnp.zeros_like(nsum_ref)
        cnt_ref[...] = jnp.zeros_like(cnt_ref)

    nsum_ref[...] += lax.dot_general(oh, hn, (((0,), (0,)), ((), ())),
                                     preferred_element_type=f32)
    cnt_ref[...] += lax.dot_general(oh, jnp.ones((BN, 1), f32),
                                    (((0,), (0,)), ((), ())),
                                    preferred_element_type=f32)


_u4_kernel = pl.pallas_call(
    _u4_body,
    grid=(N // BN,),
    in_specs=[
        pl.BlockSpec((BN, AW), lambda m: (m, 0)),
        pl.BlockSpec((BN, AW), lambda m: (m, 0)),
        pl.BlockSpec((BN, H), lambda m: (m, 0)),
        pl.BlockSpec((G, H), lambda m: (0, 0)),
        pl.BlockSpec((2 * H, H), lambda m: (0, 0)),
        pl.BlockSpec((1, G), lambda m: (0, 0)),
        pl.BlockSpec((1, G), lambda m: (0, 0)),
    ],
    out_specs=[
        pl.BlockSpec((BN, H), lambda m: (m, 0)),
        pl.BlockSpec((G, H), lambda m: (0, 0)),
        pl.BlockSpec((G, 1), lambda m: (0, 0)),
    ],
    out_shape=[
        jax.ShapeDtypeStruct((N, H), f32),
        jax.ShapeDtypeStruct((G, H), f32),
        jax.ShapeDtypeStruct((G, 1), f32),
    ],
)


def _gkenc_body(ga_ref, batch_ref, Wu_ref, bu_ref, Wg_ref, bedge_ref, Wng_ref,
                bnode_ref, g_ref, gvec_ref, gn_ref, off_lo_ref, off_hi_ref,
                off_i_ref):
    g = jax.nn.relu(jnp.dot(ga_ref[...], Wu_ref[...],
                            preferred_element_type=f32) + bu_ref[...])
    g_ref[...] = g
    gvec_ref[...] = jnp.dot(g, Wg_ref[...], preferred_element_type=f32) + bedge_ref[...]
    gn_ref[...] = jnp.dot(g, Wng_ref[...], preferred_element_type=f32) + bnode_ref[...]
    b = batch_ref[...]
    it = lax.broadcasted_iota(jnp.int32, (N, G), 1)
    off_lo_ref[...] = jnp.sum((b < it).astype(f32), axis=0, keepdims=True)
    hi = jnp.sum((b <= it).astype(f32), axis=0, keepdims=True)
    off_hi_ref[...] = hi
    off_i_ref[...] = hi.astype(jnp.int32)


_gkenc_kernel = pl.pallas_call(
    _gkenc_body,
    out_shape=[
        jax.ShapeDtypeStruct((G, H), f32),
        jax.ShapeDtypeStruct((G, H), f32),
        jax.ShapeDtypeStruct((G, H), f32),
        jax.ShapeDtypeStruct((1, G), f32),
        jax.ShapeDtypeStruct((1, G), f32),
        jax.ShapeDtypeStruct((1, G), jnp.int32),
    ],
)


def _global_update(g, nsum, cnt, gacc0, gacc1, Wg2, bglob):
    node_mean = nsum / jnp.clip(cnt, 1.0, None)
    gacc = gacc0 + gacc1
    edge_mean = gacc[:, :H] / jnp.clip(gacc[:, H:H + 1], 1.0, None)
    return jax.nn.relu(jnp.dot(g, Wg2[:H], preferred_element_type=f32)
                       + jnp.dot(node_mean, Wg2[H:2 * H], preferred_element_type=f32)
                       + jnp.dot(edge_mean, Wg2[2 * H:], preferred_element_type=f32)
                       + bglob)


def _gkup_body(g_ref, nsum_ref, cnt_ref, gacc0_ref, gacc1_ref, Wg2_ref,
               bglob_ref, Wg_ref, bedge_ref, Wng_ref, bnode_ref,
               gout_ref, gvec_ref, gn_ref):
    gnew = _global_update(g_ref[...], nsum_ref[...], cnt_ref[...],
                          gacc0_ref[...], gacc1_ref[...], Wg2_ref[...],
                          bglob_ref[...])
    gout_ref[...] = gnew
    gvec_ref[...] = jnp.dot(gnew, Wg_ref[...], preferred_element_type=f32) + bedge_ref[...]
    gn_ref[...] = jnp.dot(gnew, Wng_ref[...], preferred_element_type=f32) + bnode_ref[...]


_gkup_kernel = pl.pallas_call(
    _gkup_body,
    out_shape=[
        jax.ShapeDtypeStruct((G, H), f32),
        jax.ShapeDtypeStruct((G, H), f32),
        jax.ShapeDtypeStruct((G, H), f32),
    ],
)


def _gkfin_body(g_ref, nsum_ref, cnt_ref, gacc0_ref, gacc1_ref, Wg2_ref,
                bglob_ref, out_ref):
    gnew = _global_update(g_ref[...], nsum_ref[...], cnt_ref[...],
                          gacc0_ref[...], gacc1_ref[...], Wg2_ref[...],
                          bglob_ref[...])
    avg = nsum_ref[...] / jnp.clip(cnt_ref[...], 1.0, None)
    out_ref[...] = (jnp.sum(gnew, axis=1, keepdims=True)
                    + jnp.sum(avg, axis=1, keepdims=True))


_gkfin_kernel = pl.pallas_call(
    _gkfin_body,
    out_shape=[jax.ShapeDtypeStruct((G, 1), f32)],
)


def kernel(x, edge_index, edge_attr, global_attr, batch,
           Wx, bx, We, be, Wu, bu, Wedge, bedge, Wnode, bnode, Wglob, bglob):
    x = x.reshape(N, FN)
    edge_attr = edge_attr.reshape(E, FE)
    global_attr = global_attr.reshape(G, FG)
    src = edge_index[0].astype(jnp.int32)
    dst = edge_index[1].astype(jnp.int32)
    batch_i = batch.astype(jnp.int32)

    Ws = Wedge[:, 0:H, :]
    Wd = Wedge[:, H:2 * H, :]
    Wecol = Wedge[:, 2 * H:3 * H, :]
    Wgcol = Wedge[:, 3 * H:, :]
    Wn2 = Wnode[:, 0:2 * H, :]
    Wng = Wnode[:, 2 * H:, :]
    bx2 = bx.reshape(1, H)
    be2 = be.reshape(1, H)
    bu2 = bu.reshape(1, H)
    bedge2 = bedge.reshape(3, 1, H)
    bnode2 = bnode.reshape(3, 1, H)
    bglob2 = bglob.reshape(3, 1, H)

    b2 = batch_i.reshape(N, 1)

    g, gvec, gn, off_lo, off_hi, off_i = _gkenc_kernel(
        global_attr, b2, Wu, bu2, Wgcol[0], bedge2[0], Wng[0], bnode2[0])
    h, ps, pd = _u1_kernel(x, Wx, bx2, Ws[0], Wd[0], gvec, off_lo, off_hi)
    eW = _u2enc_kernel(edge_attr, We, be2, Wecol[0])[0]
    eg = _eg_kernel(src, off_i.reshape(G))

    e_new = None
    for t in range(3):
        if t > 0:
            eW = _u2mid_kernel(e_new, Wecol[t])[0]
            ps, pd = _uP_kernel(h, Ws[t], Wd[t], gvec, off_lo, off_hi)
        if t < 2:
            e_new, nacc, gacc = _edge_kernel_we(eW, ps, pd, src, dst, eg)
        else:
            nacc, gacc = _edge_kernel_last(eW, ps, pd, src, dst, eg)
        h, nsum, cnt = _u4_kernel(
            nacc[0], nacc[1], h, gn, Wn2[t], off_lo, off_hi)
        if t < 2:
            g, gvec, gn = _gkup_kernel(
                g, nsum, cnt, gacc[0], gacc[1], Wglob[t], bglob2[t],
                Wgcol[t + 1], bedge2[t + 1], Wng[t + 1], bnode2[t + 1])
        else:
            out = _gkfin_kernel(g, nsum, cnt, gacc[0], gacc[1], Wglob[t],
                                bglob2[t])[0]

    return out.reshape(G)

# --- scband reference (transcript-rebuilt; emitter-appended) ---
"""Pipeline reference for scband-message-passing-inner-interpolate-model-27968827032216 (READ-ONLY COPY).

The authoritative reference and input builder live on the scoring server;
editing this copy changes nothing except your own understanding.
"""

import jax, jax.numpy as jnp
import numpy as np

N_NODES = 10000
N_EDGES = 320000
F_NODE = 128
F_EDGE = 16
F_GLOB = 16
HID = 64
N_GRAPHS = 16
N_UPDATES = 3


def setup_inputs(seed: int = 0) -> dict:
    key = jax.random.key(seed)
    ks = jax.random.split(key, 24)
    x = jax.random.normal(ks[0], (N_NODES, F_NODE), dtype=jnp.float32)
    edge_index = jax.random.randint(ks[1], (2, N_EDGES), 0, N_NODES, dtype=jnp.int64)
    edge_attr = jax.random.normal(ks[2], (N_EDGES, F_EDGE), dtype=jnp.float32)
    global_attr = jax.random.normal(ks[3], (N_GRAPHS, F_GLOB), dtype=jnp.float32)
    batch = jnp.sort(jax.random.randint(ks[4], (N_NODES,), 0, N_GRAPHS, dtype=jnp.int64))
    # encoder params
    Wx = jax.random.normal(ks[5], (F_NODE, HID), dtype=jnp.float32) / np.sqrt(F_NODE)
    bx = jnp.zeros((HID,), dtype=jnp.float32)
    We = jax.random.normal(ks[6], (F_EDGE, HID), dtype=jnp.float32) / np.sqrt(F_EDGE)
    be = jnp.zeros((HID,), dtype=jnp.float32)
    Wu = jax.random.normal(ks[7], (F_GLOB, HID), dtype=jnp.float32) / np.sqrt(F_GLOB)
    bu = jnp.zeros((HID,), dtype=jnp.float32)
    # per-update message passing params
    Wedge = jax.random.normal(ks[8], (N_UPDATES, 4 * HID, HID), dtype=jnp.float32) / np.sqrt(4 * HID)
    bedge = jnp.zeros((N_UPDATES, HID), dtype=jnp.float32)
    Wnode = jax.random.normal(ks[9], (N_UPDATES, 3 * HID, HID), dtype=jnp.float32) / np.sqrt(3 * HID)
    bnode = jnp.zeros((N_UPDATES, HID), dtype=jnp.float32)
    Wglob = jax.random.normal(ks[10], (N_UPDATES, 3 * HID, HID), dtype=jnp.float32) / np.sqrt(3 * HID)
    bglob = jnp.zeros((N_UPDATES, HID), dtype=jnp.float32)
    return {
        "x": x, "edge_index": edge_index, "edge_attr": edge_attr,
        "global_attr": global_attr, "batch": batch,
        "Wx": Wx, "bx": bx, "We": We, "be": be, "Wu": Wu, "bu": bu,
        "Wedge": Wedge, "bedge": bedge, "Wnode": Wnode, "bnode": bnode,
        "Wglob": Wglob, "bglob": bglob,
    }


def _seg_mean(data, seg_ids, num_segments):
    s = jax.ops.segment_sum(data, seg_ids, num_segments=num_segments)
    c = jax.ops.segment_sum(jnp.ones((data.shape[0],), dtype=data.dtype), seg_ids, num_segments=num_segments)
    c = jnp.clip(c, 1.0, None)
    return s / c[:, None]


def reference(x, edge_index, edge_attr, global_attr, batch,
              Wx, bx, We, be, Wu, bu, Wedge, bedge, Wnode, bnode, Wglob, bglob):
    x = x.reshape(-1, F_NODE)
    edge_attr = edge_attr.reshape(-1, F_EDGE)
    u = global_attr.reshape(-1, F_GLOB)
    src = edge_index[0]
    dst = edge_index[1]
    n_nodes = x.shape[0]
    n_graphs = u.shape[0]
    edge_graph = batch[src]
    # encode to hidden
    h = jax.nn.relu(x @ Wx + bx)
    e = jax.nn.relu(edge_attr @ We + be)
    g = jax.nn.relu(u @ Wu + bu)
    # graph2graph: N_UPDATES metalayer blocks
    for t in range(N_UPDATES):
        # edge update: gather endpoint + global features (SparseCore gather)
        e_in = jnp.concatenate([h[src], h[dst], e, g[edge_graph]], axis=1)
        e = jax.nn.relu(e_in @ Wedge[t] + bedge[t])
        # node update: scatter-mean of incoming edge messages (SparseCore scatter-add)
        agg = _seg_mean(e, dst, n_nodes)
        n_in = jnp.concatenate([h, agg, g[batch]], axis=1)
        h = jax.nn.relu(n_in @ Wnode[t] + bnode[t])
        # global update: graph-level mean pools
        node_mean = _seg_mean(h, batch, n_graphs)
        edge_mean = _seg_mean(e, edge_graph, n_graphs)
        g_in = jnp.concatenate([g, node_mean, edge_mean], axis=1)
        g = jax.nn.relu(g_in @ Wglob[t] + bglob[t])
    # graph2property: global_mean_pool(x, batch), cat with u, sum dim=1
    avg_nodes = _seg_mean(h, batch, n_graphs)
    out = jnp.concatenate([g, avg_nodes], axis=1)
    out = out.sum(axis=1)
    return out

if __name__ == "__main__":
    import jax
    _d = setup_inputs()
    print(jax.jit(kernel)(*tuple(_d.values())))

</pallas_src>

<mosaic_0001>
#map = affine_map<(d0, d1) -> (0, 0)>
#map1 = affine_map<(d0, d1) -> (0)>
#map2 = affine_map<(d0, d1) -> (0, 0, 0)>
module attributes {stable_mosaic.version = 14 : i64} {
  func.func @_edge_body(%arg0: i32, %arg1: i32, %arg2: memref<320000x64xf32, #tpu.memory_space<hbm>>, %arg3: memref<10000x64xf32, #tpu.memory_space<hbm>>, %arg4: memref<10000x64xf32, #tpu.memory_space<hbm>>, %arg5: memref<320000xi32, #tpu.memory_space<hbm>>, %arg6: memref<320000xi32, #tpu.memory_space<hbm>>, %arg7: memref<320000xi32, #tpu.memory_space<hbm>>, %arg8: memref<2x10000x80xf32, #tpu.memory_space<hbm>>, %arg9: memref<2x16x80xf32, #tpu.memory_space<hbm>>, %arg10: memref<200xi32, #tpu.memory_space<vmem>>, %arg11: memref<200xi32, #tpu.memory_space<vmem>>, %arg12: memref<200xi32, #tpu.memory_space<vmem>>, %arg13: memref<200x64xf32, #tpu.memory_space<vmem>>, %arg14: memref<200x64xf32, #tpu.memory_space<vmem>>, %arg15: memref<200x64xf32, #tpu.memory_space<vmem>>, %arg16: memref<200x80xf32, #tpu.memory_space<vmem>>, %arg17: memref<200x64xf32, #tpu.memory_space<vmem>>, %arg18: memref<10000x80xf32, #tpu.memory_space<vmem_shared>>, %arg19: memref<16x80xf32, #tpu.memory_space<vmem_shared>>, %arg20: memref<!tpu.dma_semaphore, #tpu.memory_space<semaphore_mem>>, %arg21: memref<!tpu.dma_semaphore, #tpu.memory_space<semaphore_mem>>, %arg22: memref<!tpu.dma_semaphore, #tpu.memory_space<semaphore_mem>>, %arg23: memref<!tpu.dma_semaphore, #tpu.memory_space<semaphore_mem>>, %arg24: memref<!tpu.dma_semaphore, #tpu.memory_space<semaphore_mem>>, %arg25: memref<!tpu.dma_semaphore, #tpu.memory_space<semaphore_mem>>) attributes {dimension_semantics = [#tpu.dimension_semantics<core_parallel>, #tpu.dimension_semantics<subcore_parallel>], iteration_bounds = array<i64: 2, 16>, scalar_prefetch = 0 : i64, scratch_operands = 16 : i64, tpu.core_type = #tpu.core_type<sc_vector_subcore>, window_params = [{transform_indices = #map}, {transform_indices = #map}, {transform_indices = #map}, {transform_indices = #map1}, {transform_indices = #map1}, {transform_indices = #map1}, {transform_indices = #map2}, {transform_indices = #map2}]} {
    %mul3A = arith.constant 16 : i32
    %mul3A_0 = arith.muli %arg0, %mul3A : i32
    %add3A = arith.addi %mul3A_0, %arg1 : i32
    %broadcast_in_dim3A = arith.constant 0.000000e+00 : f32
    %broadcast_in_dim3A_1 = vector.broadcast %broadcast_in_dim3A : f32 to vector<16xf32>
    %scan3A = arith.constant 0 : i32
    %scan3A_2 = arith.constant 200 : i32
    %scan3A_3 = arith.addi %scan3A, %scan3A_2 : i32
    %scan3A_4 = arith.constant 1 : i32
    scf.for %scan3A_63 = %scan3A to %scan3A_3 step %scan3A_4  : i32 {
      %mul3A_64 = arith.constant 1 : i32
      %mul3A_65 = arith.muli %scan3A_63, %mul3A_64 : i32
      %add3A_66 = arith.constant 0 : i32
      %add3A_67 = arith.addi %add3A_66, %mul3A_65 : i32
      %swap3A = arith.index_cast %add3A_67 : i32 to index
      %swap3A_68 = arith.constant 0 : index
      %swap3A_69 = tpu.vector_load %arg16[%swap3A, %swap3A_68] {strides = array<i32>} : memref<200x80xf32, #tpu.memory_space<vmem>>, vector<1x16xf32>,
      %swap3A_70 = vector.shape_cast %swap3A_69 : vector<1x16xf32> to vector<16xf32>
      %swap3A_71 = vector.shape_cast %broadcast_in_dim3A_1 : vector<16xf32> to vector<1x16xf32>
      tpu.vector_store %arg16[%swap3A, %swap3A_68], %swap3A_71 {strides = array<i32>} : memref<200x80xf32, #tpu.memory_space<vmem>>, vector<1x16xf32>,
      %swap3A_72 = arith.index_cast %add3A_67 : i32 to index
      %swap3A_73 = arith.constant 16 : index
      %swap3A_74 = tpu.vector_load %arg16[%swap3A_72, %swap3A_73] {strides = array<i32>} : memref<200x80xf32, #tpu.memory_space<vmem>>, vector<1x16xf32>,
      %swap3A_75 = vector.shape_cast %swap3A_74 : vector<1x16xf32> to vector<16xf32>
      %swap3A_76 = vector.shape_cast %broadcast_in_dim3A_1 : vector<16xf32> to vector<1x16xf32>
      tpu.vector_store %arg16[%swap3A_72, %swap3A_73], %swap3A_76 {strides = array<i32>} : memref<200x80xf32, #tpu.memory_space<vmem>>, vector<1x16xf32>,
      %swap3A_77 = arith.index_cast %add3A_67 : i32 to index
      %swap3A_78 = arith.constant 32 : index
      %swap3A_79 = tpu.vector_load %arg16[%swap3A_77, %swap3A_78] {strides = array<i32>} : memref<200x80xf32, #tpu.memory_space<vmem>>, vector<1x16xf32>,
      %swap3A_80 = vector.shape_cast %swap3A_79 : vector<1x16xf32> to vector<16xf32>
      %swap3A_81 = vector.shape_cast %broadcast_in_dim3A_1 : vector<16xf32> to vector<1x16xf32>
      tpu.vector_store %arg16[%swap3A_77, %swap3A_78], %swap3A_81 {strides = array<i32>} : memref<200x80xf32, #tpu.memory_space<vmem>>, vector<1x16xf32>,
      %swap3A_82 = arith.index_cast %add3A_67 : i32 to index
      %swap3A_83 = arith.constant 48 : index
      %swap3A_84 = tpu.vector_load %arg16[%swap3A_82, %swap3A_83] {strides = array<i32>} : memref<200x80xf32, #tpu.memory_space<vmem>>, vector<1x16xf32>,
      %swap3A_85 = vector.shape_cast %swap3A_84 : vector<1x16xf32> to vector<16xf32>
      %swap3A_86 = vector.shape_cast %broadcast_in_dim3A_1 : vector<16xf32> to vector<1x16xf32>
      tpu.vector_store %arg16[%swap3A_82, %swap3A_83], %swap3A_86 {strides = array<i32>} : memref<200x80xf32, #tpu.memory_space<vmem>>, vector<1x16xf32>,
      %swap3A_87 = arith.index_cast %add3A_67 : i32 to index
      %swap3A_88 = arith.constant 64 : index
      %swap3A_89 = tpu.vector_load %arg16[%swap3A_87, %swap3A_88] {strides = array<i32>} : memref<200x80xf32, #tpu.memory_space<vmem>>, vector<1x16xf32>,
      %swap3A_90 = vector.shape_cast %swap3A_89 : vector<1x16xf32> to vector<16xf32>
      %swap3A_91 = vector.shape_cast %broadcast_in_dim3A_1 : vector<16xf32> to vector<1x16xf32>
      tpu.vector_store %arg16[%swap3A_87, %swap3A_88], %swap3A_91 {strides = array<i32>} : memref<200x80xf32, #tpu.memory_space<vmem>>, vector<1x16xf32>,
    }
    %scan3A_5 = arith.constant 200 : i32
    %sub3A = arith.constant 50 : i32
    %sub3A_6 = arith.subi %sub3A, %arg1 : i32
    %sub3A_7 = arith.constant 16 : i32
    %sub3A_8 = arith.constant 1 : i32
    %sub3A_9 = arith.subi %sub3A_7, %sub3A_8 : i32
    %add3A_10 = arith.addi %sub3A_6, %sub3A_9 : i32
    %div3A = arith.constant 16 : i32
    %div3A_11 = arith.divsi %add3A_10, %div3A : i32
    %while3A = arith.constant 16 : i32
    %while3A_12 = arith.constant 0 : i32
    %while3A_13 = arith.subi %div3A_11, %while3A_12 : i32
    %while3A_14 = arith.addi %while3A_12, %while3A_13 : i32
    %while3A_15 = arith.constant 1 : i32
    %while3A_16 = arith.divsi %while3A_13, %while3A_15 : i32
    %while3A_17 = arith.muli %while3A_16, %while3A_15 : i32
    %while3A_18 = arith.addi %while3A_12, %while3A_17 : i32
    %while3A_19 = arith.constant 1 : i32
    scf.for %while3A_63 = %while3A_12 to %while3A_18 step %while3A_19  : i32 {
      %mul3A_64 = arith.muli %while3A_63, %while3A : i32
      %add3A_65 = arith.addi %arg1, %mul3A_64 : i32
      %mul3A_66 = arith.constant 200 : i32
      %mul3A_67 = arith.muli %add3A_65, %mul3A_66 : i32
      "tpu.region"() ({
        %run_scoped3A = tpu.sem_alloc : memref<!tpu.dma_semaphore, #tpu.memory_space<semaphore_mem>>
        %dma_start3A = arith.constant 0 : i32
        %dma_start3A_68 = tpu.memref_slice %arg18[%mul3A_67, %dma_start3A] : memref<10000x80xf32, #tpu.memory_space<vmem_shared>> -> memref<200x80xf32, #tpu.memory_space<vmem_shared>>
        %dma_start3A_69 = arith.constant 0 : i32
        %dma_start3A_70 = tpu.memref_slice %arg18[%mul3A_67, %dma_start3A_69] : memref<10000x80xf32, #tpu.memory_space<vmem_shared>> -> memref<200x80xf32, #tpu.memory_space<vmem_shared>>
        tpu.enqueue_dma source(%arg16 : memref<200x80xf32, #tpu.memory_space<vmem>>) target(%dma_start3A_70 : memref<200x80xf32, #tpu.memory_space<vmem_shared>>) target_semaphore(%run_scoped3A : memref<!tpu.dma_semaphore, #tpu.memory_space<semaphore_mem>>)
        %dma_wait3A = arith.constant 0 : i32
        %dma_wait3A_71 = tpu.memref_slice %arg18[%mul3A_67, %dma_wait3A] : memref<10000x80xf32, #tpu.memory_space<vmem_shared>> -> memref<200x80xf32, #tpu.memory_space<vmem_shared>>
        %dma_wait3A_72 = arith.constant 0 : i32
        %dma_wait3A_73 = tpu.memref_slice %arg18[%mul3A_67, %dma_wait3A_72] : memref<10000x80xf32, #tpu.memory_space<vmem_shared>> -> memref<200x80xf32, #tpu.memory_space<vmem_shared>>
        tpu.wait_dma2 semaphore(%run_scoped3A : memref<!tpu.dma_semaphore, #tpu.memory_space<semaphore_mem>>) src(%arg16 : memref<200x80xf32, #tpu.memory_space<vmem>>) dst(%dma_wait3A_73 : memref<200x80xf32, #tpu.memory_space<vmem_shared>>)
        tpu.yield
      }) : () -> ()
    }
    %while3A_20 = arith.constant 1 : i32
    scf.for %while3A_63 = %while3A_18 to %while3A_14 step %while3A_20  : i32 {
      %mul3A_64 = arith.muli %while3A_63, %while3A : i32
      %add3A_65 = arith.addi %arg1, %mul3A_64 : i32
      %mul3A_66 = arith.constant 200 : i32
      %mul3A_67 = arith.muli %add3A_65, %mul3A_66 : i32
      "tpu.region"() ({
        %run_scoped3A = tpu.sem_alloc : memref<!tpu.dma_semaphore, #tpu.memory_space<semaphore_mem>>
        %dma_start3A = arith.constant 0 : i32
        %dma_start3A_68 = tpu.memref_slice %arg18[%mul3A_67, %dma_start3A] : memref<10000x80xf32, #tpu.memory_space<vmem_shared>> -> memref<200x80xf32, #tpu.memory_space<vmem_shared>>
        %dma_start3A_69 = arith.constant 0 : i32
        %dma_start3A_70 = tpu.memref_slice %arg18[%mul3A_67, %dma_start3A_69] : memref<10000x80xf32, #tpu.memory_space<vmem_shared>> -> memref<200x80xf32, #tpu.memory_space<vmem_shared>>
        tpu.enqueue_dma source(%arg16 : memref<200x80xf32, #tpu.memory_space<vmem>>) target(%dma_start3A_70 : memref<200x80xf32, #tpu.memory_space<vmem_shared>>) target_semaphore(%run_scoped3A : memref<!tpu.dma_semaphore, #tpu.memory_space<semaphore_mem>>)
        %dma_wait3A = arith.constant 0 : i32
        %dma_wait3A_71 = tpu.memref_slice %arg18[%mul3A_67, %dma_wait3A] : memref<10000x80xf32, #tpu.memory_space<vmem_shared>> -> memref<200x80xf32, #tpu.memory_space<vmem_shared>>
        %dma_wait3A_72 = arith.constant 0 : i32
        %dma_wait3A_73 = tpu.memref_slice %arg18[%mul3A_67, %dma_wait3A_72] : memref<10000x80xf32, #tpu.memory_space<vmem_shared>> -> memref<200x80xf32, #tpu.memory_space<vmem_shared>>
        tpu.wait_dma2 semaphore(%run_scoped3A : memref<!tpu.dma_semaphore, #tpu.memory_space<semaphore_mem>>) src(%arg16 : memref<200x80xf32, #tpu.memory_space<vmem>>) dst(%dma_wait3A_73 : memref<200x80xf32, #tpu.memory_space<vmem_shared>>)
        tpu.yield
      }) : () -> ()
    }
    %eq3A = arith.constant 0 : i32
    %eq3A_21 = arith.cmpi eq, %arg1, %eq3A : i32
    %convert_element_type3A = arith.extui %eq3A_21 : i1 to i32
    %cond3A = arith.constant 0 : i32
    %cond3A_22 = arith.cmpi ne, %convert_element_type3A, %cond3A : i32
    scf.if %cond3A_22 {
      "tpu.region"() ({
        %run_scoped3A = tpu.sem_alloc : memref<!tpu.dma_semaphore, #tpu.memory_space<semaphore_mem>>
        %dma_start3A = arith.constant 0 : i32
        %dma_start3A_63 = arith.constant 0 : i32
        %dma_start3A_64 = tpu.memref_slice %arg16[%dma_start3A, %dma_start3A_63] : memref<200x80xf32, #tpu.memory_space<vmem>> -> memref<16x80xf32, #tpu.memory_space<vmem>>
        %dma_start3A_65 = arith.constant 0 : i32
        %dma_start3A_66 = arith.constant 0 : i32
        %dma_start3A_67 = tpu.memref_slice %arg16[%dma_start3A_65, %dma_start3A_66] : memref<200x80xf32, #tpu.memory_space<vmem>> -> memref<16x80xf32, #tpu.memory_space<vmem>>
        tpu.enqueue_dma source(%dma_start3A_67 : memref<16x80xf32, #tpu.memory_space<vmem>>) target(%arg19 : memref<16x80xf32, #tpu.memory_space<vmem_shared>>) target_semaphore(%run_scoped3A : memref<!tpu.dma_semaphore, #tpu.memory_space<semaphore_mem>>)
        %dma_wait3A = arith.constant 0 : i32
        %dma_wait3A_68 = arith.constant 0 : i32
        %dma_wait3A_69 = tpu.memref_slice %arg16[%dma_wait3A, %dma_wait3A_68] : memref<200x80xf32, #tpu.memory_space<vmem>> -> memref<16x80xf32, #tpu.memory_space<vmem>>
        %dma_wait3A_70 = arith.constant 0 : i32
        %dma_wait3A_71 = arith.constant 0 : i32
        %dma_wait3A_72 = tpu.memref_slice %arg16[%dma_wait3A_70, %dma_wait3A_71] : memref<200x80xf32, #tpu.memory_space<vmem>> -> memref<16x80xf32, #tpu.memory_space<vmem>>
        tpu.wait_dma2 semaphore(%run_scoped3A : memref<!tpu.dma_semaphore, #tpu.memory_space<semaphore_mem>>) src(%dma_wait3A_72 : memref<16x80xf32, #tpu.memory_space<vmem>>) dst(%arg19 : memref<16x80xf32, #tpu.memory_space<vmem_shared>>)
        tpu.yield
      }) : () -> ()
    } else {
    }
    %iota3A = tpu.iota {dimensions = array<i32: 0>} : vector<16xi32>
    %eq3A_23 = arith.constant 0 : i32
    %eq3A_24 = vector.broadcast %eq3A_23 : i32 to vector<16xi32>
    %eq3A_25 = arith.cmpi eq, %iota3A, %eq3A_24 : vector<16xi32>
    %jit3A = arith.constant 1.000000e+00 : f32
    %jit3A_26 = arith.constant 0.000000e+00 : f32
    %broadcast_in_dim3A_27 = vector.broadcast %jit3A : f32 to vector<16xf32>
    %broadcast_in_dim3A_28 = vector.broadcast %jit3A_26 : f32 to vector<16xf32>
    %select_n3A = arith.select %eq3A_25, %broadcast_in_dim3A_27, %broadcast_in_dim3A_28 : vector<16xi1>, vector<16xf32>
    %scan3A_29 = arith.constant 0 : i32
    %scan3A_30 = arith.constant 200 : i32
    %scan3A_31 = arith.addi %scan3A_29, %scan3A_30 : i32
    %scan3A_32 = arith.constant 1 : i32
    scf.for %scan3A_63 = %scan3A_29 to %scan3A_31 step %scan3A_32  : i32 {
      %mul3A_64 = arith.constant 1 : i32
      %mul3A_65 = arith.muli %scan3A_63, %mul3A_64 : i32
      %add3A_66 = arith.constant 0 : i32
      %add3A_67 = arith.addi %add3A_66, %mul3A_65 : i32
      %swap3A = arith.index_cast %add3A_67 : i32 to index
      %swap3A_68 = arith.constant 64 : index
      %swap3A_69 = tpu.vector_load %arg16[%swap3A, %swap3A_68] {strides = array<i32>} : memref<200x80xf32, #tpu.memory_space<vmem>>, vector<1x16xf32>,
      %swap3A_70 = vector.shape_cast %swap3A_69 : vector<1x16xf32> to vector<16xf32>
      %swap3A_71 = vector.shape_cast %select_n3A : vector<16xf32> to vector<1x16xf32>
      tpu.vector_store %arg16[%swap3A, %swap3A_68], %swap3A_71 {strides = array<i32>} : memref<200x80xf32, #tpu.memory_space<vmem>>, vector<1x16xf32>,
    }
    %scan3A_33 = arith.constant 200 : i32
    %barrier3A = arith.constant 0 : index
    tpu.barrier barrier_id(%barrier3A)
    %scan3A_34 = arith.constant 0 : i32
    %scan3A_35 = arith.constant 50 : i32
    %scan3A_36 = arith.addi %scan3A_34, %scan3A_35 : i32
    %scan3A_37 = arith.constant 1 : i32
    scf.for %scan3A_63 = %scan3A_34 to %scan3A_36 step %scan3A_37  : i32 {
      %mul3A_64 = arith.constant 1 : i32
      %mul3A_65 = arith.muli %scan3A_63, %mul3A_64 : i32
      %add3A_66 = arith.constant 0 : i32
      %add3A_67 = arith.addi %add3A_66, %mul3A_65 : i32
      %mul3A_68 = arith.constant 10000 : i32
      %mul3A_69 = arith.muli %add3A, %mul3A_68 : i32
      %mul3A_70 = arith.constant 200 : i32
      %mul3A_71 = arith.muli %add3A_67, %mul3A_70 : i32
      %add3A_72 = arith.addi %mul3A_69, %mul3A_71 : i32
      "tpu.region"() ({
        %run_scoped3A = tpu.sem_alloc : memref<!tpu.dma_semaphore, #tpu.memory_space<semaphore_mem>>
        %dma_start3A_108 = tpu.memref_slice %arg5[%add3A_72] : memref<320000xi32, #tpu.memory_space<hbm>> -> memref<200xi32, #tpu.memory_space<hbm>>
        %dma_start3A_109 = tpu.memref_slice %arg5[%add3A_72] : memref<320000xi32, #tpu.memory_space<hbm>> -> memref<200xi32, #tpu.memory_space<hbm>>
        tpu.enqueue_dma source(%dma_start3A_109 : memref<200xi32, #tpu.memory_space<hbm>>) target(%arg10 : memref<200xi32, #tpu.memory_space<vmem>>) target_semaphore(%run_scoped3A : memref<!tpu.dma_semaphore, #tpu.memory_space<semaphore_mem>>)
        %dma_wait3A_110 = tpu.memref_slice %arg5[%add3A_72] : memref<320000xi32, #tpu.memory_space<hbm>> -> memref<200xi32, #tpu.memory_space<hbm>>
        %dma_wait3A_111 = tpu.memref_slice %arg5[%add3A_72] : memref<320000xi32, #tpu.memory_space<hbm>> -> memref<200xi32, #tpu.memory_space<hbm>>
        tpu.wait_dma2 semaphore(%run_scoped3A : memref<!tpu.dma_semaphore, #tpu.memory_space<semaphore_mem>>) src(%dma_wait3A_111 : memref<200xi32, #tpu.memory_space<hbm>>) dst(%arg10 : memref<200xi32, #tpu.memory_space<vmem>>)
        tpu.yield
      }) : () -> ()
      "tpu.region"() ({
        %run_scoped3A = tpu.sem_alloc : memref<!tpu.dma_semaphore, #tpu.memory_space<semaphore_mem>>
        %dma_start3A_108 = tpu.memref_slice %arg6[%add3A_72] : memref<320000xi32, #tpu.memory_space<hbm>> -> memref<200xi32, #tpu.memory_space<hbm>>
        %dma_start3A_109 = tpu.memref_slice %arg6[%add3A_72] : memref<320000xi32, #tpu.memory_space<hbm>> -> memref<200xi32, #tpu.memory_space<hbm>>
        tpu.enqueue_dma source(%dma_start3A_109 : memref<200xi32, #tpu.memory_space<hbm>>) target(%arg11 : memref<200xi32, #tpu.memory_space<vmem>>) target_semaphore(%run_scoped3A : memref<!tpu.dma_semaphore, #tpu.memory_space<semaphore_mem>>)
        %dma_wait3A_110 = tpu.memref_slice %arg6[%add3A_72] : memref<320000xi32, #tpu.memory_space<hbm>> -> memref<200xi32, #tpu.memory_space<hbm>>
        %dma_wait3A_111 = tpu.memref_slice %arg6[%add3A_72] : memref<320000xi32, #tpu.memory_space<hbm>> -> memref<200xi32, #tpu.memory_space<hbm>>
        tpu.wait_dma2 semaphore(%run_scoped3A : memref<!tpu.dma_semaphore, #tpu.memory_space<semaphore_mem>>) src(%dma_wait3A_111 : memref<200xi32, #tpu.memory_space<hbm>>) dst(%arg11 : memref<200xi32, #tpu.memory_space<vmem>>)
        tpu.yield
      }) : () -> ()
      "tpu.region"() ({
        %run_scoped3A = tpu.sem_alloc : memref<!tpu.dma_semaphore, #tpu.memory_space<semaphore_mem>>
        %dma_start3A_108 = tpu.memref_slice %arg7[%add3A_72] : memref<320000xi32, #tpu.memory_space<hbm>> -> memref<200xi32, #tpu.memory_space<hbm>>
        %dma_start3A_109 = tpu.memref_slice %arg7[%add3A_72] : memref<320000xi32, #tpu.memory_space<hbm>> -> memref<200xi32, #tpu.memory_space<hbm>>
        tpu.enqueue_dma source(%dma_start3A_109 : memref<200xi32, #tpu.memory_space<hbm>>) target(%arg12 : memref<200xi32, #tpu.memory_space<vmem>>) target_semaphore(%run_scoped3A : memref<!tpu.dma_semaphore, #tpu.memory_space<semaphore_mem>>)
        %dma_wait3A_110 = tpu.memref_slice %arg7[%add3A_72] : memref<320000xi32, #tpu.memory_space<hbm>> -> memref<200xi32, #tpu.memory_space<hbm>>
        %dma_wait3A_111 = tpu.memref_slice %arg7[%add3A_72] : memref<320000xi32, #tpu.memory_space<hbm>> -> memref<200xi32, #tpu.memory_space<hbm>>
        tpu.wait_dma2 semaphore(%run_scoped3A : memref<!tpu.dma_semaphore, #tpu.memory_space<semaphore_mem>>) src(%dma_wait3A_111 : memref<200xi32, #tpu.memory_space<hbm>>) dst(%arg12 : memref<200xi32, #tpu.memory_space<vmem>>)
        tpu.yield
      }) : () -> ()
      %dma_start3A = arith.constant 0 : i32
      %dma_start3A_73 = arith.constant 0 : i32
      %dma_start3A_74 = tpu.memref_slice %arg3[%dma_start3A, %dma_start3A_73] : memref<10000x64xf32, #tpu.memory_space<hbm>> -> memref<10000x64xf32, #tpu.memory_space<hbm>>
      tpu.enqueue_indirect_dma source(%dma_start3A_74 : memref<10000x64xf32, #tpu.memory_space<hbm>>) target(%arg13 : memref<200x64xf32, #tpu.memory_space<vmem>>) offsets(%arg10 : memref<200xi32, #tpu.memory_space<vmem>>) semaphore(%arg20 : memref<!tpu.dma_semaphore, #tpu.memory_space<semaphore_mem>>)
      %dma_start3A_75 = arith.constant 0 : i32
      %dma_start3A_76 = arith.constant 0 : i32
      %dma_start3A_77 = tpu.memref_slice %arg4[%dma_start3A_75, %dma_start3A_76] : memref<10000x64xf32, #tpu.memory_space<hbm>> -> memref<10000x64xf32, #tpu.memory_space<hbm>>
      tpu.enqueue_indirect_dma source(%dma_start3A_77 : memref<10000x64xf32, #tpu.memory_space<hbm>>) target(%arg14 : memref<200x64xf32, #tpu.memory_space<vmem>>) offsets(%arg11 : memref<200xi32, #tpu.memory_space<vmem>>) semaphore(%arg21 : memref<!tpu.dma_semaphore, #tpu.memory_space<semaphore_mem>>)
      %dma_start3A_78 = arith.constant 0 : i32
      %dma_start3A_79 = tpu.memref_slice %arg2[%add3A_72, %dma_start3A_78] : memref<320000x64xf32, #tpu.memory_space<hbm>> -> memref<200x64xf32, #tpu.memory_space<hbm>>
      %dma_start3A_80 = arith.constant 0 : i32
      %dma_start3A_81 = tpu.memref_slice %arg2[%add3A_72, %dma_start3A_80] : memref<320000x64xf32, #tpu.memory_space<hbm>> -> memref<200x64xf32, #tpu.memory_space<hbm>>
      tpu.enqueue_dma source(%dma_start3A_81 : memref<200x64xf32, #tpu.memory_space<hbm>>) target(%arg15 : memref<200x64xf32, #tpu.memory_space<vmem>>) target_semaphore(%arg22 : memref<!tpu.dma_semaphore, #tpu.memory_space<semaphore_mem>>)
      %dma_wait3A = arith.constant 0 : i32
      %dma_wait3A_82 = arith.constant 0 : i32
      %dma_wait3A_83 = tpu.memref_slice %arg3[%dma_wait3A, %dma_wait3A_82] : memref<10000x64xf32, #tpu.memory_space<hbm>> -> memref<10000x64xf32, #tpu.memory_space<hbm>>
      tpu.wait_indirect_dma semaphore(%arg20 : memref<!tpu.dma_semaphore, #tpu.memory_space<semaphore_mem>>) src(%dma_wait3A_83 : memref<10000x64xf32, #tpu.memory_space<hbm>>) dst(%arg13 : memref<200x64xf32, #tpu.memory_space<vmem>>)
      %dma_wait3A_84 = arith.constant 0 : i32
      %dma_wait3A_85 = arith.constant 0 : i32
      %dma_wait3A_86 = tpu.memref_slice %arg4[%dma_wait3A_84, %dma_wait3A_85] : memref<10000x64xf32, #tpu.memory_space<hbm>> -> memref<10000x64xf32, #tpu.memory_space<hbm>>
      tpu.wait_indirect_dma semaphore(%arg21 : memref<!tpu.dma_semaphore, #tpu.memory_space<semaphore_mem>>) src(%dma_wait3A_86 : memref<10000x64xf32, #tpu.memory_space<hbm>>) dst(%arg14 : memref<200x64xf32, #tpu.memory_space<vmem>>)
      %dma_wait3A_87 = arith.constant 0 : i32
      %dma_wait3A_88 = tpu.memref_slice %arg2[%add3A_72, %dma_wait3A_87] : memref<320000x64xf32, #tpu.memory_space<hbm>> -> memref<200x64xf32, #tpu.memory_space<hbm>>
      %dma_wait3A_89 = arith.constant 0 : i32
      %dma_wait3A_90 = tpu.memref_slice %arg2[%add3A_72, %dma_wait3A_89] : memref<320000x64xf32, #tpu.memory_space<hbm>> -> memref<200x64xf32, #tpu.memory_space<hbm>>
      tpu.wait_dma2 semaphore(%arg22 : memref<!tpu.dma_semaphore, #tpu.memory_space<semaphore_mem>>) src(%dma_wait3A_90 : memref<200x64xf32, #tpu.memory_space<hbm>>) dst(%arg15 : memref<200x64xf32, #tpu.memory_space<vmem>>)
      %scan3A_91 = arith.constant 0 : i32
      %scan3A_92 = arith.constant 200 : i32
      %scan3A_93 = arith.addi %scan3A_91, %scan3A_92 : i32
      %scan3A_94 = arith.constant 1 : i32
      scf.for %scan3A_108 = %scan3A_91 to %scan3A_93 step %scan3A_94  : i32 {
        %mul3A_109 = arith.constant 1 : i32
        %mul3A_110 = arith.muli %scan3A_108, %mul3A_109 : i32
        %add3A_111 = arith.constant 0 : i32
        %add3A_112 = arith.addi %add3A_111, %mul3A_110 : i32
        %get3A = arith.index_cast %add3A_112 : i32 to index
        %get3A_113 = arith.constant 0 : index
        %get3A_114 = tpu.vector_load %arg15[%get3A, %get3A_113] {strides = array<i32>} : memref<200x64xf32, #tpu.memory_space<vmem>>, vector<1x16xf32>,
        %get3A_115 = vector.shape_cast %get3A_114 : vector<1x16xf32> to vector<16xf32>
        %get3A_116 = arith.index_cast %add3A_112 : i32 to index
        %get3A_117 = arith.constant 0 : index
        %get3A_118 = tpu.vector_load %arg13[%get3A_116, %get3A_117] {strides = array<i32>} : memref<200x64xf32, #tpu.memory_space<vmem>>, vector<1x16xf32>,
        %get3A_119 = vector.shape_cast %get3A_118 : vector<1x16xf32> to vector<16xf32>
        %add3A_120 = arith.addf %get3A_115, %get3A_119 : vector<16xf32>
        %get3A_121 = arith.index_cast %add3A_112 : i32 to index
        %get3A_122 = arith.constant 0 : index
        %get3A_123 = tpu.vector_load %arg14[%get3A_121, %get3A_122] {strides = array<i32>} : memref<200x64xf32, #tpu.memory_space<vmem>>, vector<1x16xf32>,
        %get3A_124 = vector.shape_cast %get3A_123 : vector<1x16xf32> to vector<16xf32>
        %add3A_125 = arith.addf %add3A_120, %get3A_124 : vector<16xf32>
        %max3A = arith.constant 0.000000e+00 : f32
        %max3A_126 = vector.broadcast %max3A : f32 to vector<16xf32>
        %max3A_127 = arith.maximumf %add3A_125, %max3A_126 : vector<16xf32>
        %swap3A = arith.index_cast %add3A_112 : i32 to index
        %swap3A_128 = arith.constant 0 : index
        %swap3A_129 = tpu.vector_load %arg16[%swap3A, %swap3A_128] {strides = array<i32>} : memref<200x80xf32, #tpu.memory_space<vmem>>, vector<1x16xf32>,
        %swap3A_130 = vector.shape_cast %swap3A_129 : vector<1x16xf32> to vector<16xf32>
        %swap3A_131 = vector.shape_cast %max3A_127 : vector<16xf32> to vector<1x16xf32>
        tpu.vector_store %arg16[%swap3A, %swap3A_128], %swap3A_131 {strides = array<i32>} : memref<200x80xf32, #tpu.memory_space<vmem>>, vector<1x16xf32>,
        %get3A_132 = arith.index_cast %add3A_112 : i32 to index
        %get3A_133 = arith.constant 16 : index
        %get3A_134 = tpu.vector_load %arg15[%get3A_132, %get3A_133] {strides = array<i32>} : memref<200x64xf32, #tpu.memory_space<vmem>>, vector<1x16xf32>,
        %get3A_135 = vector.shape_cast %get3A_134 : vector<1x16xf32> to vector<16xf32>
        %get3A_136 = arith.index_cast %add3A_112 : i32 to index
        %get3A_137 = arith.constant 16 : index
        %get3A_138 = tpu.vector_load %arg13[%get3A_136, %get3A_137] {strides = array<i32>} : memref<200x64xf32, #tpu.memory_space<vmem>>, vector<1x16xf32>,
        %get3A_139 = vector.shape_cast %get3A_138 : vector<1x16xf32> to vector<16xf32>
        %add3A_140 = arith.addf %get3A_135, %get3A_139 : vector<16xf32>
        %get3A_141 = arith.index_cast %add3A_112 : i32 to index
        %get3A_142 = arith.constant 16 : index
        %get3A_143 = tpu.vector_load %arg14[%get3A_141, %get3A_142] {strides = array<i32>} : memref<200x64xf32, #tpu.memory_space<vmem>>, vector<1x16xf32>,
        %get3A_144 = vector.shape_cast %get3A_143 : vector<1x16xf32> to vector<16xf32>
        %add3A_145 = arith.addf %add3A_140, %get3A_144 : vector<16xf32>
        %max3A_146 = arith.constant 0.000000e+00 : f32
        %max3A_147 = vector.broadcast %max3A_146 : f32 to vector<16xf32>
        %max3A_148 = arith.maximumf %add3A_145, %max3A_147 : vector<16xf32>
        %swap3A_149 = arith.index_cast %add3A_112 : i32 to index
        %swap3A_150 = arith.constant 16 : index
        %swap3A_151 = tpu.vector_load %arg16[%swap3A_149, %swap3A_150] {strides = array<i32>} : memref<200x80xf32, #tpu.memory_space<vmem>>, vector<1x16xf32>,
        %swap3A_152 = vector.shape_cast %swap3A_151 : vector<1x16xf32> to vector<16xf32>
        %swap3A_153 = vector.shape_cast %max3A_148 : vector<16xf32> to vector<1x16xf32>
        tpu.vector_store %arg16[%swap3A_149, %swap3A_150], %swap3A_153 {strides = array<i32>} : memref<200x80xf32, #tpu.memory_space<vmem>>, vector<1x16xf32>,
        %get3A_154 = arith.index_cast %add3A_112 : i32 to index
        %get3A_155 = arith.constant 32 : index
        %get3A_156 = tpu.vector_load %arg15[%get3A_154, %get3A_155] {strides = array<i32>} : memref<200x64xf32, #tpu.memory_space<vmem>>, vector<1x16xf32>,
        %get3A_157 = vector.shape_cast %get3A_156 : vector<1x16xf32> to vector<16xf32>
        %get3A_158 = arith.index_cast %add3A_112 : i32 to index
        %get3A_159 = arith.constant 32 : index
        %get3A_160 = tpu.vector_load %arg13[%get3A_158, %get3A_159] {strides = array<i32>} : memref<200x64xf32, #tpu.memory_space<vmem>>, vector<1x16xf32>,
        %get3A_161 = vector.shape_cast %get3A_160 : vector<1x16xf32> to vector<16xf32>
        %add3A_162 = arith.addf %get3A_157, %get3A_161 : vector<16xf32>
        %get3A_163 = arith.index_cast %add3A_112 : i32 to index
        %get3A_164 = arith.constant 32 : index
        %get3A_165 = tpu.vector_load %arg14[%get3A_163, %get3A_164] {strides = array<i32>} : memref<200x64xf32, #tpu.memory_space<vmem>>, vector<1x16xf32>,
        %get3A_166 = vector.shape_cast %get3A_165 : vector<1x16xf32> to vector<16xf32>
        %add3A_167 = arith.addf %add3A_162, %get3A_166 : vector<16xf32>
        %max3A_168 = arith.constant 0.000000e+00 : f32
        %max3A_169 = vector.broadcast %max3A_168 : f32 to vector<16xf32>
        %max3A_170 = arith.maximumf %add3A_167, %max3A_169 : vector<16xf32>
        %swap3A_171 = arith.index_cast %add3A_112 : i32 to index
        %swap3A_172 = arith.constant 32 : index
        %swap3A_173 = tpu.vector_load %arg16[%swap3A_171, %swap3A_172] {strides = array<i32>} : memref<200x80xf32, #tpu.memory_space<vmem>>, vector<1x16xf32>,
        %swap3A_174 = vector.shape_cast %swap3A_173 : vector<1x16xf32> to vector<16xf32>
        %swap3A_175 = vector.shape_cast %max3A_170 : vector<16xf32> to vector<1x16xf32>
        tpu.vector_store %arg16[%swap3A_171, %swap3A_172], %swap3A_175 {strides = array<i32>} : memref<200x80xf32, #tpu.memory_space<vmem>>, vector<1x16xf32>,
        %get3A_176 = arith.index_cast %add3A_112 : i32 to index
        %get3A_177 = arith.constant 48 : index
        %get3A_178 = tpu.vector_load %arg15[%get3A_176, %get3A_177] {strides = array<i32>} : memref<200x64xf32, #tpu.memory_space<vmem>>, vector<1x16xf32>,
        %get3A_179 = vector.shape_cast %get3A_178 : vector<1x16xf32> to vector<16xf32>
        %get3A_180 = arith.index_cast %add3A_112 : i32 to index
        %get3A_181 = arith.constant 48 : index
        %get3A_182 = tpu.vector_load %arg13[%get3A_180, %get3A_181] {strides = array<i32>} : memref<200x64xf32, #tpu.memory_space<vmem>>, vector<1x16xf32>,
        %get3A_183 = vector.shape_cast %get3A_182 : vector<1x16xf32> to vector<16xf32>
        %add3A_184 = arith.addf %get3A_179, %get3A_183 : vector<16xf32>
        %get3A_185 = arith.index_cast %add3A_112 : i32 to index
        %get3A_186 = arith.constant 48 : index
        %get3A_187 = tpu.vector_load %arg14[%get3A_185, %get3A_186] {strides = array<i32>} : memref<200x64xf32, #tpu.memory_space<vmem>>, vector<1x16xf32>,
        %get3A_188 = vector.shape_cast %get3A_187 : vector<1x16xf32> to vector<16xf32>
        %add3A_189 = arith.addf %add3A_184, %get3A_188 : vector<16xf32>
        %max3A_190 = arith.constant 0.000000e+00 : f32
        %max3A_191 = vector.broadcast %max3A_190 : f32 to vector<16xf32>
        %max3A_192 = arith.maximumf %add3A_189, %max3A_191 : vector<16xf32>
        %swap3A_193 = arith.index_cast %add3A_112 : i32 to index
        %swap3A_194 = arith.constant 48 : index
        %swap3A_195 = tpu.vector_load %arg16[%swap3A_193, %swap3A_194] {strides = array<i32>} : memref<200x80xf32, #tpu.memory_space<vmem>>, vector<1x16xf32>,
        %swap3A_196 = vector.shape_cast %swap3A_195 : vector<1x16xf32> to vector<16xf32>
        %swap3A_197 = vector.shape_cast %max3A_192 : vector<16xf32> to vector<1x16xf32>
        tpu.vector_store %arg16[%swap3A_193, %swap3A_194], %swap3A_197 {strides = array<i32>} : memref<200x80xf32, #tpu.memory_space<vmem>>, vector<1x16xf32>,
      }
      %scan3A_95 = arith.constant 200 : i32
      %dma_start3A_96 = arith.constant 0 : i32
      %dma_start3A_97 = arith.constant 0 : i32
      %dma_start3A_98 = tpu.memref_slice %arg18[%dma_start3A_96, %dma_start3A_97] : memref<10000x80xf32, #tpu.memory_space<vmem_shared>> -> memref<10000x80xf32, #tpu.memory_space<vmem_shared>>
      tpu.enqueue_indirect_dma source(%arg16 : memref<200x80xf32, #tpu.memory_space<vmem>>) target(%dma_start3A_98 : memref<10000x80xf32, #tpu.memory_space<vmem_shared>>) offsets(%arg11 : memref<200xi32, #tpu.memory_space<vmem>>) semaphore(%arg24 : memref<!tpu.dma_semaphore, #tpu.memory_space<semaphore_mem>>) {add = true}
      %dma_start3A_99 = arith.constant 0 : i32
      %dma_start3A_100 = arith.constant 0 : i32
      %dma_start3A_101 = tpu.memref_slice %arg19[%dma_start3A_99, %dma_start3A_100] : memref<16x80xf32, #tpu.memory_space<vmem_shared>> -> memref<16x80xf32, #tpu.memory_space<vmem_shared>>
      tpu.enqueue_indirect_dma source(%arg16 : memref<200x80xf32, #tpu.memory_space<vmem>>) target(%dma_start3A_101 : memref<16x80xf32, #tpu.memory_space<vmem_shared>>) offsets(%arg12 : memref<200xi32, #tpu.memory_space<vmem>>) semaphore(%arg25 : memref<!tpu.dma_semaphore, #tpu.memory_space<semaphore_mem>>) {add = true}
      %dma_wait3A_102 = arith.constant 0 : i32
      %dma_wait3A_103 = arith.constant 0 : i32
      %dma_wait3A_104 = tpu.memref_slice %arg18[%dma_wait3A_102, %dma_wait3A_103] : memref<10000x80xf32, #tpu.memory_space<vmem_shared>> -> memref<10000x80xf32, #tpu.memory_space<vmem_shared>>
      tpu.wait_indirect_dma semaphore(%arg24 : memref<!tpu.dma_semaphore, #tpu.memory_space<semaphore_mem>>) src(%arg16 : memref<200x80xf32, #tpu.memory_space<vmem>>) dst(%dma_wait3A_104 : memref<10000x80xf32, #tpu.memory_space<vmem_shared>>)
      %dma_wait3A_105 = arith.constant 0 : i32
      %dma_wait3A_106 = arith.constant 0 : i32
      %dma_wait3A_107 = tpu.memref_slice %arg19[%dma_wait3A_105, %dma_wait3A_106] : memref<16x80xf32, #tpu.memory_space<vmem_shared>> -> memref<16x80xf32, #tpu.memory_space<vmem_shared>>
      tpu.wait_indirect_dma semaphore(%arg25 : memref<!tpu.dma_semaphore, #tpu.memory_space<semaphore_mem>>) src(%arg16 : memref<200x80xf32, #tpu.memory_space<vmem>>) dst(%dma_wait3A_107 : memref<16x80xf32, #tpu.memory_space<vmem_shared>>)
    }
    %scan3A_38 = arith.constant 50 : i32
    %barrier3A_39 = arith.constant 0 : index
    tpu.barrier barrier_id(%barrier3A_39)
    %sub3A_40 = arith.constant 50 : i32
    %sub3A_41 = arith.subi %sub3A_40, %arg1 : i32
    %sub3A_42 = arith.constant 16 : i32
    %sub3A_43 = arith.constant 1 : i32
    %sub3A_44 = arith.subi %sub3A_42, %sub3A_43 : i32
    %add3A_45 = arith.addi %sub3A_41, %sub3A_44 : i32
    %div3A_46 = arith.constant 16 : i32
    %div3A_47 = arith.divsi %add3A_45, %div3A_46 : i32
    %while3A_48 = arith.constant 16 : i32
    %while3A_49 = arith.constant 0 : i32
    %while3A_50 = arith.subi %div3A_47, %while3A_49 : i32
    %while3A_51 = arith.addi %while3A_49, %while3A_50 : i32
    %while3A_52 = arith.constant 1 : i32
    %while3A_53 = arith.divsi %while3A_50, %while3A_52 : i32
    %while3A_54 = arith.muli %while3A_53, %while3A_52 : i32
    %while3A_55 = arith.addi %while3A_49, %while3A_54 : i32
    %while3A_56 = arith.constant 1 : i32
    scf.for %while3A_63 = %while3A_49 to %while3A_55 step %while3A_56  : i32 {
      %mul3A_64 = arith.muli %while3A_63, %while3A_48 : i32
      %add3A_65 = arith.addi %arg1, %mul3A_64 : i32
      %mul3A_66 = arith.constant 200 : i32
      %mul3A_67 = arith.muli %add3A_65, %mul3A_66 : i32
      %mul3A_68 = arith.constant 200 : i32
      %mul3A_69 = arith.muli %add3A_65, %mul3A_68 : i32
      "tpu.region"() ({
        %run_scoped3A = tpu.sem_alloc : memref<!tpu.dma_semaphore, #tpu.memory_space<semaphore_mem>>
        %dma_start3A = arith.constant 0 : i32
        %dma_start3A_70 = arith.constant 0 : i32
        %dma_start3A_71 = tpu.memref_slice %arg8[%arg0, %dma_start3A, %dma_start3A_70] : memref<2x10000x80xf32, #tpu.memory_space<hbm>> -> memref<1x10000x80xf32, #tpu.memory_space<hbm>>
        %dma_start3A_72 = tpu.memref_squeeze %dma_start3A_71 : memref<1x10000x80xf32, #tpu.memory_space<hbm>> -> memref<10000x80xf32, #tpu.memory_space<hbm>>
        %dma_start3A_73 = arith.constant 0 : i32
        %dma_start3A_74 = tpu.memref_slice %dma_start3A_72[%mul3A_69, %dma_start3A_73] : memref<10000x80xf32, #tpu.memory_space<hbm>> -> memref<200x80xf32, #tpu.memory_space<hbm>>
        %dma_start3A_75 = arith.constant 0 : i32
        %dma_start3A_76 = tpu.memref_slice %arg18[%mul3A_67, %dma_start3A_75] : memref<10000x80xf32, #tpu.memory_space<vmem_shared>> -> memref<200x80xf32, #tpu.memory_space<vmem_shared>>
        tpu.enqueue_dma source(%dma_start3A_76 : memref<200x80xf32, #tpu.memory_space<vmem_shared>>) target(%dma_start3A_74 : memref<200x80xf32, #tpu.memory_space<hbm>>) target_semaphore(%run_scoped3A : memref<!tpu.dma_semaphore, #tpu.memory_space<semaphore_mem>>)
        %dma_wait3A = arith.constant 0 : i32
        %dma_wait3A_77 = arith.constant 0 : i32
        %dma_wait3A_78 = tpu.memref_slice %arg8[%arg0, %dma_wait3A, %dma_wait3A_77] : memref<2x10000x80xf32, #tpu.memory_space<hbm>> -> memref<1x10000x80xf32, #tpu.memory_space<hbm>>
        %dma_wait3A_79 = tpu.memref_squeeze %dma_wait3A_78 : memref<1x10000x80xf32, #tpu.memory_space<hbm>> -> memref<10000x80xf32, #tpu.memory_space<hbm>>
        %dma_wait3A_80 = arith.constant 0 : i32
        %dma_wait3A_81 = tpu.memref_slice %dma_wait3A_79[%mul3A_69, %dma_wait3A_80] : memref<10000x80xf32, #tpu.memory_space<hbm>> -> memref<200x80xf32, #tpu.memory_space<hbm>>
        %dma_wait3A_82 = arith.constant 0 : i32
        %dma_wait3A_83 = tpu.memref_slice %arg18[%mul3A_67, %dma_wait3A_82] : memref<10000x80xf32, #tpu.memory_space<vmem_shared>> -> memref<200x80xf32, #tpu.memory_space<vmem_shared>>
        tpu.wait_dma2 semaphore(%run_scoped3A : memref<!tpu.dma_semaphore, #tpu.memory_space<semaphore_mem>>) src(%dma_wait3A_83 : memref<200x80xf32, #tpu.memory_space<vmem_shared>>) dst(%dma_wait3A_81 : memref<200x80xf32, #tpu.memory_space<hbm>>)
        tpu.yield
      }) : () -> ()
    }
    %while3A_57 = arith.constant 1 : i32
    scf.for %while3A_63 = %while3A_55 to %while3A_51 step %while3A_57  : i32 {
      %mul3A_64 = arith.muli %while3A_63, %while3A_48 : i32
      %add3A_65 = arith.addi %arg1, %mul3A_64 : i32
      %mul3A_66 = arith.constant 200 : i32
      %mul3A_67 = arith.muli %add3A_65, %mul3A_66 : i32
      %mul3A_68 = arith.constant 200 : i32
      %mul3A_69 = arith.muli %add3A_65, %mul3A_68 : i32
      "tpu.region"() ({
        %run_scoped3A = tpu.sem_alloc : memref<!tpu.dma_semaphore, #tpu.memory_space<semaphore_mem>>
        %dma_start3A = arith.constant 0 : i32
        %dma_start3A_70 = arith.constant 0 : i32
        %dma_start3A_71 = tpu.memref_slice %arg8[%arg0, %dma_start3A, %dma_start3A_70] : memref<2x10000x80xf32, #tpu.memory_space<hbm>> -> memref<1x10000x80xf32, #tpu.memory_space<hbm>>
        %dma_start3A_72 = tpu.memref_squeeze %dma_start3A_71 : memref<1x10000x80xf32, #tpu.memory_space<hbm>> -> memref<10000x80xf32, #tpu.memory_space<hbm>>
        %dma_start3A_73 = arith.constant 0 : i32
        %dma_start3A_74 = tpu.memref_slice %dma_start3A_72[%mul3A_69, %dma_start3A_73] : memref<10000x80xf32, #tpu.memory_space<hbm>> -> memref<200x80xf32, #tpu.memory_space<hbm>>
        %dma_start3A_75 = arith.constant 0 : i32
        %dma_start3A_76 = tpu.memref_slice %arg18[%mul3A_67, %dma_start3A_75] : memref<10000x80xf32, #tpu.memory_space<vmem_shared>> -> memref<200x80xf32, #tpu.memory_space<vmem_shared>>
        tpu.enqueue_dma source(%dma_start3A_76 : memref<200x80xf32, #tpu.memory_space<vmem_shared>>) target(%dma_start3A_74 : memref<200x80xf32, #tpu.memory_space<hbm>>) target_semaphore(%run_scoped3A : memref<!tpu.dma_semaphore, #tpu.memory_space<semaphore_mem>>)
        %dma_wait3A = arith.constant 0 : i32
        %dma_wait3A_77 = arith.constant 0 : i32
        %dma_wait3A_78 = tpu.memref_slice %arg8[%arg0, %dma_wait3A, %dma_wait3A_77] : memref<2x10000x80xf32, #tpu.memory_space<hbm>> -> memref<1x10000x80xf32, #tpu.memory_space<hbm>>
        %dma_wait3A_79 = tpu.memref_squeeze %dma_wait3A_78 : memref<1x10000x80xf32, #tpu.memory_space<hbm>> -> memref<10000x80xf32, #tpu.memory_space<hbm>>
        %dma_wait3A_80 = arith.constant 0 : i32
        %dma_wait3A_81 = tpu.memref_slice %dma_wait3A_79[%mul3A_69, %dma_wait3A_80] : memref<10000x80xf32, #tpu.memory_space<hbm>> -> memref<200x80xf32, #tpu.memory_space<hbm>>
        %dma_wait3A_82 = arith.constant 0 : i32
        %dma_wait3A_83 = tpu.memref_slice %arg18[%mul3A_67, %dma_wait3A_82] : memref<10000x80xf32, #tpu.memory_space<vmem_shared>> -> memref<200x80xf32, #tpu.memory_space<vmem_shared>>
        tpu.wait_dma2 semaphore(%run_scoped3A : memref<!tpu.dma_semaphore, #tpu.memory_space<semaphore_mem>>) src(%dma_wait3A_83 : memref<200x80xf32, #tpu.memory_space<vmem_shared>>) dst(%dma_wait3A_81 : memref<200x80xf32, #tpu.memory_space<hbm>>)
        tpu.yield
      }) : () -> ()
    }
    %eq3A_58 = arith.constant 0 : i32
    %eq3A_59 = arith.cmpi eq, %arg1, %eq3A_58 : i32
    %convert_element_type3A_60 = arith.extui %eq3A_59 : i1 to i32
    %cond3A_61 = arith.constant 0 : i32
    %cond3A_62 = arith.cmpi ne, %convert_element_type3A_60, %cond3A_61 : i32
    scf.if %cond3A_62 {
      "tpu.region"() ({
        %run_scoped3A = tpu.sem_alloc : memref<!tpu.dma_semaphore, #tpu.memory_space<semaphore_mem>>
        %dma_start3A = arith.constant 0 : i32
        %dma_start3A_63 = arith.constant 0 : i32
        %dma_start3A_64 = tpu.memref_slice %arg9[%arg0, %dma_start3A, %dma_start3A_63] : memref<2x16x80xf32, #tpu.memory_space<hbm>> -> memref<1x16x80xf32, #tpu.memory_space<hbm>>
        %dma_start3A_65 = tpu.memref_squeeze %dma_start3A_64 : memref<1x16x80xf32, #tpu.memory_space<hbm>> -> memref<16x80xf32, #tpu.memory_space<hbm>>
        tpu.enqueue_dma source(%arg19 : memref<16x80xf32, #tpu.memory_space<vmem_shared>>) target(%dma_start3A_65 : memref<16x80xf32, #tpu.memory_space<hbm>>) target_semaphore(%run_scoped3A : memref<!tpu.dma_semaphore, #tpu.memory_space<semaphore_mem>>)
        %dma_wait3A = arith.constant 0 : i32
        %dma_wait3A_66 = arith.constant 0 : i32
        %dma_wait3A_67 = tpu.memref_slice %arg9[%arg0, %dma_wait3A, %dma_wait3A_66] : memref<2x16x80xf32, #tpu.memory_space<hbm>> -> memref<1x16x80xf32, #tpu.memory_space<hbm>>
        %dma_wait3A_68 = tpu.memref_squeeze %dma_wait3A_67 : memref<1x16x80xf32, #tpu.memory_space<hbm>> -> memref<16x80xf32, #tpu.memory_space<hbm>>
        tpu.wait_dma2 semaphore(%run_scoped3A : memref<!tpu.dma_semaphore, #tpu.memory_space<semaphore_mem>>) src(%arg19 : memref<16x80xf32, #tpu.memory_space<vmem_shared>>) dst(%dma_wait3A_68 : memref<16x80xf32, #tpu.memory_space<hbm>>)
        tpu.yield
      }) : () -> ()
    } else {
    }
    return
  }
}

#map = affine_map<(d0, d1) -> (0)>
module attributes {stable_mosaic.version = 14 : i64} {
  func.func @_eg_body(%arg0: i32, %arg1: i32, %arg2: memref<320000xi32, #tpu.memory_space<hbm>>, %arg3: memref<16xi32, #tpu.memory_space<hbm>>, %arg4: memref<320000xi32, #tpu.memory_space<hbm>>, %arg5: memref<10000xi32, #tpu.memory_space<vmem>>, %arg6: memref<16xi32, #tpu.memory_space<vmem>>, %arg7: memref<10000xi32, #tpu.memory_space<vmem>>) attributes {dimension_semantics = [#tpu.dimension_semantics<core_parallel>, #tpu.dimension_semantics<subcore_parallel>], iteration_bounds = array<i64: 2, 16>, scalar_prefetch = 0 : i64, scratch_operands = 3 : i64, tpu.core_type = #tpu.core_type<sc_vector_subcore>, window_params = [{transform_indices = #map}, {transform_indices = #map}, {transform_indices = #map}]} {
    %mul3A = arith.constant 16 : i32
    %mul3A_0 = arith.muli %arg0, %mul3A : i32
    %add3A = arith.addi %mul3A_0, %arg1 : i32
    %mul3A_1 = arith.constant 10000 : i32
    %mul3A_2 = arith.muli %add3A, %mul3A_1 : i32
    "tpu.region"() ({
      %run_scoped3A = tpu.sem_alloc : memref<!tpu.dma_semaphore, #tpu.memory_space<semaphore_mem>>
      %dma_start3A = tpu.memref_slice %arg2[%mul3A_2] : memref<320000xi32, #tpu.memory_space<hbm>> -> memref<10000xi32, #tpu.memory_space<hbm>>
      %dma_start3A_39 = tpu.memref_slice %arg2[%mul3A_2] : memref<320000xi32, #tpu.memory_space<hbm>> -> memref<10000xi32, #tpu.memory_space<hbm>>
      tpu.enqueue_dma source(%dma_start3A_39 : memref<10000xi32, #tpu.memory_space<hbm>>) target(%arg5 : memref<10000xi32, #tpu.memory_space<vmem>>) target_semaphore(%run_scoped3A : memref<!tpu.dma_semaphore, #tpu.memory_space<semaphore_mem>>)
      %dma_wait3A = tpu.memref_slice %arg2[%mul3A_2] : memref<320000xi32, #tpu.memory_space<hbm>> -> memref<10000xi32, #tpu.memory_space<hbm>>
      %dma_wait3A_40 = tpu.memref_slice %arg2[%mul3A_2] : memref<320000xi32, #tpu.memory_space<hbm>> -> memref<10000xi32, #tpu.memory_space<hbm>>
      tpu.wait_dma2 semaphore(%run_scoped3A : memref<!tpu.dma_semaphore, #tpu.memory_space<semaphore_mem>>) src(%dma_wait3A_40 : memref<10000xi32, #tpu.memory_space<hbm>>) dst(%arg5 : memref<10000xi32, #tpu.memory_space<vmem>>)
      tpu.yield
    }) : () -> ()
    "tpu.region"() ({
      %run_scoped3A = tpu.sem_alloc : memref<!tpu.dma_semaphore, #tpu.memory_space<semaphore_mem>>
      tpu.enqueue_dma source(%arg3 : memref<16xi32, #tpu.memory_space<hbm>>) target(%arg6 : memref<16xi32, #tpu.memory_space<vmem>>) target_semaphore(%run_scoped3A : memref<!tpu.dma_semaphore, #tpu.memory_space<semaphore_mem>>)
      tpu.wait_dma2 semaphore(%run_scoped3A : memref<!tpu.dma_semaphore, #tpu.memory_space<semaphore_mem>>) src(%arg3 : memref<16xi32, #tpu.memory_space<hbm>>) dst(%arg6 : memref<16xi32, #tpu.memory_space<vmem>>)
      tpu.yield
    }) : () -> ()
    %get3A = arith.constant 0 : index
    %get3A_3 = tpu.vector_load %arg6[%get3A] {strides = array<i32>} : memref<16xi32, #tpu.memory_space<vmem>>, vector<16xi32>,
    %get3A_4 = vector.shape_cast %get3A_3 : vector<16xi32> to vector<16xi32>
    %slice3A = vector.extract_strided_slice %get3A_4 {offsets = [0], sizes = [1], strides = [1]} : vector<16xi32> to vector<1xi32>
    %squeeze3A = vector.extract %slice3A[0] : i32 from vector<1xi32>
    %slice3A_5 = vector.extract_strided_slice %get3A_4 {offsets = [1], sizes = [1], strides = [1]} : vector<16xi32> to vector<1xi32>
    %squeeze3A_6 = vector.extract %slice3A_5[0] : i32 from vector<1xi32>
    %slice3A_7 = vector.extract_strided_slice %get3A_4 {offsets = [2], sizes = [1], strides = [1]} : vector<16xi32> to vector<1xi32>
    %squeeze3A_8 = vector.extract %slice3A_7[0] : i32 from vector<1xi32>
    %slice3A_9 = vector.extract_strided_slice %get3A_4 {offsets = [3], sizes = [1], strides = [1]} : vector<16xi32> to vector<1xi32>
    %squeeze3A_10 = vector.extract %slice3A_9[0] : i32 from vector<1xi32>
    %slice3A_11 = vector.extract_strided_slice %get3A_4 {offsets = [4], sizes = [1], strides = [1]} : vector<16xi32> to vector<1xi32>
    %squeeze3A_12 = vector.extract %slice3A_11[0] : i32 from vector<1xi32>
    %slice3A_13 = vector.extract_strided_slice %get3A_4 {offsets = [5], sizes = [1], strides = [1]} : vector<16xi32> to vector<1xi32>
    %squeeze3A_14 = vector.extract %slice3A_13[0] : i32 from vector<1xi32>
    %slice3A_15 = vector.extract_strided_slice %get3A_4 {offsets = [6], sizes = [1], strides = [1]} : vector<16xi32> to vector<1xi32>
    %squeeze3A_16 = vector.extract %slice3A_15[0] : i32 from vector<1xi32>
    %slice3A_17 = vector.extract_strided_slice %get3A_4 {offsets = [7], sizes = [1], strides = [1]} : vector<16xi32> to vector<1xi32>
    %squeeze3A_18 = vector.extract %slice3A_17[0] : i32 from vector<1xi32>
    %slice3A_19 = vector.extract_strided_slice %get3A_4 {offsets = [8], sizes = [1], strides = [1]} : vector<16xi32> to vector<1xi32>
    %squeeze3A_20 = vector.extract %slice3A_19[0] : i32 from vector<1xi32>
    %slice3A_21 = vector.extract_strided_slice %get3A_4 {offsets = [9], sizes = [1], strides = [1]} : vector<16xi32> to vector<1xi32>
    %squeeze3A_22 = vector.extract %slice3A_21[0] : i32 from vector<1xi32>
    %slice3A_23 = vector.extract_strided_slice %get3A_4 {offsets = [10], sizes = [1], strides = [1]} : vector<16xi32> to vector<1xi32>
    %squeeze3A_24 = vector.extract %slice3A_23[0] : i32 from vector<1xi32>
    %slice3A_25 = vector.extract_strided_slice %get3A_4 {offsets = [11], sizes = [1], strides = [1]} : vector<16xi32> to vector<1xi32>
    %squeeze3A_26 = vector.extract %slice3A_25[0] : i32 from vector<1xi32>
    %slice3A_27 = vector.extract_strided_slice %get3A_4 {offsets = [12], sizes = [1], strides = [1]} : vector<16xi32> to vector<1xi32>
    %squeeze3A_28 = vector.extract %slice3A_27[0] : i32 from vector<1xi32>
    %slice3A_29 = vector.extract_strided_slice %get3A_4 {offsets = [13], sizes = [1], strides = [1]} : vector<16xi32> to vector<1xi32>
    %squeeze3A_30 = vector.extract %slice3A_29[0] : i32 from vector<1xi32>
    %slice3A_31 = vector.extract_strided_slice %get3A_4 {offsets = [14], sizes = [1], strides = [1]} : vector<16xi32> to vector<1xi32>
    %squeeze3A_32 = vector.extract %slice3A_31[0] : i32 from vector<1xi32>
    %slice3A_33 = vector.extract_strided_slice %get3A_4 {offsets = [15], sizes = [1], strides = [1]} : vector<16xi32> to vector<1xi32>
    %squeeze3A_34 = vector.extract %slice3A_33[0] : i32 from vector<1xi32>
    %scan3A = arith.constant 0 : i32
    %scan3A_35 = arith.constant 625 : i32
    %scan3A_36 = arith.addi %scan3A, %scan3A_35 : i32
    %scan3A_37 = arith.constant 1 : i32
    scf.for %scan3A_39 = %scan3A to %scan3A_36 step %scan3A_37  : i32 {
      %mul3A_40 = arith.constant 1 : i32
      %mul3A_41 = arith.muli %scan3A_39, %mul3A_40 : i32
      %add3A_42 = arith.constant 0 : i32
      %add3A_43 = arith.addi %add3A_42, %mul3A_41 : i32
      %mul3A_44 = arith.constant 16 : i32
      %mul3A_45 = arith.muli %add3A_43, %mul3A_44 : i32
      %get3A_46 = arith.index_cast %mul3A_45 : i32 to index
      %get3A_47 = tpu.vector_load %arg5[%get3A_46] {strides = array<i32>} : memref<10000xi32, #tpu.memory_space<vmem>>, vector<16xi32>,
      %get3A_48 = vector.shape_cast %get3A_47 : vector<16xi32> to vector<16xi32>
      %broadcast_in_dim3A = arith.constant 0 : i32
      %broadcast_in_dim3A_49 = vector.broadcast %broadcast_in_dim3A : i32 to vector<16xi32>
      %ge3A = vector.broadcast %squeeze3A : i32 to vector<16xi32>
      %ge3A_50 = arith.cmpi sge, %get3A_48, %ge3A : vector<16xi32>
      %jit3A = arith.constant 1 : i32
      %jit3A_51 = arith.constant 0 : i32
      %broadcast_in_dim3A_52 = vector.broadcast %jit3A : i32 to vector<16xi32>
      %broadcast_in_dim3A_53 = vector.broadcast %jit3A_51 : i32 to vector<16xi32>
      %select_n3A = arith.select %ge3A_50, %broadcast_in_dim3A_52, %broadcast_in_dim3A_53 : vector<16xi1>, vector<16xi32>
      %add3A_54 = arith.addi %broadcast_in_dim3A_49, %select_n3A : vector<16xi32>
      %ge3A_55 = vector.broadcast %squeeze3A_6 : i32 to vector<16xi32>
      %ge3A_56 = arith.cmpi sge, %get3A_48, %ge3A_55 : vector<16xi32>
      %jit3A_57 = arith.constant 1 : i32
      %jit3A_58 = arith.constant 0 : i32
      %broadcast_in_dim3A_59 = vector.broadcast %jit3A_57 : i32 to vector<16xi32>
      %broadcast_in_dim3A_60 = vector.broadcast %jit3A_58 : i32 to vector<16xi32>
      %select_n3A_61 = arith.select %ge3A_56, %broadcast_in_dim3A_59, %broadcast_in_dim3A_60 : vector<16xi1>, vector<16xi32>
      %add3A_62 = arith.addi %add3A_54, %select_n3A_61 : vector<16xi32>
      %ge3A_63 = vector.broadcast %squeeze3A_8 : i32 to vector<16xi32>
      %ge3A_64 = arith.cmpi sge, %get3A_48, %ge3A_63 : vector<16xi32>
      %jit3A_65 = arith.constant 1 : i32
      %jit3A_66 = arith.constant 0 : i32
      %broadcast_in_dim3A_67 = vector.broadcast %jit3A_65 : i32 to vector<16xi32>
      %broadcast_in_dim3A_68 = vector.broadcast %jit3A_66 : i32 to vector<16xi32>
      %select_n3A_69 = arith.select %ge3A_64, %broadcast_in_dim3A_67, %broadcast_in_dim3A_68 : vector<16xi1>, vector<16xi32>
      %add3A_70 = arith.addi %add3A_62, %select_n3A_69 : vector<16xi32>
      %ge3A_71 = vector.broadcast %squeeze3A_10 : i32 to vector<16xi32>
      %ge3A_72 = arith.cmpi sge, %get3A_48, %ge3A_71 : vector<16xi32>
      %jit3A_73 = arith.constant 1 : i32
      %jit3A_74 = arith.constant 0 : i32
      %broadcast_in_dim3A_75 = vector.broadcast %jit3A_73 : i32 to vector<16xi32>
      %broadcast_in_dim3A_76 = vector.broadcast %jit3A_74 : i32 to vector<16xi32>
      %select_n3A_77 = arith.select %ge3A_72, %broadcast_in_dim3A_75, %broadcast_in_dim3A_76 : vector<16xi1>, vector<16xi32>
      %add3A_78 = arith.addi %add3A_70, %select_n3A_77 : vector<16xi32>
      %ge3A_79 = vector.broadcast %squeeze3A_12 : i32 to vector<16xi32>
      %ge3A_80 = arith.cmpi sge, %get3A_48, %ge3A_79 : vector<16xi32>
      %jit3A_81 = arith.constant 1 : i32
      %jit3A_82 = arith.constant 0 : i32
      %broadcast_in_dim3A_83 = vector.broadcast %jit3A_81 : i32 to vector<16xi32>
      %broadcast_in_dim3A_84 = vector.broadcast %jit3A_82 : i32 to vector<16xi32>
      %select_n3A_85 = arith.select %ge3A_80, %broadcast_in_dim3A_83, %broadcast_in_dim3A_84 : vector<16xi1>, vector<16xi32>
      %add3A_86 = arith.addi %add3A_78, %select_n3A_85 : vector<16xi32>
      %ge3A_87 = vector.broadcast %squeeze3A_14 : i32 to vector<16xi32>
      %ge3A_88 = arith.cmpi sge, %get3A_48, %ge3A_87 : vector<16xi32>
      %jit3A_89 = arith.constant 1 : i32
      %jit3A_90 = arith.constant 0 : i32
      %broadcast_in_dim3A_91 = vector.broadcast %jit3A_89 : i32 to vector<16xi32>
      %broadcast_in_dim3A_92 = vector.broadcast %jit3A_90 : i32 to vector<16xi32>
      %select_n3A_93 = arith.select %ge3A_88, %broadcast_in_dim3A_91, %broadcast_in_dim3A_92 : vector<16xi1>, vector<16xi32>
      %add3A_94 = arith.addi %add3A_86, %select_n3A_93 : vector<16xi32>
      %ge3A_95 = vector.broadcast %squeeze3A_16 : i32 to vector<16xi32>
      %ge3A_96 = arith.cmpi sge, %get3A_48, %ge3A_95 : vector<16xi32>
      %jit3A_97 = arith.constant 1 : i32
      %jit3A_98 = arith.constant 0 : i32
      %broadcast_in_dim3A_99 = vector.broadcast %jit3A_97 : i32 to vector<16xi32>
      %broadcast_in_dim3A_100 = vector.broadcast %jit3A_98 : i32 to vector<16xi32>
      %select_n3A_101 = arith.select %ge3A_96, %broadcast_in_dim3A_99, %broadcast_in_dim3A_100 : vector<16xi1>, vector<16xi32>
      %add3A_102 = arith.addi %add3A_94, %select_n3A_101 : vector<16xi32>
      %ge3A_103 = vector.broadcast %squeeze3A_18 : i32 to vector<16xi32>
      %ge3A_104 = arith.cmpi sge, %get3A_48, %ge3A_103 : vector<16xi32>
      %jit3A_105 = arith.constant 1 : i32
      %jit3A_106 = arith.constant 0 : i32
      %broadcast_in_dim3A_107 = vector.broadcast %jit3A_105 : i32 to vector<16xi32>
      %broadcast_in_dim3A_108 = vector.broadcast %jit3A_106 : i32 to vector<16xi32>
      %select_n3A_109 = arith.select %ge3A_104, %broadcast_in_dim3A_107, %broadcast_in_dim3A_108 : vector<16xi1>, vector<16xi32>
      %add3A_110 = arith.addi %add3A_102, %select_n3A_109 : vector<16xi32>
      %ge3A_111 = vector.broadcast %squeeze3A_20 : i32 to vector<16xi32>
      %ge3A_112 = arith.cmpi sge, %get3A_48, %ge3A_111 : vector<16xi32>
      %jit3A_113 = arith.constant 1 : i32
      %jit3A_114 = arith.constant 0 : i32
      %broadcast_in_dim3A_115 = vector.broadcast %jit3A_113 : i32 to vector<16xi32>
      %broadcast_in_dim3A_116 = vector.broadcast %jit3A_114 : i32 to vector<16xi32>
      %select_n3A_117 = arith.select %ge3A_112, %broadcast_in_dim3A_115, %broadcast_in_dim3A_116 : vector<16xi1>, vector<16xi32>
      %add3A_118 = arith.addi %add3A_110, %select_n3A_117 : vector<16xi32>
      %ge3A_119 = vector.broadcast %squeeze3A_22 : i32 to vector<16xi32>
      %ge3A_120 = arith.cmpi sge, %get3A_48, %ge3A_119 : vector<16xi32>
      %jit3A_121 = arith.constant 1 : i32
      %jit3A_122 = arith.constant 0 : i32
      %broadcast_in_dim3A_123 = vector.broadcast %jit3A_121 : i32 to vector<16xi32>
      %broadcast_in_dim3A_124 = vector.broadcast %jit3A_122 : i32 to vector<16xi32>
      %select_n3A_125 = arith.select %ge3A_120, %broadcast_in_dim3A_123, %broadcast_in_dim3A_124 : vector<16xi1>, vector<16xi32>
      %add3A_126 = arith.addi %add3A_118, %select_n3A_125 : vector<16xi32>
      %ge3A_127 = vector.broadcast %squeeze3A_24 : i32 to vector<16xi32>
      %ge3A_128 = arith.cmpi sge, %get3A_48, %ge3A_127 : vector<16xi32>
      %jit3A_129 = arith.constant 1 : i32
      %jit3A_130 = arith.constant 0 : i32
      %broadcast_in_dim3A_131 = vector.broadcast %jit3A_129 : i32 to vector<16xi32>
      %broadcast_in_dim3A_132 = vector.broadcast %jit3A_130 : i32 to vector<16xi32>
      %select_n3A_133 = arith.select %ge3A_128, %broadcast_in_dim3A_131, %broadcast_in_dim3A_132 : vector<16xi1>, vector<16xi32>
      %add3A_134 = arith.addi %add3A_126, %select_n3A_133 : vector<16xi32>
      %ge3A_135 = vector.broadcast %squeeze3A_26 : i32 to vector<16xi32>
      %ge3A_136 = arith.cmpi sge, %get3A_48, %ge3A_135 : vector<16xi32>
      %jit3A_137 = arith.constant 1 : i32
      %jit3A_138 = arith.constant 0 : i32
      %broadcast_in_dim3A_139 = vector.broadcast %jit3A_137 : i32 to vector<16xi32>
      %broadcast_in_dim3A_140 = vector.broadcast %jit3A_138 : i32 to vector<16xi32>
      %select_n3A_141 = arith.select %ge3A_136, %broadcast_in_dim3A_139, %broadcast_in_dim3A_140 : vector<16xi1>, vector<16xi32>
      %add3A_142 = arith.addi %add3A_134, %select_n3A_141 : vector<16xi32>
      %ge3A_143 = vector.broadcast %squeeze3A_28 : i32 to vector<16xi32>
      %ge3A_144 = arith.cmpi sge, %get3A_48, %ge3A_143 : vector<16xi32>
      %jit3A_145 = arith.constant 1 : i32
      %jit3A_146 = arith.constant 0 : i32
      %broadcast_in_dim3A_147 = vector.broadcast %jit3A_145 : i32 to vector<16xi32>
      %broadcast_in_dim3A_148 = vector.broadcast %jit3A_146 : i32 to vector<16xi32>
      %select_n3A_149 = arith.select %ge3A_144, %broadcast_in_dim3A_147, %broadcast_in_dim3A_148 : vector<16xi1>, vector<16xi32>
      %add3A_150 = arith.addi %add3A_142, %select_n3A_149 : vector<16xi32>
      %ge3A_151 = vector.broadcast %squeeze3A_30 : i32 to vector<16xi32>
      %ge3A_152 = arith.cmpi sge, %get3A_48, %ge3A_151 : vector<16xi32>
      %jit3A_153 = arith.constant 1 : i32
      %jit3A_154 = arith.constant 0 : i32
      %broadcast_in_dim3A_155 = vector.broadcast %jit3A_153 : i32 to vector<16xi32>
      %broadcast_in_dim3A_156 = vector.broadcast %jit3A_154 : i32 to vector<16xi32>
      %select_n3A_157 = arith.select %ge3A_152, %broadcast_in_dim3A_155, %broadcast_in_dim3A_156 : vector<16xi1>, vector<16xi32>
      %add3A_158 = arith.addi %add3A_150, %select_n3A_157 : vector<16xi32>
      %ge3A_159 = vector.broadcast %squeeze3A_32 : i32 to vector<16xi32>
      %ge3A_160 = arith.cmpi sge, %get3A_48, %ge3A_159 : vector<16xi32>
      %jit3A_161 = arith.constant 1 : i32
      %jit3A_162 = arith.constant 0 : i32
      %broadcast_in_dim3A_163 = vector.broadcast %jit3A_161 : i32 to vector<16xi32>
      %broadcast_in_dim3A_164 = vector.broadcast %jit3A_162 : i32 to vector<16xi32>
      %select_n3A_165 = arith.select %ge3A_160, %broadcast_in_dim3A_163, %broadcast_in_dim3A_164 : vector<16xi1>, vector<16xi32>
      %add3A_166 = arith.addi %add3A_158, %select_n3A_165 : vector<16xi32>
      %ge3A_167 = vector.broadcast %squeeze3A_34 : i32 to vector<16xi32>
      %ge3A_168 = arith.cmpi sge, %get3A_48, %ge3A_167 : vector<16xi32>
      %jit3A_169 = arith.constant 1 : i32
      %jit3A_170 = arith.constant 0 : i32
      %broadcast_in_dim3A_171 = vector.broadcast %jit3A_169 : i32 to vector<16xi32>
      %broadcast_in_dim3A_172 = vector.broadcast %jit3A_170 : i32 to vector<16xi32>
      %select_n3A_173 = arith.select %ge3A_168, %broadcast_in_dim3A_171, %broadcast_in_dim3A_172 : vector<16xi1>, vector<16xi32>
      %add3A_174 = arith.addi %add3A_166, %select_n3A_173 : vector<16xi32>
      %mul3A_175 = arith.constant 16 : i32
      %mul3A_176 = arith.muli %add3A_43, %mul3A_175 : i32
      %swap3A = arith.index_cast %mul3A_176 : i32 to index
      %swap3A_177 = tpu.vector_load %arg7[%swap3A] {strides = array<i32>} : memref<10000xi32, #tpu.memory_space<vmem>>, vector<16xi32>,
      %swap3A_178 = vector.shape_cast %swap3A_177 : vector<16xi32> to vector<16xi32>
      %swap3A_179 = vector.shape_cast %add3A_174 : vector<16xi32> to vector<16xi32>
      tpu.vector_store %arg7[%swap3A], %swap3A_179 {strides = array<i32>} : memref<10000xi32, #tpu.memory_space<vmem>>, vector<16xi32>,
    }
    %scan3A_38 = arith.constant 625 : i32
    "tpu.region"() ({
      %run_scoped3A = tpu.sem_alloc : memref<!tpu.dma_semaphore, #tpu.memory_space<semaphore_mem>>
      %dma_start3A = tpu.memref_slice %arg4[%mul3A_2] : memref<320000xi32, #tpu.memory_space<hbm>> -> memref<10000xi32, #tpu.memory_space<hbm>>
      %dma_start3A_39 = tpu.memref_slice %arg4[%mul3A_2] : memref<320000xi32, #tpu.memory_space<hbm>> -> memref<10000xi32, #tpu.memory_space<hbm>>
      tpu.enqueue_dma source(%arg7 : memref<10000xi32, #tpu.memory_space<vmem>>) target(%dma_start3A_39 : memref<10000xi32, #tpu.memory_space<hbm>>) target_semaphore(%run_scoped3A : memref<!tpu.dma_semaphore, #tpu.memory_space<semaphore_mem>>)
      %dma_wait3A = tpu.memref_slice %arg4[%mul3A_2] : memref<320000xi32, #tpu.memory_space<hbm>> -> memref<10000xi32, #tpu.memory_space<hbm>>
      %dma_wait3A_40 = tpu.memref_slice %arg4[%mul3A_2] : memref<320000xi32, #tpu.memory_space<hbm>> -> memref<10000xi32, #tpu.memory_space<hbm>>
      tpu.wait_dma2 semaphore(%run_scoped3A : memref<!tpu.dma_semaphore, #tpu.memory_space<semaphore_mem>>) src(%arg7 : memref<10000xi32, #tpu.memory_space<vmem>>) dst(%dma_wait3A_40 : memref<10000xi32, #tpu.memory_space<hbm>>)
      tpu.yield
    }) : () -> ()
    return
  }
}

#map = affine_map<(d0, d1) -> (0, 0)>
#map1 = affine_map<(d0, d1) -> (0)>
#map2 = affine_map<(d0, d1) -> (0, 0, 0)>
module attributes {stable_mosaic.version = 14 : i64} {
  func.func @_edge_body(%arg0: i32, %arg1: i32, %arg2: memref<320000x64xf32, #tpu.memory_space<hbm>>, %arg3: memref<10000x64xf32, #tpu.memory_space<hbm>>, %arg4: memref<10000x64xf32, #tpu.memory_space<hbm>>, %arg5: memref<320000xi32, #tpu.memory_space<hbm>>, %arg6: memref<320000xi32, #tpu.memory_space<hbm>>, %arg7: memref<320000xi32, #tpu.memory_space<hbm>>, %arg8: memref<320000x64xf32, #tpu.memory_space<hbm>>, %arg9: memref<2x10000x80xf32, #tpu.memory_space<hbm>>, %arg10: memref<2x16x80xf32, #tpu.memory_space<hbm>>, %arg11: memref<200xi32, #tpu.memory_space<vmem>>, %arg12: memref<200xi32, #tpu.memory_space<vmem>>, %arg13: memref<200xi32, #tpu.memory_space<vmem>>, %arg14: memref<200x64xf32, #tpu.memory_space<vmem>>, %arg15: memref<200x64xf32, #tpu.memory_space<vmem>>, %arg16: memref<200x64xf32, #tpu.memory_space<vmem>>, %arg17: memref<200x80xf32, #tpu.memory_space<vmem>>, %arg18: memref<200x64xf32, #tpu.memory_space<vmem>>, %arg19: memref<10000x80xf32, #tpu.memory_space<vmem_shared>>, %arg20: memref<16x80xf32, #tpu.memory_space<vmem_shared>>, %arg21: memref<!tpu.dma_semaphore, #tpu.memory_space<semaphore_mem>>, %arg22: memref<!tpu.dma_semaphore, #tpu.memory_space<semaphore_mem>>, %arg23: memref<!tpu.dma_semaphore, #tpu.memory_space<semaphore_mem>>, %arg24: memref<!tpu.dma_semaphore, #tpu.memory_space<semaphore_mem>>, %arg25: memref<!tpu.dma_semaphore, #tpu.memory_space<semaphore_mem>>, %arg26: memref<!tpu.dma_semaphore, #tpu.memory_space<semaphore_mem>>) attributes {dimension_semantics = [#tpu.dimension_semantics<core_parallel>, #tpu.dimension_semantics<subcore_parallel>], iteration_bounds = array<i64: 2, 16>, scalar_prefetch = 0 : i64, scratch_operands = 16 : i64, tpu.core_type = #tpu.core_type<sc_vector_subcore>, window_params = [{transform_indices = #map}, {transform_indices = #map}, {transform_indices = #map}, {transform_indices = #map1}, {transform_indices = #map1}, {transform_indices = #map1}, {transform_indices = #map}, {transform_indices = #map2}, {transform_indices = #map2}]} {
    %mul3A = arith.constant 16 : i32
    %mul3A_0 = arith.muli %arg0, %mul3A : i32
    %add3A = arith.addi %mul3A_0, %arg1 : i32
    %broadcast_in_dim3A = arith.constant 0.000000e+00 : f32
    %broadcast_in_dim3A_1 = vector.broadcast %broadcast_in_dim3A : f32 to vector<16xf32>
    %scan3A = arith.constant 0 : i32
    %scan3A_2 = arith.constant 200 : i32
    %scan3A_3 = arith.addi %scan3A, %scan3A_2 : i32
    %scan3A_4 = arith.constant 1 : i32
    scf.for %scan3A_63 = %scan3A to %scan3A_3 step %scan3A_4  : i32 {
      %mul3A_64 = arith.constant 1 : i32
      %mul3A_65 = arith.muli %scan3A_63, %mul3A_64 : i32
      %add3A_66 = arith.constant 0 : i32
      %add3A_67 = arith.addi %add3A_66, %mul3A_65 : i32
      %swap3A = arith.index_cast %add3A_67 : i32 to index
      %swap3A_68 = arith.constant 0 : index
      %swap3A_69 = tpu.vector_load %arg17[%swap3A, %swap3A_68] {strides = array<i32>} : memref<200x80xf32, #tpu.memory_space<vmem>>, vector<1x16xf32>,
      %swap3A_70 = vector.shape_cast %swap3A_69 : vector<1x16xf32> to vector<16xf32>
      %swap3A_71 = vector.shape_cast %broadcast_in_dim3A_1 : vector<16xf32> to vector<1x16xf32>
      tpu.vector_store %arg17[%swap3A, %swap3A_68], %swap3A_71 {strides = array<i32>} : memref<200x80xf32, #tpu.memory_space<vmem>>, vector<1x16xf32>,
      %swap3A_72 = arith.index_cast %add3A_67 : i32 to index
      %swap3A_73 = arith.constant 16 : index
      %swap3A_74 = tpu.vector_load %arg17[%swap3A_72, %swap3A_73] {strides = array<i32>} : memref<200x80xf32, #tpu.memory_space<vmem>>, vector<1x16xf32>,
      %swap3A_75 = vector.shape_cast %swap3A_74 : vector<1x16xf32> to vector<16xf32>
      %swap3A_76 = vector.shape_cast %broadcast_in_dim3A_1 : vector<16xf32> to vector<1x16xf32>
      tpu.vector_store %arg17[%swap3A_72, %swap3A_73], %swap3A_76 {strides = array<i32>} : memref<200x80xf32, #tpu.memory_space<vmem>>, vector<1x16xf32>,
      %swap3A_77 = arith.index_cast %add3A_67 : i32 to index
      %swap3A_78 = arith.constant 32 : index
      %swap3A_79 = tpu.vector_load %arg17[%swap3A_77, %swap3A_78] {strides = array<i32>} : memref<200x80xf32, #tpu.memory_space<vmem>>, vector<1x16xf32>,
      %swap3A_80 = vector.shape_cast %swap3A_79 : vector<1x16xf32> to vector<16xf32>
      %swap3A_81 = vector.shape_cast %broadcast_in_dim3A_1 : vector<16xf32> to vector<1x16xf32>
      tpu.vector_store %arg17[%swap3A_77, %swap3A_78], %swap3A_81 {strides = array<i32>} : memref<200x80xf32, #tpu.memory_space<vmem>>, vector<1x16xf32>,
      %swap3A_82 = arith.index_cast %add3A_67 : i32 to index
      %swap3A_83 = arith.constant 48 : index
      %swap3A_84 = tpu.vector_load %arg17[%swap3A_82, %swap3A_83] {strides = array<i32>} : memref<200x80xf32, #tpu.memory_space<vmem>>, vector<1x16xf32>,
      %swap3A_85 = vector.shape_cast %swap3A_84 : vector<1x16xf32> to vector<16xf32>
      %swap3A_86 = vector.shape_cast %broadcast_in_dim3A_1 : vector<16xf32> to vector<1x16xf32>
      tpu.vector_store %arg17[%swap3A_82, %swap3A_83], %swap3A_86 {strides = array<i32>} : memref<200x80xf32, #tpu.memory_space<vmem>>, vector<1x16xf32>,
      %swap3A_87 = arith.index_cast %add3A_67 : i32 to index
      %swap3A_88 = arith.constant 64 : index
      %swap3A_89 = tpu.vector_load %arg17[%swap3A_87, %swap3A_88] {strides = array<i32>} : memref<200x80xf32, #tpu.memory_space<vmem>>, vector<1x16xf32>,
      %swap3A_90 = vector.shape_cast %swap3A_89 : vector<1x16xf32> to vector<16xf32>
      %swap3A_91 = vector.shape_cast %broadcast_in_dim3A_1 : vector<16xf32> to vector<1x16xf32>
      tpu.vector_store %arg17[%swap3A_87, %swap3A_88], %swap3A_91 {strides = array<i32>} : memref<200x80xf32, #tpu.memory_space<vmem>>, vector<1x16xf32>,
    }
    %scan3A_5 = arith.constant 200 : i32
    %sub3A = arith.constant 50 : i32
    %sub3A_6 = arith.subi %sub3A, %arg1 : i32
    %sub3A_7 = arith.constant 16 : i32
    %sub3A_8 = arith.constant 1 : i32
    %sub3A_9 = arith.subi %sub3A_7, %sub3A_8 : i32
    %add3A_10 = arith.addi %sub3A_6, %sub3A_9 : i32
    %div3A = arith.constant 16 : i32
    %div3A_11 = arith.divsi %add3A_10, %div3A : i32
    %while3A = arith.constant 16 : i32
    %while3A_12 = arith.constant 0 : i32
    %while3A_13 = arith.subi %div3A_11, %while3A_12 : i32
    %while3A_14 = arith.addi %while3A_12, %while3A_13 : i32
    %while3A_15 = arith.constant 1 : i32
    %while3A_16 = arith.divsi %while3A_13, %while3A_15 : i32
    %while3A_17 = arith.muli %while3A_16, %while3A_15 : i32
    %while3A_18 = arith.addi %while3A_12, %while3A_17 : i32
    %while3A_19 = arith.constant 1 : i32
    scf.for %while3A_63 = %while3A_12 to %while3A_18 step %while3A_19  : i32 {
      %mul3A_64 = arith.muli %while3A_63, %while3A : i32
      %add3A_65 = arith.addi %arg1, %mul3A_64 : i32
      %mul3A_66 = arith.constant 200 : i32
      %mul3A_67 = arith.muli %add3A_65, %mul3A_66 : i32
      "tpu.region"() ({
        %run_scoped3A = tpu.sem_alloc : memref<!tpu.dma_semaphore, #tpu.memory_space<semaphore_mem>>
        %dma_start3A = arith.constant 0 : i32
        %dma_start3A_68 = tpu.memref_slice %arg19[%mul3A_67, %dma_start3A] : memref<10000x80xf32, #tpu.memory_space<vmem_shared>> -> memref<200x80xf32, #tpu.memory_space<vmem_shared>>
        %dma_start3A_69 = arith.constant 0 : i32
        %dma_start3A_70 = tpu.memref_slice %arg19[%mul3A_67, %dma_start3A_69] : memref<10000x80xf32, #tpu.memory_space<vmem_shared>> -> memref<200x80xf32, #tpu.memory_space<vmem_shared>>
        tpu.enqueue_dma source(%arg17 : memref<200x80xf32, #tpu.memory_space<vmem>>) target(%dma_start3A_70 : memref<200x80xf32, #tpu.memory_space<vmem_shared>>) target_semaphore(%run_scoped3A : memref<!tpu.dma_semaphore, #tpu.memory_space<semaphore_mem>>)
        %dma_wait3A = arith.constant 0 : i32
        %dma_wait3A_71 = tpu.memref_slice %arg19[%mul3A_67, %dma_wait3A] : memref<10000x80xf32, #tpu.memory_space<vmem_shared>> -> memref<200x80xf32, #tpu.memory_space<vmem_shared>>
        %dma_wait3A_72 = arith.constant 0 : i32
        %dma_wait3A_73 = tpu.memref_slice %arg19[%mul3A_67, %dma_wait3A_72] : memref<10000x80xf32, #tpu.memory_space<vmem_shared>> -> memref<200x80xf32, #tpu.memory_space<vmem_shared>>
        tpu.wait_dma2 semaphore(%run_scoped3A : memref<!tpu.dma_semaphore, #tpu.memory_space<semaphore_mem>>) src(%arg17 : memref<200x80xf32, #tpu.memory_space<vmem>>) dst(%dma_wait3A_73 : memref<200x80xf32, #tpu.memory_space<vmem_shared>>)
        tpu.yield
      }) : () -> ()
    }
    %while3A_20 = arith.constant 1 : i32
    scf.for %while3A_63 = %while3A_18 to %while3A_14 step %while3A_20  : i32 {
      %mul3A_64 = arith.muli %while3A_63, %while3A : i32
      %add3A_65 = arith.addi %arg1, %mul3A_64 : i32
      %mul3A_66 = arith.constant 200 : i32
      %mul3A_67 = arith.muli %add3A_65, %mul3A_66 : i32
      "tpu.region"() ({
        %run_scoped3A = tpu.sem_alloc : memref<!tpu.dma_semaphore, #tpu.memory_space<semaphore_mem>>
        %dma_start3A = arith.constant 0 : i32
        %dma_start3A_68 = tpu.memref_slice %arg19[%mul3A_67, %dma_start3A] : memref<10000x80xf32, #tpu.memory_space<vmem_shared>> -> memref<200x80xf32, #tpu.memory_space<vmem_shared>>
        %dma_start3A_69 = arith.constant 0 : i32
        %dma_start3A_70 = tpu.memref_slice %arg19[%mul3A_67, %dma_start3A_69] : memref<10000x80xf32, #tpu.memory_space<vmem_shared>> -> memref<200x80xf32, #tpu.memory_space<vmem_shared>>
        tpu.enqueue_dma source(%arg17 : memref<200x80xf32, #tpu.memory_space<vmem>>) target(%dma_start3A_70 : memref<200x80xf32, #tpu.memory_space<vmem_shared>>) target_semaphore(%run_scoped3A : memref<!tpu.dma_semaphore, #tpu.memory_space<semaphore_mem>>)
        %dma_wait3A = arith.constant 0 : i32
        %dma_wait3A_71 = tpu.memref_slice %arg19[%mul3A_67, %dma_wait3A] : memref<10000x80xf32, #tpu.memory_space<vmem_shared>> -> memref<200x80xf32, #tpu.memory_space<vmem_shared>>
        %dma_wait3A_72 = arith.constant 0 : i32
        %dma_wait3A_73 = tpu.memref_slice %arg19[%mul3A_67, %dma_wait3A_72] : memref<10000x80xf32, #tpu.memory_space<vmem_shared>> -> memref<200x80xf32, #tpu.memory_space<vmem_shared>>
        tpu.wait_dma2 semaphore(%run_scoped3A : memref<!tpu.dma_semaphore, #tpu.memory_space<semaphore_mem>>) src(%arg17 : memref<200x80xf32, #tpu.memory_space<vmem>>) dst(%dma_wait3A_73 : memref<200x80xf32, #tpu.memory_space<vmem_shared>>)
        tpu.yield
      }) : () -> ()
    }
    %eq3A = arith.constant 0 : i32
    %eq3A_21 = arith.cmpi eq, %arg1, %eq3A : i32
    %convert_element_type3A = arith.extui %eq3A_21 : i1 to i32
    %cond3A = arith.constant 0 : i32
    %cond3A_22 = arith.cmpi ne, %convert_element_type3A, %cond3A : i32
    scf.if %cond3A_22 {
      "tpu.region"() ({
        %run_scoped3A = tpu.sem_alloc : memref<!tpu.dma_semaphore, #tpu.memory_space<semaphore_mem>>
        %dma_start3A = arith.constant 0 : i32
        %dma_start3A_63 = arith.constant 0 : i32
        %dma_start3A_64 = tpu.memref_slice %arg17[%dma_start3A, %dma_start3A_63] : memref<200x80xf32, #tpu.memory_space<vmem>> -> memref<16x80xf32, #tpu.memory_space<vmem>>
        %dma_start3A_65 = arith.constant 0 : i32
        %dma_start3A_66 = arith.constant 0 : i32
        %dma_start3A_67 = tpu.memref_slice %arg17[%dma_start3A_65, %dma_start3A_66] : memref<200x80xf32, #tpu.memory_space<vmem>> -> memref<16x80xf32, #tpu.memory_space<vmem>>
        tpu.enqueue_dma source(%dma_start3A_67 : memref<16x80xf32, #tpu.memory_space<vmem>>) target(%arg20 : memref<16x80xf32, #tpu.memory_space<vmem_shared>>) target_semaphore(%run_scoped3A : memref<!tpu.dma_semaphore, #tpu.memory_space<semaphore_mem>>)
        %dma_wait3A = arith.constant 0 : i32
        %dma_wait3A_68 = arith.constant 0 : i32
        %dma_wait3A_69 = tpu.memref_slice %arg17[%dma_wait3A, %dma_wait3A_68] : memref<200x80xf32, #tpu.memory_space<vmem>> -> memref<16x80xf32, #tpu.memory_space<vmem>>
        %dma_wait3A_70 = arith.constant 0 : i32
        %dma_wait3A_71 = arith.constant 0 : i32
        %dma_wait3A_72 = tpu.memref_slice %arg17[%dma_wait3A_70, %dma_wait3A_71] : memref<200x80xf32, #tpu.memory_space<vmem>> -> memref<16x80xf32, #tpu.memory_space<vmem>>
        tpu.wait_dma2 semaphore(%run_scoped3A : memref<!tpu.dma_semaphore, #tpu.memory_space<semaphore_mem>>) src(%dma_wait3A_72 : memref<16x80xf32, #tpu.memory_space<vmem>>) dst(%arg20 : memref<16x80xf32, #tpu.memory_space<vmem_shared>>)
        tpu.yield
      }) : () -> ()
    } else {
    }
    %iota3A = tpu.iota {dimensions = array<i32: 0>} : vector<16xi32>
    %eq3A_23 = arith.constant 0 : i32
    %eq3A_24 = vector.broadcast %eq3A_23 : i32 to vector<16xi32>
    %eq3A_25 = arith.cmpi eq, %iota3A, %eq3A_24 : vector<16xi32>
    %jit3A = arith.constant 1.000000e+00 : f32
    %jit3A_26 = arith.constant 0.000000e+00 : f32
    %broadcast_in_dim3A_27 = vector.broadcast %jit3A : f32 to vector<16xf32>
    %broadcast_in_dim3A_28 = vector.broadcast %jit3A_26 : f32 to vector<16xf32>
    %select_n3A = arith.select %eq3A_25, %broadcast_in_dim3A_27, %broadcast_in_dim3A_28 : vector<16xi1>, vector<16xf32>
    %scan3A_29 = arith.constant 0 : i32
    %scan3A_30 = arith.constant 200 : i32
    %scan3A_31 = arith.addi %scan3A_29, %scan3A_30 : i32
    %scan3A_32 = arith.constant 1 : i32
    scf.for %scan3A_63 = %scan3A_29 to %scan3A_31 step %scan3A_32  : i32 {
      %mul3A_64 = arith.constant 1 : i32
      %mul3A_65 = arith.muli %scan3A_63, %mul3A_64 : i32
      %add3A_66 = arith.constant 0 : i32
      %add3A_67 = arith.addi %add3A_66, %mul3A_65 : i32
      %swap3A = arith.index_cast %add3A_67 : i32 to index
      %swap3A_68 = arith.constant 64 : index
      %swap3A_69 = tpu.vector_load %arg17[%swap3A, %swap3A_68] {strides = array<i32>} : memref<200x80xf32, #tpu.memory_space<vmem>>, vector<1x16xf32>,
      %swap3A_70 = vector.shape_cast %swap3A_69 : vector<1x16xf32> to vector<16xf32>
      %swap3A_71 = vector.shape_cast %select_n3A : vector<16xf32> to vector<1x16xf32>
      tpu.vector_store %arg17[%swap3A, %swap3A_68], %swap3A_71 {strides = array<i32>} : memref<200x80xf32, #tpu.memory_space<vmem>>, vector<1x16xf32>,
    }
    %scan3A_33 = arith.constant 200 : i32
    %barrier3A = arith.constant 0 : index
    tpu.barrier barrier_id(%barrier3A)
    %scan3A_34 = arith.constant 0 : i32
    %scan3A_35 = arith.constant 50 : i32
    %scan3A_36 = arith.addi %scan3A_34, %scan3A_35 : i32
    %scan3A_37 = arith.constant 1 : i32
    scf.for %scan3A_63 = %scan3A_34 to %scan3A_36 step %scan3A_37  : i32 {
      %mul3A_64 = arith.constant 1 : i32
      %mul3A_65 = arith.muli %scan3A_63, %mul3A_64 : i32
      %add3A_66 = arith.constant 0 : i32
      %add3A_67 = arith.addi %add3A_66, %mul3A_65 : i32
      %mul3A_68 = arith.constant 10000 : i32
      %mul3A_69 = arith.muli %add3A, %mul3A_68 : i32
      %mul3A_70 = arith.constant 200 : i32
      %mul3A_71 = arith.muli %add3A_67, %mul3A_70 : i32
      %add3A_72 = arith.addi %mul3A_69, %mul3A_71 : i32
      "tpu.region"() ({
        %run_scoped3A = tpu.sem_alloc : memref<!tpu.dma_semaphore, #tpu.memory_space<semaphore_mem>>
        %dma_start3A_116 = tpu.memref_slice %arg5[%add3A_72] : memref<320000xi32, #tpu.memory_space<hbm>> -> memref<200xi32, #tpu.memory_space<hbm>>
        %dma_start3A_117 = tpu.memref_slice %arg5[%add3A_72] : memref<320000xi32, #tpu.memory_space<hbm>> -> memref<200xi32, #tpu.memory_space<hbm>>
        tpu.enqueue_dma source(%dma_start3A_117 : memref<200xi32, #tpu.memory_space<hbm>>) target(%arg11 : memref<200xi32, #tpu.memory_space<vmem>>) target_semaphore(%run_scoped3A : memref<!tpu.dma_semaphore, #tpu.memory_space<semaphore_mem>>)
        %dma_wait3A_118 = tpu.memref_slice %arg5[%add3A_72] : memref<320000xi32, #tpu.memory_space<hbm>> -> memref<200xi32, #tpu.memory_space<hbm>>
        %dma_wait3A_119 = tpu.memref_slice %arg5[%add3A_72] : memref<320000xi32, #tpu.memory_space<hbm>> -> memref<200xi32, #tpu.memory_space<hbm>>
        tpu.wait_dma2 semaphore(%run_scoped3A : memref<!tpu.dma_semaphore, #tpu.memory_space<semaphore_mem>>) src(%dma_wait3A_119 : memref<200xi32, #tpu.memory_space<hbm>>) dst(%arg11 : memref<200xi32, #tpu.memory_space<vmem>>)
        tpu.yield
      }) : () -> ()
      "tpu.region"() ({
        %run_scoped3A = tpu.sem_alloc : memref<!tpu.dma_semaphore, #tpu.memory_space<semaphore_mem>>
        %dma_start3A_116 = tpu.memref_slice %arg6[%add3A_72] : memref<320000xi32, #tpu.memory_space<hbm>> -> memref<200xi32, #tpu.memory_space<hbm>>
        %dma_start3A_117 = tpu.memref_slice %arg6[%add3A_72] : memref<320000xi32, #tpu.memory_space<hbm>> -> memref<200xi32, #tpu.memory_space<hbm>>
        tpu.enqueue_dma source(%dma_start3A_117 : memref<200xi32, #tpu.memory_space<hbm>>) target(%arg12 : memref<200xi32, #tpu.memory_space<vmem>>) target_semaphore(%run_scoped3A : memref<!tpu.dma_semaphore, #tpu.memory_space<semaphore_mem>>)
        %dma_wait3A_118 = tpu.memref_slice %arg6[%add3A_72] : memref<320000xi32, #tpu.memory_space<hbm>> -> memref<200xi32, #tpu.memory_space<hbm>>
        %dma_wait3A_119 = tpu.memref_slice %arg6[%add3A_72] : memref<320000xi32, #tpu.memory_space<hbm>> -> memref<200xi32, #tpu.memory_space<hbm>>
        tpu.wait_dma2 semaphore(%run_scoped3A : memref<!tpu.dma_semaphore, #tpu.memory_space<semaphore_mem>>) src(%dma_wait3A_119 : memref<200xi32, #tpu.memory_space<hbm>>) dst(%arg12 : memref<200xi32, #tpu.memory_space<vmem>>)
        tpu.yield
      }) : () -> ()
      "tpu.region"() ({
        %run_scoped3A = tpu.sem_alloc : memref<!tpu.dma_semaphore, #tpu.memory_space<semaphore_mem>>
        %dma_start3A_116 = tpu.memref_slice %arg7[%add3A_72] : memref<320000xi32, #tpu.memory_space<hbm>> -> memref<200xi32, #tpu.memory_space<hbm>>
        %dma_start3A_117 = tpu.memref_slice %arg7[%add3A_72] : memref<320000xi32, #tpu.memory_space<hbm>> -> memref<200xi32, #tpu.memory_space<hbm>>
        tpu.enqueue_dma source(%dma_start3A_117 : memref<200xi32, #tpu.memory_space<hbm>>) target(%arg13 : memref<200xi32, #tpu.memory_space<vmem>>) target_semaphore(%run_scoped3A : memref<!tpu.dma_semaphore, #tpu.memory_space<semaphore_mem>>)
        %dma_wait3A_118 = tpu.memref_slice %arg7[%add3A_72] : memref<320000xi32, #tpu.memory_space<hbm>> -> memref<200xi32, #tpu.memory_space<hbm>>
        %dma_wait3A_119 = tpu.memref_slice %arg7[%add3A_72] : memref<320000xi32, #tpu.memory_space<hbm>> -> memref<200xi32, #tpu.memory_space<hbm>>
        tpu.wait_dma2 semaphore(%run_scoped3A : memref<!tpu.dma_semaphore, #tpu.memory_space<semaphore_mem>>) src(%dma_wait3A_119 : memref<200xi32, #tpu.memory_space<hbm>>) dst(%arg13 : memref<200xi32, #tpu.memory_space<vmem>>)
        tpu.yield
      }) : () -> ()
      %dma_start3A = arith.constant 0 : i32
      %dma_start3A_73 = arith.constant 0 : i32
      %dma_start3A_74 = tpu.memref_slice %arg3[%dma_start3A, %dma_start3A_73] : memref<10000x64xf32, #tpu.memory_space<hbm>> -> memref<10000x64xf32, #tpu.memory_space<hbm>>
      tpu.enqueue_indirect_dma source(%dma_start3A_74 : memref<10000x64xf32, #tpu.memory_space<hbm>>) target(%arg14 : memref<200x64xf32, #tpu.memory_space<vmem>>) offsets(%arg11 : memref<200xi32, #tpu.memory_space<vmem>>) semaphore(%arg21 : memref<!tpu.dma_semaphore, #tpu.memory_space<semaphore_mem>>)
      %dma_start3A_75 = arith.constant 0 : i32
      %dma_start3A_76 = arith.constant 0 : i32
      %dma_start3A_77 = tpu.memref_slice %arg4[%dma_start3A_75, %dma_start3A_76] : memref<10000x64xf32, #tpu.memory_space<hbm>> -> memref<10000x64xf32, #tpu.memory_space<hbm>>
      tpu.enqueue_indirect_dma source(%dma_start3A_77 : memref<10000x64xf32, #tpu.memory_space<hbm>>) target(%arg15 : memref<200x64xf32, #tpu.memory_space<vmem>>) offsets(%arg12 : memref<200xi32, #tpu.memory_space<vmem>>) semaphore(%arg22 : memref<!tpu.dma_semaphore, #tpu.memory_space<semaphore_mem>>)
      %dma_start3A_78 = arith.constant 0 : i32
      %dma_start3A_79 = tpu.memref_slice %arg2[%add3A_72, %dma_start3A_78] : memref<320000x64xf32, #tpu.memory_space<hbm>> -> memref<200x64xf32, #tpu.memory_space<hbm>>
      %dma_start3A_80 = arith.constant 0 : i32
      %dma_start3A_81 = tpu.memref_slice %arg2[%add3A_72, %dma_start3A_80] : memref<320000x64xf32, #tpu.memory_space<hbm>> -> memref<200x64xf32, #tpu.memory_space<hbm>>
      tpu.enqueue_dma source(%dma_start3A_81 : memref<200x64xf32, #tpu.memory_space<hbm>>) target(%arg16 : memref<200x64xf32, #tpu.memory_space<vmem>>) target_semaphore(%arg23 : memref<!tpu.dma_semaphore, #tpu.memory_space<semaphore_mem>>)
      %dma_wait3A = arith.constant 0 : i32
      %dma_wait3A_82 = arith.constant 0 : i32
      %dma_wait3A_83 = tpu.memref_slice %arg3[%dma_wait3A, %dma_wait3A_82] : memref<10000x64xf32, #tpu.memory_space<hbm>> -> memref<10000x64xf32, #tpu.memory_space<hbm>>
      tpu.wait_indirect_dma semaphore(%arg21 : memref<!tpu.dma_semaphore, #tpu.memory_space<semaphore_mem>>) src(%dma_wait3A_83 : memref<10000x64xf32, #tpu.memory_space<hbm>>) dst(%arg14 : memref<200x64xf32, #tpu.memory_space<vmem>>)
      %dma_wait3A_84 = arith.constant 0 : i32
      %dma_wait3A_85 = arith.constant 0 : i32
      %dma_wait3A_86 = tpu.memref_slice %arg4[%dma_wait3A_84, %dma_wait3A_85] : memref<10000x64xf32, #tpu.memory_space<hbm>> -> memref<10000x64xf32, #tpu.memory_space<hbm>>
      tpu.wait_indirect_dma semaphore(%arg22 : memref<!tpu.dma_semaphore, #tpu.memory_space<semaphore_mem>>) src(%dma_wait3A_86 : memref<10000x64xf32, #tpu.memory_space<hbm>>) dst(%arg15 : memref<200x64xf32, #tpu.memory_space<vmem>>)
      %dma_wait3A_87 = arith.constant 0 : i32
      %dma_wait3A_88 = tpu.memref_slice %arg2[%add3A_72, %dma_wait3A_87] : memref<320000x64xf32, #tpu.memory_space<hbm>> -> memref<200x64xf32, #tpu.memory_space<hbm>>
      %dma_wait3A_89 = arith.constant 0 : i32
      %dma_wait3A_90 = tpu.memref_slice %arg2[%add3A_72, %dma_wait3A_89] : memref<320000x64xf32, #tpu.memory_space<hbm>> -> memref<200x64xf32, #tpu.memory_space<hbm>>
      tpu.wait_dma2 semaphore(%arg23 : memref<!tpu.dma_semaphore, #tpu.memory_space<semaphore_mem>>) src(%dma_wait3A_90 : memref<200x64xf32, #tpu.memory_space<hbm>>) dst(%arg16 : memref<200x64xf32, #tpu.memory_space<vmem>>)
      %scan3A_91 = arith.constant 0 : i32
      %scan3A_92 = arith.constant 200 : i32
      %scan3A_93 = arith.addi %scan3A_91, %scan3A_92 : i32
      %scan3A_94 = arith.constant 1 : i32
      scf.for %scan3A_116 = %scan3A_91 to %scan3A_93 step %scan3A_94  : i32 {
        %mul3A_117 = arith.constant 1 : i32
        %mul3A_118 = arith.muli %scan3A_116, %mul3A_117 : i32
        %add3A_119 = arith.constant 0 : i32
        %add3A_120 = arith.addi %add3A_119, %mul3A_118 : i32
        %get3A = arith.index_cast %add3A_120 : i32 to index
        %get3A_121 = arith.constant 0 : index
        %get3A_122 = tpu.vector_load %arg16[%get3A, %get3A_121] {strides = array<i32>} : memref<200x64xf32, #tpu.memory_space<vmem>>, vector<1x16xf32>,
        %get3A_123 = vector.shape_cast %get3A_122 : vector<1x16xf32> to vector<16xf32>
        %get3A_124 = arith.index_cast %add3A_120 : i32 to index
        %get3A_125 = arith.constant 0 : index
        %get3A_126 = tpu.vector_load %arg14[%get3A_124, %get3A_125] {strides = array<i32>} : memref<200x64xf32, #tpu.memory_space<vmem>>, vector<1x16xf32>,
        %get3A_127 = vector.shape_cast %get3A_126 : vector<1x16xf32> to vector<16xf32>
        %add3A_128 = arith.addf %get3A_123, %get3A_127 : vector<16xf32>
        %get3A_129 = arith.index_cast %add3A_120 : i32 to index
        %get3A_130 = arith.constant 0 : index
        %get3A_131 = tpu.vector_load %arg15[%get3A_129, %get3A_130] {strides = array<i32>} : memref<200x64xf32, #tpu.memory_space<vmem>>, vector<1x16xf32>,
        %get3A_132 = vector.shape_cast %get3A_131 : vector<1x16xf32> to vector<16xf32>
        %add3A_133 = arith.addf %add3A_128, %get3A_132 : vector<16xf32>
        %max3A = arith.constant 0.000000e+00 : f32
        %max3A_134 = vector.broadcast %max3A : f32 to vector<16xf32>
        %max3A_135 = arith.maximumf %add3A_133, %max3A_134 : vector<16xf32>
        %swap3A = arith.index_cast %add3A_120 : i32 to index
        %swap3A_136 = arith.constant 0 : index
        %swap3A_137 = tpu.vector_load %arg17[%swap3A, %swap3A_136] {strides = array<i32>} : memref<200x80xf32, #tpu.memory_space<vmem>>, vector<1x16xf32>,
        %swap3A_138 = vector.shape_cast %swap3A_137 : vector<1x16xf32> to vector<16xf32>
        %swap3A_139 = vector.shape_cast %max3A_135 : vector<16xf32> to vector<1x16xf32>
        tpu.vector_store %arg17[%swap3A, %swap3A_136], %swap3A_139 {strides = array<i32>} : memref<200x80xf32, #tpu.memory_space<vmem>>, vector<1x16xf32>,
        %swap3A_140 = arith.index_cast %add3A_120 : i32 to index
        %swap3A_141 = arith.constant 0 : index
        %swap3A_142 = tpu.vector_load %arg18[%swap3A_140, %swap3A_141] {strides = array<i32>} : memref<200x64xf32, #tpu.memory_space<vmem>>, vector<1x16xf32>,
        %swap3A_143 = vector.shape_cast %swap3A_142 : vector<1x16xf32> to vector<16xf32>
        %swap3A_144 = vector.shape_cast %max3A_135 : vector<16xf32> to vector<1x16xf32>
        tpu.vector_store %arg18[%swap3A_140, %swap3A_141], %swap3A_144 {strides = array<i32>} : memref<200x64xf32, #tpu.memory_space<vmem>>, vector<1x16xf32>,
        %get3A_145 = arith.index_cast %add3A_120 : i32 to index
        %get3A_146 = arith.constant 16 : index
        %get3A_147 = tpu.vector_load %arg16[%get3A_145, %get3A_146] {strides = array<i32>} : memref<200x64xf32, #tpu.memory_space<vmem>>, vector<1x16xf32>,
        %get3A_148 = vector.shape_cast %get3A_147 : vector<1x16xf32> to vector<16xf32>
        %get3A_149 = arith.index_cast %add3A_120 : i32 to index
        %get3A_150 = arith.constant 16 : index
        %get3A_151 = tpu.vector_load %arg14[%get3A_149, %get3A_150] {strides = array<i32>} : memref<200x64xf32, #tpu.memory_space<vmem>>, vector<1x16xf32>,
        %get3A_152 = vector.shape_cast %get3A_151 : vector<1x16xf32> to vector<16xf32>
        %add3A_153 = arith.addf %get3A_148, %get3A_152 : vector<16xf32>
        %get3A_154 = arith.index_cast %add3A_120 : i32 to index
        %get3A_155 = arith.constant 16 : index
        %get3A_156 = tpu.vector_load %arg15[%get3A_154, %get3A_155] {strides = array<i32>} : memref<200x64xf32, #tpu.memory_space<vmem>>, vector<1x16xf32>,
        %get3A_157 = vector.shape_cast %get3A_156 : vector<1x16xf32> to vector<16xf32>
        %add3A_158 = arith.addf %add3A_153, %get3A_157 : vector<16xf32>
        %max3A_159 = arith.constant 0.000000e+00 : f32
        %max3A_160 = vector.broadcast %max3A_159 : f32 to vector<16xf32>
        %max3A_161 = arith.maximumf %add3A_158, %max3A_160 : vector<16xf32>
        %swap3A_162 = arith.index_cast %add3A_120 : i32 to index
        %swap3A_163 = arith.constant 16 : index
        %swap3A_164 = tpu.vector_load %arg17[%swap3A_162, %swap3A_163] {strides = array<i32>} : memref<200x80xf32, #tpu.memory_space<vmem>>, vector<1x16xf32>,
        %swap3A_165 = vector.shape_cast %swap3A_164 : vector<1x16xf32> to vector<16xf32>
        %swap3A_166 = vector.shape_cast %max3A_161 : vector<16xf32> to vector<1x16xf32>
        tpu.vector_store %arg17[%swap3A_162, %swap3A_163], %swap3A_166 {strides = array<i32>} : memref<200x80xf32, #tpu.memory_space<vmem>>, vector<1x16xf32>,
        %swap3A_167 = arith.index_cast %add3A_120 : i32 to index
        %swap3A_168 = arith.constant 16 : index
        %swap3A_169 = tpu.vector_load %arg18[%swap3A_167, %swap3A_168] {strides = array<i32>} : memref<200x64xf32, #tpu.memory_space<vmem>>, vector<1x16xf32>,
        %swap3A_170 = vector.shape_cast %swap3A_169 : vector<1x16xf32> to vector<16xf32>
        %swap3A_171 = vector.shape_cast %max3A_161 : vector<16xf32> to vector<1x16xf32>
        tpu.vector_store %arg18[%swap3A_167, %swap3A_168], %swap3A_171 {strides = array<i32>} : memref<200x64xf32, #tpu.memory_space<vmem>>, vector<1x16xf32>,
        %get3A_172 = arith.index_cast %add3A_120 : i32 to index
        %get3A_173 = arith.constant 32 : index
        %get3A_174 = tpu.vector_load %arg16[%get3A_172, %get3A_173] {strides = array<i32>} : memref<200x64xf32, #tpu.memory_space<vmem>>, vector<1x16xf32>,
        %get3A_175 = vector.shape_cast %get3A_174 : vector<1x16xf32> to vector<16xf32>
        %get3A_176 = arith.index_cast %add3A_120 : i32 to index
        %get3A_177 = arith.constant 32 : index
        %get3A_178 = tpu.vector_load %arg14[%get3A_176, %get3A_177] {strides = array<i32>} : memref<200x64xf32, #tpu.memory_space<vmem>>, vector<1x16xf32>,
        %get3A_179 = vector.shape_cast %get3A_178 : vector<1x16xf32> to vector<16xf32>
        %add3A_180 = arith.addf %get3A_175, %get3A_179 : vector<16xf32>
        %get3A_181 = arith.index_cast %add3A_120 : i32 to index
        %get3A_182 = arith.constant 32 : index
        %get3A_183 = tpu.vector_load %arg15[%get3A_181, %get3A_182] {strides = array<i32>} : memref<200x64xf32, #tpu.memory_space<vmem>>, vector<1x16xf32>,
        %get3A_184 = vector.shape_cast %get3A_183 : vector<1x16xf32> to vector<16xf32>
        %add3A_185 = arith.addf %add3A_180, %get3A_184 : vector<16xf32>
        %max3A_186 = arith.constant 0.000000e+00 : f32
        %max3A_187 = vector.broadcast %max3A_186 : f32 to vector<16xf32>
        %max3A_188 = arith.maximumf %add3A_185, %max3A_187 : vector<16xf32>
        %swap3A_189 = arith.index_cast %add3A_120 : i32 to index
        %swap3A_190 = arith.constant 32 : index
        %swap3A_191 = tpu.vector_load %arg17[%swap3A_189, %swap3A_190] {strides = array<i32>} : memref<200x80xf32, #tpu.memory_space<vmem>>, vector<1x16xf32>,
        %swap3A_192 = vector.shape_cast %swap3A_191 : vector<1x16xf32> to vector<16xf32>
        %swap3A_193 = vector.shape_cast %max3A_188 : vector<16xf32> to vector<1x16xf32>
        tpu.vector_store %arg17[%swap3A_189, %swap3A_190], %swap3A_193 {strides = array<i32>} : memref<200x80xf32, #tpu.memory_space<vmem>>, vector<1x16xf32>,
        %swap3A_194 = arith.index_cast %add3A_120 : i32 to index
        %swap3A_195 = arith.constant 32 : index
        %swap3A_196 = tpu.vector_load %arg18[%swap3A_194, %swap3A_195] {strides = array<i32>} : memref<200x64xf32, #tpu.memory_space<vmem>>, vector<1x16xf32>,
        %swap3A_197 = vector.shape_cast %swap3A_196 : vector<1x16xf32> to vector<16xf32>
        %swap3A_198 = vector.shape_cast %max3A_188 : vector<16xf32> to vector<1x16xf32>
        tpu.vector_store %arg18[%swap3A_194, %swap3A_195], %swap3A_198 {strides = array<i32>} : memref<200x64xf32, #tpu.memory_space<vmem>>, vector<1x16xf32>,
        %get3A_199 = arith.index_cast %add3A_120 : i32 to index
        %get3A_200 = arith.constant 48 : index
        %get3A_201 = tpu.vector_load %arg16[%get3A_199, %get3A_200] {strides = array<i32>} : memref<200x64xf32, #tpu.memory_space<vmem>>, vector<1x16xf32>,
        %get3A_202 = vector.shape_cast %get3A_201 : vector<1x16xf32> to vector<16xf32>
        %get3A_203 = arith.index_cast %add3A_120 : i32 to index
        %get3A_204 = arith.constant 48 : index
        %get3A_205 = tpu.vector_load %arg14[%get3A_203, %get3A_204] {strides = array<i32>} : memref<200x64xf32, #tpu.memory_space<vmem>>, vector<1x16xf32>,
        %get3A_206 = vector.shape_cast %get3A_205 : vector<1x16xf32> to vector<16xf32>
        %add3A_207 = arith.addf %get3A_202, %get3A_206 : vector<16xf32>
        %get3A_208 = arith.index_cast %add3A_120 : i32 to index
        %get3A_209 = arith.constant 48 : index
        %get3A_210 = tpu.vector_load %arg15[%get3A_208, %get3A_209] {strides = array<i32>} : memref<200x64xf32, #tpu.memory_space<vmem>>, vector<1x16xf32>,
        %get3A_211 = vector.shape_cast %get3A_210 : vector<1x16xf32> to vector<16xf32>
        %add3A_212 = arith.addf %add3A_207, %get3A_211 : vector<16xf32>
        %max3A_213 = arith.constant 0.000000e+00 : f32
        %max3A_214 = vector.broadcast %max3A_213 : f32 to vector<16xf32>
        %max3A_215 = arith.maximumf %add3A_212, %max3A_214 : vector<16xf32>
        %swap3A_216 = arith.index_cast %add3A_120 : i32 to index
        %swap3A_217 = arith.constant 48 : index
        %swap3A_218 = tpu.vector_load %arg17[%swap3A_216, %swap3A_217] {strides = array<i32>} : memref<200x80xf32, #tpu.memory_space<vmem>>, vector<1x16xf32>,
        %swap3A_219 = vector.shape_cast %swap3A_218 : vector<1x16xf32> to vector<16xf32>
        %swap3A_220 = vector.shape_cast %max3A_215 : vector<16xf32> to vector<1x16xf32>
        tpu.vector_store %arg17[%swap3A_216, %swap3A_217], %swap3A_220 {strides = array<i32>} : memref<200x80xf32, #tpu.memory_space<vmem>>, vector<1x16xf32>,
        %swap3A_221 = arith.index_cast %add3A_120 : i32 to index
        %swap3A_222 = arith.constant 48 : index
        %swap3A_223 = tpu.vector_load %arg18[%swap3A_221, %swap3A_222] {strides = array<i32>} : memref<200x64xf32, #tpu.memory_space<vmem>>, vector<1x16xf32>,
        %swap3A_224 = vector.shape_cast %swap3A_223 : vector<1x16xf32> to vector<16xf32>
        %swap3A_225 = vector.shape_cast %max3A_215 : vector<16xf32> to vector<1x16xf32>
        tpu.vector_store %arg18[%swap3A_221, %swap3A_222], %swap3A_225 {strides = array<i32>} : memref<200x64xf32, #tpu.memory_space<vmem>>, vector<1x16xf32>,
      }
      %scan3A_95 = arith.constant 200 : i32
      %dma_start3A_96 = arith.constant 0 : i32
      %dma_start3A_97 = tpu.memref_slice %arg8[%add3A_72, %dma_start3A_96] : memref<320000x64xf32, #tpu.memory_space<hbm>> -> memref<200x64xf32, #tpu.memory_space<hbm>>
      %dma_start3A_98 = arith.constant 0 : i32
      %dma_start3A_99 = tpu.memref_slice %arg8[%add3A_72, %dma_start3A_98] : memref<320000x64xf32, #tpu.memory_space<hbm>> -> memref<200x64xf32, #tpu.memory_space<hbm>>
      tpu.enqueue_dma source(%arg18 : memref<200x64xf32, #tpu.memory_space<vmem>>) target(%dma_start3A_99 : memref<200x64xf32, #tpu.memory_space<hbm>>) target_semaphore(%arg24 : memref<!tpu.dma_semaphore, #tpu.memory_space<semaphore_mem>>)
      %dma_start3A_100 = arith.constant 0 : i32
      %dma_start3A_101 = arith.constant 0 : i32
      %dma_start3A_102 = tpu.memref_slice %arg19[%dma_start3A_100, %dma_start3A_101] : memref<10000x80xf32, #tpu.memory_space<vmem_shared>> -> memref<10000x80xf32, #tpu.memory_space<vmem_shared>>
      tpu.enqueue_indirect_dma source(%arg17 : memref<200x80xf32, #tpu.memory_space<vmem>>) target(%dma_start3A_102 : memref<10000x80xf32, #tpu.memory_space<vmem_shared>>) offsets(%arg12 : memref<200xi32, #tpu.memory_space<vmem>>) semaphore(%arg25 : memref<!tpu.dma_semaphore, #tpu.memory_space<semaphore_mem>>) {add = true}
      %dma_start3A_103 = arith.constant 0 : i32
      %dma_start3A_104 = arith.constant 0 : i32
      %dma_start3A_105 = tpu.memref_slice %arg20[%dma_start3A_103, %dma_start3A_104] : memref<16x80xf32, #tpu.memory_space<vmem_shared>> -> memref<16x80xf32, #tpu.memory_space<vmem_shared>>
      tpu.enqueue_indirect_dma source(%arg17 : memref<200x80xf32, #tpu.memory_space<vmem>>) target(%dma_start3A_105 : memref<16x80xf32, #tpu.memory_space<vmem_shared>>) offsets(%arg13 : memref<200xi32, #tpu.memory_space<vmem>>) semaphore(%arg26 : memref<!tpu.dma_semaphore, #tpu.memory_space<semaphore_mem>>) {add = true}
      %dma_wait3A_106 = arith.constant 0 : i32
      %dma_wait3A_107 = arith.constant 0 : i32
      %dma_wait3A_108 = tpu.memref_slice %arg19[%dma_wait3A_106, %dma_wait3A_107] : memref<10000x80xf32, #tpu.memory_space<vmem_shared>> -> memref<10000x80xf32, #tpu.memory_space<vmem_shared>>
      tpu.wait_indirect_dma semaphore(%arg25 : memref<!tpu.dma_semaphore, #tpu.memory_space<semaphore_mem>>) src(%arg17 : memref<200x80xf32, #tpu.memory_space<vmem>>) dst(%dma_wait3A_108 : memref<10000x80xf32, #tpu.memory_space<vmem_shared>>)
      %dma_wait3A_109 = arith.constant 0 : i32
      %dma_wait3A_110 = arith.constant 0 : i32
      %dma_wait3A_111 = tpu.memref_slice %arg20[%dma_wait3A_109, %dma_wait3A_110] : memref<16x80xf32, #tpu.memory_space<vmem_shared>> -> memref<16x80xf32, #tpu.memory_space<vmem_shared>>
      tpu.wait_indirect_dma semaphore(%arg26 : memref<!tpu.dma_semaphore, #tpu.memory_space<semaphore_mem>>) src(%arg17 : memref<200x80xf32, #tpu.memory_space<vmem>>) dst(%dma_wait3A_111 : memref<16x80xf32, #tpu.memory_space<vmem_shared>>)
      %dma_wait3A_112 = arith.constant 0 : i32
      %dma_wait3A_113 = tpu.memref_slice %arg8[%add3A_72, %dma_wait3A_112] : memref<320000x64xf32, #tpu.memory_space<hbm>> -> memref<200x64xf32, #tpu.memory_space<hbm>>
      %dma_wait3A_114 = arith.constant 0 : i32
      %dma_wait3A_115 = tpu.memref_slice %arg8[%add3A_72, %dma_wait3A_114] : memref<320000x64xf32, #tpu.memory_space<hbm>> -> memref<200x64xf32, #tpu.memory_space<hbm>>
      tpu.wait_dma2 semaphore(%arg24 : memref<!tpu.dma_semaphore, #tpu.memory_space<semaphore_mem>>) src(%arg18 : memref<200x64xf32, #tpu.memory_space<vmem>>) dst(%dma_wait3A_115 : memref<200x64xf32, #tpu.memory_space<hbm>>)
    }
    %scan3A_38 = arith.constant 50 : i32
    %barrier3A_39 = arith.constant 0 : index
    tpu.barrier barrier_id(%barrier3A_39)
    %sub3A_40 = arith.constant 50 : i32
    %sub3A_41 = arith.subi %sub3A_40, %arg1 : i32
    %sub3A_42 = arith.constant 16 : i32
    %sub3A_43 = arith.constant 1 : i32
    %sub3A_44 = arith.subi %sub3A_42, %sub3A_43 : i32
    %add3A_45 = arith.addi %sub3A_41, %sub3A_44 : i32
    %div3A_46 = arith.constant 16 : i32
    %div3A_47 = arith.divsi %add3A_45, %div3A_46 : i32
    %while3A_48 = arith.constant 16 : i32
    %while3A_49 = arith.constant 0 : i32
    %while3A_50 = arith.subi %div3A_47, %while3A_49 : i32
    %while3A_51 = arith.addi %while3A_49, %while3A_50 : i32
    %while3A_52 = arith.constant 1 : i32
    %while3A_53 = arith.divsi %while3A_50, %while3A_52 : i32
    %while3A_54 = arith.muli %while3A_53, %while3A_52 : i32
    %while3A_55 = arith.addi %while3A_49, %while3A_54 : i32
    %while3A_56 = arith.constant 1 : i32
    scf.for %while3A_63 = %while3A_49 to %while3A_55 step %while3A_56  : i32 {
      %mul3A_64 = arith.muli %while3A_63, %while3A_48 : i32
      %add3A_65 = arith.addi %arg1, %mul3A_64 : i32
      %mul3A_66 = arith.constant 200 : i32
      %mul3A_67 = arith.muli %add3A_65, %mul3A_66 : i32
      %mul3A_68 = arith.constant 200 : i32
      %mul3A_69 = arith.muli %add3A_65, %mul3A_68 : i32
      "tpu.region"() ({
        %run_scoped3A = tpu.sem_alloc : memref<!tpu.dma_semaphore, #tpu.memory_space<semaphore_mem>>
        %dma_start3A = arith.constant 0 : i32
        %dma_start3A_70 = arith.constant 0 : i32
        %dma_start3A_71 = tpu.memref_slice %arg9[%arg0, %dma_start3A, %dma_start3A_70] : memref<2x10000x80xf32, #tpu.memory_space<hbm>> -> memref<1x10000x80xf32, #tpu.memory_space<hbm>>
        %dma_start3A_72 = tpu.memref_squeeze %dma_start3A_71 : memref<1x10000x80xf32, #tpu.memory_space<hbm>> -> memref<10000x80xf32, #tpu.memory_space<hbm>>
        %dma_start3A_73 = arith.constant 0 : i32
        %dma_start3A_74 = tpu.memref_slice %dma_start3A_72[%mul3A_69, %dma_start3A_73] : memref<10000x80xf32, #tpu.memory_space<hbm>> -> memref<200x80xf32, #tpu.memory_space<hbm>>
        %dma_start3A_75 = arith.constant 0 : i32
        %dma_start3A_76 = tpu.memref_slice %arg19[%mul3A_67, %dma_start3A_75] : memref<10000x80xf32, #tpu.memory_space<vmem_shared>> -> memref<200x80xf32, #tpu.memory_space<vmem_shared>>
        tpu.enqueue_dma source(%dma_start3A_76 : memref<200x80xf32, #tpu.memory_space<vmem_shared>>) target(%dma_start3A_74 : memref<200x80xf32, #tpu.memory_space<hbm>>) target_semaphore(%run_scoped3A : memref<!tpu.dma_semaphore, #tpu.memory_space<semaphore_mem>>)
        %dma_wait3A = arith.constant 0 : i32
        %dma_wait3A_77 = arith.constant 0 : i32
        %dma_wait3A_78 = tpu.memref_slice %arg9[%arg0, %dma_wait3A, %dma_wait3A_77] : memref<2x10000x80xf32, #tpu.memory_space<hbm>> -> memref<1x10000x80xf32, #tpu.memory_space<hbm>>
        %dma_wait3A_79 = tpu.memref_squeeze %dma_wait3A_78 : memref<1x10000x80xf32, #tpu.memory_space<hbm>> -> memref<10000x80xf32, #tpu.memory_space<hbm>>
        %dma_wait3A_80 = arith.constant 0 : i32
        %dma_wait3A_81 = tpu.memref_slice %dma_wait3A_79[%mul3A_69, %dma_wait3A_80] : memref<10000x80xf32, #tpu.memory_space<hbm>> -> memref<200x80xf32, #tpu.memory_space<hbm>>
        %dma_wait3A_82 = arith.constant 0 : i32
        %dma_wait3A_83 = tpu.memref_slice %arg19[%mul3A_67, %dma_wait3A_82] : memref<10000x80xf32, #tpu.memory_space<vmem_shared>> -> memref<200x80xf32, #tpu.memory_space<vmem_shared>>
        tpu.wait_dma2 semaphore(%run_scoped3A : memref<!tpu.dma_semaphore, #tpu.memory_space<semaphore_mem>>) src(%dma_wait3A_83 : memref<200x80xf32, #tpu.memory_space<vmem_shared>>) dst(%dma_wait3A_81 : memref<200x80xf32, #tpu.memory_space<hbm>>)
        tpu.yield
      }) : () -> ()
    }
    %while3A_57 = arith.constant 1 : i32
    scf.for %while3A_63 = %while3A_55 to %while3A_51 step %while3A_57  : i32 {
      %mul3A_64 = arith.muli %while3A_63, %while3A_48 : i32
      %add3A_65 = arith.addi %arg1, %mul3A_64 : i32
      %mul3A_66 = arith.constant 200 : i32
      %mul3A_67 = arith.muli %add3A_65, %mul3A_66 : i32
      %mul3A_68 = arith.constant 200 : i32
      %mul3A_69 = arith.muli %add3A_65, %mul3A_68 : i32
      "tpu.region"() ({
        %run_scoped3A = tpu.sem_alloc : memref<!tpu.dma_semaphore, #tpu.memory_space<semaphore_mem>>
        %dma_start3A = arith.constant 0 : i32
        %dma_start3A_70 = arith.constant 0 : i32
        %dma_start3A_71 = tpu.memref_slice %arg9[%arg0, %dma_start3A, %dma_start3A_70] : memref<2x10000x80xf32, #tpu.memory_space<hbm>> -> memref<1x10000x80xf32, #tpu.memory_space<hbm>>
        %dma_start3A_72 = tpu.memref_squeeze %dma_start3A_71 : memref<1x10000x80xf32, #tpu.memory_space<hbm>> -> memref<10000x80xf32, #tpu.memory_space<hbm>>
        %dma_start3A_73 = arith.constant 0 : i32
        %dma_start3A_74 = tpu.memref_slice %dma_start3A_72[%mul3A_69, %dma_start3A_73] : memref<10000x80xf32, #tpu.memory_space<hbm>> -> memref<200x80xf32, #tpu.memory_space<hbm>>
        %dma_start3A_75 = arith.constant 0 : i32
        %dma_start3A_76 = tpu.memref_slice %arg19[%mul3A_67, %dma_start3A_75] : memref<10000x80xf32, #tpu.memory_space<vmem_shared>> -> memref<200x80xf32, #tpu.memory_space<vmem_shared>>
        tpu.enqueue_dma source(%dma_start3A_76 : memref<200x80xf32, #tpu.memory_space<vmem_shared>>) target(%dma_start3A_74 : memref<200x80xf32, #tpu.memory_space<hbm>>) target_semaphore(%run_scoped3A : memref<!tpu.dma_semaphore, #tpu.memory_space<semaphore_mem>>)
        %dma_wait3A = arith.constant 0 : i32
        %dma_wait3A_77 = arith.constant 0 : i32
        %dma_wait3A_78 = tpu.memref_slice %arg9[%arg0, %dma_wait3A, %dma_wait3A_77] : memref<2x10000x80xf32, #tpu.memory_space<hbm>> -> memref<1x10000x80xf32, #tpu.memory_space<hbm>>
        %dma_wait3A_79 = tpu.memref_squeeze %dma_wait3A_78 : memref<1x10000x80xf32, #tpu.memory_space<hbm>> -> memref<10000x80xf32, #tpu.memory_space<hbm>>
        %dma_wait3A_80 = arith.constant 0 : i32
        %dma_wait3A_81 = tpu.memref_slice %dma_wait3A_79[%mul3A_69, %dma_wait3A_80] : memref<10000x80xf32, #tpu.memory_space<hbm>> -> memref<200x80xf32, #tpu.memory_space<hbm>>
        %dma_wait3A_82 = arith.constant 0 : i32
        %dma_wait3A_83 = tpu.memref_slice %arg19[%mul3A_67, %dma_wait3A_82] : memref<10000x80xf32, #tpu.memory_space<vmem_shared>> -> memref<200x80xf32, #tpu.memory_space<vmem_shared>>
        tpu.wait_dma2 semaphore(%run_scoped3A : memref<!tpu.dma_semaphore, #tpu.memory_space<semaphore_mem>>) src(%dma_wait3A_83 : memref<200x80xf32, #tpu.memory_space<vmem_shared>>) dst(%dma_wait3A_81 : memref<200x80xf32, #tpu.memory_space<hbm>>)
        tpu.yield
      }) : () -> ()
    }
    %eq3A_58 = arith.constant 0 : i32
    %eq3A_59 = arith.cmpi eq, %arg1, %eq3A_58 : i32
    %convert_element_type3A_60 = arith.extui %eq3A_59 : i1 to i32
    %cond3A_61 = arith.constant 0 : i32
    %cond3A_62 = arith.cmpi ne, %convert_element_type3A_60, %cond3A_61 : i32
    scf.if %cond3A_62 {
      "tpu.region"() ({
        %run_scoped3A = tpu.sem_alloc : memref<!tpu.dma_semaphore, #tpu.memory_space<semaphore_mem>>
        %dma_start3A = arith.constant 0 : i32
        %dma_start3A_63 = arith.constant 0 : i32
        %dma_start3A_64 = tpu.memref_slice %arg10[%arg0, %dma_start3A, %dma_start3A_63] : memref<2x16x80xf32, #tpu.memory_space<hbm>> -> memref<1x16x80xf32, #tpu.memory_space<hbm>>
        %dma_start3A_65 = tpu.memref_squeeze %dma_start3A_64 : memref<1x16x80xf32, #tpu.memory_space<hbm>> -> memref<16x80xf32, #tpu.memory_space<hbm>>
        tpu.enqueue_dma source(%arg20 : memref<16x80xf32, #tpu.memory_space<vmem_shared>>) target(%dma_start3A_65 : memref<16x80xf32, #tpu.memory_space<hbm>>) target_semaphore(%run_scoped3A : memref<!tpu.dma_semaphore, #tpu.memory_space<semaphore_mem>>)
        %dma_wait3A = arith.constant 0 : i32
        %dma_wait3A_66 = arith.constant 0 : i32
        %dma_wait3A_67 = tpu.memref_slice %arg10[%arg0, %dma_wait3A, %dma_wait3A_66] : memref<2x16x80xf32, #tpu.memory_space<hbm>> -> memref<1x16x80xf32, #tpu.memory_space<hbm>>
        %dma_wait3A_68 = tpu.memref_squeeze %dma_wait3A_67 : memref<1x16x80xf32, #tpu.memory_space<hbm>> -> memref<16x80xf32, #tpu.memory_space<hbm>>
        tpu.wait_dma2 semaphore(%run_scoped3A : memref<!tpu.dma_semaphore, #tpu.memory_space<semaphore_mem>>) src(%arg20 : memref<16x80xf32, #tpu.memory_space<vmem_shared>>) dst(%dma_wait3A_68 : memref<16x80xf32, #tpu.memory_space<hbm>>)
        tpu.yield
      }) : () -> ()
    } else {
    }
    return
  }
}

#map = affine_map<(d0, d1) -> (0, 0)>
#map1 = affine_map<(d0, d1) -> (0)>
#map2 = affine_map<(d0, d1) -> (0, 0, 0)>
module attributes {stable_mosaic.version = 14 : i64} {
  func.func @_edge_body(%arg0: i32, %arg1: i32, %arg2: memref<320000x64xf32, #tpu.memory_space<hbm>>, %arg3: memref<10000x64xf32, #tpu.memory_space<hbm>>, %arg4: memref<10000x64xf32, #tpu.memory_space<hbm>>, %arg5: memref<320000xi32, #tpu.memory_space<hbm>>, %arg6: memref<320000xi32, #tpu.memory_space<hbm>>, %arg7: memref<320000xi32, #tpu.memory_space<hbm>>, %arg8: memref<320000x64xf32, #tpu.memory_space<hbm>>, %arg9: memref<2x10000x80xf32, #tpu.memory_space<hbm>>, %arg10: memref<2x16x80xf32, #tpu.memory_space<hbm>>, %arg11: memref<200xi32, #tpu.memory_space<vmem>>, %arg12: memref<200xi32, #tpu.memory_space<vmem>>, %arg13: memref<200xi32, #tpu.memory_space<vmem>>, %arg14: memref<200x64xf32, #tpu.memory_space<vmem>>, %arg15: memref<200x64xf32, #tpu.memory_space<vmem>>, %arg16: memref<200x64xf32, #tpu.memory_space<vmem>>, %arg17: memref<200x80xf32, #tpu.memory_space<vmem>>, %arg18: memref<200x64xf32, #tpu.memory_space<vmem>>, %arg19: memref<10000x80xf32, #tpu.memory_space<vmem_shared>>, %arg20: memref<16x80xf32, #tpu.memory_space<vmem_shared>>, %arg21: memref<!tpu.dma_semaphore, #tpu.memory_space<semaphore_mem>>, %arg22: memref<!tpu.dma_semaphore, #tpu.memory_space<semaphore_mem>>, %arg23: memref<!tpu.dma_semaphore, #tpu.memory_space<semaphore_mem>>, %arg24: memref<!tpu.dma_semaphore, #tpu.memory_space<semaphore_mem>>, %arg25: memref<!tpu.dma_semaphore, #tpu.memory_space<semaphore_mem>>, %arg26: memref<!tpu.dma_semaphore, #tpu.memory_space<semaphore_mem>>) attributes {dimension_semantics = [#tpu.dimension_semantics<core_parallel>, #tpu.dimension_semantics<subcore_parallel>], iteration_bounds = array<i64: 2, 16>, scalar_prefetch = 0 : i64, scratch_operands = 16 : i64, tpu.core_type = #tpu.core_type<sc_vector_subcore>, window_params = [{transform_indices = #map}, {transform_indices = #map}, {transform_indices = #map}, {transform_indices = #map1}, {transform_indices = #map1}, {transform_indices = #map1}, {transform_indices = #map}, {transform_indices = #map2}, {transform_indices = #map2}]} {
    %mul3A = arith.constant 16 : i32
    %mul3A_0 = arith.muli %arg0, %mul3A : i32
    %add3A = arith.addi %mul3A_0, %arg1 : i32
    %broadcast_in_dim3A = arith.constant 0.000000e+00 : f32
    %broadcast_in_dim3A_1 = vector.broadcast %broadcast_in_dim3A : f32 to vector<16xf32>
    %scan3A = arith.constant 0 : i32
    %scan3A_2 = arith.constant 200 : i32
    %scan3A_3 = arith.addi %scan3A, %scan3A_2 : i32
    %scan3A_4 = arith.constant 1 : i32
    scf.for %scan3A_63 = %scan3A to %scan3A_3 step %scan3A_4  : i32 {
      %mul3A_64 = arith.constant 1 : i32
      %mul3A_65 = arith.muli %scan3A_63, %mul3A_64 : i32
      %add3A_66 = arith.constant 0 : i32
      %add3A_67 = arith.addi %add3A_66, %mul3A_65 : i32
      %swap3A = arith.index_cast %add3A_67 : i32 to index
      %swap3A_68 = arith.constant 0 : index
      %swap3A_69 = tpu.vector_load %arg17[%swap3A, %swap3A_68] {strides = array<i32>} : memref<200x80xf32, #tpu.memory_space<vmem>>, vector<1x16xf32>,
      %swap3A_70 = vector.shape_cast %swap3A_69 : vector<1x16xf32> to vector<16xf32>
      %swap3A_71 = vector.shape_cast %broadcast_in_dim3A_1 : vector<16xf32> to vector<1x16xf32>
      tpu.vector_store %arg17[%swap3A, %swap3A_68], %swap3A_71 {strides = array<i32>} : memref<200x80xf32, #tpu.memory_space<vmem>>, vector<1x16xf32>,
      %swap3A_72 = arith.index_cast %add3A_67 : i32 to index
      %swap3A_73 = arith.constant 16 : index
      %swap3A_74 = tpu.vector_load %arg17[%swap3A_72, %swap3A_73] {strides = array<i32>} : memref<200x80xf32, #tpu.memory_space<vmem>>, vector<1x16xf32>,
      %swap3A_75 = vector.shape_cast %swap3A_74 : vector<1x16xf32> to vector<16xf32>
      %swap3A_76 = vector.shape_cast %broadcast_in_dim3A_1 : vector<16xf32> to vector<1x16xf32>
      tpu.vector_store %arg17[%swap3A_72, %swap3A_73], %swap3A_76 {strides = array<i32>} : memref<200x80xf32, #tpu.memory_space<vmem>>, vector<1x16xf32>,
      %swap3A_77 = arith.index_cast %add3A_67 : i32 to index
      %swap3A_78 = arith.constant 32 : index
      %swap3A_79 = tpu.vector_load %arg17[%swap3A_77, %swap3A_78] {strides = array<i32>} : memref<200x80xf32, #tpu.memory_space<vmem>>, vector<1x16xf32>,
      %swap3A_80 = vector.shape_cast %swap3A_79 : vector<1x16xf32> to vector<16xf32>
      %swap3A_81 = vector.shape_cast %broadcast_in_dim3A_1 : vector<16xf32> to vector<1x16xf32>
      tpu.vector_store %arg17[%swap3A_77, %swap3A_78], %swap3A_81 {strides = array<i32>} : memref<200x80xf32, #tpu.memory_space<vmem>>, vector<1x16xf32>,
      %swap3A_82 = arith.index_cast %add3A_67 : i32 to index
      %swap3A_83 = arith.constant 48 : index
      %swap3A_84 = tpu.vector_load %arg17[%swap3A_82, %swap3A_83] {strides = array<i32>} : memref<200x80xf32, #tpu.memory_space<vmem>>, vector<1x16xf32>,
      %swap3A_85 = vector.shape_cast %swap3A_84 : vector<1x16xf32> to vector<16xf32>
      %swap3A_86 = vector.shape_cast %broadcast_in_dim3A_1 : vector<16xf32> to vector<1x16xf32>
      tpu.vector_store %arg17[%swap3A_82, %swap3A_83], %swap3A_86 {strides = array<i32>} : memref<200x80xf32, #tpu.memory_space<vmem>>, vector<1x16xf32>,
      %swap3A_87 = arith.index_cast %add3A_67 : i32 to index
      %swap3A_88 = arith.constant 64 : index
      %swap3A_89 = tpu.vector_load %arg17[%swap3A_87, %swap3A_88] {strides = array<i32>} : memref<200x80xf32, #tpu.memory_space<vmem>>, vector<1x16xf32>,
      %swap3A_90 = vector.shape_cast %swap3A_89 : vector<1x16xf32> to vector<16xf32>
      %swap3A_91 = vector.shape_cast %broadcast_in_dim3A_1 : vector<16xf32> to vector<1x16xf32>
      tpu.vector_store %arg17[%swap3A_87, %swap3A_88], %swap3A_91 {strides = array<i32>} : memref<200x80xf32, #tpu.memory_space<vmem>>, vector<1x16xf32>,
    }
    %scan3A_5 = arith.constant 200 : i32
    %sub3A = arith.constant 50 : i32
    %sub3A_6 = arith.subi %sub3A, %arg1 : i32
    %sub3A_7 = arith.constant 16 : i32
    %sub3A_8 = arith.constant 1 : i32
    %sub3A_9 = arith.subi %sub3A_7, %sub3A_8 : i32
    %add3A_10 = arith.addi %sub3A_6, %sub3A_9 : i32
    %div3A = arith.constant 16 : i32
    %div3A_11 = arith.divsi %add3A_10, %div3A : i32
    %while3A = arith.constant 16 : i32
    %while3A_12 = arith.constant 0 : i32
    %while3A_13 = arith.subi %div3A_11, %while3A_12 : i32
    %while3A_14 = arith.addi %while3A_12, %while3A_13 : i32
    %while3A_15 = arith.constant 1 : i32
    %while3A_16 = arith.divsi %while3A_13, %while3A_15 : i32
    %while3A_17 = arith.muli %while3A_16, %while3A_15 : i32
    %while3A_18 = arith.addi %while3A_12, %while3A_17 : i32
    %while3A_19 = arith.constant 1 : i32
    scf.for %while3A_63 = %while3A_12 to %while3A_18 step %while3A_19  : i32 {
      %mul3A_64 = arith.muli %while3A_63, %while3A : i32
      %add3A_65 = arith.addi %arg1, %mul3A_64 : i32
      %mul3A_66 = arith.constant 200 : i32
      %mul3A_67 = arith.muli %add3A_65, %mul3A_66 : i32
      "tpu.region"() ({
        %run_scoped3A = tpu.sem_alloc : memref<!tpu.dma_semaphore, #tpu.memory_space<semaphore_mem>>
        %dma_start3A = arith.constant 0 : i32
        %dma_start3A_68 = tpu.memref_slice %arg19[%mul3A_67, %dma_start3A] : memref<10000x80xf32, #tpu.memory_space<vmem_shared>> -> memref<200x80xf32, #tpu.memory_space<vmem_shared>>
        %dma_start3A_69 = arith.constant 0 : i32
        %dma_start3A_70 = tpu.memref_slice %arg19[%mul3A_67, %dma_start3A_69] : memref<10000x80xf32, #tpu.memory_space<vmem_shared>> -> memref<200x80xf32, #tpu.memory_space<vmem_shared>>
        tpu.enqueue_dma source(%arg17 : memref<200x80xf32, #tpu.memory_space<vmem>>) target(%dma_start3A_70 : memref<200x80xf32, #tpu.memory_space<vmem_shared>>) target_semaphore(%run_scoped3A : memref<!tpu.dma_semaphore, #tpu.memory_space<semaphore_mem>>)
        %dma_wait3A = arith.constant 0 : i32
        %dma_wait3A_71 = tpu.memref_slice %arg19[%mul3A_67, %dma_wait3A] : memref<10000x80xf32, #tpu.memory_space<vmem_shared>> -> memref<200x80xf32, #tpu.memory_space<vmem_shared>>
        %dma_wait3A_72 = arith.constant 0 : i32
        %dma_wait3A_73 = tpu.memref_slice %arg19[%mul3A_67, %dma_wait3A_72] : memref<10000x80xf32, #tpu.memory_space<vmem_shared>> -> memref<200x80xf32, #tpu.memory_space<vmem_shared>>
        tpu.wait_dma2 semaphore(%run_scoped3A : memref<!tpu.dma_semaphore, #tpu.memory_space<semaphore_mem>>) src(%arg17 : memref<200x80xf32, #tpu.memory_space<vmem>>) dst(%dma_wait3A_73 : memref<200x80xf32, #tpu.memory_space<vmem_shared>>)
        tpu.yield
      }) : () -> ()
    }
    %while3A_20 = arith.constant 1 : i32
    scf.for %while3A_63 = %while3A_18 to %while3A_14 step %while3A_20  : i32 {
      %mul3A_64 = arith.muli %while3A_63, %while3A : i32
      %add3A_65 = arith.addi %arg1, %mul3A_64 : i32
      %mul3A_66 = arith.constant 200 : i32
      %mul3A_67 = arith.muli %add3A_65, %mul3A_66 : i32
      "tpu.region"() ({
        %run_scoped3A = tpu.sem_alloc : memref<!tpu.dma_semaphore, #tpu.memory_space<semaphore_mem>>
        %dma_start3A = arith.constant 0 : i32
        %dma_start3A_68 = tpu.memref_slice %arg19[%mul3A_67, %dma_start3A] : memref<10000x80xf32, #tpu.memory_space<vmem_shared>> -> memref<200x80xf32, #tpu.memory_space<vmem_shared>>
        %dma_start3A_69 = arith.constant 0 : i32
        %dma_start3A_70 = tpu.memref_slice %arg19[%mul3A_67, %dma_start3A_69] : memref<10000x80xf32, #tpu.memory_space<vmem_shared>> -> memref<200x80xf32, #tpu.memory_space<vmem_shared>>
        tpu.enqueue_dma source(%arg17 : memref<200x80xf32, #tpu.memory_space<vmem>>) target(%dma_start3A_70 : memref<200x80xf32, #tpu.memory_space<vmem_shared>>) target_semaphore(%run_scoped3A : memref<!tpu.dma_semaphore, #tpu.memory_space<semaphore_mem>>)
        %dma_wait3A = arith.constant 0 : i32
        %dma_wait3A_71 = tpu.memref_slice %arg19[%mul3A_67, %dma_wait3A] : memref<10000x80xf32, #tpu.memory_space<vmem_shared>> -> memref<200x80xf32, #tpu.memory_space<vmem_shared>>
        %dma_wait3A_72 = arith.constant 0 : i32
        %dma_wait3A_73 = tpu.memref_slice %arg19[%mul3A_67, %dma_wait3A_72] : memref<10000x80xf32, #tpu.memory_space<vmem_shared>> -> memref<200x80xf32, #tpu.memory_space<vmem_shared>>
        tpu.wait_dma2 semaphore(%run_scoped3A : memref<!tpu.dma_semaphore, #tpu.memory_space<semaphore_mem>>) src(%arg17 : memref<200x80xf32, #tpu.memory_space<vmem>>) dst(%dma_wait3A_73 : memref<200x80xf32, #tpu.memory_space<vmem_shared>>)
        tpu.yield
      }) : () -> ()
    }
    %eq3A = arith.constant 0 : i32
    %eq3A_21 = arith.cmpi eq, %arg1, %eq3A : i32
    %convert_element_type3A = arith.extui %eq3A_21 : i1 to i32
    %cond3A = arith.constant 0 : i32
    %cond3A_22 = arith.cmpi ne, %convert_element_type3A, %cond3A : i32
    scf.if %cond3A_22 {
      "tpu.region"() ({
        %run_scoped3A = tpu.sem_alloc : memref<!tpu.dma_semaphore, #tpu.memory_space<semaphore_mem>>
        %dma_start3A = arith.constant 0 : i32
        %dma_start3A_63 = arith.constant 0 : i32
        %dma_start3A_64 = tpu.memref_slice %arg17[%dma_start3A, %dma_start3A_63] : memref<200x80xf32, #tpu.memory_space<vmem>> -> memref<16x80xf32, #tpu.memory_space<vmem>>
        %dma_start3A_65 = arith.constant 0 : i32
        %dma_start3A_66 = arith.constant 0 : i32
        %dma_start3A_67 = tpu.memref_slice %arg17[%dma_start3A_65, %dma_start3A_66] : memref<200x80xf32, #tpu.memory_space<vmem>> -> memref<16x80xf32, #tpu.memory_space<vmem>>
        tpu.enqueue_dma source(%dma_start3A_67 : memref<16x80xf32, #tpu.memory_space<vmem>>) target(%arg20 : memref<16x80xf32, #tpu.memory_space<vmem_shared>>) target_semaphore(%run_scoped3A : memref<!tpu.dma_semaphore, #tpu.memory_space<semaphore_mem>>)
        %dma_wait3A = arith.constant 0 : i32
        %dma_wait3A_68 = arith.constant 0 : i32
        %dma_wait3A_69 = tpu.memref_slice %arg17[%dma_wait3A, %dma_wait3A_68] : memref<200x80xf32, #tpu.memory_space<vmem>> -> memref<16x80xf32, #tpu.memory_space<vmem>>
        %dma_wait3A_70 = arith.constant 0 : i32
        %dma_wait3A_71 = arith.constant 0 : i32
        %dma_wait3A_72 = tpu.memref_slice %arg17[%dma_wait3A_70, %dma_wait3A_71] : memref<200x80xf32, #tpu.memory_space<vmem>> -> memref<16x80xf32, #tpu.memory_space<vmem>>
        tpu.wait_dma2 semaphore(%run_scoped3A : memref<!tpu.dma_semaphore, #tpu.memory_space<semaphore_mem>>) src(%dma_wait3A_72 : memref<16x80xf32, #tpu.memory_space<vmem>>) dst(%arg20 : memref<16x80xf32, #tpu.memory_space<vmem_shared>>)
        tpu.yield
      }) : () -> ()
    } else {
    }
    %iota3A = tpu.iota {dimensions = array<i32: 0>} : vector<16xi32>
    %eq3A_23 = arith.constant 0 : i32
    %eq3A_24 = vector.broadcast %eq3A_23 : i32 to vector<16xi32>
    %eq3A_25 = arith.cmpi eq, %iota3A, %eq3A_24 : vector<16xi32>
    %jit3A = arith.constant 1.000000e+00 : f32
    %jit3A_26 = arith.constant 0.000000e+00 : f32
    %broadcast_in_dim3A_27 = vector.broadcast %jit3A : f32 to vector<16xf32>
    %broadcast_in_dim3A_28 = vector.broadcast %jit3A_26 : f32 to vector<16xf32>
    %select_n3A = arith.select %eq3A_25, %broadcast_in_dim3A_27, %broadcast_in_dim3A_28 : vector<16xi1>, vector<16xf32>
    %scan3A_29 = arith.constant 0 : i32
    %scan3A_30 = arith.constant 200 : i32
    %scan3A_31 = arith.addi %scan3A_29, %scan3A_30 : i32
    %scan3A_32 = arith.constant 1 : i32
    scf.for %scan3A_63 = %scan3A_29 to %scan3A_31 step %scan3A_32  : i32 {
      %mul3A_64 = arith.constant 1 : i32
      %mul3A_65 = arith.muli %scan3A_63, %mul3A_64 : i32
      %add3A_66 = arith.constant 0 : i32
      %add3A_67 = arith.addi %add3A_66, %mul3A_65 : i32
      %swap3A = arith.index_cast %add3A_67 : i32 to index
      %swap3A_68 = arith.constant 64 : index
      %swap3A_69 = tpu.vector_load %arg17[%swap3A, %swap3A_68] {strides = array<i32>} : memref<200x80xf32, #tpu.memory_space<vmem>>, vector<1x16xf32>,
      %swap3A_70 = vector.shape_cast %swap3A_69 : vector<1x16xf32> to vector<16xf32>
      %swap3A_71 = vector.shape_cast %select_n3A : vector<16xf32> to vector<1x16xf32>
      tpu.vector_store %arg17[%swap3A, %swap3A_68], %swap3A_71 {strides = array<i32>} : memref<200x80xf32, #tpu.memory_space<vmem>>, vector<1x16xf32>,
    }
    %scan3A_33 = arith.constant 200 : i32
    %barrier3A = arith.constant 0 : index
    tpu.barrier barrier_id(%barrier3A)
    %scan3A_34 = arith.constant 0 : i32
    %scan3A_35 = arith.constant 50 : i32
    %scan3A_36 = arith.addi %scan3A_34, %scan3A_35 : i32
    %scan3A_37 = arith.constant 1 : i32
    scf.for %scan3A_63 = %scan3A_34 to %scan3A_36 step %scan3A_37  : i32 {
      %mul3A_64 = arith.constant 1 : i32
      %mul3A_65 = arith.muli %scan3A_63, %mul3A_64 : i32
      %add3A_66 = arith.constant 0 : i32
      %add3A_67 = arith.addi %add3A_66, %mul3A_65 : i32
      %mul3A_68 = arith.constant 10000 : i32
      %mul3A_69 = arith.muli %add3A, %mul3A_68 : i32
      %mul3A_70 = arith.constant 200 : i32
      %mul3A_71 = arith.muli %add3A_67, %mul3A_70 : i32
      %add3A_72 = arith.addi %mul3A_69, %mul3A_71 : i32
      "tpu.region"() ({
        %run_scoped3A = tpu.sem_alloc : memref<!tpu.dma_semaphore, #tpu.memory_space<semaphore_mem>>
        %dma_start3A_116 = tpu.memref_slice %arg5[%add3A_72] : memref<320000xi32, #tpu.memory_space<hbm>> -> memref<200xi32, #tpu.memory_space<hbm>>
        %dma_start3A_117 = tpu.memref_slice %arg5[%add3A_72] : memref<320000xi32, #tpu.memory_space<hbm>> -> memref<200xi32, #tpu.memory_space<hbm>>
        tpu.enqueue_dma source(%dma_start3A_117 : memref<200xi32, #tpu.memory_space<hbm>>) target(%arg11 : memref<200xi32, #tpu.memory_space<vmem>>) target_semaphore(%run_scoped3A : memref<!tpu.dma_semaphore, #tpu.memory_space<semaphore_mem>>)
        %dma_wait3A_118 = tpu.memref_slice %arg5[%add3A_72] : memref<320000xi32, #tpu.memory_space<hbm>> -> memref<200xi32, #tpu.memory_space<hbm>>
        %dma_wait3A_119 = tpu.memref_slice %arg5[%add3A_72] : memref<320000xi32, #tpu.memory_space<hbm>> -> memref<200xi32, #tpu.memory_space<hbm>>
        tpu.wait_dma2 semaphore(%run_scoped3A : memref<!tpu.dma_semaphore, #tpu.memory_space<semaphore_mem>>) src(%dma_wait3A_119 : memref<200xi32, #tpu.memory_space<hbm>>) dst(%arg11 : memref<200xi32, #tpu.memory_space<vmem>>)
        tpu.yield
      }) : () -> ()
      "tpu.region"() ({
        %run_scoped3A = tpu.sem_alloc : memref<!tpu.dma_semaphore, #tpu.memory_space<semaphore_mem>>
        %dma_start3A_116 = tpu.memref_slice %arg6[%add3A_72] : memref<320000xi32, #tpu.memory_space<hbm>> -> memref<200xi32, #tpu.memory_space<hbm>>
        %dma_start3A_117 = tpu.memref_slice %arg6[%add3A_72] : memref<320000xi32, #tpu.memory_space<hbm>> -> memref<200xi32, #tpu.memory_space<hbm>>
        tpu.enqueue_dma source(%dma_start3A_117 : memref<200xi32, #tpu.memory_space<hbm>>) target(%arg12 : memref<200xi32, #tpu.memory_space<vmem>>) target_semaphore(%run_scoped3A : memref<!tpu.dma_semaphore, #tpu.memory_space<semaphore_mem>>)
        %dma_wait3A_118 = tpu.memref_slice %arg6[%add3A_72] : memref<320000xi32, #tpu.memory_space<hbm>> -> memref<200xi32, #tpu.memory_space<hbm>>
        %dma_wait3A_119 = tpu.memref_slice %arg6[%add3A_72] : memref<320000xi32, #tpu.memory_space<hbm>> -> memref<200xi32, #tpu.memory_space<hbm>>
        tpu.wait_dma2 semaphore(%run_scoped3A : memref<!tpu.dma_semaphore, #tpu.memory_space<semaphore_mem>>) src(%dma_wait3A_119 : memref<200xi32, #tpu.memory_space<hbm>>) dst(%arg12 : memref<200xi32, #tpu.memory_space<vmem>>)
        tpu.yield
      }) : () -> ()
      "tpu.region"() ({
        %run_scoped3A = tpu.sem_alloc : memref<!tpu.dma_semaphore, #tpu.memory_space<semaphore_mem>>
        %dma_start3A_116 = tpu.memref_slice %arg7[%add3A_72] : memref<320000xi32, #tpu.memory_space<hbm>> -> memref<200xi32, #tpu.memory_space<hbm>>
        %dma_start3A_117 = tpu.memref_slice %arg7[%add3A_72] : memref<320000xi32, #tpu.memory_space<hbm>> -> memref<200xi32, #tpu.memory_space<hbm>>
        tpu.enqueue_dma source(%dma_start3A_117 : memref<200xi32, #tpu.memory_space<hbm>>) target(%arg13 : memref<200xi32, #tpu.memory_space<vmem>>) target_semaphore(%run_scoped3A : memref<!tpu.dma_semaphore, #tpu.memory_space<semaphore_mem>>)
        %dma_wait3A_118 = tpu.memref_slice %arg7[%add3A_72] : memref<320000xi32, #tpu.memory_space<hbm>> -> memref<200xi32, #tpu.memory_space<hbm>>
        %dma_wait3A_119 = tpu.memref_slice %arg7[%add3A_72] : memref<320000xi32, #tpu.memory_space<hbm>> -> memref<200xi32, #tpu.memory_space<hbm>>
        tpu.wait_dma2 semaphore(%run_scoped3A : memref<!tpu.dma_semaphore, #tpu.memory_space<semaphore_mem>>) src(%dma_wait3A_119 : memref<200xi32, #tpu.memory_space<hbm>>) dst(%arg13 : memref<200xi32, #tpu.memory_space<vmem>>)
        tpu.yield
      }) : () -> ()
      %dma_start3A = arith.constant 0 : i32
      %dma_start3A_73 = arith.constant 0 : i32
      %dma_start3A_74 = tpu.memref_slice %arg3[%dma_start3A, %dma_start3A_73] : memref<10000x64xf32, #tpu.memory_space<hbm>> -> memref<10000x64xf32, #tpu.memory_space<hbm>>
      tpu.enqueue_indirect_dma source(%dma_start3A_74 : memref<10000x64xf32, #tpu.memory_space<hbm>>) target(%arg14 : memref<200x64xf32, #tpu.memory_space<vmem>>) offsets(%arg11 : memref<200xi32, #tpu.memory_space<vmem>>) semaphore(%arg21 : memref<!tpu.dma_semaphore, #tpu.memory_space<semaphore_mem>>)
      %dma_start3A_75 = arith.constant 0 : i32
      %dma_start3A_76 = arith.constant 0 : i32
      %dma_start3A_77 = tpu.memref_slice %arg4[%dma_start3A_75, %dma_start3A_76] : memref<10000x64xf32, #tpu.memory_space<hbm>> -> memref<10000x64xf32, #tpu.memory_space<hbm>>
      tpu.enqueue_indirect_dma source(%dma_start3A_77 : memref<10000x64xf32, #tpu.memory_space<hbm>>) target(%arg15 : memref<200x64xf32, #tpu.memory_space<vmem>>) offsets(%arg12 : memref<200xi32, #tpu.memory_space<vmem>>) semaphore(%arg22 : memref<!tpu.dma_semaphore, #tpu.memory_space<semaphore_mem>>)
      %dma_start3A_78 = arith.constant 0 : i32
      %dma_start3A_79 = tpu.memref_slice %arg2[%add3A_72, %dma_start3A_78] : memref<320000x64xf32, #tpu.memory_space<hbm>> -> memref<200x64xf32, #tpu.memory_space<hbm>>
      %dma_start3A_80 = arith.constant 0 : i32
      %dma_start3A_81 = tpu.memref_slice %arg2[%add3A_72, %dma_start3A_80] : memref<320000x64xf32, #tpu.memory_space<hbm>> -> memref<200x64xf32, #tpu.memory_space<hbm>>
      tpu.enqueue_dma source(%dma_start3A_81 : memref<200x64xf32, #tpu.memory_space<hbm>>) target(%arg16 : memref<200x64xf32, #tpu.memory_space<vmem>>) target_semaphore(%arg23 : memref<!tpu.dma_semaphore, #tpu.memory_space<semaphore_mem>>)
      %dma_wait3A = arith.constant 0 : i32
      %dma_wait3A_82 = arith.constant 0 : i32
      %dma_wait3A_83 = tpu.memref_slice %arg3[%dma_wait3A, %dma_wait3A_82] : memref<10000x64xf32, #tpu.memory_space<hbm>> -> memref<10000x64xf32, #tpu.memory_space<hbm>>
      tpu.wait_indirect_dma semaphore(%arg21 : memref<!tpu.dma_semaphore, #tpu.memory_space<semaphore_mem>>) src(%dma_wait3A_83 : memref<10000x64xf32, #tpu.memory_space<hbm>>) dst(%arg14 : memref<200x64xf32, #tpu.memory_space<vmem>>)
      %dma_wait3A_84 = arith.constant 0 : i32
      %dma_wait3A_85 = arith.constant 0 : i32
      %dma_wait3A_86 = tpu.memref_slice %arg4[%dma_wait3A_84, %dma_wait3A_85] : memref<10000x64xf32, #tpu.memory_space<hbm>> -> memref<10000x64xf32, #tpu.memory_space<hbm>>
      tpu.wait_indirect_dma semaphore(%arg22 : memref<!tpu.dma_semaphore, #tpu.memory_space<semaphore_mem>>) src(%dma_wait3A_86 : memref<10000x64xf32, #tpu.memory_space<hbm>>) dst(%arg15 : memref<200x64xf32, #tpu.memory_space<vmem>>)
      %dma_wait3A_87 = arith.constant 0 : i32
      %dma_wait3A_88 = tpu.memref_slice %arg2[%add3A_72, %dma_wait3A_87] : memref<320000x64xf32, #tpu.memory_space<hbm>> -> memref<200x64xf32, #tpu.memory_space<hbm>>
      %dma_wait3A_89 = arith.constant 0 : i32
      %dma_wait3A_90 = tpu.memref_slice %arg2[%add3A_72, %dma_wait3A_89] : memref<320000x64xf32, #tpu.memory_space<hbm>> -> memref<200x64xf32, #tpu.memory_space<hbm>>
      tpu.wait_dma2 semaphore(%arg23 : memref<!tpu.dma_semaphore, #tpu.memory_space<semaphore_mem>>) src(%dma_wait3A_90 : memref<200x64xf32, #tpu.memory_space<hbm>>) dst(%arg16 : memref<200x64xf32, #tpu.memory_space<vmem>>)
      %scan3A_91 = arith.constant 0 : i32
      %scan3A_92 = arith.constant 200 : i32
      %scan3A_93 = arith.addi %scan3A_91, %scan3A_92 : i32
      %scan3A_94 = arith.constant 1 : i32
      scf.for %scan3A_116 = %scan3A_91 to %scan3A_93 step %scan3A_94  : i32 {
        %mul3A_117 = arith.constant 1 : i32
        %mul3A_118 = arith.muli %scan3A_116, %mul3A_117 : i32
        %add3A_119 = arith.constant 0 : i32
        %add3A_120 = arith.addi %add3A_119, %mul3A_118 : i32
        %get3A = arith.index_cast %add3A_120 : i32 to index
        %get3A_121 = arith.constant 0 : index
        %get3A_122 = tpu.vector_load %arg16[%get3A, %get3A_121] {strides = array<i32>} : memref<200x64xf32, #tpu.memory_space<vmem>>, vector<1x16xf32>,
        %get3A_123 = vector.shape_cast %get3A_122 : vector<1x16xf32> to vector<16xf32>
        %get3A_124 = arith.index_cast %add3A_120 : i32 to index
        %get3A_125 = arith.constant 0 : index
        %get3A_126 = tpu.vector_load %arg14[%get3A_124, %get3A_125] {strides = array<i32>} : memref<200x64xf32, #tpu.memory_space<vmem>>, vector<1x16xf32>,
        %get3A_127 = vector.shape_cast %get3A_126 : vector<1x16xf32> to vector<16xf32>
        %add3A_128 = arith.addf %get3A_123, %get3A_127 : vector<16xf32>
        %get3A_129 = arith.index_cast %add3A_120 : i32 to index
        %get3A_130 = arith.constant 0 : index
        %get3A_131 = tpu.vector_load %arg15[%get3A_129, %get3A_130] {strides = array<i32>} : memref<200x64xf32, #tpu.memory_space<vmem>>, vector<1x16xf32>,
        %get3A_132 = vector.shape_cast %get3A_131 : vector<1x16xf32> to vector<16xf32>
        %add3A_133 = arith.addf %add3A_128, %get3A_132 : vector<16xf32>
        %max3A = arith.constant 0.000000e+00 : f32
        %max3A_134 = vector.broadcast %max3A : f32 to vector<16xf32>
        %max3A_135 = arith.maximumf %add3A_133, %max3A_134 : vector<16xf32>
        %swap3A = arith.index_cast %add3A_120 : i32 to index
        %swap3A_136 = arith.constant 0 : index
        %swap3A_137 = tpu.vector_load %arg17[%swap3A, %swap3A_136] {strides = array<i32>} : memref<200x80xf32, #tpu.memory_space<vmem>>, vector<1x16xf32>,
        %swap3A_138 = vector.shape_cast %swap3A_137 : vector<1x16xf32> to vector<16xf32>
        %swap3A_139 = vector.shape_cast %max3A_135 : vector<16xf32> to vector<1x16xf32>
        tpu.vector_store %arg17[%swap3A, %swap3A_136], %swap3A_139 {strides = array<i32>} : memref<200x80xf32, #tpu.memory_space<vmem>>, vector<1x16xf32>,
        %swap3A_140 = arith.index_cast %add3A_120 : i32 to index
        %swap3A_141 = arith.constant 0 : index
        %swap3A_142 = tpu.vector_load %arg18[%swap3A_140, %swap3A_141] {strides = array<i32>} : memref<200x64xf32, #tpu.memory_space<vmem>>, vector<1x16xf32>,
        %swap3A_143 = vector.shape_cast %swap3A_142 : vector<1x16xf32> to vector<16xf32>
        %swap3A_144 = vector.shape_cast %max3A_135 : vector<16xf32> to vector<1x16xf32>
        tpu.vector_store %arg18[%swap3A_140, %swap3A_141], %swap3A_144 {strides = array<i32>} : memref<200x64xf32, #tpu.memory_space<vmem>>, vector<1x16xf32>,
        %get3A_145 = arith.index_cast %add3A_120 : i32 to index
        %get3A_146 = arith.constant 16 : index
        %get3A_147 = tpu.vector_load %arg16[%get3A_145, %get3A_146] {strides = array<i32>} : memref<200x64xf32, #tpu.memory_space<vmem>>, vector<1x16xf32>,
        %get3A_148 = vector.shape_cast %get3A_147 : vector<1x16xf32> to vector<16xf32>
        %get3A_149 = arith.index_cast %add3A_120 : i32 to index
        %get3A_150 = arith.constant 16 : index
        %get3A_151 = tpu.vector_load %arg14[%get3A_149, %get3A_150] {strides = array<i32>} : memref<200x64xf32, #tpu.memory_space<vmem>>, vector<1x16xf32>,
        %get3A_152 = vector.shape_cast %get3A_151 : vector<1x16xf32> to vector<16xf32>
        %add3A_153 = arith.addf %get3A_148, %get3A_152 : vector<16xf32>
        %get3A_154 = arith.index_cast %add3A_120 : i32 to index
        %get3A_155 = arith.constant 16 : index
        %get3A_156 = tpu.vector_load %arg15[%get3A_154, %get3A_155] {strides = array<i32>} : memref<200x64xf32, #tpu.memory_space<vmem>>, vector<1x16xf32>,
        %get3A_157 = vector.shape_cast %get3A_156 : vector<1x16xf32> to vector<16xf32>
        %add3A_158 = arith.addf %add3A_153, %get3A_157 : vector<16xf32>
        %max3A_159 = arith.constant 0.000000e+00 : f32
        %max3A_160 = vector.broadcast %max3A_159 : f32 to vector<16xf32>
        %max3A_161 = arith.maximumf %add3A_158, %max3A_160 : vector<16xf32>
        %swap3A_162 = arith.index_cast %add3A_120 : i32 to index
        %swap3A_163 = arith.constant 16 : index
        %swap3A_164 = tpu.vector_load %arg17[%swap3A_162, %swap3A_163] {strides = array<i32>} : memref<200x80xf32, #tpu.memory_space<vmem>>, vector<1x16xf32>,
        %swap3A_165 = vector.shape_cast %swap3A_164 : vector<1x16xf32> to vector<16xf32>
        %swap3A_166 = vector.shape_cast %max3A_161 : vector<16xf32> to vector<1x16xf32>
        tpu.vector_store %arg17[%swap3A_162, %swap3A_163], %swap3A_166 {strides = array<i32>} : memref<200x80xf32, #tpu.memory_space<vmem>>, vector<1x16xf32>,
        %swap3A_167 = arith.index_cast %add3A_120 : i32 to index
        %swap3A_168 = arith.constant 16 : index
        %swap3A_169 = tpu.vector_load %arg18[%swap3A_167, %swap3A_168] {strides = array<i32>} : memref<200x64xf32, #tpu.memory_space<vmem>>, vector<1x16xf32>,
        %swap3A_170 = vector.shape_cast %swap3A_169 : vector<1x16xf32> to vector<16xf32>
        %swap3A_171 = vector.shape_cast %max3A_161 : vector<16xf32> to vector<1x16xf32>
        tpu.vector_store %arg18[%swap3A_167, %swap3A_168], %swap3A_171 {strides = array<i32>} : memref<200x64xf32, #tpu.memory_space<vmem>>, vector<1x16xf32>,
        %get3A_172 = arith.index_cast %add3A_120 : i32 to index
        %get3A_173 = arith.constant 32 : index
        %get3A_174 = tpu.vector_load %arg16[%get3A_172, %get3A_173] {strides = array<i32>} : memref<200x64xf32, #tpu.memory_space<vmem>>, vector<1x16xf32>,
        %get3A_175 = vector.shape_cast %get3A_174 : vector<1x16xf32> to vector<16xf32>
        %get3A_176 = arith.index_cast %add3A_120 : i32 to index
        %get3A_177 = arith.constant 32 : index
        %get3A_178 = tpu.vector_load %arg14[%get3A_176, %get3A_177] {strides = array<i32>} : memref<200x64xf32, #tpu.memory_space<vmem>>, vector<1x16xf32>,
        %get3A_179 = vector.shape_cast %get3A_178 : vector<1x16xf32> to vector<16xf32>
        %add3A_180 = arith.addf %get3A_175, %get3A_179 : vector<16xf32>
        %get3A_181 = arith.index_cast %add3A_120 : i32 to index
        %get3A_182 = arith.constant 32 : index
        %get3A_183 = tpu.vector_load %arg15[%get3A_181, %get3A_182] {strides = array<i32>} : memref<200x64xf32, #tpu.memory_space<vmem>>, vector<1x16xf32>,
        %get3A_184 = vector.shape_cast %get3A_183 : vector<1x16xf32> to vector<16xf32>
        %add3A_185 = arith.addf %add3A_180, %get3A_184 : vector<16xf32>
        %max3A_186 = arith.constant 0.000000e+00 : f32
        %max3A_187 = vector.broadcast %max3A_186 : f32 to vector<16xf32>
        %max3A_188 = arith.maximumf %add3A_185, %max3A_187 : vector<16xf32>
        %swap3A_189 = arith.index_cast %add3A_120 : i32 to index
        %swap3A_190 = arith.constant 32 : index
        %swap3A_191 = tpu.vector_load %arg17[%swap3A_189, %swap3A_190] {strides = array<i32>} : memref<200x80xf32, #tpu.memory_space<vmem>>, vector<1x16xf32>,
        %swap3A_192 = vector.shape_cast %swap3A_191 : vector<1x16xf32> to vector<16xf32>
        %swap3A_193 = vector.shape_cast %max3A_188 : vector<16xf32> to vector<1x16xf32>
        tpu.vector_store %arg17[%swap3A_189, %swap3A_190], %swap3A_193 {strides = array<i32>} : memref<200x80xf32, #tpu.memory_space<vmem>>, vector<1x16xf32>,
        %swap3A_194 = arith.index_cast %add3A_120 : i32 to index
        %swap3A_195 = arith.constant 32 : index
        %swap3A_196 = tpu.vector_load %arg18[%swap3A_194, %swap3A_195] {strides = array<i32>} : memref<200x64xf32, #tpu.memory_space<vmem>>, vector<1x16xf32>,
        %swap3A_197 = vector.shape_cast %swap3A_196 : vector<1x16xf32> to vector<16xf32>
        %swap3A_198 = vector.shape_cast %max3A_188 : vector<16xf32> to vector<1x16xf32>
        tpu.vector_store %arg18[%swap3A_194, %swap3A_195], %swap3A_198 {strides = array<i32>} : memref<200x64xf32, #tpu.memory_space<vmem>>, vector<1x16xf32>,
        %get3A_199 = arith.index_cast %add3A_120 : i32 to index
        %get3A_200 = arith.constant 48 : index
        %get3A_201 = tpu.vector_load %arg16[%get3A_199, %get3A_200] {strides = array<i32>} : memref<200x64xf32, #tpu.memory_space<vmem>>, vector<1x16xf32>,
        %get3A_202 = vector.shape_cast %get3A_201 : vector<1x16xf32> to vector<16xf32>
        %get3A_203 = arith.index_cast %add3A_120 : i32 to index
        %get3A_204 = arith.constant 48 : index
        %get3A_205 = tpu.vector_load %arg14[%get3A_203, %get3A_204] {strides = array<i32>} : memref<200x64xf32, #tpu.memory_space<vmem>>, vector<1x16xf32>,
        %get3A_206 = vector.shape_cast %get3A_205 : vector<1x16xf32> to vector<16xf32>
        %add3A_207 = arith.addf %get3A_202, %get3A_206 : vector<16xf32>
        %get3A_208 = arith.index_cast %add3A_120 : i32 to index
        %get3A_209 = arith.constant 48 : index
        %get3A_210 = tpu.vector_load %arg15[%get3A_208, %get3A_209] {strides = array<i32>} : memref<200x64xf32, #tpu.memory_space<vmem>>, vector<1x16xf32>,
        %get3A_211 = vector.shape_cast %get3A_210 : vector<1x16xf32> to vector<16xf32>
        %add3A_212 = arith.addf %add3A_207, %get3A_211 : vector<16xf32>
        %max3A_213 = arith.constant 0.000000e+00 : f32
        %max3A_214 = vector.broadcast %max3A_213 : f32 to vector<16xf32>
        %max3A_215 = arith.maximumf %add3A_212, %max3A_214 : vector<16xf32>
        %swap3A_216 = arith.index_cast %add3A_120 : i32 to index
        %swap3A_217 = arith.constant 48 : index
        %swap3A_218 = tpu.vector_load %arg17[%swap3A_216, %swap3A_217] {strides = array<i32>} : memref<200x80xf32, #tpu.memory_space<vmem>>, vector<1x16xf32>,
        %swap3A_219 = vector.shape_cast %swap3A_218 : vector<1x16xf32> to vector<16xf32>
        %swap3A_220 = vector.shape_cast %max3A_215 : vector<16xf32> to vector<1x16xf32>
        tpu.vector_store %arg17[%swap3A_216, %swap3A_217], %swap3A_220 {strides = array<i32>} : memref<200x80xf32, #tpu.memory_space<vmem>>, vector<1x16xf32>,
        %swap3A_221 = arith.index_cast %add3A_120 : i32 to index
        %swap3A_222 = arith.constant 48 : index
        %swap3A_223 = tpu.vector_load %arg18[%swap3A_221, %swap3A_222] {strides = array<i32>} : memref<200x64xf32, #tpu.memory_space<vmem>>, vector<1x16xf32>,
        %swap3A_224 = vector.shape_cast %swap3A_223 : vector<1x16xf32> to vector<16xf32>
        %swap3A_225 = vector.shape_cast %max3A_215 : vector<16xf32> to vector<1x16xf32>
        tpu.vector_store %arg18[%swap3A_221, %swap3A_222], %swap3A_225 {strides = array<i32>} : memref<200x64xf32, #tpu.memory_space<vmem>>, vector<1x16xf32>,
      }
      %scan3A_95 = arith.constant 200 : i32
      %dma_start3A_96 = arith.constant 0 : i32
      %dma_start3A_97 = tpu.memref_slice %arg8[%add3A_72, %dma_start3A_96] : memref<320000x64xf32, #tpu.memory_space<hbm>> -> memref<200x64xf32, #tpu.memory_space<hbm>>
      %dma_start3A_98 = arith.constant 0 : i32
      %dma_start3A_99 = tpu.memref_slice %arg8[%add3A_72, %dma_start3A_98] : memref<320000x64xf32, #tpu.memory_space<hbm>> -> memref<200x64xf32, #tpu.memory_space<hbm>>
      tpu.enqueue_dma source(%arg18 : memref<200x64xf32, #tpu.memory_space<vmem>>) target(%dma_start3A_99 : memref<200x64xf32, #tpu.memory_space<hbm>>) target_semaphore(%arg24 : memref<!tpu.dma_semaphore, #tpu.memory_space<semaphore_mem>>)
      %dma_start3A_100 = arith.constant 0 : i32
      %dma_start3A_101 = arith.constant 0 : i32
      %dma_start3A_102 = tpu.memref_slice %arg19[%dma_start3A_100, %dma_start3A_101] : memref<10000x80xf32, #tpu.memory_space<vmem_shared>> -> memref<10000x80xf32, #tpu.memory_space<vmem_shared>>
      tpu.enqueue_indirect_dma source(%arg17 : memref<200x80xf32, #tpu.memory_space<vmem>>) target(%dma_start3A_102 : memref<10000x80xf32, #tpu.memory_space<vmem_shared>>) offsets(%arg12 : memref<200xi32, #tpu.memory_space<vmem>>) semaphore(%arg25 : memref<!tpu.dma_semaphore, #tpu.memory_space<semaphore_mem>>) {add = true}
      %dma_start3A_103 = arith.constant 0 : i32
      %dma_start3A_104 = arith.constant 0 : i32
      %dma_start3A_105 = tpu.memref_slice %arg20[%dma_start3A_103, %dma_start3A_104] : memref<16x80xf32, #tpu.memory_space<vmem_shared>> -> memref<16x80xf32, #tpu.memory_space<vmem_shared>>
      tpu.enqueue_indirect_dma source(%arg17 : memref<200x80xf32, #tpu.memory_space<vmem>>) target(%dma_start3A_105 : memref<16x80xf32, #tpu.memory_space<vmem_shared>>) offsets(%arg13 : memref<200xi32, #tpu.memory_space<vmem>>) semaphore(%arg26 : memref<!tpu.dma_semaphore, #tpu.memory_space<semaphore_mem>>) {add = true}
      %dma_wait3A_106 = arith.constant 0 : i32
      %dma_wait3A_107 = arith.constant 0 : i32
      %dma_wait3A_108 = tpu.memref_slice %arg19[%dma_wait3A_106, %dma_wait3A_107] : memref<10000x80xf32, #tpu.memory_space<vmem_shared>> -> memref<10000x80xf32, #tpu.memory_space<vmem_shared>>
      tpu.wait_indirect_dma semaphore(%arg25 : memref<!tpu.dma_semaphore, #tpu.memory_space<semaphore_mem>>) src(%arg17 : memref<200x80xf32, #tpu.memory_space<vmem>>) dst(%dma_wait3A_108 : memref<10000x80xf32, #tpu.memory_space<vmem_shared>>)
      %dma_wait3A_109 = arith.constant 0 : i32
      %dma_wait3A_110 = arith.constant 0 : i32
      %dma_wait3A_111 = tpu.memref_slice %arg20[%dma_wait3A_109, %dma_wait3A_110] : memref<16x80xf32, #tpu.memory_space<vmem_shared>> -> memref<16x80xf32, #tpu.memory_space<vmem_shared>>
      tpu.wait_indirect_dma semaphore(%arg26 : memref<!tpu.dma_semaphore, #tpu.memory_space<semaphore_mem>>) src(%arg17 : memref<200x80xf32, #tpu.memory_space<vmem>>) dst(%dma_wait3A_111 : memref<16x80xf32, #tpu.memory_space<vmem_shared>>)
      %dma_wait3A_112 = arith.constant 0 : i32
      %dma_wait3A_113 = tpu.memref_slice %arg8[%add3A_72, %dma_wait3A_112] : memref<320000x64xf32, #tpu.memory_space<hbm>> -> memref<200x64xf32, #tpu.memory_space<hbm>>
      %dma_wait3A_114 = arith.constant 0 : i32
      %dma_wait3A_115 = tpu.memref_slice %arg8[%add3A_72, %dma_wait3A_114] : memref<320000x64xf32, #tpu.memory_space<hbm>> -> memref<200x64xf32, #tpu.memory_space<hbm>>
      tpu.wait_dma2 semaphore(%arg24 : memref<!tpu.dma_semaphore, #tpu.memory_space<semaphore_mem>>) src(%arg18 : memref<200x64xf32, #tpu.memory_space<vmem>>) dst(%dma_wait3A_115 : memref<200x64xf32, #tpu.memory_space<hbm>>)
    }
    %scan3A_38 = arith.constant 50 : i32
    %barrier3A_39 = arith.constant 0 : index
    tpu.barrier barrier_id(%barrier3A_39)
    %sub3A_40 = arith.constant 50 : i32
    %sub3A_41 = arith.subi %sub3A_40, %arg1 : i32
    %sub3A_42 = arith.constant 16 : i32
    %sub3A_43 = arith.constant 1 : i32
    %sub3A_44 = arith.subi %sub3A_42, %sub3A_43 : i32
    %add3A_45 = arith.addi %sub3A_41, %sub3A_44 : i32
    %div3A_46 = arith.constant 16 : i32
    %div3A_47 = arith.divsi %add3A_45, %div3A_46 : i32
    %while3A_48 = arith.constant 16 : i32
    %while3A_49 = arith.constant 0 : i32
    %while3A_50 = arith.subi %div3A_47, %while3A_49 : i32
    %while3A_51 = arith.addi %while3A_49, %while3A_50 : i32
    %while3A_52 = arith.constant 1 : i32
    %while3A_53 = arith.divsi %while3A_50, %while3A_52 : i32
    %while3A_54 = arith.muli %while3A_53, %while3A_52 : i32
    %while3A_55 = arith.addi %while3A_49, %while3A_54 : i32
    %while3A_56 = arith.constant 1 : i32
    scf.for %while3A_63 = %while3A_49 to %while3A_55 step %while3A_56  : i32 {
      %mul3A_64 = arith.muli %while3A_63, %while3A_48 : i32
      %add3A_65 = arith.addi %arg1, %mul3A_64 : i32
      %mul3A_66 = arith.constant 200 : i32
      %mul3A_67 = arith.muli %add3A_65, %mul3A_66 : i32
      %mul3A_68 = arith.constant 200 : i32
      %mul3A_69 = arith.muli %add3A_65, %mul3A_68 : i32
      "tpu.region"() ({
        %run_scoped3A = tpu.sem_alloc : memref<!tpu.dma_semaphore, #tpu.memory_space<semaphore_mem>>
        %dma_start3A = arith.constant 0 : i32
        %dma_start3A_70 = arith.constant 0 : i32
        %dma_start3A_71 = tpu.memref_slice %arg9[%arg0, %dma_start3A, %dma_start3A_70] : memref<2x10000x80xf32, #tpu.memory_space<hbm>> -> memref<1x10000x80xf32, #tpu.memory_space<hbm>>
        %dma_start3A_72 = tpu.memref_squeeze %dma_start3A_71 : memref<1x10000x80xf32, #tpu.memory_space<hbm>> -> memref<10000x80xf32, #tpu.memory_space<hbm>>
        %dma_start3A_73 = arith.constant 0 : i32
        %dma_start3A_74 = tpu.memref_slice %dma_start3A_72[%mul3A_69, %dma_start3A_73] : memref<10000x80xf32, #tpu.memory_space<hbm>> -> memref<200x80xf32, #tpu.memory_space<hbm>>
        %dma_start3A_75 = arith.constant 0 : i32
        %dma_start3A_76 = tpu.memref_slice %arg19[%mul3A_67, %dma_start3A_75] : memref<10000x80xf32, #tpu.memory_space<vmem_shared>> -> memref<200x80xf32, #tpu.memory_space<vmem_shared>>
        tpu.enqueue_dma source(%dma_start3A_76 : memref<200x80xf32, #tpu.memory_space<vmem_shared>>) target(%dma_start3A_74 : memref<200x80xf32, #tpu.memory_space<hbm>>) target_semaphore(%run_scoped3A : memref<!tpu.dma_semaphore, #tpu.memory_space<semaphore_mem>>)
        %dma_wait3A = arith.constant 0 : i32
        %dma_wait3A_77 = arith.constant 0 : i32
        %dma_wait3A_78 = tpu.memref_slice %arg9[%arg0, %dma_wait3A, %dma_wait3A_77] : memref<2x10000x80xf32, #tpu.memory_space<hbm>> -> memref<1x10000x80xf32, #tpu.memory_space<hbm>>
        %dma_wait3A_79 = tpu.memref_squeeze %dma_wait3A_78 : memref<1x10000x80xf32, #tpu.memory_space<hbm>> -> memref<10000x80xf32, #tpu.memory_space<hbm>>
        %dma_wait3A_80 = arith.constant 0 : i32
        %dma_wait3A_81 = tpu.memref_slice %dma_wait3A_79[%mul3A_69, %dma_wait3A_80] : memref<10000x80xf32, #tpu.memory_space<hbm>> -> memref<200x80xf32, #tpu.memory_space<hbm>>
        %dma_wait3A_82 = arith.constant 0 : i32
        %dma_wait3A_83 = tpu.memref_slice %arg19[%mul3A_67, %dma_wait3A_82] : memref<10000x80xf32, #tpu.memory_space<vmem_shared>> -> memref<200x80xf32, #tpu.memory_space<vmem_shared>>
        tpu.wait_dma2 semaphore(%run_scoped3A : memref<!tpu.dma_semaphore, #tpu.memory_space<semaphore_mem>>) src(%dma_wait3A_83 : memref<200x80xf32, #tpu.memory_space<vmem_shared>>) dst(%dma_wait3A_81 : memref<200x80xf32, #tpu.memory_space<hbm>>)
        tpu.yield
      }) : () -> ()
    }
    %while3A_57 = arith.constant 1 : i32
    scf.for %while3A_63 = %while3A_55 to %while3A_51 step %while3A_57  : i32 {
      %mul3A_64 = arith.muli %while3A_63, %while3A_48 : i32
      %add3A_65 = arith.addi %arg1, %mul3A_64 : i32
      %mul3A_66 = arith.constant 200 : i32
      %mul3A_67 = arith.muli %add3A_65, %mul3A_66 : i32
      %mul3A_68 = arith.constant 200 : i32
      %mul3A_69 = arith.muli %add3A_65, %mul3A_68 : i32
      "tpu.region"() ({
        %run_scoped3A = tpu.sem_alloc : memref<!tpu.dma_semaphore, #tpu.memory_space<semaphore_mem>>
        %dma_start3A = arith.constant 0 : i32
        %dma_start3A_70 = arith.constant 0 : i32
        %dma_start3A_71 = tpu.memref_slice %arg9[%arg0, %dma_start3A, %dma_start3A_70] : memref<2x10000x80xf32, #tpu.memory_space<hbm>> -> memref<1x10000x80xf32, #tpu.memory_space<hbm>>
        %dma_start3A_72 = tpu.memref_squeeze %dma_start3A_71 : memref<1x10000x80xf32, #tpu.memory_space<hbm>> -> memref<10000x80xf32, #tpu.memory_space<hbm>>
        %dma_start3A_73 = arith.constant 0 : i32
        %dma_start3A_74 = tpu.memref_slice %dma_start3A_72[%mul3A_69, %dma_start3A_73] : memref<10000x80xf32, #tpu.memory_space<hbm>> -> memref<200x80xf32, #tpu.memory_space<hbm>>
        %dma_start3A_75 = arith.constant 0 : i32
        %dma_start3A_76 = tpu.memref_slice %arg19[%mul3A_67, %dma_start3A_75] : memref<10000x80xf32, #tpu.memory_space<vmem_shared>> -> memref<200x80xf32, #tpu.memory_space<vmem_shared>>
        tpu.enqueue_dma source(%dma_start3A_76 : memref<200x80xf32, #tpu.memory_space<vmem_shared>>) target(%dma_start3A_74 : memref<200x80xf32, #tpu.memory_space<hbm>>) target_semaphore(%run_scoped3A : memref<!tpu.dma_semaphore, #tpu.memory_space<semaphore_mem>>)
        %dma_wait3A = arith.constant 0 : i32
        %dma_wait3A_77 = arith.constant 0 : i32
        %dma_wait3A_78 = tpu.memref_slice %arg9[%arg0, %dma_wait3A, %dma_wait3A_77] : memref<2x10000x80xf32, #tpu.memory_space<hbm>> -> memref<1x10000x80xf32, #tpu.memory_space<hbm>>
        %dma_wait3A_79 = tpu.memref_squeeze %dma_wait3A_78 : memref<1x10000x80xf32, #tpu.memory_space<hbm>> -> memref<10000x80xf32, #tpu.memory_space<hbm>>
        %dma_wait3A_80 = arith.constant 0 : i32
        %dma_wait3A_81 = tpu.memref_slice %dma_wait3A_79[%mul3A_69, %dma_wait3A_80] : memref<10000x80xf32, #tpu.memory_space<hbm>> -> memref<200x80xf32, #tpu.memory_space<hbm>>
        %dma_wait3A_82 = arith.constant 0 : i32
        %dma_wait3A_83 = tpu.memref_slice %arg19[%mul3A_67, %dma_wait3A_82] : memref<10000x80xf32, #tpu.memory_space<vmem_shared>> -> memref<200x80xf32, #tpu.memory_space<vmem_shared>>
        tpu.wait_dma2 semaphore(%run_scoped3A : memref<!tpu.dma_semaphore, #tpu.memory_space<semaphore_mem>>) src(%dma_wait3A_83 : memref<200x80xf32, #tpu.memory_space<vmem_shared>>) dst(%dma_wait3A_81 : memref<200x80xf32, #tpu.memory_space<hbm>>)
        tpu.yield
      }) : () -> ()
    }
    %eq3A_58 = arith.constant 0 : i32
    %eq3A_59 = arith.cmpi eq, %arg1, %eq3A_58 : i32
    %convert_element_type3A_60 = arith.extui %eq3A_59 : i1 to i32
    %cond3A_61 = arith.constant 0 : i32
    %cond3A_62 = arith.cmpi ne, %convert_element_type3A_60, %cond3A_61 : i32
    scf.if %cond3A_62 {
      "tpu.region"() ({
        %run_scoped3A = tpu.sem_alloc : memref<!tpu.dma_semaphore, #tpu.memory_space<semaphore_mem>>
        %dma_start3A = arith.constant 0 : i32
        %dma_start3A_63 = arith.constant 0 : i32
        %dma_start3A_64 = tpu.memref_slice %arg10[%arg0, %dma_start3A, %dma_start3A_63] : memref<2x16x80xf32, #tpu.memory_space<hbm>> -> memref<1x16x80xf32, #tpu.memory_space<hbm>>
        %dma_start3A_65 = tpu.memref_squeeze %dma_start3A_64 : memref<1x16x80xf32, #tpu.memory_space<hbm>> -> memref<16x80xf32, #tpu.memory_space<hbm>>
        tpu.enqueue_dma source(%arg20 : memref<16x80xf32, #tpu.memory_space<vmem_shared>>) target(%dma_start3A_65 : memref<16x80xf32, #tpu.memory_space<hbm>>) target_semaphore(%run_scoped3A : memref<!tpu.dma_semaphore, #tpu.memory_space<semaphore_mem>>)
        %dma_wait3A = arith.constant 0 : i32
        %dma_wait3A_66 = arith.constant 0 : i32
        %dma_wait3A_67 = tpu.memref_slice %arg10[%arg0, %dma_wait3A, %dma_wait3A_66] : memref<2x16x80xf32, #tpu.memory_space<hbm>> -> memref<1x16x80xf32, #tpu.memory_space<hbm>>
        %dma_wait3A_68 = tpu.memref_squeeze %dma_wait3A_67 : memref<1x16x80xf32, #tpu.memory_space<hbm>> -> memref<16x80xf32, #tpu.memory_space<hbm>>
        tpu.wait_dma2 semaphore(%run_scoped3A : memref<!tpu.dma_semaphore, #tpu.memory_space<semaphore_mem>>) src(%arg20 : memref<16x80xf32, #tpu.memory_space<vmem_shared>>) dst(%dma_wait3A_68 : memref<16x80xf32, #tpu.memory_space<hbm>>)
        tpu.yield
      }) : () -> ()
    } else {
    }
    return
  }
}

module attributes {stable_mosaic.version = 14 : i64} {
  func.func @_gkenc_body(%arg0: memref<16x16xf32, #tpu.memory_space<vmem>>, %arg1: memref<10000x1xi32, #tpu.memory_space<vmem>>, %arg2: memref<16x64xf32, #tpu.memory_space<vmem>>, %arg3: memref<1x64xf32, #tpu.memory_space<vmem>>, %arg4: memref<64x64xf32, #tpu.memory_space<vmem>>, %arg5: memref<1x64xf32, #tpu.memory_space<vmem>>, %arg6: memref<64x64xf32, #tpu.memory_space<vmem>>, %arg7: memref<1x64xf32, #tpu.memory_space<vmem>>, %arg8: memref<16x64xf32, #tpu.memory_space<vmem>>, %arg9: memref<16x64xf32, #tpu.memory_space<vmem>>, %arg10: memref<16x64xf32, #tpu.memory_space<vmem>>, %arg11: memref<1x16xf32, #tpu.memory_space<vmem>>, %arg12: memref<1x16xf32, #tpu.memory_space<vmem>>, %arg13: memref<1x16xi32, #tpu.memory_space<vmem>>) attributes {dimension_semantics = [], scalar_prefetch = 0 : i64, scratch_operands = 0 : i64, tpu.core_type = #tpu.core_type<tc>} {
    %get3A = arith.constant 0 : index
    %get3A_0 = arith.constant 0 : index
    %get3A_1 = vector.load %arg0[%get3A, %get3A_0] : memref<16x16xf32, #tpu.memory_space<vmem>>, vector<16x16xf32>
    %get3A_2 = arith.constant 0 : index
    %get3A_3 = arith.constant 0 : index
    %get3A_4 = vector.load %arg2[%get3A_2, %get3A_3] : memref<16x64xf32, #tpu.memory_space<vmem>>, vector<16x64xf32>
    %dot_general3A = arith.constant dense<0.000000e+00> : vector<16x64xf32>
    %dot_general3A_5 = tpu.matmul %get3A_1, %get3A_4, %dot_general3A {dimension_numbers = #tpu.dot_dimension_numbers<[1], [0], [0], [1], [0, 0, 1, 1], [], []>, transpose_lhs_hint = false} : vector<16x16xf32>, vector<16x64xf32>, vector<16x64xf32> -> vector<16x64xf32>
    %get3A_6 = arith.constant 0 : index
    %get3A_7 = arith.constant 0 : index
    %get3A_8 = vector.load %arg3[%get3A_6, %get3A_7] : memref<1x64xf32, #tpu.memory_space<vmem>>, vector<1x64xf32>
    %add3A = vector.broadcast %get3A_8 : vector<1x64xf32> to vector<16x64xf32>
    %add3A_9 = arith.addf %dot_general3A_5, %add3A : vector<16x64xf32>
    %max3A = arith.constant 0.000000e+00 : f32
    %max3A_10 = vector.broadcast %max3A : f32 to vector<16x64xf32>
    %max3A_11 = arith.maximumf %add3A_9, %max3A_10 : vector<16x64xf32>
    %swap3A = arith.constant 0 : index
    %swap3A_12 = arith.constant 0 : index
    %swap3A_13 = vector.load %arg8[%swap3A, %swap3A_12] : memref<16x64xf32, #tpu.memory_space<vmem>>, vector<16x64xf32>
    tpu.vector_store %arg8[%swap3A, %swap3A_12], %max3A_11 {strides = array<i32>} : memref<16x64xf32, #tpu.memory_space<vmem>>, vector<16x64xf32>,
    %get3A_14 = arith.constant 0 : index
    %get3A_15 = arith.constant 0 : index
    %get3A_16 = vector.load %arg4[%get3A_14, %get3A_15] : memref<64x64xf32, #tpu.memory_space<vmem>>, vector<64x64xf32>
    %dot_general3A_17 = arith.constant dense<0.000000e+00> : vector<16x64xf32>
    %dot_general3A_18 = tpu.matmul %max3A_11, %get3A_16, %dot_general3A_17 {dimension_numbers = #tpu.dot_dimension_numbers<[1], [0], [0], [1], [0, 0, 1, 1], [], []>, transpose_lhs_hint = false} : vector<16x64xf32>, vector<64x64xf32>, vector<16x64xf32> -> vector<16x64xf32>
    %get3A_19 = arith.constant 0 : index
    %get3A_20 = arith.constant 0 : index
    %get3A_21 = vector.load %arg5[%get3A_19, %get3A_20] : memref<1x64xf32, #tpu.memory_space<vmem>>, vector<1x64xf32>
    %add3A_22 = vector.broadcast %get3A_21 : vector<1x64xf32> to vector<16x64xf32>
    %add3A_23 = arith.addf %dot_general3A_18, %add3A_22 : vector<16x64xf32>
    %swap3A_24 = arith.constant 0 : index
    %swap3A_25 = arith.constant 0 : index
    %swap3A_26 = vector.load %arg9[%swap3A_24, %swap3A_25] : memref<16x64xf32, #tpu.memory_space<vmem>>, vector<16x64xf32>
    tpu.vector_store %arg9[%swap3A_24, %swap3A_25], %add3A_23 {strides = array<i32>} : memref<16x64xf32, #tpu.memory_space<vmem>>, vector<16x64xf32>,
    %get3A_27 = arith.constant 0 : index
    %get3A_28 = arith.constant 0 : index
    %get3A_29 = vector.load %arg6[%get3A_27, %get3A_28] : memref<64x64xf32, #tpu.memory_space<vmem>>, vector<64x64xf32>
    %dot_general3A_30 = arith.constant dense<0.000000e+00> : vector<16x64xf32>
    %dot_general3A_31 = tpu.matmul %max3A_11, %get3A_29, %dot_general3A_30 {dimension_numbers = #tpu.dot_dimension_numbers<[1], [0], [0], [1], [0, 0, 1, 1], [], []>, transpose_lhs_hint = false} : vector<16x64xf32>, vector<64x64xf32>, vector<16x64xf32> -> vector<16x64xf32>
    %get3A_32 = arith.constant 0 : index
    %get3A_33 = arith.constant 0 : index
    %get3A_34 = vector.load %arg7[%get3A_32, %get3A_33] : memref<1x64xf32, #tpu.memory_space<vmem>>, vector<1x64xf32>
    %add3A_35 = vector.broadcast %get3A_34 : vector<1x64xf32> to vector<16x64xf32>
    %add3A_36 = arith.addf %dot_general3A_31, %add3A_35 : vector<16x64xf32>
    %swap3A_37 = arith.constant 0 : index
    %swap3A_38 = arith.constant 0 : index
    %swap3A_39 = vector.load %arg10[%swap3A_37, %swap3A_38] : memref<16x64xf32, #tpu.memory_space<vmem>>, vector<16x64xf32>
    tpu.vector_store %arg10[%swap3A_37, %swap3A_38], %add3A_36 {strides = array<i32>} : memref<16x64xf32, #tpu.memory_space<vmem>>, vector<16x64xf32>,
    %get3A_40 = arith.constant 0 : index
    %get3A_41 = arith.constant 0 : index
    %get3A_42 = vector.load %arg1[%get3A_40, %get3A_41] : memref<10000x1xi32, #tpu.memory_space<vmem>>, vector<10000x1xi32>
    %iota3A = tpu.iota {dimensions = array<i32: 1>} : vector<10000x16xi32>
    %lt3A = vector.broadcast %get3A_42 : vector<10000x1xi32> to vector<10000x16xi32>
    %lt3A_43 = arith.cmpi slt, %lt3A, %iota3A : vector<10000x16xi32>
    %convert_element_type3A = arith.extui %lt3A_43 : vector<10000x16xi1> to vector<10000x16xi32>
    %convert_element_type3A_44 = arith.sitofp %convert_element_type3A : vector<10000x16xi32> to vector<10000x16xf32>
    %reduce_sum3A = arith.constant dense<0.000000e+00> : vector<16xf32>
    %reduce_sum3A_45 = vector.multi_reduction <add>, %convert_element_type3A_44, %reduce_sum3A [0] : vector<10000x16xf32> to vector<16xf32>
    %broadcast_in_dim3A = vector.shape_cast %reduce_sum3A_45 : vector<16xf32> to vector<1x16xf32>
    %swap3A_46 = arith.constant 0 : index
    %swap3A_47 = arith.constant 0 : index
    %swap3A_48 = vector.load %arg11[%swap3A_46, %swap3A_47] : memref<1x16xf32, #tpu.memory_space<vmem>>, vector<1x16xf32>
    tpu.vector_store %arg11[%swap3A_46, %swap3A_47], %broadcast_in_dim3A {strides = array<i32>} : memref<1x16xf32, #tpu.memory_space<vmem>>, vector<1x16xf32>,
    %le3A = vector.broadcast %get3A_42 : vector<10000x1xi32> to vector<10000x16xi32>
    %le3A_49 = arith.cmpi sle, %le3A, %iota3A : vector<10000x16xi32>
    %convert_element_type3A_50 = arith.extui %le3A_49 : vector<10000x16xi1> to vector<10000x16xi32>
    %convert_element_type3A_51 = arith.sitofp %convert_element_type3A_50 : vector<10000x16xi32> to vector<10000x16xf32>
    %reduce_sum3A_52 = arith.constant dense<0.000000e+00> : vector<16xf32>
    %reduce_sum3A_53 = vector.multi_reduction <add>, %convert_element_type3A_51, %reduce_sum3A_52 [0] : vector<10000x16xf32> to vector<16xf32>
    %broadcast_in_dim3A_54 = vector.shape_cast %reduce_sum3A_53 : vector<16xf32> to vector<1x16xf32>
    %swap3A_55 = arith.constant 0 : index
    %swap3A_56 = arith.constant 0 : index
    %swap3A_57 = vector.load %arg12[%swap3A_55, %swap3A_56] : memref<1x16xf32, #tpu.memory_space<vmem>>, vector<1x16xf32>
    tpu.vector_store %arg12[%swap3A_55, %swap3A_56], %broadcast_in_dim3A_54 {strides = array<i32>} : memref<1x16xf32, #tpu.memory_space<vmem>>, vector<1x16xf32>,
    %convert_element_type3A_58 = arith.fptosi %broadcast_in_dim3A_54 : vector<1x16xf32> to vector<1x16xi32>
    %swap3A_59 = arith.constant 0 : index
    %swap3A_60 = arith.constant 0 : index
    %swap3A_61 = vector.load %arg13[%swap3A_59, %swap3A_60] : memref<1x16xi32, #tpu.memory_space<vmem>>, vector<1x16xi32>
    tpu.vector_store %arg13[%swap3A_59, %swap3A_60], %convert_element_type3A_58 {strides = array<i32>} : memref<1x16xi32, #tpu.memory_space<vmem>>, vector<1x16xi32>,
    return
  }
}

module attributes {stable_mosaic.version = 14 : i64} {
  func.func @_u2enc_body(%arg0: i32, %arg1: memref<2000x16xf32, #tpu.memory_space<vmem>>, %arg2: memref<16x64xf32, #tpu.memory_space<vmem>>, %arg3: memref<1x64xf32, #tpu.memory_space<vmem>>, %arg4: memref<64x64xf32, #tpu.memory_space<vmem>>, %arg5: memref<2000x64xf32, #tpu.memory_space<vmem>>) attributes {dimension_semantics = [#tpu.dimension_semantics<arbitrary>], iteration_bounds = array<i64: 160>, scalar_prefetch = 0 : i64, scratch_operands = 0 : i64, tpu.core_type = #tpu.core_type<tc>, window_params = [{transform_indices = @transform_0, window_bounds = array<i64: 2000, 16>}, {pipeline_mode = #tpu.pipeline_mode<synchronous>, transform_indices = @transform_1, window_bounds = array<i64: 16, 64>}, {pipeline_mode = #tpu.pipeline_mode<synchronous>, transform_indices = @transform_2, window_bounds = array<i64: 1, 64>}, {pipeline_mode = #tpu.pipeline_mode<synchronous>, transform_indices = @transform_3, window_bounds = array<i64: 64, 64>}, {transform_indices = @transform_4, window_bounds = array<i64: 2000, 64>}]} {
    %get3A = arith.constant 0 : index
    %get3A_0 = arith.constant 0 : index
    %get3A_1 = vector.load %arg1[%get3A, %get3A_0] : memref<2000x16xf32, #tpu.memory_space<vmem>>, vector<2000x16xf32>
    %get3A_2 = arith.constant 0 : index
    %get3A_3 = arith.constant 0 : index
    %get3A_4 = vector.load %arg2[%get3A_2, %get3A_3] : memref<16x64xf32, #tpu.memory_space<vmem>>, vector<16x64xf32>
    %dot_general3A = arith.constant dense<0.000000e+00> : vector<2000x64xf32>
    %dot_general3A_5 = tpu.matmul %get3A_1, %get3A_4, %dot_general3A {dimension_numbers = #tpu.dot_dimension_numbers<[1], [0], [0], [1], [0, 0, 1, 1], [], []>, transpose_lhs_hint = false} : vector<2000x16xf32>, vector<16x64xf32>, vector<2000x64xf32> -> vector<2000x64xf32>
    %get3A_6 = arith.constant 0 : index
    %get3A_7 = arith.constant 0 : index
    %get3A_8 = vector.load %arg3[%get3A_6, %get3A_7] : memref<1x64xf32, #tpu.memory_space<vmem>>, vector<1x64xf32>
    %add3A = vector.broadcast %get3A_8 : vector<1x64xf32> to vector<2000x64xf32>
    %add3A_9 = arith.addf %dot_general3A_5, %add3A : vector<2000x64xf32>
    %max3A = arith.constant 0.000000e+00 : f32
    %max3A_10 = vector.broadcast %max3A : f32 to vector<2000x64xf32>
    %max3A_11 = arith.maximumf %add3A_9, %max3A_10 : vector<2000x64xf32>
    %get3A_12 = arith.constant 0 : index
    %get3A_13 = arith.constant 0 : index
    %get3A_14 = vector.load %arg4[%get3A_12, %get3A_13] : memref<64x64xf32, #tpu.memory_space<vmem>>, vector<64x64xf32>
    %dot_general3A_15 = arith.constant dense<0.000000e+00> : vector<2000x64xf32>
    %dot_general3A_16 = tpu.matmul %max3A_11, %get3A_14, %dot_general3A_15 {dimension_numbers = #tpu.dot_dimension_numbers<[1], [0], [0], [1], [0, 0, 1, 1], [], []>, transpose_lhs_hint = false} : vector<2000x64xf32>, vector<64x64xf32>, vector<2000x64xf32> -> vector<2000x64xf32>
    %swap3A = arith.constant 0 : index
    %swap3A_17 = arith.constant 0 : index
    %swap3A_18 = vector.load %arg5[%swap3A, %swap3A_17] : memref<2000x64xf32, #tpu.memory_space<vmem>>, vector<2000x64xf32>
    tpu.vector_store %arg5[%swap3A, %swap3A_17], %dot_general3A_16 {strides = array<i32>} : memref<2000x64xf32, #tpu.memory_space<vmem>>, vector<2000x64xf32>,
    return
  }
  func.func @transform_0(%arg0: i32) -> (i32, i32) {
    %c0_i32 = arith.constant 0 : i32
    %c0_i32_0 = arith.constant 0 : i32
    return %arg0, %c0_i32 : i32, i32
  }
  func.func @transform_1(%arg0: i32) -> (i32, i32) {
    %c0_i32 = arith.constant 0 : i32
    %c0_i32_0 = arith.constant 0 : i32
    %c0_i32_1 = arith.constant 0 : i32
    return %c0_i32, %c0_i32_0 : i32, i32
  }
  func.func @transform_2(%arg0: i32) -> (i32, i32) {
    %c0_i32 = arith.constant 0 : i32
    %c0_i32_0 = arith.constant 0 : i32
    %c0_i32_1 = arith.constant 0 : i32
    return %c0_i32, %c0_i32_0 : i32, i32
  }
  func.func @transform_3(%arg0: i32) -> (i32, i32) {
    %c0_i32 = arith.constant 0 : i32
    %c0_i32_0 = arith.constant 0 : i32
    %c0_i32_1 = arith.constant 0 : i32
    return %c0_i32, %c0_i32_0 : i32, i32
  }
  func.func @transform_4(%arg0: i32) -> (i32, i32) {
    %c0_i32 = arith.constant 0 : i32
    %c0_i32_0 = arith.constant 0 : i32
    return %arg0, %c0_i32 : i32, i32
  }
}

module attributes {stable_mosaic.version = 14 : i64} {
  func.func @_u1_body(%arg0: i32, %arg1: memref<2000x128xf32, #tpu.memory_space<vmem>>, %arg2: memref<128x64xf32, #tpu.memory_space<vmem>>, %arg3: memref<1x64xf32, #tpu.memory_space<vmem>>, %arg4: memref<64x64xf32, #tpu.memory_space<vmem>>, %arg5: memref<64x64xf32, #tpu.memory_space<vmem>>, %arg6: memref<16x64xf32, #tpu.memory_space<vmem>>, %arg7: memref<1x16xf32, #tpu.memory_space<vmem>>, %arg8: memref<1x16xf32, #tpu.memory_space<vmem>>, %arg9: memref<2000x64xf32, #tpu.memory_space<vmem>>, %arg10: memref<2000x64xf32, #tpu.memory_space<vmem>>, %arg11: memref<2000x64xf32, #tpu.memory_space<vmem>>) attributes {dimension_semantics = [#tpu.dimension_semantics<arbitrary>], iteration_bounds = array<i64: 5>, scalar_prefetch = 0 : i64, scratch_operands = 0 : i64, tpu.core_type = #tpu.core_type<tc>, window_params = [{transform_indices = @transform_0, window_bounds = array<i64: 2000, 128>}, {pipeline_mode = #tpu.pipeline_mode<synchronous>, transform_indices = @transform_1, window_bounds = array<i64: 128, 64>}, {pipeline_mode = #tpu.pipeline_mode<synchronous>, transform_indices = @transform_2, window_bounds = array<i64: 1, 64>}, {pipeline_mode = #tpu.pipeline_mode<synchronous>, transform_indices = @transform_3, window_bounds = array<i64: 64, 64>}, {pipeline_mode = #tpu.pipeline_mode<synchronous>, transform_indices = @transform_4, window_bounds = array<i64: 64, 64>}, {pipeline_mode = #tpu.pipeline_mode<synchronous>, transform_indices = @transform_5, window_bounds = array<i64: 16, 64>}, {pipeline_mode = #tpu.pipeline_mode<synchronous>, transform_indices = @transform_6, window_bounds = array<i64: 1, 16>}, {pipeline_mode = #tpu.pipeline_mode<synchronous>, transform_indices = @transform_7, window_bounds = array<i64: 1, 16>}, {transform_indices = @transform_8, window_bounds = array<i64: 2000, 64>}, {transform_indices = @transform_9, window_bounds = array<i64: 2000, 64>}, {transform_indices = @transform_10, window_bounds = array<i64: 2000, 64>}]} {
    %get3A = arith.constant 0 : index
    %get3A_0 = arith.constant 0 : index
    %get3A_1 = vector.load %arg1[%get3A, %get3A_0] : memref<2000x128xf32, #tpu.memory_space<vmem>>, vector<2000x128xf32>
    %get3A_2 = arith.constant 0 : index
    %get3A_3 = arith.constant 0 : index
    %get3A_4 = vector.load %arg2[%get3A_2, %get3A_3] : memref<128x64xf32, #tpu.memory_space<vmem>>, vector<128x64xf32>
    %dot_general3A = arith.constant dense<0.000000e+00> : vector<2000x64xf32>
    %dot_general3A_5 = tpu.matmul %get3A_1, %get3A_4, %dot_general3A {dimension_numbers = #tpu.dot_dimension_numbers<[1], [0], [0], [1], [0, 0, 1, 1], [], []>, transpose_lhs_hint = false} : vector<2000x128xf32>, vector<128x64xf32>, vector<2000x64xf32> -> vector<2000x64xf32>
    %get3A_6 = arith.constant 0 : index
    %get3A_7 = arith.constant 0 : index
    %get3A_8 = vector.load %arg3[%get3A_6, %get3A_7] : memref<1x64xf32, #tpu.memory_space<vmem>>, vector<1x64xf32>
    %add3A = vector.broadcast %get3A_8 : vector<1x64xf32> to vector<2000x64xf32>
    %add3A_9 = arith.addf %dot_general3A_5, %add3A : vector<2000x64xf32>
    %max3A = arith.constant 0.000000e+00 : f32
    %max3A_10 = vector.broadcast %max3A : f32 to vector<2000x64xf32>
    %max3A_11 = arith.maximumf %add3A_9, %max3A_10 : vector<2000x64xf32>
    %swap3A = arith.constant 0 : index
    %swap3A_12 = arith.constant 0 : index
    %swap3A_13 = vector.load %arg9[%swap3A, %swap3A_12] : memref<2000x64xf32, #tpu.memory_space<vmem>>, vector<2000x64xf32>
    tpu.vector_store %arg9[%swap3A, %swap3A_12], %max3A_11 {strides = array<i32>} : memref<2000x64xf32, #tpu.memory_space<vmem>>, vector<2000x64xf32>,
    %get3A_14 = arith.constant 0 : index
    %get3A_15 = arith.constant 0 : index
    %get3A_16 = vector.load %arg7[%get3A_14, %get3A_15] : memref<1x16xf32, #tpu.memory_space<vmem>>, vector<1x16xf32>
    %get3A_17 = arith.constant 0 : index
    %get3A_18 = arith.constant 0 : index
    %get3A_19 = vector.load %arg8[%get3A_17, %get3A_18] : memref<1x16xf32, #tpu.memory_space<vmem>>, vector<1x16xf32>
    %iota3A = tpu.iota {dimensions = array<i32: 0>} : vector<2000x1xi32>
    %convert_element_type3A = arith.sitofp %iota3A : vector<2000x1xi32> to vector<2000x1xf32>
    %mul3A = arith.constant 2000 : i32
    %mul3A_20 = arith.muli %arg0, %mul3A : i32
    %convert_element_type3A_21 = arith.sitofp %mul3A_20 : i32 to f32
    %add3A_22 = vector.broadcast %convert_element_type3A_21 : f32 to vector<2000x1xf32>
    %add3A_23 = arith.addf %convert_element_type3A, %add3A_22 : vector<2000x1xf32>
    %ge3A = vector.broadcast %add3A_23 : vector<2000x1xf32> to vector<2000x16xf32>
    %ge3A_24 = vector.broadcast %get3A_16 : vector<1x16xf32> to vector<2000x16xf32>
    %ge3A_25 = arith.cmpf oge, %ge3A, %ge3A_24 : vector<2000x16xf32>
    %convert_element_type3A_26 = arith.extui %ge3A_25 : vector<2000x16xi1> to vector<2000x16xi32>
    %convert_element_type3A_27 = arith.sitofp %convert_element_type3A_26 : vector<2000x16xi32> to vector<2000x16xf32>
    %ge3A_28 = vector.broadcast %add3A_23 : vector<2000x1xf32> to vector<2000x16xf32>
    %ge3A_29 = vector.broadcast %get3A_19 : vector<1x16xf32> to vector<2000x16xf32>
    %ge3A_30 = arith.cmpf oge, %ge3A_28, %ge3A_29 : vector<2000x16xf32>
    %convert_element_type3A_31 = arith.extui %ge3A_30 : vector<2000x16xi1> to vector<2000x16xi32>
    %convert_element_type3A_32 = arith.sitofp %convert_element_type3A_31 : vector<2000x16xi32> to vector<2000x16xf32>
    %sub3A = arith.subf %convert_element_type3A_27, %convert_element_type3A_32 : vector<2000x16xf32>
    %get3A_33 = arith.constant 0 : index
    %get3A_34 = arith.constant 0 : index
    %get3A_35 = vector.load %arg4[%get3A_33, %get3A_34] : memref<64x64xf32, #tpu.memory_space<vmem>>, vector<64x64xf32>
    %dot_general3A_36 = arith.constant dense<0.000000e+00> : vector<2000x64xf32>
    %dot_general3A_37 = tpu.matmul %max3A_11, %get3A_35, %dot_general3A_36 {dimension_numbers = #tpu.dot_dimension_numbers<[1], [0], [0], [1], [0, 0, 1, 1], [], []>, transpose_lhs_hint = false} : vector<2000x64xf32>, vector<64x64xf32>, vector<2000x64xf32> -> vector<2000x64xf32>
    %get3A_38 = arith.constant 0 : index
    %get3A_39 = arith.constant 0 : index
    %get3A_40 = vector.load %arg6[%get3A_38, %get3A_39] : memref<16x64xf32, #tpu.memory_space<vmem>>, vector<16x64xf32>
    %dot_general3A_41 = arith.constant dense<0.000000e+00> : vector<2000x64xf32>
    %dot_general3A_42 = tpu.matmul %sub3A, %get3A_40, %dot_general3A_41 {dimension_numbers = #tpu.dot_dimension_numbers<[1], [0], [0], [1], [0, 0, 1, 1], [], []>, transpose_lhs_hint = false} : vector<2000x16xf32>, vector<16x64xf32>, vector<2000x64xf32> -> vector<2000x64xf32>
    %add3A_43 = arith.addf %dot_general3A_37, %dot_general3A_42 : vector<2000x64xf32>
    %swap3A_44 = arith.constant 0 : index
    %swap3A_45 = arith.constant 0 : index
    %swap3A_46 = vector.load %arg10[%swap3A_44, %swap3A_45] : memref<2000x64xf32, #tpu.memory_space<vmem>>, vector<2000x64xf32>
    tpu.vector_store %arg10[%swap3A_44, %swap3A_45], %add3A_43 {strides = array<i32>} : memref<2000x64xf32, #tpu.memory_space<vmem>>, vector<2000x64xf32>,
    %get3A_47 = arith.constant 0 : index
    %get3A_48 = arith.constant 0 : index
    %get3A_49 = vector.load %arg5[%get3A_47, %get3A_48] : memref<64x64xf32, #tpu.memory_space<vmem>>, vector<64x64xf32>
    %dot_general3A_50 = arith.constant dense<0.000000e+00> : vector<2000x64xf32>
    %dot_general3A_51 = tpu.matmul %max3A_11, %get3A_49, %dot_general3A_50 {dimension_numbers = #tpu.dot_dimension_numbers<[1], [0], [0], [1], [0, 0, 1, 1], [], []>, transpose_lhs_hint = false} : vector<2000x64xf32>, vector<64x64xf32>, vector<2000x64xf32> -> vector<2000x64xf32>
    %swap3A_52 = arith.constant 0 : index
    %swap3A_53 = arith.constant 0 : index
    %swap3A_54 = vector.load %arg11[%swap3A_52, %swap3A_53] : memref<2000x64xf32, #tpu.memory_space<vmem>>, vector<2000x64xf32>
    tpu.vector_store %arg11[%swap3A_52, %swap3A_53], %dot_general3A_51 {strides = array<i32>} : memref<2000x64xf32, #tpu.memory_space<vmem>>, vector<2000x64xf32>,
    return
  }
  func.func @transform_0(%arg0: i32) -> (i32, i32) {
    %c0_i32 = arith.constant 0 : i32
    %c0_i32_0 = arith.constant 0 : i32
    return %arg0, %c0_i32 : i32, i32
  }
  func.func @transform_1(%arg0: i32) -> (i32, i32) {
    %c0_i32 = arith.constant 0 : i32
    %c0_i32_0 = arith.constant 0 : i32
    %c0_i32_1 = arith.constant 0 : i32
    return %c0_i32, %c0_i32_0 : i32, i32
  }
  func.func @transform_2(%arg0: i32) -> (i32, i32) {
    %c0_i32 = arith.constant 0 : i32
    %c0_i32_0 = arith.constant 0 : i32
    %c0_i32_1 = arith.constant 0 : i32
    return %c0_i32, %c0_i32_0 : i32, i32
  }
  func.func @transform_3(%arg0: i32) -> (i32, i32) {
    %c0_i32 = arith.constant 0 : i32
    %c0_i32_0 = arith.constant 0 : i32
    %c0_i32_1 = arith.constant 0 : i32
    return %c0_i32, %c0_i32_0 : i32, i32
  }
  func.func @transform_4(%arg0: i32) -> (i32, i32) {
    %c0_i32 = arith.constant 0 : i32
    %c0_i32_0 = arith.constant 0 : i32
    %c0_i32_1 = arith.constant 0 : i32
    return %c0_i32, %c0_i32_0 : i32, i32
  }
  func.func @transform_5(%arg0: i32) -> (i32, i32) {
    %c0_i32 = arith.constant 0 : i32
    %c0_i32_0 = arith.constant 0 : i32
    %c0_i32_1 = arith.constant 0 : i32
    return %c0_i32, %c0_i32_0 : i32, i32
  }
  func.func @transform_6(%arg0: i32) -> (i32, i32) {
    %c0_i32 = arith.constant 0 : i32
    %c0_i32_0 = arith.constant 0 : i32
    %c0_i32_1 = arith.constant 0 : i32
    return %c0_i32, %c0_i32_0 : i32, i32
  }
  func.func @transform_7(%arg0: i32) -> (i32, i32) {
    %c0_i32 = arith.constant 0 : i32
    %c0_i32_0 = arith.constant 0 : i32
    %c0_i32_1 = arith.constant 0 : i32
    return %c0_i32, %c0_i32_0 : i32, i32
  }
  func.func @transform_8(%arg0: i32) -> (i32, i32) {
    %c0_i32 = arith.constant 0 : i32
    %c0_i32_0 = arith.constant 0 : i32
    return %arg0, %c0_i32 : i32, i32
  }
  func.func @transform_9(%arg0: i32) -> (i32, i32) {
    %c0_i32 = arith.constant 0 : i32
    %c0_i32_0 = arith.constant 0 : i32
    return %arg0, %c0_i32 : i32, i32
  }
  func.func @transform_10(%arg0: i32) -> (i32, i32) {
    %c0_i32 = arith.constant 0 : i32
    %c0_i32_0 = arith.constant 0 : i32
    return %arg0, %c0_i32 : i32, i32
  }
}

module attributes {stable_mosaic.version = 14 : i64} {
  func.func @_u2mid_body(%arg0: i32, %arg1: memref<2000x64xf32, #tpu.memory_space<vmem>>, %arg2: memref<64x64xf32, #tpu.memory_space<vmem>>, %arg3: memref<2000x64xf32, #tpu.memory_space<vmem>>) attributes {dimension_semantics = [#tpu.dimension_semantics<arbitrary>], iteration_bounds = array<i64: 160>, scalar_prefetch = 0 : i64, scratch_operands = 0 : i64, tpu.core_type = #tpu.core_type<tc>, window_params = [{transform_indices = @transform_0, window_bounds = array<i64: 2000, 64>}, {pipeline_mode = #tpu.pipeline_mode<synchronous>, transform_indices = @transform_1, window_bounds = array<i64: 64, 64>}, {transform_indices = @transform_2, window_bounds = array<i64: 2000, 64>}]} {
    %get3A = arith.constant 0 : index
    %get3A_0 = arith.constant 0 : index
    %get3A_1 = vector.load %arg1[%get3A, %get3A_0] : memref<2000x64xf32, #tpu.memory_space<vmem>>, vector<2000x64xf32>
    %get3A_2 = arith.constant 0 : index
    %get3A_3 = arith.constant 0 : index
    %get3A_4 = vector.load %arg2[%get3A_2, %get3A_3] : memref<64x64xf32, #tpu.memory_space<vmem>>, vector<64x64xf32>
    %dot_general3A = arith.constant dense<0.000000e+00> : vector<2000x64xf32>
    %dot_general3A_5 = tpu.matmul %get3A_1, %get3A_4, %dot_general3A {dimension_numbers = #tpu.dot_dimension_numbers<[1], [0], [0], [1], [0, 0, 1, 1], [], []>, transpose_lhs_hint = false} : vector<2000x64xf32>, vector<64x64xf32>, vector<2000x64xf32> -> vector<2000x64xf32>
    %swap3A = arith.constant 0 : index
    %swap3A_6 = arith.constant 0 : index
    %swap3A_7 = vector.load %arg3[%swap3A, %swap3A_6] : memref<2000x64xf32, #tpu.memory_space<vmem>>, vector<2000x64xf32>
    tpu.vector_store %arg3[%swap3A, %swap3A_6], %dot_general3A_5 {strides = array<i32>} : memref<2000x64xf32, #tpu.memory_space<vmem>>, vector<2000x64xf32>,
    return
  }
  func.func @transform_0(%arg0: i32) -> (i32, i32) {
    %c0_i32 = arith.constant 0 : i32
    %c0_i32_0 = arith.constant 0 : i32
    return %arg0, %c0_i32 : i32, i32
  }
  func.func @transform_1(%arg0: i32) -> (i32, i32) {
    %c0_i32 = arith.constant 0 : i32
    %c0_i32_0 = arith.constant 0 : i32
    %c0_i32_1 = arith.constant 0 : i32
    return %c0_i32, %c0_i32_0 : i32, i32
  }
  func.func @transform_2(%arg0: i32) -> (i32, i32) {
    %c0_i32 = arith.constant 0 : i32
    %c0_i32_0 = arith.constant 0 : i32
    return %arg0, %c0_i32 : i32, i32
  }
}

module attributes {stable_mosaic.version = 14 : i64} {
  func.func @_u4_body(%arg0: i32, %arg1: memref<2000x80xf32, #tpu.memory_space<vmem>>, %arg2: memref<2000x80xf32, #tpu.memory_space<vmem>>, %arg3: memref<2000x64xf32, #tpu.memory_space<vmem>>, %arg4: memref<16x64xf32, #tpu.memory_space<vmem>>, %arg5: memref<128x64xf32, #tpu.memory_space<vmem>>, %arg6: memref<1x16xf32, #tpu.memory_space<vmem>>, %arg7: memref<1x16xf32, #tpu.memory_space<vmem>>, %arg8: memref<2000x64xf32, #tpu.memory_space<vmem>>, %arg9: memref<16x64xf32, #tpu.memory_space<vmem>>, %arg10: memref<16x1xf32, #tpu.memory_space<vmem>>) attributes {dimension_semantics = [#tpu.dimension_semantics<arbitrary>], iteration_bounds = array<i64: 5>, scalar_prefetch = 0 : i64, scratch_operands = 0 : i64, tpu.core_type = #tpu.core_type<tc>, window_params = [{transform_indices = @transform_0, window_bounds = array<i64: 2000, 80>}, {transform_indices = @transform_1, window_bounds = array<i64: 2000, 80>}, {transform_indices = @transform_2, window_bounds = array<i64: 2000, 64>}, {pipeline_mode = #tpu.pipeline_mode<synchronous>, transform_indices = @transform_3, window_bounds = array<i64: 16, 64>}, {pipeline_mode = #tpu.pipeline_mode<synchronous>, transform_indices = @transform_4, window_bounds = array<i64: 128, 64>}, {pipeline_mode = #tpu.pipeline_mode<synchronous>, transform_indices = @transform_5, window_bounds = array<i64: 1, 16>}, {pipeline_mode = #tpu.pipeline_mode<synchronous>, transform_indices = @transform_6, window_bounds = array<i64: 1, 16>}, {transform_indices = @transform_7, window_bounds = array<i64: 2000, 64>}, {pipeline_mode = #tpu.pipeline_mode<synchronous>, transform_indices = @transform_8, window_bounds = array<i64: 16, 64>}, {pipeline_mode = #tpu.pipeline_mode<synchronous>, transform_indices = @transform_9, window_bounds = array<i64: 16, 1>}]} {
    %get3A = arith.constant 0 : index
    %get3A_0 = arith.constant 0 : index
    %get3A_1 = vector.load %arg1[%get3A, %get3A_0] : memref<2000x80xf32, #tpu.memory_space<vmem>>, vector<2000x80xf32>
    %get3A_2 = arith.constant 0 : index
    %get3A_3 = arith.constant 0 : index
    %get3A_4 = vector.load %arg2[%get3A_2, %get3A_3] : memref<2000x80xf32, #tpu.memory_space<vmem>>, vector<2000x80xf32>
    %add3A = arith.addf %get3A_1, %get3A_4 : vector<2000x80xf32>
    %slice3A = vector.extract_strided_slice %add3A {offsets = [0, 0], sizes = [2000, 64], strides = [1, 1]} : vector<2000x80xf32> to vector<2000x64xf32>
    %slice3A_5 = vector.extract_strided_slice %add3A {offsets = [0, 64], sizes = [2000, 1], strides = [1, 1]} : vector<2000x80xf32> to vector<2000x1xf32>
    %jit3A = arith.constant 1.000000e+00 : f32
    %max3A = vector.broadcast %jit3A : f32 to vector<2000x1xf32>
    %max3A_6 = arith.maximumf %max3A, %slice3A_5 : vector<2000x1xf32>
    %div3A = vector.broadcast %max3A_6 : vector<2000x1xf32> to vector<2000x64xf32>
    %div3A_7 = arith.divf %slice3A, %div3A : vector<2000x64xf32>
    %get3A_8 = arith.constant 0 : index
    %get3A_9 = arith.constant 0 : index
    %get3A_10 = vector.load %arg5[%get3A_8, %get3A_9] : memref<128x64xf32, #tpu.memory_space<vmem>>, vector<128x64xf32>
    %get3A_11 = arith.constant 0 : index
    %get3A_12 = arith.constant 0 : index
    %get3A_13 = vector.load %arg6[%get3A_11, %get3A_12] : memref<1x16xf32, #tpu.memory_space<vmem>>, vector<1x16xf32>
    %get3A_14 = arith.constant 0 : index
    %get3A_15 = arith.constant 0 : index
    %get3A_16 = vector.load %arg7[%get3A_14, %get3A_15] : memref<1x16xf32, #tpu.memory_space<vmem>>, vector<1x16xf32>
    %iota3A = tpu.iota {dimensions = array<i32: 0>} : vector<2000x1xi32>
    %convert_element_type3A = arith.sitofp %iota3A : vector<2000x1xi32> to vector<2000x1xf32>
    %mul3A = arith.constant 2000 : i32
    %mul3A_17 = arith.muli %arg0, %mul3A : i32
    %convert_element_type3A_18 = arith.sitofp %mul3A_17 : i32 to f32
    %add3A_19 = vector.broadcast %convert_element_type3A_18 : f32 to vector<2000x1xf32>
    %add3A_20 = arith.addf %convert_element_type3A, %add3A_19 : vector<2000x1xf32>
    %ge3A = vector.broadcast %add3A_20 : vector<2000x1xf32> to vector<2000x16xf32>
    %ge3A_21 = vector.broadcast %get3A_13 : vector<1x16xf32> to vector<2000x16xf32>
    %ge3A_22 = arith.cmpf oge, %ge3A, %ge3A_21 : vector<2000x16xf32>
    %convert_element_type3A_23 = arith.extui %ge3A_22 : vector<2000x16xi1> to vector<2000x16xi32>
    %convert_element_type3A_24 = arith.sitofp %convert_element_type3A_23 : vector<2000x16xi32> to vector<2000x16xf32>
    %ge3A_25 = vector.broadcast %add3A_20 : vector<2000x1xf32> to vector<2000x16xf32>
    %ge3A_26 = vector.broadcast %get3A_16 : vector<1x16xf32> to vector<2000x16xf32>
    %ge3A_27 = arith.cmpf oge, %ge3A_25, %ge3A_26 : vector<2000x16xf32>
    %convert_element_type3A_28 = arith.extui %ge3A_27 : vector<2000x16xi1> to vector<2000x16xi32>
    %convert_element_type3A_29 = arith.sitofp %convert_element_type3A_28 : vector<2000x16xi32> to vector<2000x16xf32>
    %sub3A = arith.subf %convert_element_type3A_24, %convert_element_type3A_29 : vector<2000x16xf32>
    %get3A_30 = arith.constant 0 : index
    %get3A_31 = arith.constant 0 : index
    %get3A_32 = vector.load %arg3[%get3A_30, %get3A_31] : memref<2000x64xf32, #tpu.memory_space<vmem>>, vector<2000x64xf32>
    %slice3A_33 = vector.extract_strided_slice %get3A_10 {offsets = [0, 0], sizes = [64, 64], strides = [1, 1]} : vector<128x64xf32> to vector<64x64xf32>
    %dot_general3A = arith.constant dense<0.000000e+00> : vector<2000x64xf32>
    %dot_general3A_34 = tpu.matmul %get3A_32, %slice3A_33, %dot_general3A {dimension_numbers = #tpu.dot_dimension_numbers<[1], [0], [0], [1], [0, 0, 1, 1], [], []>, transpose_lhs_hint = false} : vector<2000x64xf32>, vector<64x64xf32>, vector<2000x64xf32> -> vector<2000x64xf32>
    %slice3A_35 = vector.extract_strided_slice %get3A_10 {offsets = [64, 0], sizes = [64, 64], strides = [1, 1]} : vector<128x64xf32> to vector<64x64xf32>
    %dot_general3A_36 = arith.constant dense<0.000000e+00> : vector<2000x64xf32>
    %dot_general3A_37 = tpu.matmul %div3A_7, %slice3A_35, %dot_general3A_36 {dimension_numbers = #tpu.dot_dimension_numbers<[1], [0], [0], [1], [0, 0, 1, 1], [], []>, transpose_lhs_hint = false} : vector<2000x64xf32>, vector<64x64xf32>, vector<2000x64xf32> -> vector<2000x64xf32>
    %add3A_38 = arith.addf %dot_general3A_34, %dot_general3A_37 : vector<2000x64xf32>
    %get3A_39 = arith.constant 0 : index
    %get3A_40 = arith.constant 0 : index
    %get3A_41 = vector.load %arg4[%get3A_39, %get3A_40] : memref<16x64xf32, #tpu.memory_space<vmem>>, vector<16x64xf32>
    %dot_general3A_42 = arith.constant dense<0.000000e+00> : vector<2000x64xf32>
    %dot_general3A_43 = tpu.matmul %sub3A, %get3A_41, %dot_general3A_42 {dimension_numbers = #tpu.dot_dimension_numbers<[1], [0], [0], [1], [0, 0, 1, 1], [], []>, transpose_lhs_hint = false} : vector<2000x16xf32>, vector<16x64xf32>, vector<2000x64xf32> -> vector<2000x64xf32>
    %add3A_44 = arith.addf %add3A_38, %dot_general3A_43 : vector<2000x64xf32>
    %max3A_45 = arith.constant 0.000000e+00 : f32
    %max3A_46 = vector.broadcast %max3A_45 : f32 to vector<2000x64xf32>
    %max3A_47 = arith.maximumf %add3A_44, %max3A_46 : vector<2000x64xf32>
    %swap3A = arith.constant 0 : index
    %swap3A_48 = arith.constant 0 : index
    %swap3A_49 = vector.load %arg8[%swap3A, %swap3A_48] : memref<2000x64xf32, #tpu.memory_space<vmem>>, vector<2000x64xf32>
    tpu.vector_store %arg8[%swap3A, %swap3A_48], %max3A_47 {strides = array<i32>} : memref<2000x64xf32, #tpu.memory_space<vmem>>, vector<2000x64xf32>,
    %eq3A = arith.constant 0 : i32
    %eq3A_50 = arith.cmpi eq, %arg0, %eq3A : i32
    %convert_element_type3A_51 = arith.extui %eq3A_50 : i1 to i32
    %cond3A = arith.constant 0 : i32
    %cond3A_52 = arith.cmpi ne, %convert_element_type3A_51, %cond3A : i32
    scf.if %cond3A_52 {
      %broadcast_in_dim3A_72 = arith.constant 0.000000e+00 : f32
      %broadcast_in_dim3A_73 = vector.broadcast %broadcast_in_dim3A_72 : f32 to vector<16x64xf32>
      %swap3A_74 = arith.constant 0 : index
      %swap3A_75 = arith.constant 0 : index
      %swap3A_76 = vector.load %arg9[%swap3A_74, %swap3A_75] : memref<16x64xf32, #tpu.memory_space<vmem>>, vector<16x64xf32>
      tpu.vector_store %arg9[%swap3A_74, %swap3A_75], %broadcast_in_dim3A_73 {strides = array<i32>} : memref<16x64xf32, #tpu.memory_space<vmem>>, vector<16x64xf32>,
      %broadcast_in_dim3A_77 = arith.constant 0.000000e+00 : f32
      %broadcast_in_dim3A_78 = vector.broadcast %broadcast_in_dim3A_77 : f32 to vector<16x1xf32>
      %swap3A_79 = arith.constant 0 : index
      %swap3A_80 = arith.constant 0 : index
      %swap3A_81 = vector.load %arg10[%swap3A_79, %swap3A_80] : memref<16x1xf32, #tpu.memory_space<vmem>>, vector<16x1xf32>
      tpu.vector_store %arg10[%swap3A_79, %swap3A_80], %broadcast_in_dim3A_78 {strides = array<i32>} : memref<16x1xf32, #tpu.memory_space<vmem>>, vector<16x1xf32>,
    } else {
    }
    %get3A_53 = arith.constant 0 : index
    %get3A_54 = arith.constant 0 : index
    %get3A_55 = vector.load %arg9[%get3A_53, %get3A_54] : memref<16x64xf32, #tpu.memory_space<vmem>>, vector<16x64xf32>
    %dot_general3A_56 = arith.constant dense<0.000000e+00> : vector<16x64xf32>
    %dot_general3A_57 = tpu.matmul %sub3A, %max3A_47, %dot_general3A_56 {dimension_numbers = #tpu.dot_dimension_numbers<[0], [0], [1], [1], [0, 1, 1, 1], [], []>, transpose_lhs_hint = false} : vector<2000x16xf32>, vector<2000x64xf32>, vector<16x64xf32> -> vector<16x64xf32>
    %add3A_58 = arith.addf %get3A_55, %dot_general3A_57 : vector<16x64xf32>
    %swap3A_59 = arith.constant 0 : index
    %swap3A_60 = arith.constant 0 : index
    %swap3A_61 = vector.load %arg9[%swap3A_59, %swap3A_60] : memref<16x64xf32, #tpu.memory_space<vmem>>, vector<16x64xf32>
    tpu.vector_store %arg9[%swap3A_59, %swap3A_60], %add3A_58 {strides = array<i32>} : memref<16x64xf32, #tpu.memory_space<vmem>>, vector<16x64xf32>,
    %get3A_62 = arith.constant 0 : index
    %get3A_63 = arith.constant 0 : index
    %get3A_64 = vector.load %arg10[%get3A_62, %get3A_63] : memref<16x1xf32, #tpu.memory_space<vmem>>, vector<16x1xf32>
    %broadcast_in_dim3A = arith.constant 1.000000e+00 : f32
    %broadcast_in_dim3A_65 = vector.broadcast %broadcast_in_dim3A : f32 to vector<2000x1xf32>
    %dot_general3A_66 = arith.constant dense<0.000000e+00> : vector<16x1xf32>
    %dot_general3A_67 = tpu.matmul %sub3A, %broadcast_in_dim3A_65, %dot_general3A_66 {dimension_numbers = #tpu.dot_dimension_numbers<[0], [0], [1], [1], [0, 1, 1, 1], [], []>, transpose_lhs_hint = false} : vector<2000x16xf32>, vector<2000x1xf32>, vector<16x1xf32> -> vector<16x1xf32>
    %add3A_68 = arith.addf %get3A_64, %dot_general3A_67 : vector<16x1xf32>
    %swap3A_69 = arith.constant 0 : index
    %swap3A_70 = arith.constant 0 : index
    %swap3A_71 = vector.load %arg10[%swap3A_69, %swap3A_70] : memref<16x1xf32, #tpu.memory_space<vmem>>, vector<16x1xf32>
    tpu.vector_store %arg10[%swap3A_69, %swap3A_70], %add3A_68 {strides = array<i32>} : memref<16x1xf32, #tpu.memory_space<vmem>>, vector<16x1xf32>,
    return
  }
  func.func @transform_0(%arg0: i32) -> (i32, i32) {
    %c0_i32 = arith.constant 0 : i32
    %c0_i32_0 = arith.constant 0 : i32
    return %arg0, %c0_i32 : i32, i32
  }
  func.func @transform_1(%arg0: i32) -> (i32, i32) {
    %c0_i32 = arith.constant 0 : i32
    %c0_i32_0 = arith.constant 0 : i32
    return %arg0, %c0_i32 : i32, i32
  }
  func.func @transform_2(%arg0: i32) -> (i32, i32) {
    %c0_i32 = arith.constant 0 : i32
    %c0_i32_0 = arith.constant 0 : i32
    return %arg0, %c0_i32 : i32, i32
  }
  func.func @transform_3(%arg0: i32) -> (i32, i32) {
    %c0_i32 = arith.constant 0 : i32
    %c0_i32_0 = arith.constant 0 : i32
    %c0_i32_1 = arith.constant 0 : i32
    return %c0_i32, %c0_i32_0 : i32, i32
  }
  func.func @transform_4(%arg0: i32) -> (i32, i32) {
    %c0_i32 = arith.constant 0 : i32
    %c0_i32_0 = arith.constant 0 : i32
    %c0_i32_1 = arith.constant 0 : i32
    return %c0_i32, %c0_i32_0 : i32, i32
  }
  func.func @transform_5(%arg0: i32) -> (i32, i32) {
    %c0_i32 = arith.constant 0 : i32
    %c0_i32_0 = arith.constant 0 : i32
    %c0_i32_1 = arith.constant 0 : i32
    return %c0_i32, %c0_i32_0 : i32, i32
  }
  func.func @transform_6(%arg0: i32) -> (i32, i32) {
    %c0_i32 = arith.constant 0 : i32
    %c0_i32_0 = arith.constant 0 : i32
    %c0_i32_1 = arith.constant 0 : i32
    return %c0_i32, %c0_i32_0 : i32, i32
  }
  func.func @transform_7(%arg0: i32) -> (i32, i32) {
    %c0_i32 = arith.constant 0 : i32
    %c0_i32_0 = arith.constant 0 : i32
    return %arg0, %c0_i32 : i32, i32
  }
  func.func @transform_8(%arg0: i32) -> (i32, i32) {
    %c0_i32 = arith.constant 0 : i32
    %c0_i32_0 = arith.constant 0 : i32
    %c0_i32_1 = arith.constant 0 : i32
    return %c0_i32, %c0_i32_0 : i32, i32
  }
  func.func @transform_9(%arg0: i32) -> (i32, i32) {
    %c0_i32 = arith.constant 0 : i32
    %c0_i32_0 = arith.constant 0 : i32
    %c0_i32_1 = arith.constant 0 : i32
    return %c0_i32, %c0_i32_0 : i32, i32
  }
}

module attributes {stable_mosaic.version = 14 : i64} {
  func.func @_gkup_body(%arg0: memref<16x64xf32, #tpu.memory_space<vmem>>, %arg1: memref<16x64xf32, #tpu.memory_space<vmem>>, %arg2: memref<16x1xf32, #tpu.memory_space<vmem>>, %arg3: memref<16x80xf32, #tpu.memory_space<vmem>>, %arg4: memref<16x80xf32, #tpu.memory_space<vmem>>, %arg5: memref<192x64xf32, #tpu.memory_space<vmem>>, %arg6: memref<1x64xf32, #tpu.memory_space<vmem>>, %arg7: memref<64x64xf32, #tpu.memory_space<vmem>>, %arg8: memref<1x64xf32, #tpu.memory_space<vmem>>, %arg9: memref<64x64xf32, #tpu.memory_space<vmem>>, %arg10: memref<1x64xf32, #tpu.memory_space<vmem>>, %arg11: memref<16x64xf32, #tpu.memory_space<vmem>>, %arg12: memref<16x64xf32, #tpu.memory_space<vmem>>, %arg13: memref<16x64xf32, #tpu.memory_space<vmem>>) attributes {dimension_semantics = [], scalar_prefetch = 0 : i64, scratch_operands = 0 : i64, tpu.core_type = #tpu.core_type<tc>} {
    %get3A = arith.constant 0 : index
    %get3A_0 = arith.constant 0 : index
    %get3A_1 = vector.load %arg0[%get3A, %get3A_0] : memref<16x64xf32, #tpu.memory_space<vmem>>, vector<16x64xf32>
    %get3A_2 = arith.constant 0 : index
    %get3A_3 = arith.constant 0 : index
    %get3A_4 = vector.load %arg1[%get3A_2, %get3A_3] : memref<16x64xf32, #tpu.memory_space<vmem>>, vector<16x64xf32>
    %get3A_5 = arith.constant 0 : index
    %get3A_6 = arith.constant 0 : index
    %get3A_7 = vector.load %arg2[%get3A_5, %get3A_6] : memref<16x1xf32, #tpu.memory_space<vmem>>, vector<16x1xf32>
    %get3A_8 = arith.constant 0 : index
    %get3A_9 = arith.constant 0 : index
    %get3A_10 = vector.load %arg3[%get3A_8, %get3A_9] : memref<16x80xf32, #tpu.memory_space<vmem>>, vector<16x80xf32>
    %get3A_11 = arith.constant 0 : index
    %get3A_12 = arith.constant 0 : index
    %get3A_13 = vector.load %arg4[%get3A_11, %get3A_12] : memref<16x80xf32, #tpu.memory_space<vmem>>, vector<16x80xf32>
    %get3A_14 = arith.constant 0 : index
    %get3A_15 = arith.constant 0 : index
    %get3A_16 = vector.load %arg5[%get3A_14, %get3A_15] : memref<192x64xf32, #tpu.memory_space<vmem>>, vector<192x64xf32>
    %get3A_17 = arith.constant 0 : index
    %get3A_18 = arith.constant 0 : index
    %get3A_19 = vector.load %arg6[%get3A_17, %get3A_18] : memref<1x64xf32, #tpu.memory_space<vmem>>, vector<1x64xf32>
    %jit3A = arith.constant 1.000000e+00 : f32
    %max3A = vector.broadcast %jit3A : f32 to vector<16x1xf32>
    %max3A_20 = arith.maximumf %max3A, %get3A_7 : vector<16x1xf32>
    %div3A = vector.broadcast %max3A_20 : vector<16x1xf32> to vector<16x64xf32>
    %div3A_21 = arith.divf %get3A_4, %div3A : vector<16x64xf32>
    %add3A = arith.addf %get3A_10, %get3A_13 : vector<16x80xf32>
    %slice3A = vector.extract_strided_slice %add3A {offsets = [0, 0], sizes = [16, 64], strides = [1, 1]} : vector<16x80xf32> to vector<16x64xf32>
    %slice3A_22 = vector.extract_strided_slice %add3A {offsets = [0, 64], sizes = [16, 1], strides = [1, 1]} : vector<16x80xf32> to vector<16x1xf32>
    %jit3A_23 = arith.constant 1.000000e+00 : f32
    %max3A_24 = vector.broadcast %jit3A_23 : f32 to vector<16x1xf32>
    %max3A_25 = arith.maximumf %max3A_24, %slice3A_22 : vector<16x1xf32>
    %div3A_26 = vector.broadcast %max3A_25 : vector<16x1xf32> to vector<16x64xf32>
    %div3A_27 = arith.divf %slice3A, %div3A_26 : vector<16x64xf32>
    %slice3A_28 = vector.extract_strided_slice %get3A_16 {offsets = [0, 0], sizes = [64, 64], strides = [1, 1]} : vector<192x64xf32> to vector<64x64xf32>
    %dot_general3A = arith.constant dense<0.000000e+00> : vector<16x64xf32>
    %dot_general3A_29 = tpu.matmul %get3A_1, %slice3A_28, %dot_general3A {dimension_numbers = #tpu.dot_dimension_numbers<[1], [0], [0], [1], [0, 0, 1, 1], [], []>, transpose_lhs_hint = false} : vector<16x64xf32>, vector<64x64xf32>, vector<16x64xf32> -> vector<16x64xf32>
    %slice3A_30 = vector.extract_strided_slice %get3A_16 {offsets = [64, 0], sizes = [64, 64], strides = [1, 1]} : vector<192x64xf32> to vector<64x64xf32>
    %dot_general3A_31 = arith.constant dense<0.000000e+00> : vector<16x64xf32>
    %dot_general3A_32 = tpu.matmul %div3A_21, %slice3A_30, %dot_general3A_31 {dimension_numbers = #tpu.dot_dimension_numbers<[1], [0], [0], [1], [0, 0, 1, 1], [], []>, transpose_lhs_hint = false} : vector<16x64xf32>, vector<64x64xf32>, vector<16x64xf32> -> vector<16x64xf32>
    %add3A_33 = arith.addf %dot_general3A_29, %dot_general3A_32 : vector<16x64xf32>
    %slice3A_34 = vector.extract_strided_slice %get3A_16 {offsets = [128, 0], sizes = [64, 64], strides = [1, 1]} : vector<192x64xf32> to vector<64x64xf32>
    %dot_general3A_35 = arith.constant dense<0.000000e+00> : vector<16x64xf32>
    %dot_general3A_36 = tpu.matmul %div3A_27, %slice3A_34, %dot_general3A_35 {dimension_numbers = #tpu.dot_dimension_numbers<[1], [0], [0], [1], [0, 0, 1, 1], [], []>, transpose_lhs_hint = false} : vector<16x64xf32>, vector<64x64xf32>, vector<16x64xf32> -> vector<16x64xf32>
    %add3A_37 = arith.addf %add3A_33, %dot_general3A_36 : vector<16x64xf32>
    %add3A_38 = vector.broadcast %get3A_19 : vector<1x64xf32> to vector<16x64xf32>
    %add3A_39 = arith.addf %add3A_37, %add3A_38 : vector<16x64xf32>
    %max3A_40 = arith.constant 0.000000e+00 : f32
    %max3A_41 = vector.broadcast %max3A_40 : f32 to vector<16x64xf32>
    %max3A_42 = arith.maximumf %add3A_39, %max3A_41 : vector<16x64xf32>
    %swap3A = arith.constant 0 : index
    %swap3A_43 = arith.constant 0 : index
    %swap3A_44 = vector.load %arg11[%swap3A, %swap3A_43] : memref<16x64xf32, #tpu.memory_space<vmem>>, vector<16x64xf32>
    tpu.vector_store %arg11[%swap3A, %swap3A_43], %max3A_42 {strides = array<i32>} : memref<16x64xf32, #tpu.memory_space<vmem>>, vector<16x64xf32>,
    %get3A_45 = arith.constant 0 : index
    %get3A_46 = arith.constant 0 : index
    %get3A_47 = vector.load %arg7[%get3A_45, %get3A_46] : memref<64x64xf32, #tpu.memory_space<vmem>>, vector<64x64xf32>
    %dot_general3A_48 = arith.constant dense<0.000000e+00> : vector<16x64xf32>
    %dot_general3A_49 = tpu.matmul %max3A_42, %get3A_47, %dot_general3A_48 {dimension_numbers = #tpu.dot_dimension_numbers<[1], [0], [0], [1], [0, 0, 1, 1], [], []>, transpose_lhs_hint = false} : vector<16x64xf32>, vector<64x64xf32>, vector<16x64xf32> -> vector<16x64xf32>
    %get3A_50 = arith.constant 0 : index
    %get3A_51 = arith.constant 0 : index
    %get3A_52 = vector.load %arg8[%get3A_50, %get3A_51] : memref<1x64xf32, #tpu.memory_space<vmem>>, vector<1x64xf32>
    %add3A_53 = vector.broadcast %get3A_52 : vector<1x64xf32> to vector<16x64xf32>
    %add3A_54 = arith.addf %dot_general3A_49, %add3A_53 : vector<16x64xf32>
    %swap3A_55 = arith.constant 0 : index
    %swap3A_56 = arith.constant 0 : index
    %swap3A_57 = vector.load %arg12[%swap3A_55, %swap3A_56] : memref<16x64xf32, #tpu.memory_space<vmem>>, vector<16x64xf32>
    tpu.vector_store %arg12[%swap3A_55, %swap3A_56], %add3A_54 {strides = array<i32>} : memref<16x64xf32, #tpu.memory_space<vmem>>, vector<16x64xf32>,
    %get3A_58 = arith.constant 0 : index
    %get3A_59 = arith.constant 0 : index
    %get3A_60 = vector.load %arg9[%get3A_58, %get3A_59] : memref<64x64xf32, #tpu.memory_space<vmem>>, vector<64x64xf32>
    %dot_general3A_61 = arith.constant dense<0.000000e+00> : vector<16x64xf32>
    %dot_general3A_62 = tpu.matmul %max3A_42, %get3A_60, %dot_general3A_61 {dimension_numbers = #tpu.dot_dimension_numbers<[1], [0], [0], [1], [0, 0, 1, 1], [], []>, transpose_lhs_hint = false} : vector<16x64xf32>, vector<64x64xf32>, vector<16x64xf32> -> vector<16x64xf32>
    %get3A_63 = arith.constant 0 : index
    %get3A_64 = arith.constant 0 : index
    %get3A_65 = vector.load %arg10[%get3A_63, %get3A_64] : memref<1x64xf32, #tpu.memory_space<vmem>>, vector<1x64xf32>
    %add3A_66 = vector.broadcast %get3A_65 : vector<1x64xf32> to vector<16x64xf32>
    %add3A_67 = arith.addf %dot_general3A_62, %add3A_66 : vector<16x64xf32>
    %swap3A_68 = arith.constant 0 : index
    %swap3A_69 = arith.constant 0 : index
    %swap3A_70 = vector.load %arg13[%swap3A_68, %swap3A_69] : memref<16x64xf32, #tpu.memory_space<vmem>>, vector<16x64xf32>
    tpu.vector_store %arg13[%swap3A_68, %swap3A_69], %add3A_67 {strides = array<i32>} : memref<16x64xf32, #tpu.memory_space<vmem>>, vector<16x64xf32>,
    return
  }
}

module attributes {stable_mosaic.version = 14 : i64} {
  func.func @_uP_body(%arg0: i32, %arg1: memref<2000x64xf32, #tpu.memory_space<vmem>>, %arg2: memref<64x64xf32, #tpu.memory_space<vmem>>, %arg3: memref<64x64xf32, #tpu.memory_space<vmem>>, %arg4: memref<16x64xf32, #tpu.memory_space<vmem>>, %arg5: memref<1x16xf32, #tpu.memory_space<vmem>>, %arg6: memref<1x16xf32, #tpu.memory_space<vmem>>, %arg7: memref<2000x64xf32, #tpu.memory_space<vmem>>, %arg8: memref<2000x64xf32, #tpu.memory_space<vmem>>) attributes {dimension_semantics = [#tpu.dimension_semantics<arbitrary>], iteration_bounds = array<i64: 5>, scalar_prefetch = 0 : i64, scratch_operands = 0 : i64, tpu.core_type = #tpu.core_type<tc>, window_params = [{transform_indices = @transform_0, window_bounds = array<i64: 2000, 64>}, {pipeline_mode = #tpu.pipeline_mode<synchronous>, transform_indices = @transform_1, window_bounds = array<i64: 64, 64>}, {pipeline_mode = #tpu.pipeline_mode<synchronous>, transform_indices = @transform_2, window_bounds = array<i64: 64, 64>}, {pipeline_mode = #tpu.pipeline_mode<synchronous>, transform_indices = @transform_3, window_bounds = array<i64: 16, 64>}, {pipeline_mode = #tpu.pipeline_mode<synchronous>, transform_indices = @transform_4, window_bounds = array<i64: 1, 16>}, {pipeline_mode = #tpu.pipeline_mode<synchronous>, transform_indices = @transform_5, window_bounds = array<i64: 1, 16>}, {transform_indices = @transform_6, window_bounds = array<i64: 2000, 64>}, {transform_indices = @transform_7, window_bounds = array<i64: 2000, 64>}]} {
    %get3A = arith.constant 0 : index
    %get3A_0 = arith.constant 0 : index
    %get3A_1 = vector.load %arg1[%get3A, %get3A_0] : memref<2000x64xf32, #tpu.memory_space<vmem>>, vector<2000x64xf32>
    %get3A_2 = arith.constant 0 : index
    %get3A_3 = arith.constant 0 : index
    %get3A_4 = vector.load %arg5[%get3A_2, %get3A_3] : memref<1x16xf32, #tpu.memory_space<vmem>>, vector<1x16xf32>
    %get3A_5 = arith.constant 0 : index
    %get3A_6 = arith.constant 0 : index
    %get3A_7 = vector.load %arg6[%get3A_5, %get3A_6] : memref<1x16xf32, #tpu.memory_space<vmem>>, vector<1x16xf32>
    %iota3A = tpu.iota {dimensions = array<i32: 0>} : vector<2000x1xi32>
    %convert_element_type3A = arith.sitofp %iota3A : vector<2000x1xi32> to vector<2000x1xf32>
    %mul3A = arith.constant 2000 : i32
    %mul3A_8 = arith.muli %arg0, %mul3A : i32
    %convert_element_type3A_9 = arith.sitofp %mul3A_8 : i32 to f32
    %add3A = vector.broadcast %convert_element_type3A_9 : f32 to vector<2000x1xf32>
    %add3A_10 = arith.addf %convert_element_type3A, %add3A : vector<2000x1xf32>
    %ge3A = vector.broadcast %add3A_10 : vector<2000x1xf32> to vector<2000x16xf32>
    %ge3A_11 = vector.broadcast %get3A_4 : vector<1x16xf32> to vector<2000x16xf32>
    %ge3A_12 = arith.cmpf oge, %ge3A, %ge3A_11 : vector<2000x16xf32>
    %convert_element_type3A_13 = arith.extui %ge3A_12 : vector<2000x16xi1> to vector<2000x16xi32>
    %convert_element_type3A_14 = arith.sitofp %convert_element_type3A_13 : vector<2000x16xi32> to vector<2000x16xf32>
    %ge3A_15 = vector.broadcast %add3A_10 : vector<2000x1xf32> to vector<2000x16xf32>
    %ge3A_16 = vector.broadcast %get3A_7 : vector<1x16xf32> to vector<2000x16xf32>
    %ge3A_17 = arith.cmpf oge, %ge3A_15, %ge3A_16 : vector<2000x16xf32>
    %convert_element_type3A_18 = arith.extui %ge3A_17 : vector<2000x16xi1> to vector<2000x16xi32>
    %convert_element_type3A_19 = arith.sitofp %convert_element_type3A_18 : vector<2000x16xi32> to vector<2000x16xf32>
    %sub3A = arith.subf %convert_element_type3A_14, %convert_element_type3A_19 : vector<2000x16xf32>
    %get3A_20 = arith.constant 0 : index
    %get3A_21 = arith.constant 0 : index
    %get3A_22 = vector.load %arg2[%get3A_20, %get3A_21] : memref<64x64xf32, #tpu.memory_space<vmem>>, vector<64x64xf32>
    %dot_general3A = arith.constant dense<0.000000e+00> : vector<2000x64xf32>
    %dot_general3A_23 = tpu.matmul %get3A_1, %get3A_22, %dot_general3A {dimension_numbers = #tpu.dot_dimension_numbers<[1], [0], [0], [1], [0, 0, 1, 1], [], []>, transpose_lhs_hint = false} : vector<2000x64xf32>, vector<64x64xf32>, vector<2000x64xf32> -> vector<2000x64xf32>
    %get3A_24 = arith.constant 0 : index
    %get3A_25 = arith.constant 0 : index
    %get3A_26 = vector.load %arg4[%get3A_24, %get3A_25] : memref<16x64xf32, #tpu.memory_space<vmem>>, vector<16x64xf32>
    %dot_general3A_27 = arith.constant dense<0.000000e+00> : vector<2000x64xf32>
    %dot_general3A_28 = tpu.matmul %sub3A, %get3A_26, %dot_general3A_27 {dimension_numbers = #tpu.dot_dimension_numbers<[1], [0], [0], [1], [0, 0, 1, 1], [], []>, transpose_lhs_hint = false} : vector<2000x16xf32>, vector<16x64xf32>, vector<2000x64xf32> -> vector<2000x64xf32>
    %add3A_29 = arith.addf %dot_general3A_23, %dot_general3A_28 : vector<2000x64xf32>
    %swap3A = arith.constant 0 : index
    %swap3A_30 = arith.constant 0 : index
    %swap3A_31 = vector.load %arg7[%swap3A, %swap3A_30] : memref<2000x64xf32, #tpu.memory_space<vmem>>, vector<2000x64xf32>
    tpu.vector_store %arg7[%swap3A, %swap3A_30], %add3A_29 {strides = array<i32>} : memref<2000x64xf32, #tpu.memory_space<vmem>>, vector<2000x64xf32>,
    %get3A_32 = arith.constant 0 : index
    %get3A_33 = arith.constant 0 : index
    %get3A_34 = vector.load %arg3[%get3A_32, %get3A_33] : memref<64x64xf32, #tpu.memory_space<vmem>>, vector<64x64xf32>
    %dot_general3A_35 = arith.constant dense<0.000000e+00> : vector<2000x64xf32>
    %dot_general3A_36 = tpu.matmul %get3A_1, %get3A_34, %dot_general3A_35 {dimension_numbers = #tpu.dot_dimension_numbers<[1], [0], [0], [1], [0, 0, 1, 1], [], []>, transpose_lhs_hint = false} : vector<2000x64xf32>, vector<64x64xf32>, vector<2000x64xf32> -> vector<2000x64xf32>
    %swap3A_37 = arith.constant 0 : index
    %swap3A_38 = arith.constant 0 : index
    %swap3A_39 = vector.load %arg8[%swap3A_37, %swap3A_38] : memref<2000x64xf32, #tpu.memory_space<vmem>>, vector<2000x64xf32>
    tpu.vector_store %arg8[%swap3A_37, %swap3A_38], %dot_general3A_36 {strides = array<i32>} : memref<2000x64xf32, #tpu.memory_space<vmem>>, vector<2000x64xf32>,
    return
  }
  func.func @transform_0(%arg0: i32) -> (i32, i32) {
    %c0_i32 = arith.constant 0 : i32
    %c0_i32_0 = arith.constant 0 : i32
    return %arg0, %c0_i32 : i32, i32
  }
  func.func @transform_1(%arg0: i32) -> (i32, i32) {
    %c0_i32 = arith.constant 0 : i32
    %c0_i32_0 = arith.constant 0 : i32
    %c0_i32_1 = arith.constant 0 : i32
    return %c0_i32, %c0_i32_0 : i32, i32
  }
  func.func @transform_2(%arg0: i32) -> (i32, i32) {
    %c0_i32 = arith.constant 0 : i32
    %c0_i32_0 = arith.constant 0 : i32
    %c0_i32_1 = arith.constant 0 : i32
    return %c0_i32, %c0_i32_0 : i32, i32
  }
  func.func @transform_3(%arg0: i32) -> (i32, i32) {
    %c0_i32 = arith.constant 0 : i32
    %c0_i32_0 = arith.constant 0 : i32
    %c0_i32_1 = arith.constant 0 : i32
    return %c0_i32, %c0_i32_0 : i32, i32
  }
  func.func @transform_4(%arg0: i32) -> (i32, i32) {
    %c0_i32 = arith.constant 0 : i32
    %c0_i32_0 = arith.constant 0 : i32
    %c0_i32_1 = arith.constant 0 : i32
    return %c0_i32, %c0_i32_0 : i32, i32
  }
  func.func @transform_5(%arg0: i32) -> (i32, i32) {
    %c0_i32 = arith.constant 0 : i32
    %c0_i32_0 = arith.constant 0 : i32
    %c0_i32_1 = arith.constant 0 : i32
    return %c0_i32, %c0_i32_0 : i32, i32
  }
  func.func @transform_6(%arg0: i32) -> (i32, i32) {
    %c0_i32 = arith.constant 0 : i32
    %c0_i32_0 = arith.constant 0 : i32
    return %arg0, %c0_i32 : i32, i32
  }
  func.func @transform_7(%arg0: i32) -> (i32, i32) {
    %c0_i32 = arith.constant 0 : i32
    %c0_i32_0 = arith.constant 0 : i32
    return %arg0, %c0_i32 : i32, i32
  }
}

module attributes {stable_mosaic.version = 14 : i64} {
  func.func @_u4_body(%arg0: i32, %arg1: memref<2000x80xf32, #tpu.memory_space<vmem>>, %arg2: memref<2000x80xf32, #tpu.memory_space<vmem>>, %arg3: memref<2000x64xf32, #tpu.memory_space<vmem>>, %arg4: memref<16x64xf32, #tpu.memory_space<vmem>>, %arg5: memref<128x64xf32, #tpu.memory_space<vmem>>, %arg6: memref<1x16xf32, #tpu.memory_space<vmem>>, %arg7: memref<1x16xf32, #tpu.memory_space<vmem>>, %arg8: memref<2000x64xf32, #tpu.memory_space<vmem>>, %arg9: memref<16x64xf32, #tpu.memory_space<vmem>>, %arg10: memref<16x1xf32, #tpu.memory_space<vmem>>) attributes {dimension_semantics = [#tpu.dimension_semantics<arbitrary>], iteration_bounds = array<i64: 5>, scalar_prefetch = 0 : i64, scratch_operands = 0 : i64, tpu.core_type = #tpu.core_type<tc>, window_params = [{transform_indices = @transform_0, window_bounds = array<i64: 2000, 80>}, {transform_indices = @transform_1, window_bounds = array<i64: 2000, 80>}, {transform_indices = @transform_2, window_bounds = array<i64: 2000, 64>}, {pipeline_mode = #tpu.pipeline_mode<synchronous>, transform_indices = @transform_3, window_bounds = array<i64: 16, 64>}, {pipeline_mode = #tpu.pipeline_mode<synchronous>, transform_indices = @transform_4, window_bounds = array<i64: 128, 64>}, {pipeline_mode = #tpu.pipeline_mode<synchronous>, transform_indices = @transform_5, window_bounds = array<i64: 1, 16>}, {pipeline_mode = #tpu.pipeline_mode<synchronous>, transform_indices = @transform_6, window_bounds = array<i64: 1, 16>}, {transform_indices = @transform_7, window_bounds = array<i64: 2000, 64>}, {pipeline_mode = #tpu.pipeline_mode<synchronous>, transform_indices = @transform_8, window_bounds = array<i64: 16, 64>}, {pipeline_mode = #tpu.pipeline_mode<synchronous>, transform_indices = @transform_9, window_bounds = array<i64: 16, 1>}]} {
    %get3A = arith.constant 0 : index
    %get3A_0 = arith.constant 0 : index
    %get3A_1 = vector.load %arg1[%get3A, %get3A_0] : memref<2000x80xf32, #tpu.memory_space<vmem>>, vector<2000x80xf32>
    %get3A_2 = arith.constant 0 : index
    %get3A_3 = arith.constant 0 : index
    %get3A_4 = vector.load %arg2[%get3A_2, %get3A_3] : memref<2000x80xf32, #tpu.memory_space<vmem>>, vector<2000x80xf32>
    %add3A = arith.addf %get3A_1, %get3A_4 : vector<2000x80xf32>
    %slice3A = vector.extract_strided_slice %add3A {offsets = [0, 0], sizes = [2000, 64], strides = [1, 1]} : vector<2000x80xf32> to vector<2000x64xf32>
    %slice3A_5 = vector.extract_strided_slice %add3A {offsets = [0, 64], sizes = [2000, 1], strides = [1, 1]} : vector<2000x80xf32> to vector<2000x1xf32>
    %jit3A = arith.constant 1.000000e+00 : f32
    %max3A = vector.broadcast %jit3A : f32 to vector<2000x1xf32>
    %max3A_6 = arith.maximumf %max3A, %slice3A_5 : vector<2000x1xf32>
    %div3A = vector.broadcast %max3A_6 : vector<2000x1xf32> to vector<2000x64xf32>
    %div3A_7 = arith.divf %slice3A, %div3A : vector<2000x64xf32>
    %get3A_8 = arith.constant 0 : index
    %get3A_9 = arith.constant 0 : index
    %get3A_10 = vector.load %arg5[%get3A_8, %get3A_9] : memref<128x64xf32, #tpu.memory_space<vmem>>, vector<128x64xf32>
    %get3A_11 = arith.constant 0 : index
    %get3A_12 = arith.constant 0 : index
    %get3A_13 = vector.load %arg6[%get3A_11, %get3A_12] : memref<1x16xf32, #tpu.memory_space<vmem>>, vector<1x16xf32>
    %get3A_14 = arith.constant 0 : index
    %get3A_15 = arith.constant 0 : index
    %get3A_16 = vector.load %arg7[%get3A_14, %get3A_15] : memref<1x16xf32, #tpu.memory_space<vmem>>, vector<1x16xf32>
    %iota3A = tpu.iota {dimensions = array<i32: 0>} : vector<2000x1xi32>
    %convert_element_type3A = arith.sitofp %iota3A : vector<2000x1xi32> to vector<2000x1xf32>
    %mul3A = arith.constant 2000 : i32
    %mul3A_17 = arith.muli %arg0, %mul3A : i32
    %convert_element_type3A_18 = arith.sitofp %mul3A_17 : i32 to f32
    %add3A_19 = vector.broadcast %convert_element_type3A_18 : f32 to vector<2000x1xf32>
    %add3A_20 = arith.addf %convert_element_type3A, %add3A_19 : vector<2000x1xf32>
    %ge3A = vector.broadcast %add3A_20 : vector<2000x1xf32> to vector<2000x16xf32>
    %ge3A_21 = vector.broadcast %get3A_13 : vector<1x16xf32> to vector<2000x16xf32>
    %ge3A_22 = arith.cmpf oge, %ge3A, %ge3A_21 : vector<2000x16xf32>
    %convert_element_type3A_23 = arith.extui %ge3A_22 : vector<2000x16xi1> to vector<2000x16xi32>
    %convert_element_type3A_24 = arith.sitofp %convert_element_type3A_23 : vector<2000x16xi32> to vector<2000x16xf32>
    %ge3A_25 = vector.broadcast %add3A_20 : vector<2000x1xf32> to vector<2000x16xf32>
    %ge3A_26 = vector.broadcast %get3A_16 : vector<1x16xf32> to vector<2000x16xf32>
    %ge3A_27 = arith.cmpf oge, %ge3A_25, %ge3A_26 : vector<2000x16xf32>
    %convert_element_type3A_28 = arith.extui %ge3A_27 : vector<2000x16xi1> to vector<2000x16xi32>
    %convert_element_type3A_29 = arith.sitofp %convert_element_type3A_28 : vector<2000x16xi32> to vector<2000x16xf32>
    %sub3A = arith.subf %convert_element_type3A_24, %convert_element_type3A_29 : vector<2000x16xf32>
    %get3A_30 = arith.constant 0 : index
    %get3A_31 = arith.constant 0 : index
    %get3A_32 = vector.load %arg3[%get3A_30, %get3A_31] : memref<2000x64xf32, #tpu.memory_space<vmem>>, vector<2000x64xf32>
    %slice3A_33 = vector.extract_strided_slice %get3A_10 {offsets = [0, 0], sizes = [64, 64], strides = [1, 1]} : vector<128x64xf32> to vector<64x64xf32>
    %dot_general3A = arith.constant dense<0.000000e+00> : vector<2000x64xf32>
    %dot_general3A_34 = tpu.matmul %get3A_32, %slice3A_33, %dot_general3A {dimension_numbers = #tpu.dot_dimension_numbers<[1], [0], [0], [1], [0, 0, 1, 1], [], []>, transpose_lhs_hint = false} : vector<2000x64xf32>, vector<64x64xf32>, vector<2000x64xf32> -> vector<2000x64xf32>
    %slice3A_35 = vector.extract_strided_slice %get3A_10 {offsets = [64, 0], sizes = [64, 64], strides = [1, 1]} : vector<128x64xf32> to vector<64x64xf32>
    %dot_general3A_36 = arith.constant dense<0.000000e+00> : vector<2000x64xf32>
    %dot_general3A_37 = tpu.matmul %div3A_7, %slice3A_35, %dot_general3A_36 {dimension_numbers = #tpu.dot_dimension_numbers<[1], [0], [0], [1], [0, 0, 1, 1], [], []>, transpose_lhs_hint = false} : vector<2000x64xf32>, vector<64x64xf32>, vector<2000x64xf32> -> vector<2000x64xf32>
    %add3A_38 = arith.addf %dot_general3A_34, %dot_general3A_37 : vector<2000x64xf32>
    %get3A_39 = arith.constant 0 : index
    %get3A_40 = arith.constant 0 : index
    %get3A_41 = vector.load %arg4[%get3A_39, %get3A_40] : memref<16x64xf32, #tpu.memory_space<vmem>>, vector<16x64xf32>
    %dot_general3A_42 = arith.constant dense<0.000000e+00> : vector<2000x64xf32>
    %dot_general3A_43 = tpu.matmul %sub3A, %get3A_41, %dot_general3A_42 {dimension_numbers = #tpu.dot_dimension_numbers<[1], [0], [0], [1], [0, 0, 1, 1], [], []>, transpose_lhs_hint = false} : vector<2000x16xf32>, vector<16x64xf32>, vector<2000x64xf32> -> vector<2000x64xf32>
    %add3A_44 = arith.addf %add3A_38, %dot_general3A_43 : vector<2000x64xf32>
    %max3A_45 = arith.constant 0.000000e+00 : f32
    %max3A_46 = vector.broadcast %max3A_45 : f32 to vector<2000x64xf32>
    %max3A_47 = arith.maximumf %add3A_44, %max3A_46 : vector<2000x64xf32>
    %swap3A = arith.constant 0 : index
    %swap3A_48 = arith.constant 0 : index
    %swap3A_49 = vector.load %arg8[%swap3A, %swap3A_48] : memref<2000x64xf32, #tpu.memory_space<vmem>>, vector<2000x64xf32>
    tpu.vector_store %arg8[%swap3A, %swap3A_48], %max3A_47 {strides = array<i32>} : memref<2000x64xf32, #tpu.memory_space<vmem>>, vector<2000x64xf32>,
    %eq3A = arith.constant 0 : i32
    %eq3A_50 = arith.cmpi eq, %arg0, %eq3A : i32
    %convert_element_type3A_51 = arith.extui %eq3A_50 : i1 to i32
    %cond3A = arith.constant 0 : i32
    %cond3A_52 = arith.cmpi ne, %convert_element_type3A_51, %cond3A : i32
    scf.if %cond3A_52 {
      %broadcast_in_dim3A_72 = arith.constant 0.000000e+00 : f32
      %broadcast_in_dim3A_73 = vector.broadcast %broadcast_in_dim3A_72 : f32 to vector<16x64xf32>
      %swap3A_74 = arith.constant 0 : index
      %swap3A_75 = arith.constant 0 : index
      %swap3A_76 = vector.load %arg9[%swap3A_74, %swap3A_75] : memref<16x64xf32, #tpu.memory_space<vmem>>, vector<16x64xf32>
      tpu.vector_store %arg9[%swap3A_74, %swap3A_75], %broadcast_in_dim3A_73 {strides = array<i32>} : memref<16x64xf32, #tpu.memory_space<vmem>>, vector<16x64xf32>,
      %broadcast_in_dim3A_77 = arith.constant 0.000000e+00 : f32
      %broadcast_in_dim3A_78 = vector.broadcast %broadcast_in_dim3A_77 : f32 to vector<16x1xf32>
      %swap3A_79 = arith.constant 0 : index
      %swap3A_80 = arith.constant 0 : index
      %swap3A_81 = vector.load %arg10[%swap3A_79, %swap3A_80] : memref<16x1xf32, #tpu.memory_space<vmem>>, vector<16x1xf32>
      tpu.vector_store %arg10[%swap3A_79, %swap3A_80], %broadcast_in_dim3A_78 {strides = array<i32>} : memref<16x1xf32, #tpu.memory_space<vmem>>, vector<16x1xf32>,
    } else {
    }
    %get3A_53 = arith.constant 0 : index
    %get3A_54 = arith.constant 0 : index
    %get3A_55 = vector.load %arg9[%get3A_53, %get3A_54] : memref<16x64xf32, #tpu.memory_space<vmem>>, vector<16x64xf32>
    %dot_general3A_56 = arith.constant dense<0.000000e+00> : vector<16x64xf32>
    %dot_general3A_57 = tpu.matmul %sub3A, %max3A_47, %dot_general3A_56 {dimension_numbers = #tpu.dot_dimension_numbers<[0], [0], [1], [1], [0, 1, 1, 1], [], []>, transpose_lhs_hint = false} : vector<2000x16xf32>, vector<2000x64xf32>, vector<16x64xf32> -> vector<16x64xf32>
    %add3A_58 = arith.addf %get3A_55, %dot_general3A_57 : vector<16x64xf32>
    %swap3A_59 = arith.constant 0 : index
    %swap3A_60 = arith.constant 0 : index
    %swap3A_61 = vector.load %arg9[%swap3A_59, %swap3A_60] : memref<16x64xf32, #tpu.memory_space<vmem>>, vector<16x64xf32>
    tpu.vector_store %arg9[%swap3A_59, %swap3A_60], %add3A_58 {strides = array<i32>} : memref<16x64xf32, #tpu.memory_space<vmem>>, vector<16x64xf32>,
    %get3A_62 = arith.constant 0 : index
    %get3A_63 = arith.constant 0 : index
    %get3A_64 = vector.load %arg10[%get3A_62, %get3A_63] : memref<16x1xf32, #tpu.memory_space<vmem>>, vector<16x1xf32>
    %broadcast_in_dim3A = arith.constant 1.000000e+00 : f32
    %broadcast_in_dim3A_65 = vector.broadcast %broadcast_in_dim3A : f32 to vector<2000x1xf32>
    %dot_general3A_66 = arith.constant dense<0.000000e+00> : vector<16x1xf32>
    %dot_general3A_67 = tpu.matmul %sub3A, %broadcast_in_dim3A_65, %dot_general3A_66 {dimension_numbers = #tpu.dot_dimension_numbers<[0], [0], [1], [1], [0, 1, 1, 1], [], []>, transpose_lhs_hint = false} : vector<2000x16xf32>, vector<2000x1xf32>, vector<16x1xf32> -> vector<16x1xf32>
    %add3A_68 = arith.addf %get3A_64, %dot_general3A_67 : vector<16x1xf32>
    %swap3A_69 = arith.constant 0 : index
    %swap3A_70 = arith.constant 0 : index
    %swap3A_71 = vector.load %arg10[%swap3A_69, %swap3A_70] : memref<16x1xf32, #tpu.memory_space<vmem>>, vector<16x1xf32>
    tpu.vector_store %arg10[%swap3A_69, %swap3A_70], %add3A_68 {strides = array<i32>} : memref<16x1xf32, #tpu.memory_space<vmem>>, vector<16x1xf32>,
    return
  }
  func.func @transform_0(%arg0: i32) -> (i32, i32) {
    %c0_i32 = arith.constant 0 : i32
    %c0_i32_0 = arith.constant 0 : i32
    return %arg0, %c0_i32 : i32, i32
  }
  func.func @transform_1(%arg0: i32) -> (i32, i32) {
    %c0_i32 = arith.constant 0 : i32
    %c0_i32_0 = arith.constant 0 : i32
    return %arg0, %c0_i32 : i32, i32
  }
  func.func @transform_2(%arg0: i32) -> (i32, i32) {
    %c0_i32 = arith.constant 0 : i32
    %c0_i32_0 = arith.constant 0 : i32
    return %arg0, %c0_i32 : i32, i32
  }
  func.func @transform_3(%arg0: i32) -> (i32, i32) {
    %c0_i32 = arith.constant 0 : i32
    %c0_i32_0 = arith.constant 0 : i32
    %c0_i32_1 = arith.constant 0 : i32
    return %c0_i32, %c0_i32_0 : i32, i32
  }
  func.func @transform_4(%arg0: i32) -> (i32, i32) {
    %c0_i32 = arith.constant 0 : i32
    %c0_i32_0 = arith.constant 0 : i32
    %c0_i32_1 = arith.constant 0 : i32
    return %c0_i32, %c0_i32_0 : i32, i32
  }
  func.func @transform_5(%arg0: i32) -> (i32, i32) {
    %c0_i32 = arith.constant 0 : i32
    %c0_i32_0 = arith.constant 0 : i32
    %c0_i32_1 = arith.constant 0 : i32
    return %c0_i32, %c0_i32_0 : i32, i32
  }
  func.func @transform_6(%arg0: i32) -> (i32, i32) {
    %c0_i32 = arith.constant 0 : i32
    %c0_i32_0 = arith.constant 0 : i32
    %c0_i32_1 = arith.constant 0 : i32
    return %c0_i32, %c0_i32_0 : i32, i32
  }
  func.func @transform_7(%arg0: i32) -> (i32, i32) {
    %c0_i32 = arith.constant 0 : i32
    %c0_i32_0 = arith.constant 0 : i32
    return %arg0, %c0_i32 : i32, i32
  }
  func.func @transform_8(%arg0: i32) -> (i32, i32) {
    %c0_i32 = arith.constant 0 : i32
    %c0_i32_0 = arith.constant 0 : i32
    %c0_i32_1 = arith.constant 0 : i32
    return %c0_i32, %c0_i32_0 : i32, i32
  }
  func.func @transform_9(%arg0: i32) -> (i32, i32) {
    %c0_i32 = arith.constant 0 : i32
    %c0_i32_0 = arith.constant 0 : i32
    %c0_i32_1 = arith.constant 0 : i32
    return %c0_i32, %c0_i32_0 : i32, i32
  }
}

module attributes {stable_mosaic.version = 14 : i64} {
  func.func @_gkfin_body(%arg0: memref<16x64xf32, #tpu.memory_space<vmem>>, %arg1: memref<16x64xf32, #tpu.memory_space<vmem>>, %arg2: memref<16x1xf32, #tpu.memory_space<vmem>>, %arg3: memref<16x80xf32, #tpu.memory_space<vmem>>, %arg4: memref<16x80xf32, #tpu.memory_space<vmem>>, %arg5: memref<192x64xf32, #tpu.memory_space<vmem>>, %arg6: memref<1x64xf32, #tpu.memory_space<vmem>>, %arg7: memref<16x1xf32, #tpu.memory_space<vmem>>) attributes {dimension_semantics = [], scalar_prefetch = 0 : i64, scratch_operands = 0 : i64, tpu.core_type = #tpu.core_type<tc>} {
    %get3A = arith.constant 0 : index
    %get3A_0 = arith.constant 0 : index
    %get3A_1 = vector.load %arg0[%get3A, %get3A_0] : memref<16x64xf32, #tpu.memory_space<vmem>>, vector<16x64xf32>
    %get3A_2 = arith.constant 0 : index
    %get3A_3 = arith.constant 0 : index
    %get3A_4 = vector.load %arg1[%get3A_2, %get3A_3] : memref<16x64xf32, #tpu.memory_space<vmem>>, vector<16x64xf32>
    %get3A_5 = arith.constant 0 : index
    %get3A_6 = arith.constant 0 : index
    %get3A_7 = vector.load %arg2[%get3A_5, %get3A_6] : memref<16x1xf32, #tpu.memory_space<vmem>>, vector<16x1xf32>
    %get3A_8 = arith.constant 0 : index
    %get3A_9 = arith.constant 0 : index
    %get3A_10 = vector.load %arg3[%get3A_8, %get3A_9] : memref<16x80xf32, #tpu.memory_space<vmem>>, vector<16x80xf32>
    %get3A_11 = arith.constant 0 : index
    %get3A_12 = arith.constant 0 : index
    %get3A_13 = vector.load %arg4[%get3A_11, %get3A_12] : memref<16x80xf32, #tpu.memory_space<vmem>>, vector<16x80xf32>
    %get3A_14 = arith.constant 0 : index
    %get3A_15 = arith.constant 0 : index
    %get3A_16 = vector.load %arg5[%get3A_14, %get3A_15] : memref<192x64xf32, #tpu.memory_space<vmem>>, vector<192x64xf32>
    %get3A_17 = arith.constant 0 : index
    %get3A_18 = arith.constant 0 : index
    %get3A_19 = vector.load %arg6[%get3A_17, %get3A_18] : memref<1x64xf32, #tpu.memory_space<vmem>>, vector<1x64xf32>
    %jit3A = arith.constant 1.000000e+00 : f32
    %max3A = vector.broadcast %jit3A : f32 to vector<16x1xf32>
    %max3A_20 = arith.maximumf %max3A, %get3A_7 : vector<16x1xf32>
    %div3A = vector.broadcast %max3A_20 : vector<16x1xf32> to vector<16x64xf32>
    %div3A_21 = arith.divf %get3A_4, %div3A : vector<16x64xf32>
    %add3A = arith.addf %get3A_10, %get3A_13 : vector<16x80xf32>
    %slice3A = vector.extract_strided_slice %add3A {offsets = [0, 0], sizes = [16, 64], strides = [1, 1]} : vector<16x80xf32> to vector<16x64xf32>
    %slice3A_22 = vector.extract_strided_slice %add3A {offsets = [0, 64], sizes = [16, 1], strides = [1, 1]} : vector<16x80xf32> to vector<16x1xf32>
    %jit3A_23 = arith.constant 1.000000e+00 : f32
    %max3A_24 = vector.broadcast %jit3A_23 : f32 to vector<16x1xf32>
    %max3A_25 = arith.maximumf %max3A_24, %slice3A_22 : vector<16x1xf32>
    %div3A_26 = vector.broadcast %max3A_25 : vector<16x1xf32> to vector<16x64xf32>
    %div3A_27 = arith.divf %slice3A, %div3A_26 : vector<16x64xf32>
    %slice3A_28 = vector.extract_strided_slice %get3A_16 {offsets = [0, 0], sizes = [64, 64], strides = [1, 1]} : vector<192x64xf32> to vector<64x64xf32>
    %dot_general3A = arith.constant dense<0.000000e+00> : vector<16x64xf32>
    %dot_general3A_29 = tpu.matmul %get3A_1, %slice3A_28, %dot_general3A {dimension_numbers = #tpu.dot_dimension_numbers<[1], [0], [0], [1], [0, 0, 1, 1], [], []>, transpose_lhs_hint = false} : vector<16x64xf32>, vector<64x64xf32>, vector<16x64xf32> -> vector<16x64xf32>
    %slice3A_30 = vector.extract_strided_slice %get3A_16 {offsets = [64, 0], sizes = [64, 64], strides = [1, 1]} : vector<192x64xf32> to vector<64x64xf32>
    %dot_general3A_31 = arith.constant dense<0.000000e+00> : vector<16x64xf32>
    %dot_general3A_32 = tpu.matmul %div3A_21, %slice3A_30, %dot_general3A_31 {dimension_numbers = #tpu.dot_dimension_numbers<[1], [0], [0], [1], [0, 0, 1, 1], [], []>, transpose_lhs_hint = false} : vector<16x64xf32>, vector<64x64xf32>, vector<16x64xf32> -> vector<16x64xf32>
    %add3A_33 = arith.addf %dot_general3A_29, %dot_general3A_32 : vector<16x64xf32>
    %slice3A_34 = vector.extract_strided_slice %get3A_16 {offsets = [128, 0], sizes = [64, 64], strides = [1, 1]} : vector<192x64xf32> to vector<64x64xf32>
    %dot_general3A_35 = arith.constant dense<0.000000e+00> : vector<16x64xf32>
    %dot_general3A_36 = tpu.matmul %div3A_27, %slice3A_34, %dot_general3A_35 {dimension_numbers = #tpu.dot_dimension_numbers<[1], [0], [0], [1], [0, 0, 1, 1], [], []>, transpose_lhs_hint = false} : vector<16x64xf32>, vector<64x64xf32>, vector<16x64xf32> -> vector<16x64xf32>
    %add3A_37 = arith.addf %add3A_33, %dot_general3A_36 : vector<16x64xf32>
    %add3A_38 = vector.broadcast %get3A_19 : vector<1x64xf32> to vector<16x64xf32>
    %add3A_39 = arith.addf %add3A_37, %add3A_38 : vector<16x64xf32>
    %max3A_40 = arith.constant 0.000000e+00 : f32
    %max3A_41 = vector.broadcast %max3A_40 : f32 to vector<16x64xf32>
    %max3A_42 = arith.maximumf %add3A_39, %max3A_41 : vector<16x64xf32>
    %get3A_43 = arith.constant 0 : index
    %get3A_44 = arith.constant 0 : index
    %get3A_45 = vector.load %arg1[%get3A_43, %get3A_44] : memref<16x64xf32, #tpu.memory_space<vmem>>, vector<16x64xf32>
    %get3A_46 = arith.constant 0 : index
    %get3A_47 = arith.constant 0 : index
    %get3A_48 = vector.load %arg2[%get3A_46, %get3A_47] : memref<16x1xf32, #tpu.memory_space<vmem>>, vector<16x1xf32>
    %jit3A_49 = arith.constant 1.000000e+00 : f32
    %max3A_50 = vector.broadcast %jit3A_49 : f32 to vector<16x1xf32>
    %max3A_51 = arith.maximumf %max3A_50, %get3A_48 : vector<16x1xf32>
    %div3A_52 = vector.broadcast %max3A_51 : vector<16x1xf32> to vector<16x64xf32>
    %div3A_53 = arith.divf %get3A_45, %div3A_52 : vector<16x64xf32>
    %reduce_sum3A = arith.constant dense<0.000000e+00> : vector<16xf32>
    %reduce_sum3A_54 = vector.multi_reduction <add>, %max3A_42, %reduce_sum3A [1] : vector<16x64xf32> to vector<16xf32>
    %broadcast_in_dim3A = vector.shape_cast %reduce_sum3A_54 : vector<16xf32> to vector<16x1xf32>
    %reduce_sum3A_55 = arith.constant dense<0.000000e+00> : vector<16xf32>
    %reduce_sum3A_56 = vector.multi_reduction <add>, %div3A_53, %reduce_sum3A_55 [1] : vector<16x64xf32> to vector<16xf32>
    %broadcast_in_dim3A_57 = vector.shape_cast %reduce_sum3A_56 : vector<16xf32> to vector<16x1xf32>
    %add3A_58 = arith.addf %broadcast_in_dim3A, %broadcast_in_dim3A_57 : vector<16x1xf32>
    %swap3A = arith.constant 0 : index
    %swap3A_59 = arith.constant 0 : index
    %swap3A_60 = vector.load %arg7[%swap3A, %swap3A_59] : memref<16x1xf32, #tpu.memory_space<vmem>>, vector<16x1xf32>
    tpu.vector_store %arg7[%swap3A, %swap3A_59], %add3A_58 {strides = array<i32>} : memref<16x1xf32, #tpu.memory_space<vmem>>, vector<16x1xf32>,
    return
  }
}

</mosaic_0001>

<sc_bundles>
// kernel: kernel.19.cloned.1.call-start
scs
__scs_entry_jumppad:
0x0: {  	(pc) =	sbr.rel $0x88, $3  }
0x1: {  	(tag) =	ssettag $0x0;
	lr =	simm.s32 $0x1  }
0x2: {  	[smem:$0x3F90] =	sst lr;
	_ =	strace $0xD0000000  }
0x3: {  	_ = 	snop  }
0x4: {  	_ = 	snop  }
0x5: {  	_ = 	snop  }
0x6: {  	_ = 	snop  }
0x7: {  	_ = 	snop  }
__scs_overlays_trampoline_lowered:
0x8: {  	[smem:$0x3F9F] =	sst s0  }
0x9: {  	[smem:$0x3FA0] =	sst s1  }
0xa: {  	[smem:$0x3FA1] =	sst s2  }
0xb: {  	[smem:$0x3FA2] =	sst s3  }
0xc: {  	[smem:$0x3FA3] =	sst s4  }
0xd: {  	[smem:$0x3FA4] =	sst s5  }
0xe: {  	[smem:$0x3FA5] =	sst s6  }
0xf: {  	[smem:$0x3FA6] =	sst s7  }
0x10: {  	[smem:$0x3FA7] =	sst s8  }
0x11: {  	[smem:$0x3FA8] =	sst s9;
	s0 =	simm.s32 @!p0 $0x0  }
0x12: {  	s1 =	sld [smem:$0x3F8E];
	s0 =	simm.s32 @p0 $0x1  }
0x13: {  	[smem:$0x3FA9] =	sst s0;
	s0 =	simm.s32 @!p1 $0x0  }
0x14: {  	s2 =	sld [smem:$0x3F8D];
	s0 =	simm.s32 @p1 $0x1  }
0x15: {  	[smem:$0x3FAA] =	sst s0;
	s0 =	simm.s32 @!p2 $0x0  }
0x16: {  	s3 =	sld [smem:$0x3FDB];
	s0 =	simm.s32 @p2 $0x1  }
0x17: {  	s4 =	simm.s32 $0x1BF5;
	[smem:$0x3FAC] =	sst s0  }
0x18: {  	s0 =	sld [smem:$0x3F8F];
	_ =	swait.ge [sflag:s4], $0x0  }
0x19: {  	s7 =	sld [smem:$0x3F90]  }
0x1a: {  	s8 =	sadd.s32 $0xFFFFE003, lr  }
0x1b: {  	s9 =	sadd.s32 $0xFFFFFEF7, lr;
	s5 =	simm.s32 $0xFFFFFFFF;
	p2 =	slt.u32 s8, $0xFFFFF086  }
0x1c: {  	p1 =	slt.u32 s9, $0xF7A;
	s5 =	simm.s32 @!p2 $0x0  }
0x1d: {  	s5 =	simm.s32 @p1 $0x1;
	p0 =	seq.s32 s7, s2  }
0x1e: {  	s7 =	smul.u32 @!p0 $0xF7A, s2;
	p2 =	seq.s32 @!p0 s5, $0x0  }
0x1f: {  	s9 =	smul.u32 $0xF7A, s1;
	s8 =	simm.s32 @!p0 $0x1BF5;
	p2 =	por !p2, p0  }
0x20: {  	[sflag:s8] =	ssyncset.s32 @!p0 $0xFFFFF086;
	s6 =	sadd.s32 @!p0 s3, s7;
	s7 =	simm.s32 @!p0 $0x108  }
0x21: {  	s3 =	sadd.s32 s3, s9;
	s6 =	sadd.s32 @!p0 $0x88, s6;
	s7 =	simm.s32 @p2 $0x1082  }
0x22: {  	[simem:s7], [sflag:s8] =	dma.local @!p0 [hbm:s6], $0xF7A  }
0x23: {  	s9 =	sor.u32 $0xD0000000, s2;
	s6 =	simm.s32 $0x108;
	_ =	swait.ge @!p0 [sflag:s8], $0x0  }
0x24: {  	s3 =	sadd.s32 $0x88, s3;
	s6 =	simm.s32 @!p1 $0x1082;
	[sflag:s4] =	ssyncset.s32 $0xFFFFF086  }
0x25: {  	[simem:s6], [sflag:s4] =	dma.local [hbm:s3], $0xF7A  }
0x26: {  	[smem:$0x3F90] =	sst s1;
	(tag) =	ssettag s2;
	_ =	strace s9  }
0x27: {  	s1 =	sld [smem:$0x3FA0]  }
0x28: {  	s2 =	sld [smem:$0x3FA1]  }
0x29: {  	s4 =	sld [smem:$0x3FA3]  }
0x2a: {  	p0 =	seq.s32 s5, $0x0;
	s5 =	sld [smem:$0x3FA4]  }
0x2b: {  	s6 =	sld [smem:$0x3FA5]  }
0x2c: {  	s7 =	sld [smem:$0x3FA6]  }
0x2d: {  	s3 =	simm.s32 $0x108;
	s8 =	sld [smem:$0x3FA7]  }
0x2e: {  	s3 =	simm.s32 @!p0 $0x1082;
	s9 =	sld [smem:$0x3FA8]  }
0x2f: {  	lr =	sadd.s32 s0, s3;
	s0 =	sld [smem:$0x3F9F]  }
0x30: {  	s3 =	sld [smem:$0x3FA2]  }
0x31: {  	[smem:$0x3FAB] =	sst s10  }
0x32: {  	s10 =	sld [smem:$0x3FA9];
	_ =	sdelay $0x3  }
0x33: {  	p0 =	seq.s32 s10, $0x1;
	s10 =	sld [smem:$0x3FAB];
	_ =	sdelay $0x3  }
0x34: {  	[smem:$0x3FAB] =	sst s10  }
0x35: {  	s10 =	sld [smem:$0x3FAA];
	_ =	sdelay $0x3  }
0x36: {  	p1 =	seq.s32 s10, $0x1;
	s10 =	sld [smem:$0x3FAB];
	_ =	sdelay $0x3  }
0x37: {  	[smem:$0x3FAB] =	sst s10  }
0x38: {  	s10 =	sld [smem:$0x3FAC]  }
0x39: {  	_ = 	snop;
	(pc) =	sbr.ind lr, $3  }
0x3a: {  	_ = 	snop  }
0x3b: {  	_ = 	snop  }
0x3c: {  	p2 =	seq.s32 s10, $0x1;
	s10 =	sld [smem:$0x3FAB]  }
0x3d: {  	_ =	shalt  }
0x3e: {  	_ =	shalt  }
0x3f: {  	_ =	shalt  }
0x40: {  	_ =	shalt  }
0x41: {  	_ =	shalt  }
0x42: {  	_ =	shalt  }
0x43: {  	_ =	shalt  }
0x44: {  	_ =	shalt  }
0x45: {  	_ =	shalt  }
0x46: {  	_ =	shalt  }
0x47: {  	_ =	shalt  }
0x48: {  	_ =	shalt  }
0x49: {  	_ =	shalt  }
0x4a: {  	_ =	shalt  }
0x4b: {  	_ =	shalt  }
0x4c: {  	_ =	shalt  }
0x4d: {  	_ =	shalt  }
0x4e: {  	_ =	shalt  }
0x4f: {  	_ =	shalt  }
0x50: {  	_ =	shalt  }
0x51: {  	_ =	shalt  }
0x52: {  	_ =	shalt  }
0x53: {  	_ =	shalt  }
0x54: {  	_ =	shalt  }
0x55: {  	_ =	shalt  }
0x56: {  	_ =	shalt  }
0x57: {  	_ =	shalt  }
0x58: {  	_ =	shalt  }
0x59: {  	_ =	shalt  }
0x5a: {  	_ =	shalt  }
0x5b: {  	_ =	shalt  }
0x5c: {  	_ =	shalt  }
0x5d: {  	_ =	shalt  }
0x5e: {  	_ =	shalt  }
0x5f: {  	_ =	shalt  }
0x60: {  	_ =	shalt  }
0x61: {  	_ =	shalt  }
0x62: {  	_ =	shalt  }
0x63: {  	_ =	shalt  }
0x64: {  	_ =	shalt  }
0x65: {  	_ =	shalt  }
0x66: {  	_ =	shalt  }
0x67: {  	_ =	shalt  }
0x68: {  	_ =	shalt  }
0x69: {  	_ =	shalt  }
0x6a: {  	_ =	shalt  }
0x6b: {  	_ =	shalt  }
0x6c: {  	_ =	shalt  }
0x6d: {  	_ =	shalt  }
0x6e: {  	_ =	shalt  }
0x6f: {  	_ =	shalt  }
0x70: {  	_ =	shalt  }
0x71: {  	_ =	shalt  }
0x72: {  	_ =	shalt  }
0x73: {  	_ =	shalt  }
0x74: {  	_ =	shalt  }
0x75: {  	_ =	shalt  }
0x76: {  	_ =	shalt  }
0x77: {  	_ =	shalt  }
0x78: {  	_ =	shalt  }
0x79: {  	_ =	shalt  }
0x7a: {  	_ =	shalt  }
0x7b: {  	_ =	shalt  }
0x7c: {  	_ =	shalt  }
0x7d: {  	_ =	shalt  }
0x7e: {  	_ =	shalt  }
0x7f: {  	_ =	shalt  }
0x80: {  	_ =	shalt  }
0x81: {  	_ =	shalt  }
0x82: {  	_ =	shalt  }
0x83: {  	_ =	shalt  }
0x84: {  	_ =	shalt  }
0x85: {  	_ =	shalt  }
0x86: {  	_ =	shalt  }
0x87: {  	_ =	shalt  }
.Lfunc_end0:
.L_simem_size_0:
called_computation_lowered:
.L_overlay_start_0:
0x88: {  	s2 =	sld [smem:$0x3FD9]  }
0x89: {  	s3 =	sld [smem:$0x3FFE];
	_ =	sdelay $0x1  }
0x8a: {  	s1 =	srdreg.scid  }
0x8b: {  	s0 =	sand.u32 $0x1, s1  }
0x8c: {  	s16 =	sshll.u32 s0, $0xA;
	s2 =	sadd.s32 s3, s2  }
0x8d: {  	s2 =	sadd.s32 s2, s16  }
0x8e: {  	[smem:$0x3FB7] =	sst s2  }
0x8f: {  	_ = 	snop  }
0x90: {  	(tm) =	ssettm $0x1  }
0x91: {  	s17 =	sld [smem:$0x3FFB];
	_ =	sdelay $0x3  }
0x92: {  	_ =	strace s17  }
0x93: {  	s2 =	sld [smem:$0x3FFC];
	_ =	sdelay $0x3  }
0x94: {  	_ =	strace s2  }
0x95: {  	s2 =	sld [smem:$0x3FFD];
	_ =	sdelay $0x3  }
0x96: {  	_ =	strace s2  }
0x97: {  	_ =	strace $0x8FFFFFFF  }
0x98: {  	s18 =	sld [smem:$0x3FDB];
	_ =	sdelay $0x1  }
0x99: {  	s19 =	simm.s32 $_scs_section_size  }
0x9a: {  	s4 =	simm.s32 $_size__tile_overlayer_lowered;
	s5 =	simm.s32 $_tile_overlayer_lowered  }
0x9b: {  	s22 =	simm.s32 $0x1BFF;
	s21 =	sshll.u32 s5, $0x1;
	s2 =	sadd.s32 s19, s18  }
0x9c: {  	s6 =	simm.s32 $0x0;
	s20 =	sshll.u32 s4, $0x1;
	s4 =	sadd.s32 s21, s2  }
0x9d: {  	[timem:s6], [sflag:s22] =	dma.local [hbm:s4], s20  }
0x9e: {  	_ =	swait.ge [sflag:s22], s20  }
0x9f: {  	s3 =	ssub.s32 $0x0, s20;
	[sflag:s22] =	ssyncset.done $0x0  }
0xa0: {  	[sflag:s22] =	ssyncadd.s32 s3;
	_ =	sdelay $0x1  }
0xa1: {  	s23 =	simm.s32 $0x1B8B  }
0xa2: {  	_ =	swait.ge [sflag:s23], $0x1  }
0xa3: {  	[sflag:s23] =	ssyncset.done $0x0  }
0xa4: {  	s25 =	simm.s32 $0x1B8E;
	s24 =	sld [smem:$0x3FFE];
	[sflag:s23] =	ssyncadd.s32 $0xFFFFFFFF  }
0xa5: {  	s26 =	simm.s32 $execute0_lowered;
	[smem:$0x3FD2] =	sst s25  }
0xa6: {  	s4 =	sshll.u32 s26, $0x1;
	_ =	strace $0x80000046;
	[dreg:$0x1] =	wrdreg $0xFFFFFFFF  }
0xa7: {  	s28 =	simm.s32 $_size_execute0_lowered;
	s2 =	sadd.s32 s2, s4;
	[dreg:$0x0] =	wrdreg $0x0  }
0xa8: {  	s4 =	sshll.u32 s28, $0x1;
	[dreg:$0x2] =	wrdreg s2  }
0xa9: {  	[dreg:$0x3] =	wrdreg s4  }
0xaa: {  	[dreg:$0x4] =	wrdreg $0xC0  }
0xab: {  	_ =	task [dreg:s6], $0x5FFFF  }
0xac: {  	[dreg:$0x1] =	wrdreg $0xFFFFFFFF  }
0xad: {  	[dreg:$0x0] =	wrdreg $0x60  }
0xae: {  	[dreg:$0x2] =	wrdreg s24  }
0xaf: {  	[dreg:$0x3] =	wrdreg $0x9  }
0xb0: {  	_ =	task.clear_ibuf [dreg:s6], $0x4FFFF;
	_ =	strace $0x90000046  }
0xb1: {  	s29 =	simm.s32 $0x9;
	_ =	strace $0x80000048  }
0xb2: {  	_ =	swait.ge [sflag:s29], $0x1  }
0xb3: {  	[sflag:s29] =	ssyncadd.s32 $0xFFFFFFFF  }
0xb4: {  	_ =	strace $0x90000048  }
0xb5: {  	_ =	sfence  }
0xb6: {  	s30 =	sld [smem:$0x0];
	_ =	sdelay $0x2  }
0xb7: {  	s31 =	sshll.u32 s1, $0xD;
	s1 =	sshrl.u32 s1, $0x2  }
0xb8: {  	s3 =	sand.u32 $0x4000, s31;
	s1 =	sadd.s32 s1, s30  }
0xb9: {  	s0 =	sor.u32 s3, s0;
	s1 =	sshll.u32 s1, $0x11  }
0xba: {  	s0 =	sor.u32 s1, s0  }
0xbb: {  	s0 =	sadd.s32 $0x8F2B, s0  }
0xbc: {  	[sflag:s0] =	ssyncadd.remote.s32 $0x1  }
0xbd: {  	_ =	sfence.sel $0xFFFF  }
0xbe: {  	[dreg:$0x0] =	wrdreg $0xFFFFFFFF;
	(pc) =	sbr.abs _section_cstart, $3  }
0xbf: {  	[dreg:$0x1] =	wrdreg $0xFFFFFFFF  }
0xc0: {  	_ =	task.clear_ibuf [dreg:s6], $0x2FFFF;
	_ =	strace $0x9FFFFFFF  }
0xc1: {  	(tm) =	ssettm $0x7FFFFFFF  }
tec
execute0_lowered:
.L_overlay_start_1:
0x0: {  	(tag) =	ssettag $0x1  }
0x1: {  	s0 =	srdreg.scid;
	s4 =	rddreg [dreg:$0x0]  }
0x2: {  	s2 =	simm.s32 $0x0;
	s8 =	simm.s32 $0x2710;
	s3 =	sand.u32 $0x1, s0  }
0x3: {  	s9 =	simm.s32 $0x2720;
	s0 =	stileid.u32;
	s1 =	sshll.u32 s3, $0x4  }
0x4: {  	s10 =	simm.s32 $0x0;
	[smem:$0x7FF] =	sst s2;
	s5 =	sor.u32 s0, s1  }
0x5: {  	s6 =	ssub.s32 $0x2, s3;
	s3 =	sadd.s32 $0x25000, s4;
	s5 =	smul.u32 $0x4E2, s5  }
0x6: {  	s1 =	rddreg [dreg:$0x1];
	_ =	strace $0x80000047;
	s7 =	sshrl.u32 s6, $0x1  }
0x7: {  	s6 =	ssub.s32 s6, s7;
	s7 =	simm.s32 $0x1;
	s5 =	sadd.s32 s5, s4  }
0x8: {  	v0 =	vimm.s32 $0x0;
	s6 =	smax.u32 s6, $0x1;
	s4 =	sadd.s32 $0x1B200, s5;
	s5 =	sadd.s32 $0x25A00, s5  }
.LBB2_1:
0x9: {  	[tilespmem:s2], [sflag:$0x1] =	stream.linear.gather [hbm4b:s4+s2], $0x2710, $0x38;
	[tilespmem:$0x4E30] =	vst v63  }
0xa: {  	_ =	swait.ge [sflag:s7], $0x2710  }
0xb: {  	[sflag:s7] =	ssyncset.done $0x0  }
0xc: {  	[sflag:s7] =	ssyncadd.s32 $0xFFFFD8F0  }
0xd: {  	[tilespmem:s8], [sflag:$0x1] =	stream.linear.gather [hbm4b:s3+s2], $0x10, $0x38;
	[tilespmem:$0x4E30] =	vst v63  }
0xe: {  	_ =	swait.ge [sflag:s7], $0x10  }
0xf: {  	[sflag:s7] =	ssyncset.done $0x0  }
0x10: {  	[sflag:s7] =	ssyncadd.s32 $0xFFFFFFF0  }
0x11: {  	v1 =	vld [tilespmem:$0x2710];
	_ =	sdelay $0x4  }
0x12: {  	v15 =	vbroadcast v1, $0x0  }
0x13: {  	v16 =	vbroadcast v1, $0x1;
	v14 =	vbroadcast v1, $0x2  }
0x14: {  	s11 =	simm.s32 $0x0;
	v13 =	vbroadcast v1, $0x3;
	v12 =	vbroadcast v1, $0x4  }
0x15: {  	v17 =	vld [tilespmem:s11+$0x0];
	v11 =	vbroadcast v1, $0x5;
	v10 =	vbroadcast v1, $0x6  }
0x16: {  	v9 =	vbroadcast v1, $0x7;
	v8 =	vbroadcast v1, $0x8  }
0x17: {  	v7 =	vbroadcast v1, $0x9;
	v6 =	vbroadcast v1, $0xA  }
0x18: {  	v5 =	vbroadcast v1, $0xB;
	v4 =	vbroadcast v1, $0xC  }
0x19: {  	v3 =	vbroadcast v1, $0xD;
	v2 =	vbroadcast v1, $0xE  }
0x1a: {  	v1 =	vbroadcast v1, $0xF;
	vm0 =	vge.s32 v17, v15;
	vm1 =	vge.s32 v17, v16  }
0x1b: {  	v18 =	vsel vm0, $0x1, v0;
	v19 =	vsel vm1, $0x1, v0;
	vm0 =	vge.s32 v17, v14  }
0x1c: {  	v18 =	vadd.s32 v19, v18;
	v19 =	vsel vm0, $0x1, v0;
	vm0 =	vge.s32 v17, v13  }
0x1d: {  	v18 =	vadd.s32 v19, v18;
	v19 =	vsel vm0, $0x1, v0;
	vm0 =	vge.s32 v17, v12  }
0x1e: {  	v18 =	vadd.s32 v19, v18;
	v19 =	vsel vm0, $0x1, v0;
	vm0 =	vge.s32 v17, v11  }
0x1f: {  	v18 =	vadd.s32 v19, v18;
	v19 =	vsel vm0, $0x1, v0;
	vm0 =	vge.s32 v17, v10  }
0x20: {  	v18 =	vadd.s32 v19, v18;
	v19 =	vsel vm0, $0x1, v0;
	vm0 =	vge.s32 v17, v9  }
0x21: {  	v18 =	vadd.s32 v19, v18;
	v19 =	vsel vm0, $0x1, v0;
	vm0 =	vge.s32 v17, v8  }
0x22: {  	v18 =	vadd.s32 v19, v18;
	v19 =	vsel vm0, $0x1, v0;
	vm0 =	vge.s32 v17, v7  }
0x23: {  	v18 =	vadd.s32 v19, v18;
	v19 =	vsel vm0, $0x1, v0;
	vm0 =	vge.s32 v17, v6  }
0x24: {  	s12 =	simm.s32 $0x10;
	s13 =	simm.s32 $0x80;
	v18 =	vadd.s32 v19, v18;
	v19 =	vsel vm0, $0x1, v0;
	vm0 =	vge.s32 v17, v5  }
.LBB2_2:
0x25: {  	p0 =	sne.s32 s13, $0x9C00;
	v20 =	vld [tilespmem:s12+$0x0];
	v18 =	vadd.s32 v19, v18;
	v19 =	vsel vm0, $0x1, v0;
	vm0 =	vge.s32 v17, v4  }
0x26: {  	v18 =	vadd.s32 v19, v18;
	v19 =	vsel vm0, $0x1, v0;
	vm0 =	vge.s32 v17, v3  }
0x27: {  	v18 =	vadd.s32 v19, v18;
	v19 =	vsel vm0, $0x1, v0;
	vm0 =	vge.s32 v17, v2  }
0x28: {  	v18 =	vadd.s32 v19, v18;
	v19 =	vsel vm0, $0x1, v0;
	vm0 =	vge.s32 v17, v1  }
0x29: {  	v19 =	vadd.s32 v19, v18;
	v18 =	vsel vm0, $0x1, v0  }
0x2a: {  	vm0 =	vge.s32 v20, v15;
	vm1 =	vge.s32 v20, v16;
	v18 =	vadd.s32 v18, v19;
	v17 =	vmovc v20  }
0x2b: {  	v19 =	vsel vm0, $0x1, v0;
	v20 =	vsel vm1, $0x1, v0;
	vm0 =	vge.s32 v17, v14;
	[tilespmem:s11+$0x2720] =	vst v18;
	s11 =	smov.u32 s12  }
0x2c: {  	v18 =	vadd.s32 v20, v19;
	v19 =	vsel vm0, $0x1, v0;
	vm0 =	vge.s32 v17, v13  }
0x2d: {  	v18 =	vadd.s32 v19, v18;
	v19 =	vsel vm0, $0x1, v0;
	vm0 =	vge.s32 v17, v12  }
0x2e: {  	v18 =	vadd.s32 v19, v18;
	v19 =	vsel vm0, $0x1, v0;
	vm0 =	vge.s32 v17, v11  }
0x2f: {  	v18 =	vadd.s32 v19, v18;
	v19 =	vsel vm0, $0x1, v0;
	vm0 =	vge.s32 v17, v10  }
.Ltmp0:
0x30: {  	v18 =	vadd.s32 v19, v18;
	v19 =	vsel vm0, $0x1, v0;
	vm0 =	vge.s32 v17, v9;
	(pc) =	sbr.rel @p0 .LBB2_2-.Ltmp0, $4  }
0x31: {  	v18 =	vadd.s32 v19, v18;
	v19 =	vsel vm0, $0x1, v0;
	vm0 =	vge.s32 v17, v8  }
0x32: {  	v18 =	vadd.s32 v19, v18;
	v19 =	vsel vm0, $0x1, v0;
	vm0 =	vge.s32 v17, v7  }
0x33: {  	v18 =	vadd.s32 v19, v18;
	v19 =	vsel vm0, $0x1, v0;
	vm0 =	vge.s32 v17, v6  }
0x34: {  	s12 =	sshra.s32 s13, $0x2;
	s13 =	sadd.s32 $0x40, s13;
	v18 =	vadd.s32 v19, v18;
	v19 =	vsel vm0, $0x1, v0;
	vm0 =	vge.s32 v17, v5  }
0x35: {  	v20 =	vld [tilespmem:s12+$0x0];
	v18 =	vadd.s32 v19, v18  }
0x36: {  	v35 =	vsel vm0, $0x1, v0;
	vm9 =	vge.s32 v17, v4;
	vm10 =	vge.s32 v17, v3  }
0x37: {  	vm11 =	vge.s32 v17, v2;
	v18 =	vadd.s32 v35, v18;
	v36 =	vsel vm9, $0x1, v0  }
0x38: {  	vm12 =	vge.s32 v17, v1;
	v37 =	vsel vm10, $0x1, v0;
	v18 =	vadd.s32 v36, v18  }
0x39: {  	v38 =	vsel vm11, $0x1, v0;
	v40 =	vsel vm12, $0x1, v0;
	v18 =	vadd.s32 v37, v18  }
0x3a: {  	v39 =	vadd.s32 v38, v18;
	vm13 =	vge.s32 v20, v15;
	vm1 =	vge.s32 v20, v16  }
0x3b: {  	vm14 =	vge.s32 v20, v14;
	v15 =	vsel vm13, $0x1, v0;
	v16 =	vsel vm1, $0x1, v0  }
0x3c: {  	vm15 =	vge.s32 v20, v13;
	v42 =	vsel vm14, $0x1, v0;
	v41 =	vadd.s32 v16, v15  }
0x3d: {  	vm4 =	vge.s32 v20, v12;
	v44 =	vsel vm15, $0x1, v0;
	v43 =	vadd.s32 v42, v41  }
0x3e: {  	vm5 =	vge.s32 v20, v11;
	v46 =	vsel vm4, $0x1, v0;
	v45 =	vadd.s32 v44, v43  }
0x3f: {  	vm6 =	vge.s32 v20, v10;
	v48 =	vsel vm5, $0x1, v0;
	v47 =	vadd.s32 v46, v45  }
0x40: {  	vm7 =	vge.s32 v20, v9;
	v50 =	vsel vm6, $0x1, v0;
	v49 =	vadd.s32 v48, v47  }
0x41: {  	vm8 =	vge.s32 v20, v8;
	v52 =	vsel vm7, $0x1, v0;
	v51 =	vadd.s32 v50, v49  }
0x42: {  	vm9 =	vge.s32 v20, v7;
	v54 =	vsel vm8, $0x1, v0;
	v53 =	vadd.s32 v52, v51  }
0x43: {  	vm10 =	vge.s32 v20, v6;
	v56 =	vsel vm9, $0x1, v0;
	v55 =	vadd.s32 v54, v53  }
0x44: {  	vm11 =	vge.s32 v20, v5;
	v58 =	vsel vm10, $0x1, v0;
	v57 =	vadd.s32 v56, v55  }
0x45: {  	vm12 =	vge.s32 v20, v4;
	v60 =	vsel vm11, $0x1, v0;
	v59 =	vadd.s32 v58, v57  }
0x46: {  	v62 =	vsel vm12, $0x1, v0;
	vm13 =	vge.s32 v20, v3;
	v61 =	vadd.s32 v60, v59  }
0x47: {  	vm14 =	vge.s32 v20, v2;
	v63 =	vsel vm13, $0x1, v0;
	v3 =	vadd.s32 v62, v61  }
0x48: {  	vm15 =	vge.s32 v20, v1;
	v2 =	vadd.s32 v63, v3;
	v3 =	vsel vm14, $0x1, v0  }
0x49: {  	s10 =	sadd.s32 $0x1, s10;
	v1 =	vadd.s32 v40, v39;
	v2 =	vadd.s32 v3, v2;
	v3 =	vsel vm15, $0x1, v0  }
0x4a: {  	p0 =	sne.s32 s10, s6;
	[tilespmem:s11+$0x2720] =	vst v1;
	v1 =	vadd.s32 v3, v2  }
.Ltmp1:
0x4b: {  	[tilespmem:s12+$0x2720] =	vst v1;
	(pc) =	sbr.rel @p0 .LBB2_1-.Ltmp1, $4  }
0x4c: {  	[hbm4b:s5+s2] =	stream.linear.scatter [tilespmem:s9], [sflag:$0x1], $0x2710, $0x38;
	[tilespmem:$0x4E30] =	vst v63  }
0x4d: {  	_ =	swait.ge [sflag:s7], $0x2710  }
0x4e: {  	[sflag:s7] =	ssyncset.done $0x0  }
0x4f: {  	[sflag:s7] =	ssyncadd.s32 $0xFFFFD8F0  }
0x50: {  	_ =	sfence.sel $0x180000  }
0x51: {  	[bflag:$0x0] =	sbarrier.arrive $0xFFFF  }
0x52: {  	p0 =	sne.s32 s0, $0x0;
	_ =	strace $0x90000047  }
0x53: {  	s0 =	sadd.s32 @!p0 $0x100000, s1;
	[bflag:$0x2] =	sbarrier.arrive $0xFFFF  }
0x54: {  	[sflag:s0] =	ssyncadd.tile.s32 @!p0 $0x1;
	_ =	shalt  }
.Lfunc_end2:
_tile_overlayer_lowered:
.L_overlay_start_2:
0x55: {  	(tag) =	ssettag $0x2  }
0x56: {  	s0 =	rddreg [dreg:$0x0];
	s2 =	stileid.u32  }
0x57: {  	s1 =	rddreg [dreg:$0x1];
	p0 =	sne.s32 s2, $0x0  }
0x58: {  	s3 =	rddreg [dreg:$0x2];
	[bflag:$0x3] =	sbarrier.arrive $0xFFFF;
	s2 =	simm.s32 @!p0 $0x1C01  }
0x59: {  	[timem:s3], [sflag:s2] =	dma.local @!p0 [hbm:s0], s1  }
0x5a: {  	s0 =	simm.s32 @!p0 $0x1  }
0x5b: {  	_ =	swait.ge @!p0 [sflag:s0], s1  }
0x5c: {  	s1 =	ssub.s32 @!p0 $0x0, s1;
	[sflag:s0] =	ssyncset.done @!p0 $0x0  }
0x5d: {  	[sflag:s0] =	ssyncadd.s32 @!p0 s1  }
0x5e: {  	[bflag:$0x3] =	sbarrier.arrive $0xFFFF  }
0x5f: {  	_ =	shalt  }

// kernel: kernel.22.cloned.1.call-start
scs
__scs_entry_jumppad:
0x0: {  	(pc) =	sbr.rel $0x88, $3  }
0x1: {  	(tag) =	ssettag $0x0;
	lr =	simm.s32 $0x1  }
0x2: {  	[smem:$0x3F90] =	sst lr;
	_ =	strace $0xD0000000  }
0x3: {  	_ = 	snop  }
0x4: {  	_ = 	snop  }
0x5: {  	_ = 	snop  }
0x6: {  	_ = 	snop  }
0x7: {  	_ = 	snop  }
__scs_overlays_trampoline_lowered:
0x8: {  	[smem:$0x3F9F] =	sst s0  }
0x9: {  	[smem:$0x3FA0] =	sst s1  }
0xa: {  	[smem:$0x3FA1] =	sst s2  }
0xb: {  	[smem:$0x3FA2] =	sst s3  }
0xc: {  	[smem:$0x3FA3] =	sst s4  }
0xd: {  	[smem:$0x3FA4] =	sst s5  }
0xe: {  	[smem:$0x3FA5] =	sst s6  }
0xf: {  	[smem:$0x3FA6] =	sst s7  }
0x10: {  	[smem:$0x3FA7] =	sst s8  }
0x11: {  	[smem:$0x3FA8] =	sst s9;
	s0 =	simm.s32 @!p0 $0x0  }
0x12: {  	s1 =	sld [smem:$0x3F8E];
	s0 =	simm.s32 @p0 $0x1  }
0x13: {  	[smem:$0x3FA9] =	sst s0;
	s0 =	simm.s32 @!p1 $0x0  }
0x14: {  	s2 =	sld [smem:$0x3F8D];
	s0 =	simm.s32 @p1 $0x1  }
0x15: {  	[smem:$0x3FAA] =	sst s0;
	s0 =	simm.s32 @!p2 $0x0  }
0x16: {  	s3 =	sld [smem:$0x3FDB];
	s0 =	simm.s32 @p2 $0x1  }
0x17: {  	s4 =	simm.s32 $0x1BF5;
	[smem:$0x3FAC] =	sst s0  }
0x18: {  	s0 =	sld [smem:$0x3F8F];
	_ =	swait.ge [sflag:s4], $0x0  }
0x19: {  	s7 =	sld [smem:$0x3F90]  }
0x1a: {  	s8 =	sadd.s32 $0xFFFFE003, lr  }
0x1b: {  	s9 =	sadd.s32 $0xFFFFFEF7, lr;
	s5 =	simm.s32 $0xFFFFFFFF;
	p2 =	slt.u32 s8, $0xFFFFF086  }
0x1c: {  	p1 =	slt.u32 s9, $0xF7A;
	s5 =	simm.s32 @!p2 $0x0  }
0x1d: {  	s5 =	simm.s32 @p1 $0x1;
	p0 =	seq.s32 s7, s2  }
0x1e: {  	s7 =	smul.u32 @!p0 $0xF7A, s2;
	p2 =	seq.s32 @!p0 s5, $0x0  }
0x1f: {  	s9 =	smul.u32 $0xF7A, s1;
	s8 =	simm.s32 @!p0 $0x1BF5;
	p2 =	por !p2, p0  }
0x20: {  	[sflag:s8] =	ssyncset.s32 @!p0 $0xFFFFF086;
	s6 =	sadd.s32 @!p0 s3, s7;
	s7 =	simm.s32 @!p0 $0x108  }
0x21: {  	s3 =	sadd.s32 s3, s9;
	s6 =	sadd.s32 @!p0 $0x88, s6;
	s7 =	simm.s32 @p2 $0x1082  }
0x22: {  	[simem:s7], [sflag:s8] =	dma.local @!p0 [hbm:s6], $0xF7A  }
0x23: {  	s9 =	sor.u32 $0xD0000000, s2;
	s6 =	simm.s32 $0x108;
	_ =	swait.ge @!p0 [sflag:s8], $0x0  }
0x24: {  	s3 =	sadd.s32 $0x88, s3;
	s6 =	simm.s32 @!p1 $0x1082;
	[sflag:s4] =	ssyncset.s32 $0xFFFFF086  }
0x25: {  	[simem:s6], [sflag:s4] =	dma.local [hbm:s3], $0xF7A  }
0x26: {  	[smem:$0x3F90] =	sst s1;
	(tag) =	ssettag s2;
	_ =	strace s9  }
0x27: {  	s1 =	sld [smem:$0x3FA0]  }
0x28: {  	s2 =	sld [smem:$0x3FA1]  }
0x29: {  	s4 =	sld [smem:$0x3FA3]  }
0x2a: {  	p0 =	seq.s32 s5, $0x0;
	s5 =	sld [smem:$0x3FA4]  }
0x2b: {  	s6 =	sld [smem:$0x3FA5]  }
0x2c: {  	s7 =	sld [smem:$0x3FA6]  }
0x2d: {  	s3 =	simm.s32 $0x108;
	s8 =	sld [smem:$0x3FA7]  }
0x2e: {  	s3 =	simm.s32 @!p0 $0x1082;
	s9 =	sld [smem:$0x3FA8]  }
0x2f: {  	lr =	sadd.s32 s0, s3;
	s0 =	sld [smem:$0x3F9F]  }
0x30: {  	s3 =	sld [smem:$0x3FA2]  }
0x31: {  	[smem:$0x3FAB] =	sst s10  }
0x32: {  	s10 =	sld [smem:$0x3FA9];
	_ =	sdelay $0x3  }
0x33: {  	p0 =	seq.s32 s10, $0x1;
	s10 =	sld [smem:$0x3FAB];
	_ =	sdelay $0x3  }
0x34: {  	[smem:$0x3FAB] =	sst s10  }
0x35: {  	s10 =	sld [smem:$0x3FAA];
	_ =	sdelay $0x3  }
0x36: {  	p1 =	seq.s32 s10, $0x1;
	s10 =	sld [smem:$0x3FAB];
	_ =	sdelay $0x3  }
0x37: {  	[smem:$0x3FAB] =	sst s10  }
0x38: {  	s10 =	sld [smem:$0x3FAC]  }
0x39: {  	_ = 	snop;
	(pc) =	sbr.ind lr, $3  }
0x3a: {  	_ = 	snop  }
0x3b: {  	_ = 	snop  }
0x3c: {  	p2 =	seq.s32 s10, $0x1;
	s10 =	sld [smem:$0x3FAB]  }
0x3d: {  	_ =	shalt  }
0x3e: {  	_ =	shalt  }
0x3f: {  	_ =	shalt  }
0x40: {  	_ =	shalt  }
0x41: {  	_ =	shalt  }
0x42: {  	_ =	shalt  }
0x43: {  	_ =	shalt  }
0x44: {  	_ =	shalt  }
0x45: {  	_ =	shalt  }
0x46: {  	_ =	shalt  }
0x47: {  	_ =	shalt  }
0x48: {  	_ =	shalt  }
0x49: {  	_ =	shalt  }
0x4a: {  	_ =	shalt  }
0x4b: {  	_ =	shalt  }
0x4c: {  	_ =	shalt  }
0x4d: {  	_ =	shalt  }
0x4e: {  	_ =	shalt  }
0x4f: {  	_ =	shalt  }
0x50: {  	_ =	shalt  }
0x51: {  	_ =	shalt  }
0x52: {  	_ =	shalt  }
0x53: {  	_ =	shalt  }
0x54: {  	_ =	shalt  }
0x55: {  	_ =	shalt  }
0x56: {  	_ =	shalt  }
0x57: {  	_ =	shalt  }
0x58: {  	_ =	shalt  }
0x59: {  	_ =	shalt  }
0x5a: {  	_ =	shalt  }
0x5b: {  	_ =	shalt  }
0x5c: {  	_ =	shalt  }
0x5d: {  	_ =	shalt  }
0x5e: {  	_ =	shalt  }
0x5f: {  	_ =	shalt  }
0x60: {  	_ =	shalt  }
0x61: {  	_ =	shalt  }
0x62: {  	_ =	shalt  }
0x63: {  	_ =	shalt  }
0x64: {  	_ =	shalt  }
0x65: {  	_ =	shalt  }
0x66: {  	_ =	shalt  }
0x67: {  	_ =	shalt  }
0x68: {  	_ =	shalt  }
0x69: {  	_ =	shalt  }
0x6a: {  	_ =	shalt  }
0x6b: {  	_ =	shalt  }
0x6c: {  	_ =	shalt  }
0x6d: {  	_ =	shalt  }
0x6e: {  	_ =	shalt  }
0x6f: {  	_ =	shalt  }
0x70: {  	_ =	shalt  }
0x71: {  	_ =	shalt  }
0x72: {  	_ =	shalt  }
0x73: {  	_ =	shalt  }
0x74: {  	_ =	shalt  }
0x75: {  	_ =	shalt  }
0x76: {  	_ =	shalt  }
0x77: {  	_ =	shalt  }
0x78: {  	_ =	shalt  }
0x79: {  	_ =	shalt  }
0x7a: {  	_ =	shalt  }
0x7b: {  	_ =	shalt  }
0x7c: {  	_ =	shalt  }
0x7d: {  	_ =	shalt  }
0x7e: {  	_ =	shalt  }
0x7f: {  	_ =	shalt  }
0x80: {  	_ =	shalt  }
0x81: {  	_ =	shalt  }
0x82: {  	_ =	shalt  }
0x83: {  	_ =	shalt  }
0x84: {  	_ =	shalt  }
0x85: {  	_ =	shalt  }
0x86: {  	_ =	shalt  }
0x87: {  	_ =	shalt  }
.Lfunc_end0:
.L_simem_size_0:
called_computation.1_lowered:
.L_overlay_start_0:
0x88: {  	s2 =	sld [smem:$0x3FD9]  }
0x89: {  	s3 =	sld [smem:$0x3FFE];
	_ =	sdelay $0x1  }
0x8a: {  	s1 =	srdreg.scid  }
0x8b: {  	s0 =	sand.u32 $0x1, s1  }
0x8c: {  	s16 =	sshll.u32 s0, $0xA;
	s2 =	sadd.s32 s3, s2  }
0x8d: {  	s2 =	sadd.s32 s2, s16  }
0x8e: {  	[smem:$0x3FB7] =	sst s2  }
0x8f: {  	_ = 	snop  }
0x90: {  	(tm) =	ssettm $0x1  }
0x91: {  	s17 =	sld [smem:$0x3FFB];
	_ =	sdelay $0x3  }
0x92: {  	_ =	strace s17  }
0x93: {  	s2 =	sld [smem:$0x3FFC];
	_ =	sdelay $0x3  }
0x94: {  	_ =	strace s2  }
0x95: {  	s2 =	sld [smem:$0x3FFD];
	_ =	sdelay $0x3  }
0x96: {  	_ =	strace s2  }
0x97: {  	_ =	strace $0x8FFFFFFF  }
0x98: {  	s18 =	sld [smem:$0x3FDB];
	_ =	sdelay $0x1  }
0x99: {  	s19 =	simm.s32 $_scs_section_size  }
0x9a: {  	s4 =	simm.s32 $_size__tile_overlayer_lowered;
	s5 =	simm.s32 $_tile_overlayer_lowered  }
0x9b: {  	s22 =	simm.s32 $0x1BFF;
	s21 =	sshll.u32 s5, $0x1;
	s2 =	sadd.s32 s19, s18  }
0x9c: {  	s6 =	simm.s32 $0x0;
	s20 =	sshll.u32 s4, $0x1;
	s4 =	sadd.s32 s21, s2  }
0x9d: {  	[timem:s6], [sflag:s22] =	dma.local [hbm:s4], s20  }
0x9e: {  	_ =	swait.ge [sflag:s22], s20  }
0x9f: {  	s3 =	ssub.s32 $0x0, s20;
	[sflag:s22] =	ssyncset.done $0x0  }
0xa0: {  	[sflag:s22] =	ssyncadd.s32 s3;
	_ =	sdelay $0x1  }
0xa1: {  	s23 =	simm.s32 $0x1B8B  }
0xa2: {  	_ =	swait.ge [sflag:s23], $0x1  }
0xa3: {  	[sflag:s23] =	ssyncset.done $0x0  }
0xa4: {  	s25 =	simm.s32 $0x1B8E;
	s24 =	sld [smem:$0x3FFE];
	[sflag:s23] =	ssyncadd.s32 $0xFFFFFFFF  }
0xa5: {  	s26 =	simm.s32 $execute0_lowered;
	[smem:$0x3FD2] =	sst s25  }
0xa6: {  	s4 =	sshll.u32 s26, $0x1;
	_ =	strace $0x80000049;
	[dreg:$0x1] =	wrdreg $0xFFFFFFFF  }
0xa7: {  	s28 =	simm.s32 $_size_execute0_lowered;
	s2 =	sadd.s32 s2, s4;
	[dreg:$0x0] =	wrdreg $0x0  }
0xa8: {  	s4 =	sshll.u32 s28, $0x1;
	[dreg:$0x2] =	wrdreg s2  }
0xa9: {  	[dreg:$0x3] =	wrdreg s4  }
0xaa: {  	[dreg:$0x4] =	wrdreg $0xC0  }
0xab: {  	_ =	task [dreg:s6], $0x5FFFF  }
0xac: {  	[dreg:$0x1] =	wrdreg $0xFFFFFFFF  }
0xad: {  	[dreg:$0x0] =	wrdreg $0x60  }
0xae: {  	[dreg:$0x2] =	wrdreg s24  }
0xaf: {  	[dreg:$0x3] =	wrdreg $0x108D80  }
0xb0: {  	[dreg:$0x4] =	wrdreg $0x1CC280  }
0xb1: {  	[dreg:$0x5] =	wrdreg $0x9  }
0xb2: {  	_ =	task.clear_ibuf [dreg:s6], $0x6FFFF;
	_ =	strace $0x90000049  }
0xb3: {  	s29 =	simm.s32 $0x9;
	_ =	strace $0x8000004B  }
0xb4: {  	_ =	swait.ge [sflag:s29], $0x1  }
0xb5: {  	[sflag:s29] =	ssyncadd.s32 $0xFFFFFFFF  }
0xb6: {  	_ =	strace $0x9000004B  }
0xb7: {  	_ =	sfence  }
0xb8: {  	s30 =	sld [smem:$0x0];
	_ =	sdelay $0x2  }
0xb9: {  	s31 =	sshll.u32 s1, $0xD;
	s1 =	sshrl.u32 s1, $0x2  }
0xba: {  	s3 =	sand.u32 $0x4000, s31;
	s1 =	sadd.s32 s1, s30  }
0xbb: {  	s0 =	sor.u32 s3, s0;
	s1 =	sshll.u32 s1, $0x11  }
0xbc: {  	s0 =	sor.u32 s1, s0  }
0xbd: {  	s0 =	sadd.s32 $0x8F2B, s0  }
0xbe: {  	[sflag:s0] =	ssyncadd.remote.s32 $0x1  }
0xbf: {  	_ =	sfence.sel $0xFFFF  }
0xc0: {  	[dreg:$0x0] =	wrdreg $0xFFFFFFFF;
	(pc) =	sbr.abs _section_cstart, $3  }
0xc1: {  	[dreg:$0x1] =	wrdreg $0xFFFFFFFF  }
0xc2: {  	_ =	task.clear_ibuf [dreg:s6], $0x2FFFF;
	_ =	strace $0x9FFFFFFF  }
0xc3: {  	(tm) =	ssettm $0x7FFFFFFF  }
tec
execute0_lowered:
.L_overlay_start_1:
0x0: {  	(tag) =	ssettag $0x1  }
0x1: {  	s0 =	rddreg [dreg:$0x0]  }
0x2: {  	s1 =	rddreg [dreg:$0x1]  }
0x3: {  	s2 =	rddreg [dreg:$0x2];
	s3 =	simm.s32 $0x0  }
0x4: {  	s6 =	srdreg.scid;
	s19 =	stileid.u32;
	s17 =	simm.s32 $0x9858  }
0x5: {  	s18 =	simm.s32 $0x7;
	s20 =	simm.s32 $0x190;
	s21 =	simm.s32 $0x258  }
0x6: {  	s22 =	simm.s32 $0x3458;
	s28 =	simm.s32 $0x3;
	s29 =	simm.s32 $0xD6D8  }
0x7: {  	s30 =	simm.s32 $0x5;
	s31 =	simm.s32 $0x6;
	[smem:$0x7FF] =	sst s3  }
0x8: {  	s4 =	sadd.s32 $0x2F800, s0;
	s5 =	sadd.s32 $0x2C7A00, s0;
	s11 =	sand.u32 $0x1, s6  }
0x9: {  	s6 =	sadd.s32 $0x2DB400, s0;
	s7 =	sadd.s32 $0x1B200, s0;
	s16 =	smul.u32 $0xFA00, s19  }
0xa: {  	s8 =	sadd.s32 $0x11400, s0;
	s9 =	sadd.s32 $0x25A00, s0;
	s26 =	smul.u32 $0x7D0, s19  }
0xb: {  	s10 =	sadd.s32 $0x31FC00, s0;
	s15 =	ssub.s32 $0x41, s19;
	s12 =	smul.u32 $0x186A0, s11  }
0xc: {  	p0 =	sne.s32 s19, $0x0;
	_ =	strace $0x8000004A;
	s13 =	smul.u32 $0xA0, s11  }
0xd: {  	s14 =	ssub.s32 $0x2, s11;
	s11 =	sshll.u32 s11, $0x4;
	s24 =	sshrl.u32 s15, $0x4  }
0xe: {  	s3 =	sshrl.u32 s14, $0x1;
	s11 =	sor.u32 s19, s11;
	s23 =	sshrl.u32 s16, $0x2  }
0xf: {  	s19 =	simm.s32 $0xC8;
	[dreg:$0x4] =	wrdreg s24;
	s12 =	sadd.s32 s12, s0  }
0x10: {  	s0 =	sadd.s32 s13, s0;
	s14 =	ssub.s32 s14, s3;
	s13 =	smul.u32 $0x2710, s11  }
0x11: {  	s3 =	smov.u32 s1;
	s16 =	sadd.s32 s23, s1;
	s23 =	simm.s32 $0x6658  }
0x12: {  	s15 =	sadd.s32 $0x2EEE00, s12;
	s0 =	sadd.s32 $0xE400, s0;
	[dreg:$0x7] =	wrdreg s16  }
0x13: {  	s25 =	smax.u32 s14, $0x1;
	s12 =	simm.s32 $0x0;
	[dreg:$0x5] =	wrdreg s0  }
0x14: {  	v0 =	vimm.f32 $0.0e+00;
	vm0 =	vcmask $0x300;
	[dreg:$0x6] =	wrdreg s25;
	s0 =	sadd.s32 s15, s26;
	s25 =	simm.s32 $0x1  }
0x15: {  	v1 =	vsel vm0, $0x3F800000, v0;
	s26 =	simm.s32 $0x2;
	[dreg:$0x8] =	wrdreg s0;
	s0 =	simm.s32 $0x4  }
.LBB2_1:
0x16: {  	[dreg:$0x9] =	wrdreg s12;
	s12 =	simm.s32 $0x140;
	s11 =	simm.s32 $0x0  }
.LBB2_2:
0x17: {  	p1 =	sne.s32 s12, $0xF8C0;
	[tilespmem:s11+$0x9898] =	vst v0;
	s14 =	smov.u32 s12;
	s12 =	sadd.s32 $0x140, s12  }
.Ltmp0:
0x18: {  	[tilespmem:s11+$0x9888] =	vst v0;
	(pc) =	sbr.rel @p1 .LBB2_2-.Ltmp0, $4  }
0x19: {  	[tilespmem:s11+$0x9878] =	vst v0  }
0x1a: {  	[tilespmem:s11+$0x9858] =	vst v0  }
0x1b: {  	[tilespmem:s11+$0x9868] =	vst v0  }
0x1c: {  	s11 =	sshra.s32 s14, $0x2  }
0x1d: {  	[tilespmem:s11+$0x9898] =	vst v0  }
0x1e: {  	[tilespmem:s11+$0x9888] =	vst v0  }
0x1f: {  	[tilespmem:s11+$0x9878] =	vst v0;
	p1 =	sne.s32 s24, $0x1  }
.Ltmp1:
0x20: {  	[tilespmem:s11+$0x9858] =	vst v0;
	(pc) =	sbr.rel @!p1 .LBB2_5-.Ltmp1, $4  }
0x21: {  	[tilespmem:s11+$0x9868] =	vst v0  }
0x22: {  	[spmem:s16] =	stream.linear.scatter [tilespmem:s17], [sflag:$0x7], $0x3E80, $0x38;
	[tilespmem:$0x1CC78] =	vst v63  }
0x23: {  	_ =	swait.ge [sflag:s18], $0x3E80  }
0x24: {  	s11 =	sadd.s32 $0xFFFFFFFF, s24;
	s12 =	smov.u32 s16;
	[sflag:s18] =	ssyncset.done $0x0  }
.LBB2_4:
0x25: {  	p2 =	sne.s32 s11, $0x1;
	[sflag:s18] =	ssyncadd.s32 $0xFFFFC180;
	s12 =	sadd.s32 $0x3E800, s12  }
.Ltmp2:
0x26: {  	s11 =	sadd.s32 $0xFFFFFFFF, s11;
	(pc) =	sbr.rel @p2 .LBB2_4-.Ltmp2, $4  }
0x27: {  	_ = 	snop  }
0x28: {  	[spmem:s12] =	stream.linear.scatter [tilespmem:s17], [sflag:$0x7], $0x3E80, $0x38;
	[tilespmem:$0x1CC78] =	vst v63  }
0x29: {  	_ =	swait.ge [sflag:s18], $0x3E80  }
0x2a: {  	[sflag:s18] =	ssyncset.done $0x0  }
.LBB2_5:
0x2b: {  	[sflag:s18] =	ssyncadd.s32 $0xFFFFC180;
	s11 =	simm.s32 @!p0 $0x9858  }
0x2c: {  	[spmem:s2] =	stream.linear.scatter @!p0 [tilespmem:s11], [sflag:$0x7], $0x500, $0x38;
	[tilespmem:$0x1CC78] =	vst v63  }
0x2d: {  	s11 =	simm.s32 @!p0 $0x7  }
0x2e: {  	_ =	swait.ge @!p0 [sflag:s11], $0x500  }
0x2f: {  	[sflag:s11] =	ssyncset.done @!p0 $0x0  }
0x30: {  	s12 =	simm.s32 $0x40;
	[sflag:s11] =	ssyncadd.s32 @!p0 $0xFFFFFB00;
	s11 =	simm.s32 $0x240  }
.LBB2_6:
0x31: {  	p2 =	sne.s32 s11, $0xF9C0;
	[tilespmem:s12+$0x9858] =	vst v1;
	s12 =	smov.u32 s11;
	s11 =	sadd.s32 $0x140, s11  }
.Ltmp3:
0x32: {  	(pc) =	sbr.rel @p2 .LBB2_6-.Ltmp3, $2  }
0x33: {  	_ =	sdelay $0x2  }
0x34: {  	s12 =	sshra.s32 s12, $0x2  }
0x35: {  	[tilespmem:s12+$0x9858] =	vst v1  }
0x36: {  	s14 =	simm.s32 $0x0;
	s15 =	simm.s32 $0x0;
	[bflag:$0x0] =	sbarrier.arrive $0xFFFF  }
.LBB2_8:
0x37: {  	s11 =	smul.u32 $0xC8, s15;
	_ =	sdelay $0x1  }
0x38: {  	s11 =	sadd.s32 s13, s11  }
0x39: {  	s12 =	sshrl.u32 s11, $0x3  }
0x3a: {  	s16 =	sadd.s32 s7, s12  }
0x3b: {  	[tilespmem:s14], [sflag:$0x7] =	stream.linear.gather [hbm4b:s16+s14], $0xC8, $0x38;
	[tilespmem:$0x1CC78] =	vst v63  }
0x3c: {  	_ =	swait.ge [sflag:s18], $0xC8  }
0x3d: {  	[sflag:s18] =	ssyncset.done $0x0  }
0x3e: {  	s24 =	sadd.s32 s8, s12;
	[sflag:s18] =	ssyncadd.s32 $0xFFFFFF38  }
0x3f: {  	[tilespmem:s19], [sflag:$0x7] =	stream.linear.gather [hbm4b:s24+s14], $0xC8, $0x38;
	[tilespmem:$0x1CC78] =	vst v63  }
0x40: {  	_ =	swait.ge [sflag:s18], $0xC8  }
0x41: {  	[sflag:s18] =	ssyncset.done $0x0  }
0x42: {  	s12 =	sadd.s32 s9, s12;
	[sflag:s18] =	ssyncadd.s32 $0xFFFFFF38  }
0x43: {  	[tilespmem:s20], [sflag:$0x7] =	stream.linear.gather [hbm4b:s12+s14], $0xC8, $0x38;
	[tilespmem:$0x1CC78] =	vst v63  }
0x44: {  	_ =	swait.ge [sflag:s18], $0xC8  }
0x45: {  	[sflag:s18] =	ssyncset.done $0x0  }
0x46: {  	[sflag:s18] =	ssyncadd.s32 $0xFFFFFF38  }
0x47: {  	[tilespmem:s21], [sflag:$0x1] =	stream.indirect.gather [hbm4b:s5+s19], $0x40, s14, s19, $0xb8;
	[tilespmem:$0x1CC78] =	vst v63  }
0x48: {  	s24 =	sshll.u32 s11, $0x3  }
0x49: {  	[tilespmem:s22], [sflag:$0x2] =	stream.indirect.gather [hbm4b:s6+s19], $0x40, s19, s19, $0xb8;
	[tilespmem:$0x1CC78] =	vst v63  }
0x4a: {  	s11 =	sadd.s32 s4, s24  }
0x4b: {  	[tilespmem:s23], [sflag:$0x3] =	stream.linear.gather [hbm4b:s11+s14], $0x3200, $0x38;
	[tilespmem:$0x1CC78] =	vst v63  }
0x4c: {  	_ =	swait.ge [sflag:s25], $0x3200  }
0x4d: {  	[sflag:s25] =	ssyncset.done $0x0  }
0x4e: {  	[sflag:s25] =	ssyncadd.s32 $0xFFFFCE00  }
0x4f: {  	_ =	swait.ge [sflag:s26], $0x3200  }
0x50: {  	[sflag:s26] =	ssyncset.done $0x0  }
0x51: {  	[sflag:s26] =	ssyncadd.s32 $0xFFFFCE00  }
0x52: {  	_ =	swait.ge [sflag:s28], $0x3200  }
0x53: {  	[sflag:s28] =	ssyncset.done $0x0  }
0x54: {  	s1 =	simm.s32 $0x0;
	[sflag:s28] =	ssyncadd.s32 $0xFFFFCE00  }
0x55: {  	v2 =	vld [tilespmem:s1+$0x258]  }
0x56: {  	v3 =	vld [tilespmem:s1+$0x6658];
	_ =	sdelay $0x1  }
0x57: {  	v4 =	vld [tilespmem:s1+$0x3458];
	_ =	sdelay $0x2  }
0x58: {  	v2 =	vadd.f32 v2, v3;
	_ =	sdelay $0x1  }
0x59: {  	v2 =	vadd.f32 v4, v2;
	_ =	sdelay $0x1  }
0x5a: {  	s12 =	simm.s32 $0x9878;
	v2 =	vmax.f32 v2, $0.0e+00  }
0x5b: {  	[tilespmem:s12+$0xFFFFFFE0] =	vst v2  }
0x5c: {  	v3 =	vld [tilespmem:s1+$0x6668]  }
0x5d: {  	v4 =	vld [tilespmem:s1+$0x268];
	_ =	sdelay $0x1  }
0x5e: {  	v5 =	vld [tilespmem:s1+$0x3468];
	_ =	sdelay $0x2  }
0x5f: {  	v3 =	vadd.f32 v4, v3;
	_ =	sdelay $0x1  }
0x60: {  	v3 =	vadd.f32 v5, v3;
	_ =	sdelay $0x1  }
0x61: {  	[tilespmem:s1+$0xD6D8] =	vst v2;
	v2 =	vmax.f32 v3, $0.0e+00  }
0x62: {  	[tilespmem:s12+$0xFFFFFFF0] =	vst v2  }
0x63: {  	v3 =	vld [tilespmem:s1+$0x6678]  }
0x64: {  	v4 =	vld [tilespmem:s1+$0x278];
	_ =	sdelay $0x1  }
0x65: {  	v5 =	vld [tilespmem:s1+$0x3478];
	_ =	sdelay $0x2  }
0x66: {  	v3 =	vadd.f32 v4, v3;
	_ =	sdelay $0x1  }
0x67: {  	v3 =	vadd.f32 v5, v3;
	_ =	sdelay $0x1  }
0x68: {  	[tilespmem:s1+$0xD6E8] =	vst v2;
	v2 =	vmax.f32 v3, $0.0e+00  }
0x69: {  	[tilespmem:s12+$0x0] =	vst v2  }
0x6a: {  	v3 =	vld [tilespmem:s1+$0x6688]  }
0x6b: {  	v4 =	vld [tilespmem:s1+$0x288];
	_ =	sdelay $0x1  }
0x6c: {  	v5 =	vld [tilespmem:s1+$0x3488];
	_ =	sdelay $0x2  }
0x6d: {  	v3 =	vadd.f32 v4, v3;
	_ =	sdelay $0x1  }
0x6e: {  	v3 =	vadd.f32 v5, v3;
	_ =	sdelay $0x1  }
0x6f: {  	[tilespmem:s1+$0xD6F8] =	vst v2;
	v3 =	vmax.f32 v3, $0.0e+00  }
0x70: {  	s16 =	simm.s32 $0x40;
	[tilespmem:s12+$0x10] =	vst v3  }
0x71: {  	v2 =	vld [tilespmem:s16+$0x258];
	[tilespmem:s1+$0xD708] =	vst v3  }
0x72: {  	v3 =	vld [tilespmem:s16+$0x6658];
	_ =	sdelay $0x1  }
0x73: {  	s11 =	simm.s32 $0x200;
	v4 =	vld [tilespmem:s16+$0x3458]  }
.LBB2_9:
0x74: {  	p2 =	sne.s32 s11, $0xC700;
	_ =	sdelay $0x1  }
0x75: {  	v2 =	vadd.f32 v2, v3;
	_ =	sdelay $0x1  }
0x76: {  	v2 =	vadd.f32 v4, v2;
	_ =	sdelay $0x1  }
0x77: {  	s12 =	sadd.s32 $0x50, s12;
	v2 =	vmax.f32 v2, $0.0e+00  }
0x78: {  	[tilespmem:s12+$0xFFFFFFE0] =	vst v2  }
0x79: {  	v3 =	vld [tilespmem:s16+$0x6668]  }
0x7a: {  	v4 =	vld [tilespmem:s16+$0x268];
	_ =	sdelay $0x1  }
0x7b: {  	v5 =	vld [tilespmem:s16+$0x3468];
	_ =	sdelay $0x2  }
0x7c: {  	v3 =	vadd.f32 v4, v3;
	_ =	sdelay $0x1  }
0x7d: {  	v3 =	vadd.f32 v5, v3;
	_ =	sdelay $0x1  }
0x7e: {  	[tilespmem:s16+$0xD6D8] =	vst v2;
	v2 =	vmax.f32 v3, $0.0e+00  }
0x7f: {  	[tilespmem:s12+$0xFFFFFFF0] =	vst v2  }
0x80: {  	v3 =	vld [tilespmem:s16+$0x6678]  }
0x81: {  	v4 =	vld [tilespmem:s16+$0x278];
	_ =	sdelay $0x1  }
0x82: {  	v5 =	vld [tilespmem:s16+$0x3478];
	_ =	sdelay $0x2  }
0x83: {  	v3 =	vadd.f32 v4, v3;
	_ =	sdelay $0x1  }
0x84: {  	v3 =	vadd.f32 v5, v3;
	_ =	sdelay $0x1  }
0x85: {  	[tilespmem:s16+$0xD6E8] =	vst v2;
	v2 =	vmax.f32 v3, $0.0e+00  }
0x86: {  	[tilespmem:s12+$0x0] =	vst v2  }
0x87: {  	v3 =	vld [tilespmem:s16+$0x6688]  }
0x88: {  	v4 =	vld [tilespmem:s16+$0x288];
	_ =	sdelay $0x1  }
0x89: {  	v5 =	vld [tilespmem:s16+$0x3488];
	_ =	sdelay $0x2  }
0x8a: {  	v3 =	vadd.f32 v4, v3;
	_ =	sdelay $0x1  }
0x8b: {  	v3 =	vadd.f32 v5, v3;
	_ =	sdelay $0x1  }
0x8c: {  	[tilespmem:s16+$0xD6F8] =	vst v2;
	v3 =	vmax.f32 v3, $0.0e+00  }
.Ltmp4:
0x8d: {  	s1 =	sshra.s32 s11, $0x2;
	[tilespmem:s12+$0x10] =	vst v3;
	(pc) =	sbr.rel @p2 .LBB2_9-.Ltmp4, $3  }
0x8e: {  	v2 =	vld [tilespmem:s1+$0x258];
	[tilespmem:s16+$0xD708] =	vst v3;
	s16 =	smov.u32 s1  }
0x8f: {  	v3 =	vld [tilespmem:s16+$0x6658];
	_ =	sdelay $0x1  }
0x90: {  	s11 =	sadd.s32 $0x100, s11;
	v4 =	vld [tilespmem:s16+$0x3458]  }
0x91: {  	_ =	sdelay $0x1  }
0x92: {  	v2 =	vadd.f32 v2, v3;
	_ =	sdelay $0x1  }
0x93: {  	v2 =	vadd.f32 v4, v2;
	_ =	sdelay $0x1  }
0x94: {  	s1 =	sadd.s32 $0x50, s12;
	v2 =	vmax.f32 v2, $0.0e+00  }
0x95: {  	[tilespmem:s1+$0xFFFFFFE0] =	vst v2  }
0x96: {  	v3 =	vld [tilespmem:s16+$0x6668]  }
0x97: {  	v59 =	vld [tilespmem:s16+$0x268];
	_ =	sdelay $0x1  }
0x98: {  	v5 =	vld [tilespmem:s16+$0x3468];
	_ =	sdelay $0x2  }
0x99: {  	v3 =	vadd.f32 v59, v3;
	_ =	sdelay $0x1  }
0x9a: {  	v3 =	vadd.f32 v5, v3;
	_ =	sdelay $0x1  }
0x9b: {  	[tilespmem:s16+$0xD6D8] =	vst v2;
	v2 =	vmax.f32 v3, $0.0e+00  }
0x9c: {  	[tilespmem:s1+$0xFFFFFFF0] =	vst v2  }
0x9d: {  	v3 =	vld [tilespmem:s16+$0x6678]  }
0x9e: {  	v60 =	vld [tilespmem:s16+$0x278];
	_ =	sdelay $0x1  }
0x9f: {  	v61 =	vld [tilespmem:s16+$0x3478];
	_ =	sdelay $0x2  }
0xa0: {  	v3 =	vadd.f32 v60, v3;
	_ =	sdelay $0x1  }
0xa1: {  	v3 =	vadd.f32 v61, v3;
	_ =	sdelay $0x1  }
0xa2: {  	[tilespmem:s16+$0xD6E8] =	vst v2;
	v2 =	vmax.f32 v3, $0.0e+00  }
0xa3: {  	[tilespmem:s1+$0x0] =	vst v2  }
0xa4: {  	v3 =	vld [tilespmem:s16+$0x6688]  }
0xa5: {  	v62 =	vld [tilespmem:s16+$0x288];
	_ =	sdelay $0x1  }
0xa6: {  	v63 =	vld [tilespmem:s16+$0x3488];
	_ =	sdelay $0x2  }
0xa7: {  	v3 =	vadd.f32 v62, v3;
	_ =	sdelay $0x1  }
0xa8: {  	v3 =	vadd.f32 v63, v3;
	_ =	sdelay $0x1  }
0xa9: {  	[tilespmem:s16+$0xD6F8] =	vst v2;
	v2 =	vmax.f32 v3, $0.0e+00  }
0xaa: {  	[tilespmem:s1+$0x10] =	vst v2  }
0xab: {  	s24 =	sadd.s32 s10, s24;
	s11 =	simm.s32 $0x0;
	[tilespmem:s16+$0xD708] =	vst v2  }
0xac: {  	[hbm4b:s24+s11] =	stream.linear.scatter [tilespmem:s29], [sflag:$0x4], $0x3200, $0x38;
	[tilespmem:$0x1CC78] =	vst v63  }
0xad: {  	_ = 	snop  }
0xae: {  	[spmem:s3] =	stream.indirect.scatter.add.f32 [tilespmem:s17], [sflag:$0x5], $0x50, s19, s19, $0xb8;
	[tilespmem:$0x1CC78] =	vst v63  }
0xaf: {  	_ = 	snop  }
0xb0: {  	[spmem:s2] =	stream.indirect.scatter.add.f32 [tilespmem:s17], [sflag:$0x6], $0x50, s20, s19, $0xb8;
	[tilespmem:$0x1CC78] =	vst v63  }
0xb1: {  	_ =	swait.ge [sflag:s30], $0x3E80  }
0xb2: {  	[sflag:s30] =	ssyncset.done $0x0  }
0xb3: {  	s15 =	sadd.s32 $0x1, s15;
	[sflag:s30] =	ssyncadd.s32 $0xFFFFC180  }
0xb4: {  	p2 =	sne.s32 s15, $0x32;
	_ =	swait.ge [sflag:s31], $0x3E80  }
.Ltmp5:
0xb5: {  	[sflag:s31] =	ssyncset.done $0x0;
	(pc) =	sbr.rel @p2 .LBB2_8-.Ltmp5, $4  }
0xb6: {  	[sflag:s31] =	ssyncadd.s32 $0xFFFFC180  }
0xb7: {  	_ =	swait.ge [sflag:s0], $0x3200  }
0xb8: {  	[sflag:s0] =	ssyncset.done $0x0  }
0xb9: {  	[sflag:s0] =	ssyncadd.s32 $0xFFFFCE00  }
0xba: {  	s1 =	stileid.u32;
	[bflag:$0x0] =	sbarrier.arrive $0xFFFF  }
.Ltmp6:
0xbb: {  	s1 =	sshll.u32 s1, $0x6;
	s16 =	rddreg [dreg:$0x7];
	(pc) =	sbr.rel @!p1 .LBB2_13-.Ltmp6, $4  }
0xbc: {  	s15 =	rddreg [dreg:$0x8];
	s11 =	sor.u32 $0x1C07, s1;
	s24 =	sshrl.u32 s16, $0x3  }
0xbd: {  	[hbm:s15], [sflag:s11] =	dma.local [spmem:s24], $0x7D0  }
0xbe: {  	s24 =	rddreg [dreg:$0x4]  }
0xbf: {  	s14 =	sadd.s32 $0x3E800, s16;
	_ =	swait.ge [sflag:s18], $0x7D0;
	s12 =	sadd.s32 $0xFFFFFFFF, s24  }
.LBB2_12:
0xc0: {  	[sflag:s18] =	ssyncset.done $0x0;
	s15 =	sadd.s32 $0x7D00, s15;
	p1 =	sne.s32 s12, $0x1  }
.Ltmp7:
0xc1: {  	s1 =	sshrl.u32 s14, $0x3;
	[sflag:s18] =	ssyncadd.s32 $0xFFFFF830;
	(pc) =	sbr.rel @p1 .LBB2_12-.Ltmp7, $3  }
0xc2: {  	[hbm:s15], [sflag:s11] =	dma.local [spmem:s1], $0x7D0  }
0xc3: {  	s12 =	sadd.s32 $0xFFFFFFFF, s12;
	_ =	sdelay $0x1  }
0xc4: {  	s14 =	sadd.s32 $0x3E800, s14;
	_ =	swait.ge [sflag:s18], $0x7D0  }
.LBB2_13:
0xc5: {  	[sflag:s18] =	ssyncset.done $0x0;
	s1 =	sshrl.u32 @!p0 s2, $0x3  }
0xc6: {  	s11 =	simm.s32 @!p0 $0x1C07;
	s12 =	rddreg [dreg:$0x5];
	[sflag:s18] =	ssyncadd.s32 $0xFFFFF830  }
0xc7: {  	[hbm:s12], [sflag:s11] =	dma.local @!p0 [spmem:s1], $0xA0  }
0xc8: {  	s1 =	simm.s32 @!p0 $0x7  }
0xc9: {  	_ =	swait.ge @!p0 [sflag:s1], $0xA0  }
0xca: {  	s14 =	rddreg [dreg:$0x9]  }
0xcb: {  	s15 =	rddreg [dreg:$0x6];
	s12 =	sadd.s32 $0x1, s14  }
0xcc: {  	p1 =	sne.s32 s12, s15  }
.Ltmp8:
0xcd: {  	_ = 	snop;
	(pc) =	sbr.rel @p1 .LBB2_1-.Ltmp8, $3  }
0xce: {  	_ =	sdelay $0x1  }
0xcf: {  	[sflag:s1] =	ssyncset.done @!p0 $0x0  }
0xd0: {  	[sflag:s1] =	ssyncadd.s32 @!p0 $0xFFFFFF60  }
0xd1: {  	_ =	sfence.sel $0x180000  }
0xd2: {  	[bflag:$0x0] =	sbarrier.arrive $0xFFFF  }
0xd3: {  	_ =	strace $0x9000004A  }
0xd4: {  	[bflag:$0x2] =	sbarrier.arrive $0xFFFF  }
0xd5: {  	s0 =	rddreg [dreg:$0x3]  }
0xd6: {  	s0 =	sadd.s32 @!p0 $0x100000, s0  }
0xd7: {  	[sflag:s0] =	ssyncadd.tile.s32 @!p0 $0x1;
	_ =	shalt  }
.Lfunc_end2:
_tile_overlayer_lowered:
.L_overlay_start_2:
0xd8: {  	(tag) =	ssettag $0x2  }
0xd9: {  	s0 =	rddreg [dreg:$0x0];
	s2 =	stileid.u32  }
0xda: {  	s1 =	rddreg [dreg:$0x1];
	p0 =	sne.s32 s2, $0x0  }
0xdb: {  	s3 =	rddreg [dreg:$0x2];
	[bflag:$0x3] =	sbarrier.arrive $0xFFFF;
	s2 =	simm.s32 @!p0 $0x1C07  }
0xdc: {  	[timem:s3], [sflag:s2] =	dma.local @!p0 [hbm:s0], s1  }
0xdd: {  	s0 =	simm.s32 @!p0 $0x7  }
0xde: {  	_ =	swait.ge @!p0 [sflag:s0], s1  }
0xdf: {  	s1 =	ssub.s32 @!p0 $0x0, s1;
	[sflag:s0] =	ssyncset.done @!p0 $0x0  }
0xe0: {  	[sflag:s0] =	ssyncadd.s32 @!p0 s1  }
0xe1: {  	[bflag:$0x3] =	sbarrier.arrive $0xFFFF  }
0xe2: {  	_ =	shalt  }

// kernel: kernel.25.cloned.1.call-start
scs
__scs_entry_jumppad:
0x0: {  	(pc) =	sbr.rel $0x88, $3  }
0x1: {  	(tag) =	ssettag $0x0;
	lr =	simm.s32 $0x1  }
0x2: {  	[smem:$0x3F90] =	sst lr;
	_ =	strace $0xD0000000  }
0x3: {  	_ = 	snop  }
0x4: {  	_ = 	snop  }
0x5: {  	_ = 	snop  }
0x6: {  	_ = 	snop  }
0x7: {  	_ = 	snop  }
__scs_overlays_trampoline_lowered:
0x8: {  	[smem:$0x3F9F] =	sst s0  }
0x9: {  	[smem:$0x3FA0] =	sst s1  }
0xa: {  	[smem:$0x3FA1] =	sst s2  }
0xb: {  	[smem:$0x3FA2] =	sst s3  }
0xc: {  	[smem:$0x3FA3] =	sst s4  }
0xd: {  	[smem:$0x3FA4] =	sst s5  }
0xe: {  	[smem:$0x3FA5] =	sst s6  }
0xf: {  	[smem:$0x3FA6] =	sst s7  }
0x10: {  	[smem:$0x3FA7] =	sst s8  }
0x11: {  	[smem:$0x3FA8] =	sst s9;
	s0 =	simm.s32 @!p0 $0x0  }
0x12: {  	s1 =	sld [smem:$0x3F8E];
	s0 =	simm.s32 @p0 $0x1  }
0x13: {  	[smem:$0x3FA9] =	sst s0;
	s0 =	simm.s32 @!p1 $0x0  }
0x14: {  	s2 =	sld [smem:$0x3F8D];
	s0 =	simm.s32 @p1 $0x1  }
0x15: {  	[smem:$0x3FAA] =	sst s0;
	s0 =	simm.s32 @!p2 $0x0  }
0x16: {  	s3 =	sld [smem:$0x3FDB];
	s0 =	simm.s32 @p2 $0x1  }
0x17: {  	s4 =	simm.s32 $0x1BF5;
	[smem:$0x3FAC] =	sst s0  }
0x18: {  	s0 =	sld [smem:$0x3F8F];
	_ =	swait.ge [sflag:s4], $0x0  }
0x19: {  	s7 =	sld [smem:$0x3F90]  }
0x1a: {  	s8 =	sadd.s32 $0xFFFFE003, lr  }
0x1b: {  	s9 =	sadd.s32 $0xFFFFFEF7, lr;
	s5 =	simm.s32 $0xFFFFFFFF;
	p2 =	slt.u32 s8, $0xFFFFF086  }
0x1c: {  	p1 =	slt.u32 s9, $0xF7A;
	s5 =	simm.s32 @!p2 $0x0  }
0x1d: {  	s5 =	simm.s32 @p1 $0x1;
	p0 =	seq.s32 s7, s2  }
0x1e: {  	s7 =	smul.u32 @!p0 $0xF7A, s2;
	p2 =	seq.s32 @!p0 s5, $0x0  }
0x1f: {  	s9 =	smul.u32 $0xF7A, s1;
	s8 =	simm.s32 @!p0 $0x1BF5;
	p2 =	por !p2, p0  }
0x20: {  	[sflag:s8] =	ssyncset.s32 @!p0 $0xFFFFF086;
	s6 =	sadd.s32 @!p0 s3, s7;
	s7 =	simm.s32 @!p0 $0x108  }
0x21: {  	s3 =	sadd.s32 s3, s9;
	s6 =	sadd.s32 @!p0 $0x88, s6;
	s7 =	simm.s32 @p2 $0x1082  }
0x22: {  	[simem:s7], [sflag:s8] =	dma.local @!p0 [hbm:s6], $0xF7A  }
0x23: {  	s9 =	sor.u32 $0xD0000000, s2;
	s6 =	simm.s32 $0x108;
	_ =	swait.ge @!p0 [sflag:s8], $0x0  }
0x24: {  	s3 =	sadd.s32 $0x88, s3;
	s6 =	simm.s32 @!p1 $0x1082;
	[sflag:s4] =	ssyncset.s32 $0xFFFFF086  }
0x25: {  	[simem:s6], [sflag:s4] =	dma.local [hbm:s3], $0xF7A  }
0x26: {  	[smem:$0x3F90] =	sst s1;
	(tag) =	ssettag s2;
	_ =	strace s9  }
0x27: {  	s1 =	sld [smem:$0x3FA0]  }
0x28: {  	s2 =	sld [smem:$0x3FA1]  }
0x29: {  	s4 =	sld [smem:$0x3FA3]  }
0x2a: {  	p0 =	seq.s32 s5, $0x0;
	s5 =	sld [smem:$0x3FA4]  }
0x2b: {  	s6 =	sld [smem:$0x3FA5]  }
0x2c: {  	s7 =	sld [smem:$0x3FA6]  }
0x2d: {  	s3 =	simm.s32 $0x108;
	s8 =	sld [smem:$0x3FA7]  }
0x2e: {  	s3 =	simm.s32 @!p0 $0x1082;
	s9 =	sld [smem:$0x3FA8]  }
0x2f: {  	lr =	sadd.s32 s0, s3;
	s0 =	sld [smem:$0x3F9F]  }
0x30: {  	s3 =	sld [smem:$0x3FA2]  }
0x31: {  	[smem:$0x3FAB] =	sst s10  }
0x32: {  	s10 =	sld [smem:$0x3FA9];
	_ =	sdelay $0x3  }
0x33: {  	p0 =	seq.s32 s10, $0x1;
	s10 =	sld [smem:$0x3FAB];
	_ =	sdelay $0x3  }
0x34: {  	[smem:$0x3FAB] =	sst s10  }
0x35: {  	s10 =	sld [smem:$0x3FAA];
	_ =	sdelay $0x3  }
0x36: {  	p1 =	seq.s32 s10, $0x1;
	s10 =	sld [smem:$0x3FAB];
	_ =	sdelay $0x3  }
0x37: {  	[smem:$0x3FAB] =	sst s10  }
0x38: {  	s10 =	sld [smem:$0x3FAC]  }
0x39: {  	_ = 	snop;
	(pc) =	sbr.ind lr, $3  }
0x3a: {  	_ = 	snop  }
0x3b: {  	_ = 	snop  }
0x3c: {  	p2 =	seq.s32 s10, $0x1;
	s10 =	sld [smem:$0x3FAB]  }
0x3d: {  	_ =	shalt  }
0x3e: {  	_ =	shalt  }
0x3f: {  	_ =	shalt  }
0x40: {  	_ =	shalt  }
0x41: {  	_ =	shalt  }
0x42: {  	_ =	shalt  }
0x43: {  	_ =	shalt  }
0x44: {  	_ =	shalt  }
0x45: {  	_ =	shalt  }
0x46: {  	_ =	shalt  }
0x47: {  	_ =	shalt  }
0x48: {  	_ =	shalt  }
0x49: {  	_ =	shalt  }
0x4a: {  	_ =	shalt  }
0x4b: {  	_ =	shalt  }
0x4c: {  	_ =	shalt  }
0x4d: {  	_ =	shalt  }
0x4e: {  	_ =	shalt  }
0x4f: {  	_ =	shalt  }
0x50: {  	_ =	shalt  }
0x51: {  	_ =	shalt  }
0x52: {  	_ =	shalt  }
0x53: {  	_ =	shalt  }
0x54: {  	_ =	shalt  }
0x55: {  	_ =	shalt  }
0x56: {  	_ =	shalt  }
0x57: {  	_ =	shalt  }
0x58: {  	_ =	shalt  }
0x59: {  	_ =	shalt  }
0x5a: {  	_ =	shalt  }
0x5b: {  	_ =	shalt  }
0x5c: {  	_ =	shalt  }
0x5d: {  	_ =	shalt  }
0x5e: {  	_ =	shalt  }
0x5f: {  	_ =	shalt  }
0x60: {  	_ =	shalt  }
0x61: {  	_ =	shalt  }
0x62: {  	_ =	shalt  }
0x63: {  	_ =	shalt  }
0x64: {  	_ =	shalt  }
0x65: {  	_ =	shalt  }
0x66: {  	_ =	shalt  }
0x67: {  	_ =	shalt  }
0x68: {  	_ =	shalt  }
0x69: {  	_ =	shalt  }
0x6a: {  	_ =	shalt  }
0x6b: {  	_ =	shalt  }
0x6c: {  	_ =	shalt  }
0x6d: {  	_ =	shalt  }
0x6e: {  	_ =	shalt  }
0x6f: {  	_ =	shalt  }
0x70: {  	_ =	shalt  }
0x71: {  	_ =	shalt  }
0x72: {  	_ =	shalt  }
0x73: {  	_ =	shalt  }
0x74: {  	_ =	shalt  }
0x75: {  	_ =	shalt  }
0x76: {  	_ =	shalt  }
0x77: {  	_ =	shalt  }
0x78: {  	_ =	shalt  }
0x79: {  	_ =	shalt  }
0x7a: {  	_ =	shalt  }
0x7b: {  	_ =	shalt  }
0x7c: {  	_ =	shalt  }
0x7d: {  	_ =	shalt  }
0x7e: {  	_ =	shalt  }
0x7f: {  	_ =	shalt  }
0x80: {  	_ =	shalt  }
0x81: {  	_ =	shalt  }
0x82: {  	_ =	shalt  }
0x83: {  	_ =	shalt  }
0x84: {  	_ =	shalt  }
0x85: {  	_ =	shalt  }
0x86: {  	_ =	shalt  }
0x87: {  	_ =	shalt  }
.Lfunc_end0:
.L_simem_size_0:
called_computation.2_lowered:
.L_overlay_start_0:
0x88: {  	s2 =	sld [smem:$0x3FD9]  }
0x89: {  	s3 =	sld [smem:$0x3FFE];
	_ =	sdelay $0x1  }
0x8a: {  	s1 =	srdreg.scid  }
0x8b: {  	s0 =	sand.u32 $0x1, s1  }
0x8c: {  	s16 =	sshll.u32 s0, $0xA;
	s2 =	sadd.s32 s3, s2  }
0x8d: {  	s2 =	sadd.s32 s2, s16  }
0x8e: {  	[smem:$0x3FB7] =	sst s2  }
0x8f: {  	_ = 	snop  }
0x90: {  	(tm) =	ssettm $0x1  }
0x91: {  	s17 =	sld [smem:$0x3FFB];
	_ =	sdelay $0x3  }
0x92: {  	_ =	strace s17  }
0x93: {  	s2 =	sld [smem:$0x3FFC];
	_ =	sdelay $0x3  }
0x94: {  	_ =	strace s2  }
0x95: {  	s2 =	sld [smem:$0x3FFD];
	_ =	sdelay $0x3  }
0x96: {  	_ =	strace s2  }
0x97: {  	_ =	strace $0x8FFFFFFF  }
0x98: {  	s18 =	sld [smem:$0x3FDB];
	_ =	sdelay $0x1  }
0x99: {  	s19 =	simm.s32 $_scs_section_size  }
0x9a: {  	s4 =	simm.s32 $_size__tile_overlayer_lowered;
	s5 =	simm.s32 $_tile_overlayer_lowered  }
0x9b: {  	s22 =	simm.s32 $0x1BFF;
	s21 =	sshll.u32 s5, $0x1;
	s2 =	sadd.s32 s19, s18  }
0x9c: {  	s6 =	simm.s32 $0x0;
	s20 =	sshll.u32 s4, $0x1;
	s4 =	sadd.s32 s21, s2  }
0x9d: {  	[timem:s6], [sflag:s22] =	dma.local [hbm:s4], s20  }
0x9e: {  	_ =	swait.ge [sflag:s22], s20  }
0x9f: {  	s3 =	ssub.s32 $0x0, s20;
	[sflag:s22] =	ssyncset.done $0x0  }
0xa0: {  	[sflag:s22] =	ssyncadd.s32 s3;
	_ =	sdelay $0x1  }
0xa1: {  	s23 =	simm.s32 $0x1B8B  }
0xa2: {  	_ =	swait.ge [sflag:s23], $0x1  }
0xa3: {  	[sflag:s23] =	ssyncset.done $0x0  }
0xa4: {  	s25 =	simm.s32 $0x1B8E;
	s24 =	sld [smem:$0x3FFE];
	[sflag:s23] =	ssyncadd.s32 $0xFFFFFFFF  }
0xa5: {  	s26 =	simm.s32 $execute0_lowered;
	[smem:$0x3FD2] =	sst s25  }
0xa6: {  	s4 =	sshll.u32 s26, $0x1;
	_ =	strace $0x8000004C;
	[dreg:$0x1] =	wrdreg $0xFFFFFFFF  }
0xa7: {  	s28 =	simm.s32 $_size_execute0_lowered;
	s2 =	sadd.s32 s2, s4;
	[dreg:$0x0] =	wrdreg $0x0  }
0xa8: {  	s4 =	sshll.u32 s28, $0x1;
	[dreg:$0x2] =	wrdreg s2  }
0xa9: {  	[dreg:$0x3] =	wrdreg s4  }
0xaa: {  	[dreg:$0x4] =	wrdreg $0xC0  }
0xab: {  	_ =	task [dreg:s6], $0x5FFFF  }
0xac: {  	[dreg:$0x1] =	wrdreg $0xFFFFFFFF  }
0xad: {  	[dreg:$0x0] =	wrdreg $0x60  }
0xae: {  	[dreg:$0x2] =	wrdreg s24  }
0xaf: {  	[dreg:$0x3] =	wrdreg $0x108D80  }
0xb0: {  	[dreg:$0x4] =	wrdreg $0x1CC280  }
0xb1: {  	[dreg:$0x5] =	wrdreg $0x9  }
0xb2: {  	_ =	task.clear_ibuf [dreg:s6], $0x6FFFF;
	_ =	strace $0x9000004C  }
0xb3: {  	s29 =	simm.s32 $0x9;
	_ =	strace $0x8000004E  }
0xb4: {  	_ =	swait.ge [sflag:s29], $0x1  }
0xb5: {  	[sflag:s29] =	ssyncadd.s32 $0xFFFFFFFF  }
0xb6: {  	_ =	strace $0x9000004E  }
0xb7: {  	_ =	sfence  }
0xb8: {  	s30 =	sld [smem:$0x0];
	_ =	sdelay $0x2  }
0xb9: {  	s31 =	sshll.u32 s1, $0xD;
	s1 =	sshrl.u32 s1, $0x2  }
0xba: {  	s3 =	sand.u32 $0x4000, s31;
	s1 =	sadd.s32 s1, s30  }
0xbb: {  	s0 =	sor.u32 s3, s0;
	s1 =	sshll.u32 s1, $0x11  }
0xbc: {  	s0 =	sor.u32 s1, s0  }
0xbd: {  	s0 =	sadd.s32 $0x8F2B, s0  }
0xbe: {  	[sflag:s0] =	ssyncadd.remote.s32 $0x1  }
0xbf: {  	_ =	sfence.sel $0xFFFF  }
0xc0: {  	[dreg:$0x0] =	wrdreg $0xFFFFFFFF;
	(pc) =	sbr.abs _section_cstart, $3  }
0xc1: {  	[dreg:$0x1] =	wrdreg $0xFFFFFFFF  }
0xc2: {  	_ =	task.clear_ibuf [dreg:s6], $0x2FFFF;
	_ =	strace $0x9FFFFFFF  }
0xc3: {  	(tm) =	ssettm $0x7FFFFFFF  }
tec
execute0_lowered:
.L_overlay_start_1:
0x0: {  	(tag) =	ssettag $0x1  }
0x1: {  	s0 =	rddreg [dreg:$0x0]  }
0x2: {  	s1 =	rddreg [dreg:$0x1]  }
0x3: {  	s2 =	rddreg [dreg:$0x2];
	s3 =	simm.s32 $0x0  }
0x4: {  	s6 =	srdreg.scid;
	s19 =	stileid.u32;
	s17 =	simm.s32 $0x9858  }
0x5: {  	s18 =	simm.s32 $0x7;
	s20 =	simm.s32 $0x190;
	s21 =	simm.s32 $0x258  }
0x6: {  	s22 =	simm.s32 $0x3458;
	s28 =	simm.s32 $0x3;
	s29 =	simm.s32 $0xD6D8  }
0x7: {  	s30 =	simm.s32 $0x5;
	s31 =	simm.s32 $0x6;
	[smem:$0x7FF] =	sst s3  }
0x8: {  	s4 =	sadd.s32 $0x2F800, s0;
	s5 =	sadd.s32 $0x2C7A00, s0;
	s11 =	sand.u32 $0x1, s6  }
0x9: {  	s6 =	sadd.s32 $0x2DB400, s0;
	s7 =	sadd.s32 $0x1B200, s0;
	s16 =	smul.u32 $0xFA00, s19  }
0xa: {  	s8 =	sadd.s32 $0x11400, s0;
	s9 =	sadd.s32 $0x25A00, s0;
	s26 =	smul.u32 $0x7D0, s19  }
0xb: {  	s10 =	sadd.s32 $0x31FC00, s0;
	s15 =	ssub.s32 $0x41, s19;
	s12 =	smul.u32 $0x186A0, s11  }
0xc: {  	p0 =	sne.s32 s19, $0x0;
	_ =	strace $0x8000004D;
	s13 =	smul.u32 $0xA0, s11  }
0xd: {  	s14 =	ssub.s32 $0x2, s11;
	s11 =	sshll.u32 s11, $0x4;
	s24 =	sshrl.u32 s15, $0x4  }
0xe: {  	s3 =	sshrl.u32 s14, $0x1;
	s11 =	sor.u32 s19, s11;
	s23 =	sshrl.u32 s16, $0x2  }
0xf: {  	s19 =	simm.s32 $0xC8;
	[dreg:$0x4] =	wrdreg s24;
	s12 =	sadd.s32 s12, s0  }
0x10: {  	s0 =	sadd.s32 s13, s0;
	s14 =	ssub.s32 s14, s3;
	s13 =	smul.u32 $0x2710, s11  }
0x11: {  	s3 =	smov.u32 s1;
	s16 =	sadd.s32 s23, s1;
	s23 =	simm.s32 $0x6658  }
0x12: {  	s15 =	sadd.s32 $0x2EEE00, s12;
	s0 =	sadd.s32 $0x10C00, s0;
	[dreg:$0x7] =	wrdreg s16  }
0x13: {  	s25 =	smax.u32 s14, $0x1;
	s12 =	simm.s32 $0x0;
	[dreg:$0x5] =	wrdreg s0  }
0x14: {  	v0 =	vimm.f32 $0.0e+00;
	vm0 =	vcmask $0x300;
	[dreg:$0x6] =	wrdreg s25;
	s0 =	sadd.s32 s15, s26;
	s25 =	simm.s32 $0x1  }
0x15: {  	v1 =	vsel vm0, $0x3F800000, v0;
	s26 =	simm.s32 $0x2;
	[dreg:$0x8] =	wrdreg s0;
	s0 =	simm.s32 $0x4  }
.LBB2_1:
0x16: {  	[dreg:$0x9] =	wrdreg s12;
	s12 =	simm.s32 $0x140;
	s11 =	simm.s32 $0x0  }
.LBB2_2:
0x17: {  	p1 =	sne.s32 s12, $0xF8C0;
	[tilespmem:s11+$0x9898] =	vst v0;
	s14 =	smov.u32 s12;
	s12 =	sadd.s32 $0x140, s12  }
.Ltmp0:
0x18: {  	[tilespmem:s11+$0x9888] =	vst v0;
	(pc) =	sbr.rel @p1 .LBB2_2-.Ltmp0, $4  }
0x19: {  	[tilespmem:s11+$0x9878] =	vst v0  }
0x1a: {  	[tilespmem:s11+$0x9858] =	vst v0  }
0x1b: {  	[tilespmem:s11+$0x9868] =	vst v0  }
0x1c: {  	s11 =	sshra.s32 s14, $0x2  }
0x1d: {  	[tilespmem:s11+$0x9898] =	vst v0  }
0x1e: {  	[tilespmem:s11+$0x9888] =	vst v0  }
0x1f: {  	[tilespmem:s11+$0x9878] =	vst v0;
	p1 =	sne.s32 s24, $0x1  }
.Ltmp1:
0x20: {  	[tilespmem:s11+$0x9858] =	vst v0;
	(pc) =	sbr.rel @!p1 .LBB2_5-.Ltmp1, $4  }
0x21: {  	[tilespmem:s11+$0x9868] =	vst v0  }
0x22: {  	[spmem:s16] =	stream.linear.scatter [tilespmem:s17], [sflag:$0x7], $0x3E80, $0x38;
	[tilespmem:$0x1CC78] =	vst v63  }
0x23: {  	_ =	swait.ge [sflag:s18], $0x3E80  }
0x24: {  	s11 =	sadd.s32 $0xFFFFFFFF, s24;
	s12 =	smov.u32 s16;
	[sflag:s18] =	ssyncset.done $0x0  }
.LBB2_4:
0x25: {  	p2 =	sne.s32 s11, $0x1;
	[sflag:s18] =	ssyncadd.s32 $0xFFFFC180;
	s12 =	sadd.s32 $0x3E800, s12  }
.Ltmp2:
0x26: {  	s11 =	sadd.s32 $0xFFFFFFFF, s11;
	(pc) =	sbr.rel @p2 .LBB2_4-.Ltmp2, $4  }
0x27: {  	_ = 	snop  }
0x28: {  	[spmem:s12] =	stream.linear.scatter [tilespmem:s17], [sflag:$0x7], $0x3E80, $0x38;
	[tilespmem:$0x1CC78] =	vst v63  }
0x29: {  	_ =	swait.ge [sflag:s18], $0x3E80  }
0x2a: {  	[sflag:s18] =	ssyncset.done $0x0  }
.LBB2_5:
0x2b: {  	[sflag:s18] =	ssyncadd.s32 $0xFFFFC180;
	s11 =	simm.s32 @!p0 $0x9858  }
0x2c: {  	[spmem:s2] =	stream.linear.scatter @!p0 [tilespmem:s11], [sflag:$0x7], $0x500, $0x38;
	[tilespmem:$0x1CC78] =	vst v63  }
0x2d: {  	s11 =	simm.s32 @!p0 $0x7  }
0x2e: {  	_ =	swait.ge @!p0 [sflag:s11], $0x500  }
0x2f: {  	[sflag:s11] =	ssyncset.done @!p0 $0x0  }
0x30: {  	s12 =	simm.s32 $0x40;
	[sflag:s11] =	ssyncadd.s32 @!p0 $0xFFFFFB00;
	s11 =	simm.s32 $0x240  }
.LBB2_6:
0x31: {  	p2 =	sne.s32 s11, $0xF9C0;
	[tilespmem:s12+$0x9858] =	vst v1;
	s12 =	smov.u32 s11;
	s11 =	sadd.s32 $0x140, s11  }
.Ltmp3:
0x32: {  	(pc) =	sbr.rel @p2 .LBB2_6-.Ltmp3, $2  }
0x33: {  	_ =	sdelay $0x2  }
0x34: {  	s12 =	sshra.s32 s12, $0x2  }
0x35: {  	[tilespmem:s12+$0x9858] =	vst v1  }
0x36: {  	s14 =	simm.s32 $0x0;
	s15 =	simm.s32 $0x0;
	[bflag:$0x0] =	sbarrier.arrive $0xFFFF  }
.LBB2_8:
0x37: {  	s11 =	smul.u32 $0xC8, s15;
	_ =	sdelay $0x1  }
0x38: {  	s11 =	sadd.s32 s13, s11  }
0x39: {  	s12 =	sshrl.u32 s11, $0x3  }
0x3a: {  	s16 =	sadd.s32 s7, s12  }
0x3b: {  	[tilespmem:s14], [sflag:$0x7] =	stream.linear.gather [hbm4b:s16+s14], $0xC8, $0x38;
	[tilespmem:$0x1CC78] =	vst v63  }
0x3c: {  	_ =	swait.ge [sflag:s18], $0xC8  }
0x3d: {  	[sflag:s18] =	ssyncset.done $0x0  }
0x3e: {  	s24 =	sadd.s32 s8, s12;
	[sflag:s18] =	ssyncadd.s32 $0xFFFFFF38  }
0x3f: {  	[tilespmem:s19], [sflag:$0x7] =	stream.linear.gather [hbm4b:s24+s14], $0xC8, $0x38;
	[tilespmem:$0x1CC78] =	vst v63  }
0x40: {  	_ =	swait.ge [sflag:s18], $0xC8  }
0x41: {  	[sflag:s18] =	ssyncset.done $0x0  }
0x42: {  	s12 =	sadd.s32 s9, s12;
	[sflag:s18] =	ssyncadd.s32 $0xFFFFFF38  }
0x43: {  	[tilespmem:s20], [sflag:$0x7] =	stream.linear.gather [hbm4b:s12+s14], $0xC8, $0x38;
	[tilespmem:$0x1CC78] =	vst v63  }
0x44: {  	_ =	swait.ge [sflag:s18], $0xC8  }
0x45: {  	[sflag:s18] =	ssyncset.done $0x0  }
0x46: {  	[sflag:s18] =	ssyncadd.s32 $0xFFFFFF38  }
0x47: {  	[tilespmem:s21], [sflag:$0x1] =	stream.indirect.gather [hbm4b:s5+s19], $0x40, s14, s19, $0xb8;
	[tilespmem:$0x1CC78] =	vst v63  }
0x48: {  	s24 =	sshll.u32 s11, $0x3  }
0x49: {  	[tilespmem:s22], [sflag:$0x2] =	stream.indirect.gather [hbm4b:s6+s19], $0x40, s19, s19, $0xb8;
	[tilespmem:$0x1CC78] =	vst v63  }
0x4a: {  	s11 =	sadd.s32 s4, s24  }
0x4b: {  	[tilespmem:s23], [sflag:$0x3] =	stream.linear.gather [hbm4b:s11+s14], $0x3200, $0x38;
	[tilespmem:$0x1CC78] =	vst v63  }
0x4c: {  	_ =	swait.ge [sflag:s25], $0x3200  }
0x4d: {  	[sflag:s25] =	ssyncset.done $0x0  }
0x4e: {  	[sflag:s25] =	ssyncadd.s32 $0xFFFFCE00  }
0x4f: {  	_ =	swait.ge [sflag:s26], $0x3200  }
0x50: {  	[sflag:s26] =	ssyncset.done $0x0  }
0x51: {  	[sflag:s26] =	ssyncadd.s32 $0xFFFFCE00  }
0x52: {  	_ =	swait.ge [sflag:s28], $0x3200  }
0x53: {  	[sflag:s28] =	ssyncset.done $0x0  }
0x54: {  	s1 =	simm.s32 $0x0;
	[sflag:s28] =	ssyncadd.s32 $0xFFFFCE00  }
0x55: {  	v2 =	vld [tilespmem:s1+$0x258]  }
0x56: {  	v3 =	vld [tilespmem:s1+$0x6658];
	_ =	sdelay $0x1  }
0x57: {  	v4 =	vld [tilespmem:s1+$0x3458];
	_ =	sdelay $0x2  }
0x58: {  	v2 =	vadd.f32 v2, v3;
	_ =	sdelay $0x1  }
0x59: {  	v2 =	vadd.f32 v4, v2;
	_ =	sdelay $0x1  }
0x5a: {  	s12 =	simm.s32 $0x9878;
	v2 =	vmax.f32 v2, $0.0e+00  }
0x5b: {  	[tilespmem:s12+$0xFFFFFFE0] =	vst v2  }
0x5c: {  	v3 =	vld [tilespmem:s1+$0x6668]  }
0x5d: {  	v4 =	vld [tilespmem:s1+$0x268];
	_ =	sdelay $0x1  }
0x5e: {  	v5 =	vld [tilespmem:s1+$0x3468];
	_ =	sdelay $0x2  }
0x5f: {  	v3 =	vadd.f32 v4, v3;
	_ =	sdelay $0x1  }
0x60: {  	v3 =	vadd.f32 v5, v3;
	_ =	sdelay $0x1  }
0x61: {  	[tilespmem:s1+$0xD6D8] =	vst v2;
	v2 =	vmax.f32 v3, $0.0e+00  }
0x62: {  	[tilespmem:s12+$0xFFFFFFF0] =	vst v2  }
0x63: {  	v3 =	vld [tilespmem:s1+$0x6678]  }
0x64: {  	v4 =	vld [tilespmem:s1+$0x278];
	_ =	sdelay $0x1  }
0x65: {  	v5 =	vld [tilespmem:s1+$0x3478];
	_ =	sdelay $0x2  }
0x66: {  	v3 =	vadd.f32 v4, v3;
	_ =	sdelay $0x1  }
0x67: {  	v3 =	vadd.f32 v5, v3;
	_ =	sdelay $0x1  }
0x68: {  	[tilespmem:s1+$0xD6E8] =	vst v2;
	v2 =	vmax.f32 v3, $0.0e+00  }
0x69: {  	[tilespmem:s12+$0x0] =	vst v2  }
0x6a: {  	v3 =	vld [tilespmem:s1+$0x6688]  }
0x6b: {  	v4 =	vld [tilespmem:s1+$0x288];
	_ =	sdelay $0x1  }
0x6c: {  	v5 =	vld [tilespmem:s1+$0x3488];
	_ =	sdelay $0x2  }
0x6d: {  	v3 =	vadd.f32 v4, v3;
	_ =	sdelay $0x1  }
0x6e: {  	v3 =	vadd.f32 v5, v3;
	_ =	sdelay $0x1  }
0x6f: {  	[tilespmem:s1+$0xD6F8] =	vst v2;
	v3 =	vmax.f32 v3, $0.0e+00  }
0x70: {  	s16 =	simm.s32 $0x40;
	[tilespmem:s12+$0x10] =	vst v3  }
0x71: {  	v2 =	vld [tilespmem:s16+$0x258];
	[tilespmem:s1+$0xD708] =	vst v3  }
0x72: {  	v3 =	vld [tilespmem:s16+$0x6658];
	_ =	sdelay $0x1  }
0x73: {  	s11 =	simm.s32 $0x200;
	v4 =	vld [tilespmem:s16+$0x3458]  }
.LBB2_9:
0x74: {  	p2 =	sne.s32 s11, $0xC700;
	_ =	sdelay $0x1  }
0x75: {  	v2 =	vadd.f32 v2, v3;
	_ =	sdelay $0x1  }
0x76: {  	v2 =	vadd.f32 v4, v2;
	_ =	sdelay $0x1  }
0x77: {  	s12 =	sadd.s32 $0x50, s12;
	v2 =	vmax.f32 v2, $0.0e+00  }
0x78: {  	[tilespmem:s12+$0xFFFFFFE0] =	vst v2  }
0x79: {  	v3 =	vld [tilespmem:s16+$0x6668]  }
0x7a: {  	v4 =	vld [tilespmem:s16+$0x268];
	_ =	sdelay $0x1  }
0x7b: {  	v5 =	vld [tilespmem:s16+$0x3468];
	_ =	sdelay $0x2  }
0x7c: {  	v3 =	vadd.f32 v4, v3;
	_ =	sdelay $0x1  }
0x7d: {  	v3 =	vadd.f32 v5, v3;
	_ =	sdelay $0x1  }
0x7e: {  	[tilespmem:s16+$0xD6D8] =	vst v2;
	v2 =	vmax.f32 v3, $0.0e+00  }
0x7f: {  	[tilespmem:s12+$0xFFFFFFF0] =	vst v2  }
0x80: {  	v3 =	vld [tilespmem:s16+$0x6678]  }
0x81: {  	v4 =	vld [tilespmem:s16+$0x278];
	_ =	sdelay $0x1  }
0x82: {  	v5 =	vld [tilespmem:s16+$0x3478];
	_ =	sdelay $0x2  }
0x83: {  	v3 =	vadd.f32 v4, v3;
	_ =	sdelay $0x1  }
0x84: {  	v3 =	vadd.f32 v5, v3;
	_ =	sdelay $0x1  }
0x85: {  	[tilespmem:s16+$0xD6E8] =	vst v2;
	v2 =	vmax.f32 v3, $0.0e+00  }
0x86: {  	[tilespmem:s12+$0x0] =	vst v2  }
0x87: {  	v3 =	vld [tilespmem:s16+$0x6688]  }
0x88: {  	v4 =	vld [tilespmem:s16+$0x288];
	_ =	sdelay $0x1  }
0x89: {  	v5 =	vld [tilespmem:s16+$0x3488];
	_ =	sdelay $0x2  }
0x8a: {  	v3 =	vadd.f32 v4, v3;
	_ =	sdelay $0x1  }
0x8b: {  	v3 =	vadd.f32 v5, v3;
	_ =	sdelay $0x1  }
0x8c: {  	[tilespmem:s16+$0xD6F8] =	vst v2;
	v3 =	vmax.f32 v3, $0.0e+00  }
.Ltmp4:
0x8d: {  	s1 =	sshra.s32 s11, $0x2;
	[tilespmem:s12+$0x10] =	vst v3;
	(pc) =	sbr.rel @p2 .LBB2_9-.Ltmp4, $3  }
0x8e: {  	v2 =	vld [tilespmem:s1+$0x258];
	[tilespmem:s16+$0xD708] =	vst v3;
	s16 =	smov.u32 s1  }
0x8f: {  	v3 =	vld [tilespmem:s16+$0x6658];
	_ =	sdelay $0x1  }
0x90: {  	s11 =	sadd.s32 $0x100, s11;
	v4 =	vld [tilespmem:s16+$0x3458]  }
0x91: {  	_ =	sdelay $0x1  }
0x92: {  	v2 =	vadd.f32 v2, v3;
	_ =	sdelay $0x1  }
0x93: {  	v2 =	vadd.f32 v4, v2;
	_ =	sdelay $0x1  }
0x94: {  	s1 =	sadd.s32 $0x50, s12;
	v2 =	vmax.f32 v2, $0.0e+00  }
0x95: {  	[tilespmem:s1+$0xFFFFFFE0] =	vst v2  }
0x96: {  	v3 =	vld [tilespmem:s16+$0x6668]  }
0x97: {  	v59 =	vld [tilespmem:s16+$0x268];
	_ =	sdelay $0x1  }
0x98: {  	v5 =	vld [tilespmem:s16+$0x3468];
	_ =	sdelay $0x2  }
0x99: {  	v3 =	vadd.f32 v59, v3;
	_ =	sdelay $0x1  }
0x9a: {  	v3 =	vadd.f32 v5, v3;
	_ =	sdelay $0x1  }
0x9b: {  	[tilespmem:s16+$0xD6D8] =	vst v2;
	v2 =	vmax.f32 v3, $0.0e+00  }
0x9c: {  	[tilespmem:s1+$0xFFFFFFF0] =	vst v2  }
0x9d: {  	v3 =	vld [tilespmem:s16+$0x6678]  }
0x9e: {  	v60 =	vld [tilespmem:s16+$0x278];
	_ =	sdelay $0x1  }
0x9f: {  	v61 =	vld [tilespmem:s16+$0x3478];
	_ =	sdelay $0x2  }
0xa0: {  	v3 =	vadd.f32 v60, v3;
	_ =	sdelay $0x1  }
0xa1: {  	v3 =	vadd.f32 v61, v3;
	_ =	sdelay $0x1  }
0xa2: {  	[tilespmem:s16+$0xD6E8] =	vst v2;
	v2 =	vmax.f32 v3, $0.0e+00  }
0xa3: {  	[tilespmem:s1+$0x0] =	vst v2  }
0xa4: {  	v3 =	vld [tilespmem:s16+$0x6688]  }
0xa5: {  	v62 =	vld [tilespmem:s16+$0x288];
	_ =	sdelay $0x1  }
0xa6: {  	v63 =	vld [tilespmem:s16+$0x3488];
	_ =	sdelay $0x2  }
0xa7: {  	v3 =	vadd.f32 v62, v3;
	_ =	sdelay $0x1  }
0xa8: {  	v3 =	vadd.f32 v63, v3;
	_ =	sdelay $0x1  }
0xa9: {  	[tilespmem:s16+$0xD6F8] =	vst v2;
	v2 =	vmax.f32 v3, $0.0e+00  }
0xaa: {  	[tilespmem:s1+$0x10] =	vst v2  }
0xab: {  	s24 =	sadd.s32 s10, s24;
	s11 =	simm.s32 $0x0;
	[tilespmem:s16+$0xD708] =	vst v2  }
0xac: {  	[hbm4b:s24+s11] =	stream.linear.scatter [tilespmem:s29], [sflag:$0x4], $0x3200, $0x38;
	[tilespmem:$0x1CC78] =	vst v63  }
0xad: {  	_ = 	snop  }
0xae: {  	[spmem:s3] =	stream.indirect.scatter.add.f32 [tilespmem:s17], [sflag:$0x5], $0x50, s19, s19, $0xb8;
	[tilespmem:$0x1CC78] =	vst v63  }
0xaf: {  	_ = 	snop  }
0xb0: {  	[spmem:s2] =	stream.indirect.scatter.add.f32 [tilespmem:s17], [sflag:$0x6], $0x50, s20, s19, $0xb8;
	[tilespmem:$0x1CC78] =	vst v63  }
0xb1: {  	_ =	swait.ge [sflag:s30], $0x3E80  }
0xb2: {  	[sflag:s30] =	ssyncset.done $0x0  }
0xb3: {  	s15 =	sadd.s32 $0x1, s15;
	[sflag:s30] =	ssyncadd.s32 $0xFFFFC180  }
0xb4: {  	p2 =	sne.s32 s15, $0x32;
	_ =	swait.ge [sflag:s31], $0x3E80  }
.Ltmp5:
0xb5: {  	[sflag:s31] =	ssyncset.done $0x0;
	(pc) =	sbr.rel @p2 .LBB2_8-.Ltmp5, $4  }
0xb6: {  	[sflag:s31] =	ssyncadd.s32 $0xFFFFC180  }
0xb7: {  	_ =	swait.ge [sflag:s0], $0x3200  }
0xb8: {  	[sflag:s0] =	ssyncset.done $0x0  }
0xb9: {  	[sflag:s0] =	ssyncadd.s32 $0xFFFFCE00  }
0xba: {  	s1 =	stileid.u32;
	[bflag:$0x0] =	sbarrier.arrive $0xFFFF  }
.Ltmp6:
0xbb: {  	s1 =	sshll.u32 s1, $0x6;
	s16 =	rddreg [dreg:$0x7];
	(pc) =	sbr.rel @!p1 .LBB2_13-.Ltmp6, $4  }
0xbc: {  	s15 =	rddreg [dreg:$0x8];
	s11 =	sor.u32 $0x1C07, s1;
	s24 =	sshrl.u32 s16, $0x3  }
0xbd: {  	[hbm:s15], [sflag:s11] =	dma.local [spmem:s24], $0x7D0  }
0xbe: {  	s24 =	rddreg [dreg:$0x4]  }
0xbf: {  	s14 =	sadd.s32 $0x3E800, s16;
	_ =	swait.ge [sflag:s18], $0x7D0;
	s12 =	sadd.s32 $0xFFFFFFFF, s24  }
.LBB2_12:
0xc0: {  	[sflag:s18] =	ssyncset.done $0x0;
	s15 =	sadd.s32 $0x7D00, s15;
	p1 =	sne.s32 s12, $0x1  }
.Ltmp7:
0xc1: {  	s1 =	sshrl.u32 s14, $0x3;
	[sflag:s18] =	ssyncadd.s32 $0xFFFFF830;
	(pc) =	sbr.rel @p1 .LBB2_12-.Ltmp7, $3  }
0xc2: {  	[hbm:s15], [sflag:s11] =	dma.local [spmem:s1], $0x7D0  }
0xc3: {  	s12 =	sadd.s32 $0xFFFFFFFF, s12;
	_ =	sdelay $0x1  }
0xc4: {  	s14 =	sadd.s32 $0x3E800, s14;
	_ =	swait.ge [sflag:s18], $0x7D0  }
.LBB2_13:
0xc5: {  	[sflag:s18] =	ssyncset.done $0x0;
	s1 =	sshrl.u32 @!p0 s2, $0x3  }
0xc6: {  	s11 =	simm.s32 @!p0 $0x1C07;
	s12 =	rddreg [dreg:$0x5];
	[sflag:s18] =	ssyncadd.s32 $0xFFFFF830  }
0xc7: {  	[hbm:s12], [sflag:s11] =	dma.local @!p0 [spmem:s1], $0xA0  }
0xc8: {  	s1 =	simm.s32 @!p0 $0x7  }
0xc9: {  	_ =	swait.ge @!p0 [sflag:s1], $0xA0  }
0xca: {  	s14 =	rddreg [dreg:$0x9]  }
0xcb: {  	s15 =	rddreg [dreg:$0x6];
	s12 =	sadd.s32 $0x1, s14  }
0xcc: {  	p1 =	sne.s32 s12, s15  }
.Ltmp8:
0xcd: {  	_ = 	snop;
	(pc) =	sbr.rel @p1 .LBB2_1-.Ltmp8, $3  }
0xce: {  	_ =	sdelay $0x1  }
0xcf: {  	[sflag:s1] =	ssyncset.done @!p0 $0x0  }
0xd0: {  	[sflag:s1] =	ssyncadd.s32 @!p0 $0xFFFFFF60  }
0xd1: {  	_ =	sfence.sel $0x180000  }
0xd2: {  	[bflag:$0x0] =	sbarrier.arrive $0xFFFF  }
0xd3: {  	_ =	strace $0x9000004D  }
0xd4: {  	[bflag:$0x2] =	sbarrier.arrive $0xFFFF  }
0xd5: {  	s0 =	rddreg [dreg:$0x3]  }
0xd6: {  	s0 =	sadd.s32 @!p0 $0x100000, s0  }
0xd7: {  	[sflag:s0] =	ssyncadd.tile.s32 @!p0 $0x1;
	_ =	shalt  }
.Lfunc_end2:
_tile_overlayer_lowered:
.L_overlay_start_2:
0xd8: {  	(tag) =	ssettag $0x2  }
0xd9: {  	s0 =	rddreg [dreg:$0x0];
	s2 =	stileid.u32  }
0xda: {  	s1 =	rddreg [dreg:$0x1];
	p0 =	sne.s32 s2, $0x0  }
0xdb: {  	s3 =	rddreg [dreg:$0x2];
	[bflag:$0x3] =	sbarrier.arrive $0xFFFF;
	s2 =	simm.s32 @!p0 $0x1C07  }
0xdc: {  	[timem:s3], [sflag:s2] =	dma.local @!p0 [hbm:s0], s1  }
0xdd: {  	s0 =	simm.s32 @!p0 $0x7  }
0xde: {  	_ =	swait.ge @!p0 [sflag:s0], s1  }
0xdf: {  	s1 =	ssub.s32 @!p0 $0x0, s1;
	[sflag:s0] =	ssyncset.done @!p0 $0x0  }
0xe0: {  	[sflag:s0] =	ssyncadd.s32 @!p0 s1  }
0xe1: {  	[bflag:$0x3] =	sbarrier.arrive $0xFFFF  }
0xe2: {  	_ =	shalt  }

// kernel: kernel.28.cloned.1.call-start
scs
__scs_entry_jumppad:
0x0: {  	(pc) =	sbr.rel $0x88, $3  }
0x1: {  	(tag) =	ssettag $0x0;
	lr =	simm.s32 $0x1  }
0x2: {  	[smem:$0x3F90] =	sst lr;
	_ =	strace $0xD0000000  }
0x3: {  	_ = 	snop  }
0x4: {  	_ = 	snop  }
0x5: {  	_ = 	snop  }
0x6: {  	_ = 	snop  }
0x7: {  	_ = 	snop  }
__scs_overlays_trampoline_lowered:
0x8: {  	[smem:$0x3F9F] =	sst s0  }
0x9: {  	[smem:$0x3FA0] =	sst s1  }
0xa: {  	[smem:$0x3FA1] =	sst s2  }
0xb: {  	[smem:$0x3FA2] =	sst s3  }
0xc: {  	[smem:$0x3FA3] =	sst s4  }
0xd: {  	[smem:$0x3FA4] =	sst s5  }
0xe: {  	[smem:$0x3FA5] =	sst s6  }
0xf: {  	[smem:$0x3FA6] =	sst s7  }
0x10: {  	[smem:$0x3FA7] =	sst s8  }
0x11: {  	[smem:$0x3FA8] =	sst s9;
	s0 =	simm.s32 @!p0 $0x0  }
0x12: {  	s1 =	sld [smem:$0x3F8E];
	s0 =	simm.s32 @p0 $0x1  }
0x13: {  	[smem:$0x3FA9] =	sst s0;
	s0 =	simm.s32 @!p1 $0x0  }
0x14: {  	s2 =	sld [smem:$0x3F8D];
	s0 =	simm.s32 @p1 $0x1  }
0x15: {  	[smem:$0x3FAA] =	sst s0;
	s0 =	simm.s32 @!p2 $0x0  }
0x16: {  	s3 =	sld [smem:$0x3FDB];
	s0 =	simm.s32 @p2 $0x1  }
0x17: {  	s4 =	simm.s32 $0x1BF5;
	[smem:$0x3FAC] =	sst s0  }
0x18: {  	s0 =	sld [smem:$0x3F8F];
	_ =	swait.ge [sflag:s4], $0x0  }
0x19: {  	s7 =	sld [smem:$0x3F90]  }
0x1a: {  	s8 =	sadd.s32 $0xFFFFE003, lr  }
0x1b: {  	s9 =	sadd.s32 $0xFFFFFEF7, lr;
	s5 =	simm.s32 $0xFFFFFFFF;
	p2 =	slt.u32 s8, $0xFFFFF086  }
0x1c: {  	p1 =	slt.u32 s9, $0xF7A;
	s5 =	simm.s32 @!p2 $0x0  }
0x1d: {  	s5 =	simm.s32 @p1 $0x1;
	p0 =	seq.s32 s7, s2  }
0x1e: {  	s7 =	smul.u32 @!p0 $0xF7A, s2;
	p2 =	seq.s32 @!p0 s5, $0x0  }
0x1f: {  	s9 =	smul.u32 $0xF7A, s1;
	s8 =	simm.s32 @!p0 $0x1BF5;
	p2 =	por !p2, p0  }
0x20: {  	[sflag:s8] =	ssyncset.s32 @!p0 $0xFFFFF086;
	s6 =	sadd.s32 @!p0 s3, s7;
	s7 =	simm.s32 @!p0 $0x108  }
0x21: {  	s3 =	sadd.s32 s3, s9;
	s6 =	sadd.s32 @!p0 $0x88, s6;
	s7 =	simm.s32 @p2 $0x1082  }
0x22: {  	[simem:s7], [sflag:s8] =	dma.local @!p0 [hbm:s6], $0xF7A  }
0x23: {  	s9 =	sor.u32 $0xD0000000, s2;
	s6 =	simm.s32 $0x108;
	_ =	swait.ge @!p0 [sflag:s8], $0x0  }
0x24: {  	s3 =	sadd.s32 $0x88, s3;
	s6 =	simm.s32 @!p1 $0x1082;
	[sflag:s4] =	ssyncset.s32 $0xFFFFF086  }
0x25: {  	[simem:s6], [sflag:s4] =	dma.local [hbm:s3], $0xF7A  }
0x26: {  	[smem:$0x3F90] =	sst s1;
	(tag) =	ssettag s2;
	_ =	strace s9  }
0x27: {  	s1 =	sld [smem:$0x3FA0]  }
0x28: {  	s2 =	sld [smem:$0x3FA1]  }
0x29: {  	s4 =	sld [smem:$0x3FA3]  }
0x2a: {  	p0 =	seq.s32 s5, $0x0;
	s5 =	sld [smem:$0x3FA4]  }
0x2b: {  	s6 =	sld [smem:$0x3FA5]  }
0x2c: {  	s7 =	sld [smem:$0x3FA6]  }
0x2d: {  	s3 =	simm.s32 $0x108;
	s8 =	sld [smem:$0x3FA7]  }
0x2e: {  	s3 =	simm.s32 @!p0 $0x1082;
	s9 =	sld [smem:$0x3FA8]  }
0x2f: {  	lr =	sadd.s32 s0, s3;
	s0 =	sld [smem:$0x3F9F]  }
0x30: {  	s3 =	sld [smem:$0x3FA2]  }
0x31: {  	[smem:$0x3FAB] =	sst s10  }
0x32: {  	s10 =	sld [smem:$0x3FA9];
	_ =	sdelay $0x3  }
0x33: {  	p0 =	seq.s32 s10, $0x1;
	s10 =	sld [smem:$0x3FAB];
	_ =	sdelay $0x3  }
0x34: {  	[smem:$0x3FAB] =	sst s10  }
0x35: {  	s10 =	sld [smem:$0x3FAA];
	_ =	sdelay $0x3  }
0x36: {  	p1 =	seq.s32 s10, $0x1;
	s10 =	sld [smem:$0x3FAB];
	_ =	sdelay $0x3  }
0x37: {  	[smem:$0x3FAB] =	sst s10  }
0x38: {  	s10 =	sld [smem:$0x3FAC]  }
0x39: {  	_ = 	snop;
	(pc) =	sbr.ind lr, $3  }
0x3a: {  	_ = 	snop  }
0x3b: {  	_ = 	snop  }
0x3c: {  	p2 =	seq.s32 s10, $0x1;
	s10 =	sld [smem:$0x3FAB]  }
0x3d: {  	_ =	shalt  }
0x3e: {  	_ =	shalt  }
0x3f: {  	_ =	shalt  }
0x40: {  	_ =	shalt  }
0x41: {  	_ =	shalt  }
0x42: {  	_ =	shalt  }
0x43: {  	_ =	shalt  }
0x44: {  	_ =	shalt  }
0x45: {  	_ =	shalt  }
0x46: {  	_ =	shalt  }
0x47: {  	_ =	shalt  }
0x48: {  	_ =	shalt  }
0x49: {  	_ =	shalt  }
0x4a: {  	_ =	shalt  }
0x4b: {  	_ =	shalt  }
0x4c: {  	_ =	shalt  }
0x4d: {  	_ =	shalt  }
0x4e: {  	_ =	shalt  }
0x4f: {  	_ =	shalt  }
0x50: {  	_ =	shalt  }
0x51: {  	_ =	shalt  }
0x52: {  	_ =	shalt  }
0x53: {  	_ =	shalt  }
0x54: {  	_ =	shalt  }
0x55: {  	_ =	shalt  }
0x56: {  	_ =	shalt  }
0x57: {  	_ =	shalt  }
0x58: {  	_ =	shalt  }
0x59: {  	_ =	shalt  }
0x5a: {  	_ =	shalt  }
0x5b: {  	_ =	shalt  }
0x5c: {  	_ =	shalt  }
0x5d: {  	_ =	shalt  }
0x5e: {  	_ =	shalt  }
0x5f: {  	_ =	shalt  }
0x60: {  	_ =	shalt  }
0x61: {  	_ =	shalt  }
0x62: {  	_ =	shalt  }
0x63: {  	_ =	shalt  }
0x64: {  	_ =	shalt  }
0x65: {  	_ =	shalt  }
0x66: {  	_ =	shalt  }
0x67: {  	_ =	shalt  }
0x68: {  	_ =	shalt  }
0x69: {  	_ =	shalt  }
0x6a: {  	_ =	shalt  }
0x6b: {  	_ =	shalt  }
0x6c: {  	_ =	shalt  }
0x6d: {  	_ =	shalt  }
0x6e: {  	_ =	shalt  }
0x6f: {  	_ =	shalt  }
0x70: {  	_ =	shalt  }
0x71: {  	_ =	shalt  }
0x72: {  	_ =	shalt  }
0x73: {  	_ =	shalt  }
0x74: {  	_ =	shalt  }
0x75: {  	_ =	shalt  }
0x76: {  	_ =	shalt  }
0x77: {  	_ =	shalt  }
0x78: {  	_ =	shalt  }
0x79: {  	_ =	shalt  }
0x7a: {  	_ =	shalt  }
0x7b: {  	_ =	shalt  }
0x7c: {  	_ =	shalt  }
0x7d: {  	_ =	shalt  }
0x7e: {  	_ =	shalt  }
0x7f: {  	_ =	shalt  }
0x80: {  	_ =	shalt  }
0x81: {  	_ =	shalt  }
0x82: {  	_ =	shalt  }
0x83: {  	_ =	shalt  }
0x84: {  	_ =	shalt  }
0x85: {  	_ =	shalt  }
0x86: {  	_ =	shalt  }
0x87: {  	_ =	shalt  }
.Lfunc_end0:
.L_simem_size_0:
called_computation.3_lowered:
.L_overlay_start_0:
0x88: {  	s2 =	sld [smem:$0x3FD9]  }
0x89: {  	s3 =	sld [smem:$0x3FFE];
	_ =	sdelay $0x1  }
0x8a: {  	s1 =	srdreg.scid  }
0x8b: {  	s0 =	sand.u32 $0x1, s1  }
0x8c: {  	s16 =	sshll.u32 s0, $0xA;
	s2 =	sadd.s32 s3, s2  }
0x8d: {  	s2 =	sadd.s32 s2, s16  }
0x8e: {  	[smem:$0x3FB7] =	sst s2  }
0x8f: {  	_ = 	snop  }
0x90: {  	(tm) =	ssettm $0x1  }
0x91: {  	s17 =	sld [smem:$0x3FFB];
	_ =	sdelay $0x3  }
0x92: {  	_ =	strace s17  }
0x93: {  	s2 =	sld [smem:$0x3FFC];
	_ =	sdelay $0x3  }
0x94: {  	_ =	strace s2  }
0x95: {  	s2 =	sld [smem:$0x3FFD];
	_ =	sdelay $0x3  }
0x96: {  	_ =	strace s2  }
0x97: {  	_ =	strace $0x8FFFFFFF  }
0x98: {  	s18 =	sld [smem:$0x3FDB];
	_ =	sdelay $0x1  }
0x99: {  	s19 =	simm.s32 $_scs_section_size  }
0x9a: {  	s4 =	simm.s32 $_size__tile_overlayer_lowered;
	s5 =	simm.s32 $_tile_overlayer_lowered  }
0x9b: {  	s22 =	simm.s32 $0x1BFF;
	s21 =	sshll.u32 s5, $0x1;
	s2 =	sadd.s32 s19, s18  }
0x9c: {  	s6 =	simm.s32 $0x0;
	s20 =	sshll.u32 s4, $0x1;
	s4 =	sadd.s32 s21, s2  }
0x9d: {  	[timem:s6], [sflag:s22] =	dma.local [hbm:s4], s20  }
0x9e: {  	_ =	swait.ge [sflag:s22], s20  }
0x9f: {  	s3 =	ssub.s32 $0x0, s20;
	[sflag:s22] =	ssyncset.done $0x0  }
0xa0: {  	[sflag:s22] =	ssyncadd.s32 s3;
	_ =	sdelay $0x1  }
0xa1: {  	s23 =	simm.s32 $0x1B8B  }
0xa2: {  	_ =	swait.ge [sflag:s23], $0x1  }
0xa3: {  	[sflag:s23] =	ssyncset.done $0x0  }
0xa4: {  	s25 =	simm.s32 $0x1B8E;
	s24 =	sld [smem:$0x3FFE];
	[sflag:s23] =	ssyncadd.s32 $0xFFFFFFFF  }
0xa5: {  	s26 =	simm.s32 $execute0_lowered;
	[smem:$0x3FD2] =	sst s25  }
0xa6: {  	s4 =	sshll.u32 s26, $0x1;
	_ =	strace $0x8000004F;
	[dreg:$0x1] =	wrdreg $0xFFFFFFFF  }
0xa7: {  	s28 =	simm.s32 $_size_execute0_lowered;
	s2 =	sadd.s32 s2, s4;
	[dreg:$0x0] =	wrdreg $0x0  }
0xa8: {  	s4 =	sshll.u32 s28, $0x1;
	[dreg:$0x2] =	wrdreg s2  }
0xa9: {  	[dreg:$0x3] =	wrdreg s4  }
0xaa: {  	[dreg:$0x4] =	wrdreg $0xC0  }
0xab: {  	_ =	task [dreg:s6], $0x5FFFF  }
0xac: {  	[dreg:$0x1] =	wrdreg $0xFFFFFFFF  }
0xad: {  	[dreg:$0x0] =	wrdreg $0x60  }
0xae: {  	[dreg:$0x2] =	wrdreg s24  }
0xaf: {  	[dreg:$0x3] =	wrdreg $0xD6D80  }
0xb0: {  	[dreg:$0x4] =	wrdreg $0x19A280  }
0xb1: {  	[dreg:$0x5] =	wrdreg $0x9  }
0xb2: {  	_ =	task.clear_ibuf [dreg:s6], $0x6FFFF;
	_ =	strace $0x9000004F  }
0xb3: {  	s29 =	simm.s32 $0x9;
	_ =	strace $0x80000051  }
0xb4: {  	_ =	swait.ge [sflag:s29], $0x1  }
0xb5: {  	[sflag:s29] =	ssyncadd.s32 $0xFFFFFFFF  }
0xb6: {  	_ =	strace $0x90000051  }
0xb7: {  	_ =	sfence  }
0xb8: {  	s30 =	sld [smem:$0x0];
	_ =	sdelay $0x2  }
0xb9: {  	s31 =	sshll.u32 s1, $0xD;
	s1 =	sshrl.u32 s1, $0x2  }
0xba: {  	s3 =	sand.u32 $0x4000, s31;
	s1 =	sadd.s32 s1, s30  }
0xbb: {  	s0 =	sor.u32 s3, s0;
	s1 =	sshll.u32 s1, $0x11  }
0xbc: {  	s0 =	sor.u32 s1, s0  }
0xbd: {  	s0 =	sadd.s32 $0x8F2B, s0  }
0xbe: {  	[sflag:s0] =	ssyncadd.remote.s32 $0x1  }
0xbf: {  	_ =	sfence.sel $0xFFFF  }
0xc0: {  	[dreg:$0x0] =	wrdreg $0xFFFFFFFF;
	(pc) =	sbr.abs _section_cstart, $3  }
0xc1: {  	[dreg:$0x1] =	wrdreg $0xFFFFFFFF  }
0xc2: {  	_ =	task.clear_ibuf [dreg:s6], $0x2FFFF;
	_ =	strace $0x9FFFFFFF  }
0xc3: {  	(tm) =	ssettm $0x7FFFFFFF  }
tec
execute0_lowered:
.L_overlay_start_1:
0x0: {  	(tag) =	ssettag $0x1  }
0x1: {  	s0 =	rddreg [dreg:$0x0]  }
0x2: {  	s1 =	rddreg [dreg:$0x1]  }
0x3: {  	s2 =	rddreg [dreg:$0x2];
	s3 =	simm.s32 $0x0;
	s5 =	srdreg.scid  }
0x4: {  	s18 =	stileid.u32;
	s17 =	simm.s32 $0x6;
	s19 =	simm.s32 $0x190  }
0x5: {  	s20 =	simm.s32 $0x258;
	s21 =	simm.s32 $0x3458;
	s22 =	simm.s32 $0x6658  }
0x6: {  	s28 =	simm.s32 $0x4;
	s29 =	simm.s32 $0x5;
	[smem:$0x7FF] =	sst s3  }
0x7: {  	s4 =	sadd.s32 $0x2A0800, s0;
	s10 =	sand.u32 $0x1, s5;
	s5 =	sadd.s32 $0x2F800, s0  }
0x8: {  	s6 =	sadd.s32 $0x2B4200, s0;
	s7 =	sadd.s32 $0x1B200, s0;
	s15 =	smul.u32 $0xFA00, s18  }
0x9: {  	s8 =	sadd.s32 $0x11400, s0;
	s9 =	sadd.s32 $0x25A00, s0;
	s31 =	smul.u32 $0x7D0, s18  }
0xa: {  	s14 =	ssub.s32 $0x41, s18;
	p0 =	sne.s32 s18, $0x0;
	s11 =	smul.u32 $0x186A0, s10  }
0xb: {  	s12 =	smul.u32 $0xA0, s10;
	s23 =	ssub.s32 $0x2, s10;
	s10 =	sshll.u32 s10, $0x4  }
0xc: {  	_ =	strace $0x80000050;
	s24 =	sshrl.u32 s23, $0x1;
	s10 =	sor.u32 s18, s10  }
0xd: {  	s26 =	sshrl.u32 s15, $0x2;
	s18 =	simm.s32 $0xC8;
	s13 =	sadd.s32 s11, s0  }
0xe: {  	s0 =	sadd.s32 s12, s0;
	s16 =	ssub.s32 s23, s24;
	s11 =	sshrl.u32 s14, $0x4  }
0xf: {  	s12 =	smul.u32 $0x2710, s10;
	s15 =	sadd.s32 s26, s1;
	s23 =	simm.s32 $0x1  }
0x10: {  	s26 =	simm.s32 $0x3;
	s25 =	sadd.s32 $0x2C7C00, s13;
	s0 =	sadd.s32 $0x25000, s0  }
0x11: {  	v0 =	vimm.f32 $0.0e+00;
	vm0 =	vcmask $0x300;
	s30 =	smax.u32 s16, $0x1;
	s16 =	simm.s32 $0x9858;
	[dreg:$0x4] =	wrdreg s0  }
0x12: {  	v1 =	vsel vm0, $0x3F800000, v0;
	[dreg:$0x5] =	wrdreg s30;
	s24 =	sadd.s32 s25, s31;
	s25 =	simm.s32 $0x2  }
.LBB2_1:
0x13: {  	s10 =	simm.s32 $0x140;
	s0 =	simm.s32 $0x0  }
.LBB2_2:
0x14: {  	p1 =	sne.s32 s10, $0xF8C0;
	[tilespmem:s0+$0x9898] =	vst v0;
	s13 =	smov.u32 s10;
	s10 =	sadd.s32 $0x140, s10  }
.Ltmp0:
0x15: {  	[tilespmem:s0+$0x9888] =	vst v0;
	(pc) =	sbr.rel @p1 .LBB2_2-.Ltmp0, $4  }
0x16: {  	[tilespmem:s0+$0x9878] =	vst v0  }
0x17: {  	[tilespmem:s0+$0x9858] =	vst v0  }
0x18: {  	[tilespmem:s0+$0x9868] =	vst v0  }
0x19: {  	s0 =	sshra.s32 s13, $0x2  }
0x1a: {  	[tilespmem:s0+$0x9898] =	vst v0  }
0x1b: {  	[tilespmem:s0+$0x9888] =	vst v0  }
0x1c: {  	[tilespmem:s0+$0x9878] =	vst v0;
	p1 =	sne.s32 s11, $0x1  }
.Ltmp1:
0x1d: {  	[tilespmem:s0+$0x9858] =	vst v0;
	(pc) =	sbr.rel @!p1 .LBB2_5-.Ltmp1, $4  }
0x1e: {  	[tilespmem:s0+$0x9868] =	vst v0  }
0x1f: {  	[spmem:s15] =	stream.linear.scatter [tilespmem:s16], [sflag:$0x6], $0x3E80, $0x38;
	[tilespmem:$0x19A78] =	vst v63  }
0x20: {  	_ =	swait.ge [sflag:s17], $0x3E80  }
0x21: {  	s0 =	sadd.s32 $0xFFFFFFFF, s11;
	s10 =	smov.u32 s15;
	[sflag:s17] =	ssyncset.done $0x0  }
.LBB2_4:
0x22: {  	p2 =	sne.s32 s0, $0x1;
	[sflag:s17] =	ssyncadd.s32 $0xFFFFC180;
	s10 =	sadd.s32 $0x3E800, s10  }
.Ltmp2:
0x23: {  	s0 =	sadd.s32 $0xFFFFFFFF, s0;
	(pc) =	sbr.rel @p2 .LBB2_4-.Ltmp2, $4  }
0x24: {  	_ = 	snop  }
0x25: {  	[spmem:s10] =	stream.linear.scatter [tilespmem:s16], [sflag:$0x6], $0x3E80, $0x38;
	[tilespmem:$0x19A78] =	vst v63  }
0x26: {  	_ =	swait.ge [sflag:s17], $0x3E80  }
0x27: {  	[sflag:s17] =	ssyncset.done $0x0  }
.LBB2_5:
0x28: {  	[sflag:s17] =	ssyncadd.s32 $0xFFFFC180;
	s0 =	simm.s32 @!p0 $0x9858  }
0x29: {  	[spmem:s2] =	stream.linear.scatter @!p0 [tilespmem:s0], [sflag:$0x6], $0x500, $0x38;
	[tilespmem:$0x19A78] =	vst v63  }
0x2a: {  	s0 =	simm.s32 @!p0 $0x6  }
0x2b: {  	_ =	swait.ge @!p0 [sflag:s0], $0x500  }
0x2c: {  	[sflag:s0] =	ssyncset.done @!p0 $0x0  }
0x2d: {  	s10 =	simm.s32 $0x40;
	[sflag:s0] =	ssyncadd.s32 @!p0 $0xFFFFFB00;
	s0 =	simm.s32 $0x240  }
.LBB2_6:
0x2e: {  	p2 =	sne.s32 s0, $0xF9C0;
	[tilespmem:s10+$0x9858] =	vst v1;
	s10 =	smov.u32 s0;
	s0 =	sadd.s32 $0x140, s0  }
.Ltmp3:
0x2f: {  	(pc) =	sbr.rel @p2 .LBB2_6-.Ltmp3, $2  }
0x30: {  	_ =	sdelay $0x2  }
0x31: {  	s10 =	sshra.s32 s10, $0x2  }
0x32: {  	[tilespmem:s10+$0x9858] =	vst v1  }
0x33: {  	s30 =	simm.s32 $0x0;
	s31 =	simm.s32 $0x0;
	[bflag:$0x0] =	sbarrier.arrive $0xFFFF  }
.LBB2_8:
0x34: {  	s0 =	smul.u32 $0xC8, s31;
	_ =	sdelay $0x1  }
0x35: {  	s0 =	sadd.s32 s12, s0  }
0x36: {  	s10 =	sshrl.u32 s0, $0x3  }
0x37: {  	s13 =	sadd.s32 s7, s10  }
0x38: {  	[tilespmem:s30], [sflag:$0x6] =	stream.linear.gather [hbm4b:s13+s30], $0xC8, $0x38;
	[tilespmem:$0x19A78] =	vst v63  }
0x39: {  	_ =	swait.ge [sflag:s17], $0xC8  }
0x3a: {  	[sflag:s17] =	ssyncset.done $0x0  }
0x3b: {  	s14 =	sadd.s32 s8, s10;
	[sflag:s17] =	ssyncadd.s32 $0xFFFFFF38  }
0x3c: {  	[tilespmem:s18], [sflag:$0x6] =	stream.linear.gather [hbm4b:s14+s30], $0xC8, $0x38;
	[tilespmem:$0x19A78] =	vst v63  }
0x3d: {  	_ =	swait.ge [sflag:s17], $0xC8  }
0x3e: {  	[sflag:s17] =	ssyncset.done $0x0  }
0x3f: {  	s10 =	sadd.s32 s9, s10;
	[sflag:s17] =	ssyncadd.s32 $0xFFFFFF38  }
0x40: {  	[tilespmem:s19], [sflag:$0x6] =	stream.linear.gather [hbm4b:s10+s30], $0xC8, $0x38;
	[tilespmem:$0x19A78] =	vst v63  }
0x41: {  	_ =	swait.ge [sflag:s17], $0xC8  }
0x42: {  	[sflag:s17] =	ssyncset.done $0x0  }
0x43: {  	[sflag:s17] =	ssyncadd.s32 $0xFFFFFF38  }
0x44: {  	[tilespmem:s20], [sflag:$0x1] =	stream.indirect.gather [hbm4b:s4+s18], $0x40, s30, s18, $0xb8;
	[tilespmem:$0x19A78] =	vst v63  }
0x45: {  	s0 =	sshll.u32 s0, $0x3  }
0x46: {  	[tilespmem:s21], [sflag:$0x2] =	stream.indirect.gather [hbm4b:s6+s18], $0x40, s18, s18, $0xb8;
	[tilespmem:$0x19A78] =	vst v63  }
0x47: {  	s0 =	sadd.s32 s5, s0  }
0x48: {  	[tilespmem:s22], [sflag:$0x3] =	stream.linear.gather [hbm4b:s0+s30], $0x3200, $0x38;
	[tilespmem:$0x19A78] =	vst v63  }
0x49: {  	_ =	swait.ge [sflag:s23], $0x3200  }
0x4a: {  	[sflag:s23] =	ssyncset.done $0x0  }
0x4b: {  	[sflag:s23] =	ssyncadd.s32 $0xFFFFCE00  }
0x4c: {  	_ =	swait.ge [sflag:s25], $0x3200  }
0x4d: {  	[sflag:s25] =	ssyncset.done $0x0  }
0x4e: {  	[sflag:s25] =	ssyncadd.s32 $0xFFFFCE00  }
0x4f: {  	_ =	swait.ge [sflag:s26], $0x3200  }
0x50: {  	[sflag:s26] =	ssyncset.done $0x0  }
0x51: {  	s14 =	simm.s32 $0x0;
	[sflag:s26] =	ssyncadd.s32 $0xFFFFCE00  }
0x52: {  	v2 =	vld [tilespmem:s14+$0x6658]  }
0x53: {  	v3 =	vld [tilespmem:s14+$0x258];
	_ =	sdelay $0x1  }
0x54: {  	v4 =	vld [tilespmem:s14+$0x3458];
	_ =	sdelay $0x2  }
0x55: {  	v2 =	vadd.f32 v3, v2;
	_ =	sdelay $0x1  }
0x56: {  	v2 =	vadd.f32 v4, v2;
	_ =	sdelay $0x1  }
0x57: {  	s0 =	simm.s32 $0x9878;
	v2 =	vmax.f32 v2, $0.0e+00  }
0x58: {  	[tilespmem:s0+$0xFFFFFFE0] =	vst v2  }
0x59: {  	v2 =	vld [tilespmem:s14+$0x6668]  }
0x5a: {  	v3 =	vld [tilespmem:s14+$0x268];
	_ =	sdelay $0x1  }
0x5b: {  	v4 =	vld [tilespmem:s14+$0x3468];
	_ =	sdelay $0x2  }
0x5c: {  	v2 =	vadd.f32 v3, v2;
	_ =	sdelay $0x1  }
0x5d: {  	v2 =	vadd.f32 v4, v2;
	_ =	sdelay $0x1  }
0x5e: {  	v2 =	vmax.f32 v2, $0.0e+00  }
0x5f: {  	[tilespmem:s0+$0xFFFFFFF0] =	vst v2  }
0x60: {  	v2 =	vld [tilespmem:s14+$0x6678]  }
0x61: {  	v3 =	vld [tilespmem:s14+$0x278];
	_ =	sdelay $0x1  }
0x62: {  	v4 =	vld [tilespmem:s14+$0x3478];
	_ =	sdelay $0x2  }
0x63: {  	v2 =	vadd.f32 v3, v2;
	_ =	sdelay $0x1  }
0x64: {  	v2 =	vadd.f32 v4, v2;
	_ =	sdelay $0x1  }
0x65: {  	v2 =	vmax.f32 v2, $0.0e+00  }
0x66: {  	[tilespmem:s0+$0x0] =	vst v2  }
0x67: {  	v2 =	vld [tilespmem:s14+$0x6688]  }
0x68: {  	v4 =	vld [tilespmem:s14+$0x288]  }
0x69: {  	s13 =	simm.s32 $0x100;
	s10 =	simm.s32 $0x9878;
	v3 =	vld [tilespmem:s14+$0x3488]  }
.LBB2_9:
0x6a: {  	_ =	sdelay $0x1  }
0x6b: {  	p2 =	sne.s32 s13, $0xC700  }
0x6c: {  	s0 =	sadd.s32 $0x50, s0;
	s14 =	smov.u32 s13;
	s13 =	sadd.s32 $0x100, s13;
	v2 =	vadd.f32 v4, v2  }
0x6d: {  	_ = 	snop  }
0x6e: {  	v2 =	vadd.f32 v3, v2;
	_ =	sdelay $0x1  }
0x6f: {  	s14 =	sshra.s32 s14, $0x2;
	v2 =	vmax.f32 v2, $0.0e+00  }
0x70: {  	[tilespmem:s10+$0x10] =	vst v2;
	s10 =	smov.u32 s0  }
0x71: {  	v2 =	vld [tilespmem:s14+$0x6658]  }
0x72: {  	v3 =	vld [tilespmem:s14+$0x258];
	_ =	sdelay $0x1  }
0x73: {  	v4 =	vld [tilespmem:s14+$0x3458];
	_ =	sdelay $0x2  }
0x74: {  	v2 =	vadd.f32 v3, v2;
	_ =	sdelay $0x1  }
0x75: {  	v2 =	vadd.f32 v4, v2;
	_ =	sdelay $0x1  }
0x76: {  	v2 =	vmax.f32 v2, $0.0e+00  }
0x77: {  	[tilespmem:s0+$0xFFFFFFE0] =	vst v2  }
0x78: {  	v2 =	vld [tilespmem:s14+$0x6668]  }
0x79: {  	v3 =	vld [tilespmem:s14+$0x268];
	_ =	sdelay $0x1  }
0x7a: {  	v4 =	vld [tilespmem:s14+$0x3468];
	_ =	sdelay $0x2  }
0x7b: {  	v2 =	vadd.f32 v3, v2;
	_ =	sdelay $0x1  }
0x7c: {  	v2 =	vadd.f32 v4, v2;
	_ =	sdelay $0x1  }
0x7d: {  	v2 =	vmax.f32 v2, $0.0e+00  }
0x7e: {  	[tilespmem:s0+$0xFFFFFFF0] =	vst v2  }
0x7f: {  	v2 =	vld [tilespmem:s14+$0x6678]  }
0x80: {  	v3 =	vld [tilespmem:s14+$0x278];
	_ =	sdelay $0x1  }
0x81: {  	v4 =	vld [tilespmem:s14+$0x3478];
	_ =	sdelay $0x2  }
0x82: {  	v2 =	vadd.f32 v3, v2;
	_ =	sdelay $0x1  }
0x83: {  	v2 =	vadd.f32 v4, v2;
	_ =	sdelay $0x1  }
.Ltmp4:
0x84: {  	v2 =	vmax.f32 v2, $0.0e+00;
	(pc) =	sbr.rel @p2 .LBB2_9-.Ltmp4, $4  }
0x85: {  	[tilespmem:s0+$0x0] =	vst v2  }
0x86: {  	v2 =	vld [tilespmem:s14+$0x6688]  }
0x87: {  	v4 =	vld [tilespmem:s14+$0x288]  }
0x88: {  	v3 =	vld [tilespmem:s14+$0x3488]  }
0x89: {  	_ =	sdelay $0x2  }
0x8a: {  	v2 =	vadd.f32 v4, v2;
	_ =	sdelay $0x1  }
0x8b: {  	v2 =	vadd.f32 v3, v2;
	_ =	sdelay $0x1  }
0x8c: {  	v2 =	vmax.f32 v2, $0.0e+00  }
0x8d: {  	[tilespmem:s10+$0x10] =	vst v2  }
0x8e: {  	[spmem:s1] =	stream.indirect.scatter.add.f32 [tilespmem:s16], [sflag:$0x4], $0x50, s18, s18, $0xb8;
	[tilespmem:$0x19A78] =	vst v63  }
0x8f: {  	s31 =	sadd.s32 $0x1, s31  }
0x90: {  	[spmem:s2] =	stream.indirect.scatter.add.f32 [tilespmem:s16], [sflag:$0x5], $0x50, s19, s18, $0xb8;
	[tilespmem:$0x19A78] =	vst v63  }
0x91: {  	p2 =	sne.s32 s31, $0x32;
	_ =	swait.ge [sflag:s28], $0x3E80  }
.Ltmp5:
0x92: {  	[sflag:s28] =	ssyncset.done $0x0;
	(pc) =	sbr.rel @p2 .LBB2_8-.Ltmp5, $4  }
0x93: {  	[sflag:s28] =	ssyncadd.s32 $0xFFFFC180  }
0x94: {  	_ =	swait.ge [sflag:s29], $0x3E80  }
0x95: {  	[sflag:s29] =	ssyncset.done $0x0  }
0x96: {  	[sflag:s29] =	ssyncadd.s32 $0xFFFFC180  }
.Ltmp6:
0x97: {  	s0 =	stileid.u32;
	(pc) =	sbr.rel @!p1 .LBB2_13-.Ltmp6, $4  }
0x98: {  	[bflag:$0x0] =	sbarrier.arrive $0xFFFF;
	s0 =	sshll.u32 s0, $0x6  }
0x99: {  	s10 =	sshrl.u32 s15, $0x3;
	s13 =	sadd.s32 $0x3E800, s15;
	s0 =	sor.u32 $0x1C06, s0  }
0x9a: {  	[hbm:s24], [sflag:s0] =	dma.local [spmem:s10], $0x7D0  }
0x9b: {  	s14 =	smov.u32 s24;
	s10 =	sadd.s32 $0xFFFFFFFF, s11;
	_ =	swait.ge [sflag:s17], $0x7D0  }
.LBB2_12:
0x9c: {  	[sflag:s17] =	ssyncset.done $0x0;
	s14 =	sadd.s32 $0x7D00, s14;
	p1 =	sne.s32 s10, $0x1  }
.Ltmp7:
0x9d: {  	s30 =	sshrl.u32 s13, $0x3;
	[sflag:s17] =	ssyncadd.s32 $0xFFFFF830;
	(pc) =	sbr.rel @p1 .LBB2_12-.Ltmp7, $3  }
0x9e: {  	[hbm:s14], [sflag:s0] =	dma.local [spmem:s30], $0x7D0  }
0x9f: {  	s10 =	sadd.s32 $0xFFFFFFFF, s10;
	_ =	sdelay $0x1  }
0xa0: {  	s13 =	sadd.s32 $0x3E800, s13;
	_ =	swait.ge [sflag:s17], $0x7D0  }
.LBB2_13:
0xa1: {  	[sflag:s17] =	ssyncset.done $0x0;
	s0 =	sshrl.u32 @!p0 s2, $0x3  }
0xa2: {  	s10 =	simm.s32 @!p0 $0x1C06;
	s13 =	rddreg [dreg:$0x4];
	[sflag:s17] =	ssyncadd.s32 $0xFFFFF830  }
0xa3: {  	[hbm:s13], [sflag:s10] =	dma.local @!p0 [spmem:s0], $0xA0  }
0xa4: {  	s0 =	simm.s32 @!p0 $0x6  }
0xa5: {  	_ =	swait.ge @!p0 [sflag:s0], $0xA0  }
0xa6: {  	s3 =	sadd.s32 $0x1, s3;
	s31 =	rddreg [dreg:$0x5]  }
0xa7: {  	p1 =	sne.s32 s3, s31  }
.Ltmp8:
0xa8: {  	_ = 	snop;
	(pc) =	sbr.rel @p1 .LBB2_1-.Ltmp8, $3  }
0xa9: {  	_ =	sdelay $0x1  }
0xaa: {  	[sflag:s0] =	ssyncset.done @!p0 $0x0  }
0xab: {  	[sflag:s0] =	ssyncadd.s32 @!p0 $0xFFFFFF60  }
0xac: {  	_ =	sfence.sel $0x180000  }
0xad: {  	[bflag:$0x0] =	sbarrier.arrive $0xFFFF  }
0xae: {  	_ =	strace $0x90000050  }
0xaf: {  	[bflag:$0x2] =	sbarrier.arrive $0xFFFF  }
0xb0: {  	s0 =	rddreg [dreg:$0x3]  }
0xb1: {  	s0 =	sadd.s32 @!p0 $0x100000, s0  }
0xb2: {  	[sflag:s0] =	ssyncadd.tile.s32 @!p0 $0x1;
	_ =	shalt  }
.Lfunc_end2:
_tile_overlayer_lowered:
.L_overlay_start_2:
0xb3: {  	(tag) =	ssettag $0x2  }
0xb4: {  	s0 =	rddreg [dreg:$0x0];
	s2 =	stileid.u32  }
0xb5: {  	s1 =	rddreg [dreg:$0x1];
	p0 =	sne.s32 s2, $0x0  }
0xb6: {  	s3 =	rddreg [dreg:$0x2];
	[bflag:$0x3] =	sbarrier.arrive $0xFFFF;
	s2 =	simm.s32 @!p0 $0x1C06  }
0xb7: {  	[timem:s3], [sflag:s2] =	dma.local @!p0 [hbm:s0], s1  }
0xb8: {  	s0 =	simm.s32 @!p0 $0x6  }
0xb9: {  	_ =	swait.ge @!p0 [sflag:s0], s1  }
0xba: {  	s1 =	ssub.s32 @!p0 $0x0, s1;
	[sflag:s0] =	ssyncset.done @!p0 $0x0  }
0xbb: {  	[sflag:s0] =	ssyncadd.s32 @!p0 s1  }
0xbc: {  	[bflag:$0x3] =	sbarrier.arrive $0xFFFF  }
0xbd: {  	_ =	shalt  }

</sc_bundles>
